<compile_context>
chip_gen: v7x
topology: tpu7x:2x2x1
jax: 0.10.2.dev20260603
libtpu: 0.0.44.dev20260713+nightly
codegen_flags: <defaults>
</compile_context>

<pallas_src>
import functools

import jax
import jax.numpy as jnp
from jax import lax
from jax.experimental import pallas as pl
from jax.experimental.pallas import tpu as pltpu
from jax.experimental.pallas import tpu_sc as plsc

N = 10000
E = 160000
D_IN = 128
H = 64

NC = 2
NS = 16
CH = 64
E_PAD = 163840
NCH = E_PAD // (NS * CH)
HCH = NCH // 2
RING = 8
NPAD = 10240
TST = N // NS
TROWS = 2 * N

BLK = 10000


def _prep_edges(edge_index_1, edge_index_2):
    pad = E_PAD - E
    src_idx = jnp.pad(
        jnp.stack([edge_index_1[0], edge_index_2[0]]),
        ((0, 0), (0, pad))).reshape(NC * NS, NCH, CH)
    dst_idx = jnp.pad(
        jnp.stack([edge_index_1[1], edge_index_2[1]]),
        ((0, 0), (0, pad)), constant_values=N).reshape(NC * NS, NCH, CH)
    return src_idx, dst_idx


def _sc_propagate(table, src_idx, dst_idx, zstripe):
    mesh = plsc.VectorSubcoreMesh(core_axis_name="c", subcore_axis_name="s")

    @functools.partial(
        pl.kernel,
        out_type=jax.ShapeDtypeStruct((NC * NPAD, H), jnp.float32),
        mesh=mesh,
        scratch_types=[
            pltpu.VMEM((HCH, CH), jnp.int32),
            pltpu.VMEM((HCH, CH), jnp.int32),
            [pltpu.VMEM((CH, H), jnp.float32)] * RING,
            pltpu.VMEM_SHARED((N, H), jnp.float32),
            pltpu.VMEM_SHARED((NPAD, H), jnp.float32),
            [pltpu.SemaphoreType.DMA] * RING,
            [pltpu.SemaphoreType.DMA] * RING,
        ],
        compiler_params=pltpu.CompilerParams(use_tc_tiling_on_sc=False),
    )
    def prop(table_hbm, src_hbm, dst_hbm, z_hbm, out_hbm, src_v, dst_v,
             rows, tab_sh, acc_sh, gsem, ssem):
        c = lax.axis_index("c")
        s = lax.axis_index("s")
        w = c * NS + s
        zbase = s * (NPAD // NS)

        cz = pltpu.async_copy(z_hbm, acc_sh.at[pl.ds(zbase, NPAD // NS)],
                              ssem[0])
        ct = pltpu.async_copy(table_hbm.at[pl.ds(c * N + s * TST, TST)],
                              tab_sh.at[pl.ds(s * TST, TST)], ssem[1])

        def gissue(j, k):
            pltpu.async_copy(tab_sh.at[src_v.at[j]], rows[k], gsem[k])

        def gwait(j, k):
            pltpu.make_async_copy(
                tab_sh.at[src_v.at[j]], rows[k], gsem[k]).wait()

        def sissue(j, k):
            pltpu.async_copy(rows[k], acc_sh.at[dst_v.at[j]], ssem[k],
                             add=True)

        def swait(j, k):
            pltpu.make_async_copy(
                rows[k], acc_sh.at[dst_v.at[j]], ssem[k]).wait()

        def run_half(h):
            if h == 0:
                ci1 = pltpu.async_copy(
                    src_hbm.at[w, pl.ds(0, HCH)], src_v, ssem[2])
                ci2 = pltpu.async_copy(
                    dst_hbm.at[w, pl.ds(0, HCH)], dst_v, ssem[3])
                cz.wait()
                ct.wait()
                ci1.wait()
                ci2.wait()
                plsc.subcore_barrier()
            else:
                pltpu.sync_copy(src_hbm.at[w, pl.ds(h * HCH, HCH)], src_v)
                pltpu.sync_copy(dst_hbm.at[w, pl.ds(h * HCH, HCH)], dst_v)
            lead = RING // 2
            for t in range(lead):
                gissue(t, t)

            def stepn(i, carry):
                for kk in range(RING):
                    j = RING * i + kk
                    m = (kk + lead) % RING
                    gwait(j, kk)
                    sissue(j, kk)

                    @pl.when(j + lead < HCH)
                    def _():
                        @pl.when(j >= lead)
                        def _():
                            swait(j - lead, m)
                        gissue(j + lead, m)
                return carry
            lax.fori_loop(0, HCH // RING, stepn, 0)
            for t in range(RING):
                swait(HCH - RING + t, t)

        run_half(0)
        run_half(1)
        plsc.subcore_barrier()

        pltpu.sync_copy(
            acc_sh.at[pl.ds(zbase, NPAD // NS)],
            out_hbm.at[pl.ds(c * NPAD + zbase, NPAD // NS)])

    return prop(table, src_idx, dst_idx, zstripe)


def _tc_project_l1(x, w_stack):
    def body(x_ref, w_ref, o_ref):
        o_ref[0] = jnp.dot(x_ref[...], w_ref[0],
                           preferred_element_type=jnp.float32)

    out = pl.pallas_call(
        body,
        grid=(N // BLK, 2),
        in_specs=[
            pl.BlockSpec((BLK, D_IN), lambda i, j: (i, 0)),
            pl.BlockSpec((1, D_IN, H), lambda i, j: (j, 0, 0)),
        ],
        out_specs=pl.BlockSpec((1, BLK, H), lambda i, j: (j, i, 0)),
        out_shape=jax.ShapeDtypeStruct((2, N, H), jnp.float32),
    )(x, w_stack)
    return out.reshape(TROWS, H)


def _tc_combine_project(parts, w_stack):
    def body(a_ref, b_ref, w_ref, o_ref):
        h = jnp.maximum(a_ref[0] + b_ref[0], 0.0)
        o_ref[0] = jnp.dot(h, w_ref[0], preferred_element_type=jnp.float32)

    p0_spec = pl.BlockSpec((1, BLK, H), lambda i, j: (0, i, 0))
    p1_spec = pl.BlockSpec((1, BLK, H), lambda i, j: (1, i, 0))
    out = pl.pallas_call(
        body,
        grid=(N // BLK, 2),
        in_specs=[p0_spec, p1_spec,
                  pl.BlockSpec((1, H, H), lambda i, j: (j, 0, 0))],
        out_specs=pl.BlockSpec((1, BLK, H), lambda i, j: (j, i, 0)),
        out_shape=jax.ShapeDtypeStruct((2, N, H), jnp.float32),
    )(parts, parts, w_stack)
    return out.reshape(TROWS, H)


def _tc_combine(parts):
    def body(a_ref, b_ref, o_ref):
        o_ref[...] = jnp.maximum(a_ref[0] + b_ref[0], 0.0)

    p0_spec = pl.BlockSpec((1, BLK, H), lambda i: (0, i, 0))
    p1_spec = pl.BlockSpec((1, BLK, H), lambda i: (1, i, 0))
    return pl.pallas_call(
        body,
        grid=(N // BLK,),
        in_specs=[p0_spec, p1_spec],
        out_specs=pl.BlockSpec((BLK, H), lambda i: (i, 0)),
        out_shape=jax.ShapeDtypeStruct((N, H), jnp.float32),
    )(parts, parts)


def kernel(x, edge_index_1, edge_index_2, W1_1, W1_2, W2_1, W2_2):
    src_idx, dst_idx = _prep_edges(edge_index_1, edge_index_2)
    zstripe = jnp.zeros((NPAD // NS, H), jnp.float32)

    table1 = _tc_project_l1(x, jnp.stack([W1_1, W1_2]))
    parts1 = _sc_propagate(
        table1, src_idx, dst_idx, zstripe).reshape(NC, NPAD, H)
    table2 = _tc_combine_project(parts1, jnp.stack([W2_1, W2_2]))
    parts2 = _sc_propagate(
        table2, src_idx, dst_idx, zstripe).reshape(NC, NPAD, H)
    return _tc_combine(parts2)

# --- scband reference (transcript-rebuilt; emitter-appended) ---
"""Pipeline reference for scband-rgcn2-37014028157508 (READ-ONLY COPY).

The authoritative reference and input builder live on the scoring server;
editing this copy changes nothing except your own understanding.
"""

import jax, jax.numpy as jnp
import numpy as np

N = 10000
E = 160000
D_IN = 128
H1 = 64
H2 = 64

def setup_inputs(seed: int = 0) -> dict:
    key = jax.random.key(seed)
    k1, k2, k3, k4, k5, k6, k7 = jax.random.split(key, 7)
    x = jax.random.normal(k1, (N, D_IN), dtype=jnp.float32)
    edge_index_1 = jax.random.randint(k2, (2, E), 0, N, dtype=jnp.int32)
    edge_index_2 = jax.random.randint(k3, (2, E), 0, N, dtype=jnp.int32)
    # relational GCN weights: one weight per relation per layer
    W1_1 = jax.random.normal(k4, (D_IN, H1), dtype=jnp.float32) * (1.0 / np.sqrt(D_IN))
    W1_2 = jax.random.normal(k5, (D_IN, H1), dtype=jnp.float32) * (1.0 / np.sqrt(D_IN))
    W2_1 = jax.random.normal(k6, (H1, H2), dtype=jnp.float32) * (1.0 / np.sqrt(H1))
    W2_2 = jax.random.normal(k7, (H1, H2), dtype=jnp.float32) * (1.0 / np.sqrt(H1))
    return {"x": x, "edge_index_1": edge_index_1, "edge_index_2": edge_index_2,
            "W1_1": W1_1, "W1_2": W1_2, "W2_1": W2_1, "W2_2": W2_2}

def _propagate(feat, edge_index):
    # gather source node features, scatter-add into destination nodes
    src = edge_index[0]
    dst = edge_index[1]
    msgs = jnp.take(feat, src, axis=0)
    return jax.ops.segment_sum(msgs, dst, num_segments=feat.shape[0])

def reference(x, edge_index_1, edge_index_2, W1_1, W1_2, W2_1, W2_2):
    # Layer 1: RelationalGraphConvolution(input_dim=num_features, output_dim=hidden1)
    agg1_r1 = _propagate(x, edge_index_1)
    agg1_r2 = _propagate(x, edge_index_2)
    hidden1 = jax.nn.relu(agg1_r1 @ W1_1 + agg1_r2 @ W1_2)
    # Layer 2: RelationalGraphConvolution(input_dim=hidden1, output_dim=hidden2)
    agg2_r1 = _propagate(hidden1, edge_index_1)
    agg2_r2 = _propagate(hidden1, edge_index_2)
    outputs = jax.nn.relu(agg2_r1 @ W2_1 + agg2_r2 @ W2_2)
    return outputs

if __name__ == "__main__":
    import jax
    _d = setup_inputs()
    print(jax.jit(kernel)(*tuple(_d.values())))

</pallas_src>

<mosaic_0001>
#map = affine_map<(d0, d1) -> (0, 0)>
#map1 = affine_map<(d0, d1) -> (0, 0, 0)>
module attributes {stable_mosaic.version = 14 : i64} {
  func.func @prop(%arg0: i32, %arg1: i32, %arg2: memref<20000x64xf32, #tpu.memory_space<hbm>>, %arg3: memref<32x160x64xi32, #tpu.memory_space<hbm>>, %arg4: memref<32x160x64xi32, #tpu.memory_space<hbm>>, %arg5: memref<640x64xf32, #tpu.memory_space<hbm>>, %arg6: memref<20480x64xf32, #tpu.memory_space<hbm>>, %arg7: memref<80x64xi32, #tpu.memory_space<vmem>>, %arg8: memref<80x64xi32, #tpu.memory_space<vmem>>, %arg9: memref<64x64xf32, #tpu.memory_space<vmem>>, %arg10: memref<64x64xf32, #tpu.memory_space<vmem>>, %arg11: memref<64x64xf32, #tpu.memory_space<vmem>>, %arg12: memref<64x64xf32, #tpu.memory_space<vmem>>, %arg13: memref<64x64xf32, #tpu.memory_space<vmem>>, %arg14: memref<64x64xf32, #tpu.memory_space<vmem>>, %arg15: memref<64x64xf32, #tpu.memory_space<vmem>>, %arg16: memref<64x64xf32, #tpu.memory_space<vmem>>, %arg17: memref<10000x64xf32, #tpu.memory_space<vmem_shared>>, %arg18: memref<10240x64xf32, #tpu.memory_space<vmem_shared>>, %arg19: memref<!tpu.dma_semaphore, #tpu.memory_space<semaphore_mem>>, %arg20: memref<!tpu.dma_semaphore, #tpu.memory_space<semaphore_mem>>, %arg21: memref<!tpu.dma_semaphore, #tpu.memory_space<semaphore_mem>>, %arg22: memref<!tpu.dma_semaphore, #tpu.memory_space<semaphore_mem>>, %arg23: memref<!tpu.dma_semaphore, #tpu.memory_space<semaphore_mem>>, %arg24: memref<!tpu.dma_semaphore, #tpu.memory_space<semaphore_mem>>, %arg25: memref<!tpu.dma_semaphore, #tpu.memory_space<semaphore_mem>>, %arg26: memref<!tpu.dma_semaphore, #tpu.memory_space<semaphore_mem>>, %arg27: memref<!tpu.dma_semaphore, #tpu.memory_space<semaphore_mem>>, %arg28: memref<!tpu.dma_semaphore, #tpu.memory_space<semaphore_mem>>, %arg29: memref<!tpu.dma_semaphore, #tpu.memory_space<semaphore_mem>>, %arg30: memref<!tpu.dma_semaphore, #tpu.memory_space<semaphore_mem>>, %arg31: memref<!tpu.dma_semaphore, #tpu.memory_space<semaphore_mem>>, %arg32: memref<!tpu.dma_semaphore, #tpu.memory_space<semaphore_mem>>, %arg33: memref<!tpu.dma_semaphore, #tpu.memory_space<semaphore_mem>>, %arg34: memref<!tpu.dma_semaphore, #tpu.memory_space<semaphore_mem>>) attributes {dimension_semantics = [#tpu.dimension_semantics<core_parallel>, #tpu.dimension_semantics<subcore_parallel>], iteration_bounds = array<i64: 2, 16>, scalar_prefetch = 0 : i64, scratch_operands = 28 : i64, tpu.core_type = #tpu.core_type<sc_vector_subcore>, window_params = [{transform_indices = #map}, {transform_indices = #map1}, {transform_indices = #map1}, {transform_indices = #map}, {transform_indices = #map}]} {
    %mul3A = arith.constant 16 : i32
    %mul3A_0 = arith.muli %arg0, %mul3A : i32
    %add3A = arith.addi %mul3A_0, %arg1 : i32
    %mul3A_1 = arith.constant 640 : i32
    %mul3A_2 = arith.muli %arg1, %mul3A_1 : i32
    %dma_start3A = arith.constant 0 : i32
    %dma_start3A_3 = tpu.memref_slice %arg18[%mul3A_2, %dma_start3A] : memref<10240x64xf32, #tpu.memory_space<vmem_shared>> -> memref<640x64xf32, #tpu.memory_space<vmem_shared>>
    tpu.enqueue_dma source(%arg5 : memref<640x64xf32, #tpu.memory_space<hbm>>) target(%dma_start3A_3 : memref<640x64xf32, #tpu.memory_space<vmem_shared>>) target_semaphore(%arg27 : memref<!tpu.dma_semaphore, #tpu.memory_space<semaphore_mem>>)
    %mul3A_4 = arith.constant 10000 : i32
    %mul3A_5 = arith.muli %arg0, %mul3A_4 : i32
    %mul3A_6 = arith.constant 625 : i32
    %mul3A_7 = arith.muli %arg1, %mul3A_6 : i32
    %add3A_8 = arith.addi %mul3A_5, %mul3A_7 : i32
    %mul3A_9 = arith.constant 625 : i32
    %mul3A_10 = arith.muli %arg1, %mul3A_9 : i32
    %dma_start3A_11 = arith.constant 0 : i32
    %dma_start3A_12 = tpu.memref_slice %arg17[%mul3A_10, %dma_start3A_11] : memref<10000x64xf32, #tpu.memory_space<vmem_shared>> -> memref<625x64xf32, #tpu.memory_space<vmem_shared>>
    %dma_start3A_13 = arith.constant 0 : i32
    %dma_start3A_14 = tpu.memref_slice %arg2[%add3A_8, %dma_start3A_13] : memref<20000x64xf32, #tpu.memory_space<hbm>> -> memref<625x64xf32, #tpu.memory_space<hbm>>
    tpu.enqueue_dma source(%dma_start3A_14 : memref<625x64xf32, #tpu.memory_space<hbm>>) target(%dma_start3A_12 : memref<625x64xf32, #tpu.memory_space<vmem_shared>>) target_semaphore(%arg28 : memref<!tpu.dma_semaphore, #tpu.memory_space<semaphore_mem>>)
    %dma_start3A_15 = arith.constant 0 : i32
    %dma_start3A_16 = arith.constant 0 : i32
    %dma_start3A_17 = tpu.memref_slice %arg3[%add3A, %dma_start3A_15, %dma_start3A_16] : memref<32x160x64xi32, #tpu.memory_space<hbm>> -> memref<1x80x64xi32, #tpu.memory_space<hbm>>
    %dma_start3A_18 = tpu.memref_squeeze %dma_start3A_17 : memref<1x80x64xi32, #tpu.memory_space<hbm>> -> memref<80x64xi32, #tpu.memory_space<hbm>>
    %dma_start3A_19 = arith.constant 0 : i32
    %dma_start3A_20 = arith.constant 0 : i32
    %dma_start3A_21 = tpu.memref_slice %arg3[%add3A, %dma_start3A_19, %dma_start3A_20] : memref<32x160x64xi32, #tpu.memory_space<hbm>> -> memref<1x80x64xi32, #tpu.memory_space<hbm>>
    %dma_start3A_22 = tpu.memref_squeeze %dma_start3A_21 : memref<1x80x64xi32, #tpu.memory_space<hbm>> -> memref<80x64xi32, #tpu.memory_space<hbm>>
    tpu.enqueue_dma source(%dma_start3A_22 : memref<80x64xi32, #tpu.memory_space<hbm>>) target(%arg7 : memref<80x64xi32, #tpu.memory_space<vmem>>) target_semaphore(%arg29 : memref<!tpu.dma_semaphore, #tpu.memory_space<semaphore_mem>>)
    %dma_start3A_23 = arith.constant 0 : i32
    %dma_start3A_24 = arith.constant 0 : i32
    %dma_start3A_25 = tpu.memref_slice %arg4[%add3A, %dma_start3A_23, %dma_start3A_24] : memref<32x160x64xi32, #tpu.memory_space<hbm>> -> memref<1x80x64xi32, #tpu.memory_space<hbm>>
    %dma_start3A_26 = tpu.memref_squeeze %dma_start3A_25 : memref<1x80x64xi32, #tpu.memory_space<hbm>> -> memref<80x64xi32, #tpu.memory_space<hbm>>
    %dma_start3A_27 = arith.constant 0 : i32
    %dma_start3A_28 = arith.constant 0 : i32
    %dma_start3A_29 = tpu.memref_slice %arg4[%add3A, %dma_start3A_27, %dma_start3A_28] : memref<32x160x64xi32, #tpu.memory_space<hbm>> -> memref<1x80x64xi32, #tpu.memory_space<hbm>>
    %dma_start3A_30 = tpu.memref_squeeze %dma_start3A_29 : memref<1x80x64xi32, #tpu.memory_space<hbm>> -> memref<80x64xi32, #tpu.memory_space<hbm>>
    tpu.enqueue_dma source(%dma_start3A_30 : memref<80x64xi32, #tpu.memory_space<hbm>>) target(%arg8 : memref<80x64xi32, #tpu.memory_space<vmem>>) target_semaphore(%arg30 : memref<!tpu.dma_semaphore, #tpu.memory_space<semaphore_mem>>)
    %dma_wait3A = arith.constant 0 : i32
    %dma_wait3A_31 = tpu.memref_slice %arg18[%mul3A_2, %dma_wait3A] : memref<10240x64xf32, #tpu.memory_space<vmem_shared>> -> memref<640x64xf32, #tpu.memory_space<vmem_shared>>
    tpu.wait_dma2 semaphore(%arg27 : memref<!tpu.dma_semaphore, #tpu.memory_space<semaphore_mem>>) src(%arg5 : memref<640x64xf32, #tpu.memory_space<hbm>>) dst(%dma_wait3A_31 : memref<640x64xf32, #tpu.memory_space<vmem_shared>>)
    %dma_wait3A_32 = arith.constant 0 : i32
    %dma_wait3A_33 = tpu.memref_slice %arg17[%mul3A_10, %dma_wait3A_32] : memref<10000x64xf32, #tpu.memory_space<vmem_shared>> -> memref<625x64xf32, #tpu.memory_space<vmem_shared>>
    %dma_wait3A_34 = arith.constant 0 : i32
    %dma_wait3A_35 = tpu.memref_slice %arg2[%add3A_8, %dma_wait3A_34] : memref<20000x64xf32, #tpu.memory_space<hbm>> -> memref<625x64xf32, #tpu.memory_space<hbm>>
    tpu.wait_dma2 semaphore(%arg28 : memref<!tpu.dma_semaphore, #tpu.memory_space<semaphore_mem>>) src(%dma_wait3A_35 : memref<625x64xf32, #tpu.memory_space<hbm>>) dst(%dma_wait3A_33 : memref<625x64xf32, #tpu.memory_space<vmem_shared>>)
    %dma_wait3A_36 = arith.constant 0 : i32
    %dma_wait3A_37 = arith.constant 0 : i32
    %dma_wait3A_38 = tpu.memref_slice %arg3[%add3A, %dma_wait3A_36, %dma_wait3A_37] : memref<32x160x64xi32, #tpu.memory_space<hbm>> -> memref<1x80x64xi32, #tpu.memory_space<hbm>>
    %dma_wait3A_39 = tpu.memref_squeeze %dma_wait3A_38 : memref<1x80x64xi32, #tpu.memory_space<hbm>> -> memref<80x64xi32, #tpu.memory_space<hbm>>
    %dma_wait3A_40 = arith.constant 0 : i32
    %dma_wait3A_41 = arith.constant 0 : i32
    %dma_wait3A_42 = tpu.memref_slice %arg3[%add3A, %dma_wait3A_40, %dma_wait3A_41] : memref<32x160x64xi32, #tpu.memory_space<hbm>> -> memref<1x80x64xi32, #tpu.memory_space<hbm>>
    %dma_wait3A_43 = tpu.memref_squeeze %dma_wait3A_42 : memref<1x80x64xi32, #tpu.memory_space<hbm>> -> memref<80x64xi32, #tpu.memory_space<hbm>>
    tpu.wait_dma2 semaphore(%arg29 : memref<!tpu.dma_semaphore, #tpu.memory_space<semaphore_mem>>) src(%dma_wait3A_43 : memref<80x64xi32, #tpu.memory_space<hbm>>) dst(%arg7 : memref<80x64xi32, #tpu.memory_space<vmem>>)
    %dma_wait3A_44 = arith.constant 0 : i32
    %dma_wait3A_45 = arith.constant 0 : i32
    %dma_wait3A_46 = tpu.memref_slice %arg4[%add3A, %dma_wait3A_44, %dma_wait3A_45] : memref<32x160x64xi32, #tpu.memory_space<hbm>> -> memref<1x80x64xi32, #tpu.memory_space<hbm>>
    %dma_wait3A_47 = tpu.memref_squeeze %dma_wait3A_46 : memref<1x80x64xi32, #tpu.memory_space<hbm>> -> memref<80x64xi32, #tpu.memory_space<hbm>>
    %dma_wait3A_48 = arith.constant 0 : i32
    %dma_wait3A_49 = arith.constant 0 : i32
    %dma_wait3A_50 = tpu.memref_slice %arg4[%add3A, %dma_wait3A_48, %dma_wait3A_49] : memref<32x160x64xi32, #tpu.memory_space<hbm>> -> memref<1x80x64xi32, #tpu.memory_space<hbm>>
    %dma_wait3A_51 = tpu.memref_squeeze %dma_wait3A_50 : memref<1x80x64xi32, #tpu.memory_space<hbm>> -> memref<80x64xi32, #tpu.memory_space<hbm>>
    tpu.wait_dma2 semaphore(%arg30 : memref<!tpu.dma_semaphore, #tpu.memory_space<semaphore_mem>>) src(%dma_wait3A_51 : memref<80x64xi32, #tpu.memory_space<hbm>>) dst(%arg8 : memref<80x64xi32, #tpu.memory_space<vmem>>)
    %barrier3A = arith.constant 0 : index
    tpu.barrier barrier_id(%barrier3A)
    %dma_start3A_52 = arith.constant 0 : i32
    %dma_start3A_53 = arith.constant 0 : i32
    %dma_start3A_54 = tpu.memref_slice %arg7[%dma_start3A_52, %dma_start3A_53] : memref<80x64xi32, #tpu.memory_space<vmem>> -> memref<1x64xi32, #tpu.memory_space<vmem>>
    %dma_start3A_55 = tpu.memref_squeeze %dma_start3A_54 : memref<1x64xi32, #tpu.memory_space<vmem>> -> memref<64xi32, #tpu.memory_space<vmem>>
    %dma_start3A_56 = arith.constant 0 : i32
    %dma_start3A_57 = arith.constant 0 : i32
    %dma_start3A_58 = tpu.memref_slice %arg17[%dma_start3A_56, %dma_start3A_57] : memref<10000x64xf32, #tpu.memory_space<vmem_shared>> -> memref<10000x64xf32, #tpu.memory_space<vmem_shared>>
    tpu.enqueue_indirect_dma source(%dma_start3A_58 : memref<10000x64xf32, #tpu.memory_space<vmem_shared>>) target(%arg9 : memref<64x64xf32, #tpu.memory_space<vmem>>) offsets(%dma_start3A_55 : memref<64xi32, #tpu.memory_space<vmem>>) semaphore(%arg19 : memref<!tpu.dma_semaphore, #tpu.memory_space<semaphore_mem>>)
    %dma_start3A_59 = arith.constant 1 : i32
    %dma_start3A_60 = arith.constant 0 : i32
    %dma_start3A_61 = tpu.memref_slice %arg7[%dma_start3A_59, %dma_start3A_60] : memref<80x64xi32, #tpu.memory_space<vmem>> -> memref<1x64xi32, #tpu.memory_space<vmem>>
    %dma_start3A_62 = tpu.memref_squeeze %dma_start3A_61 : memref<1x64xi32, #tpu.memory_space<vmem>> -> memref<64xi32, #tpu.memory_space<vmem>>
    %dma_start3A_63 = arith.constant 0 : i32
    %dma_start3A_64 = arith.constant 0 : i32
    %dma_start3A_65 = tpu.memref_slice %arg17[%dma_start3A_63, %dma_start3A_64] : memref<10000x64xf32, #tpu.memory_space<vmem_shared>> -> memref<10000x64xf32, #tpu.memory_space<vmem_shared>>
    tpu.enqueue_indirect_dma source(%dma_start3A_65 : memref<10000x64xf32, #tpu.memory_space<vmem_shared>>) target(%arg10 : memref<64x64xf32, #tpu.memory_space<vmem>>) offsets(%dma_start3A_62 : memref<64xi32, #tpu.memory_space<vmem>>) semaphore(%arg20 : memref<!tpu.dma_semaphore, #tpu.memory_space<semaphore_mem>>)
    %dma_start3A_66 = arith.constant 2 : i32
    %dma_start3A_67 = arith.constant 0 : i32
    %dma_start3A_68 = tpu.memref_slice %arg7[%dma_start3A_66, %dma_start3A_67] : memref<80x64xi32, #tpu.memory_space<vmem>> -> memref<1x64xi32, #tpu.memory_space<vmem>>
    %dma_start3A_69 = tpu.memref_squeeze %dma_start3A_68 : memref<1x64xi32, #tpu.memory_space<vmem>> -> memref<64xi32, #tpu.memory_space<vmem>>
    %dma_start3A_70 = arith.constant 0 : i32
    %dma_start3A_71 = arith.constant 0 : i32
    %dma_start3A_72 = tpu.memref_slice %arg17[%dma_start3A_70, %dma_start3A_71] : memref<10000x64xf32, #tpu.memory_space<vmem_shared>> -> memref<10000x64xf32, #tpu.memory_space<vmem_shared>>
    tpu.enqueue_indirect_dma source(%dma_start3A_72 : memref<10000x64xf32, #tpu.memory_space<vmem_shared>>) target(%arg11 : memref<64x64xf32, #tpu.memory_space<vmem>>) offsets(%dma_start3A_69 : memref<64xi32, #tpu.memory_space<vmem>>) semaphore(%arg21 : memref<!tpu.dma_semaphore, #tpu.memory_space<semaphore_mem>>)
    %dma_start3A_73 = arith.constant 3 : i32
    %dma_start3A_74 = arith.constant 0 : i32
    %dma_start3A_75 = tpu.memref_slice %arg7[%dma_start3A_73, %dma_start3A_74] : memref<80x64xi32, #tpu.memory_space<vmem>> -> memref<1x64xi32, #tpu.memory_space<vmem>>
    %dma_start3A_76 = tpu.memref_squeeze %dma_start3A_75 : memref<1x64xi32, #tpu.memory_space<vmem>> -> memref<64xi32, #tpu.memory_space<vmem>>
    %dma_start3A_77 = arith.constant 0 : i32
    %dma_start3A_78 = arith.constant 0 : i32
    %dma_start3A_79 = tpu.memref_slice %arg17[%dma_start3A_77, %dma_start3A_78] : memref<10000x64xf32, #tpu.memory_space<vmem_shared>> -> memref<10000x64xf32, #tpu.memory_space<vmem_shared>>
    tpu.enqueue_indirect_dma source(%dma_start3A_79 : memref<10000x64xf32, #tpu.memory_space<vmem_shared>>) target(%arg12 : memref<64x64xf32, #tpu.memory_space<vmem>>) offsets(%dma_start3A_76 : memref<64xi32, #tpu.memory_space<vmem>>) semaphore(%arg22 : memref<!tpu.dma_semaphore, #tpu.memory_space<semaphore_mem>>)
    %scan3A = arith.constant 0 : i32
    %scan3A_80 = arith.constant 0 : i32
    %scan3A_81 = arith.constant 10 : i32
    %scan3A_82 = arith.addi %scan3A_80, %scan3A_81 : i32
    %scan3A_83 = arith.constant 1 : i32
    scf.for %scan3A_235 = %scan3A_80 to %scan3A_82 step %scan3A_83  : i32 {
      %mul3A_236 = arith.constant 8 : i32
      %mul3A_237 = arith.muli %mul3A_236, %scan3A_235 : i32
      %add3A_238 = arith.constant 0 : i32
      %add3A_239 = arith.addi %mul3A_237, %add3A_238 : i32
      %dma_wait3A_240 = arith.constant 0 : i32
      %dma_wait3A_241 = tpu.memref_slice %arg7[%add3A_239, %dma_wait3A_240] : memref<80x64xi32, #tpu.memory_space<vmem>> -> memref<1x64xi32, #tpu.memory_space<vmem>>
      %dma_wait3A_242 = tpu.memref_squeeze %dma_wait3A_241 : memref<1x64xi32, #tpu.memory_space<vmem>> -> memref<64xi32, #tpu.memory_space<vmem>>
      %dma_wait3A_243 = arith.constant 0 : i32
      %dma_wait3A_244 = arith.constant 0 : i32
      %dma_wait3A_245 = tpu.memref_slice %arg17[%dma_wait3A_243, %dma_wait3A_244] : memref<10000x64xf32, #tpu.memory_space<vmem_shared>> -> memref<10000x64xf32, #tpu.memory_space<vmem_shared>>
      tpu.wait_indirect_dma semaphore(%arg19 : memref<!tpu.dma_semaphore, #tpu.memory_space<semaphore_mem>>) src(%dma_wait3A_245 : memref<10000x64xf32, #tpu.memory_space<vmem_shared>>) dst(%arg9 : memref<64x64xf32, #tpu.memory_space<vmem>>)
      %dma_start3A_246 = arith.constant 0 : i32
      %dma_start3A_247 = tpu.memref_slice %arg8[%add3A_239, %dma_start3A_246] : memref<80x64xi32, #tpu.memory_space<vmem>> -> memref<1x64xi32, #tpu.memory_space<vmem>>
      %dma_start3A_248 = tpu.memref_squeeze %dma_start3A_247 : memref<1x64xi32, #tpu.memory_space<vmem>> -> memref<64xi32, #tpu.memory_space<vmem>>
      %dma_start3A_249 = arith.constant 0 : i32
      %dma_start3A_250 = arith.constant 0 : i32
      %dma_start3A_251 = tpu.memref_slice %arg18[%dma_start3A_249, %dma_start3A_250] : memref<10240x64xf32, #tpu.memory_space<vmem_shared>> -> memref<10240x64xf32, #tpu.memory_space<vmem_shared>>
      tpu.enqueue_indirect_dma source(%arg9 : memref<64x64xf32, #tpu.memory_space<vmem>>) target(%dma_start3A_251 : memref<10240x64xf32, #tpu.memory_space<vmem_shared>>) offsets(%dma_start3A_248 : memref<64xi32, #tpu.memory_space<vmem>>) semaphore(%arg27 : memref<!tpu.dma_semaphore, #tpu.memory_space<semaphore_mem>>) {add = true}
      %add3A_252 = arith.constant 4 : i32
      %add3A_253 = arith.addi %add3A_239, %add3A_252 : i32
      %lt3A = arith.constant 80 : i32
      %lt3A_254 = arith.cmpi slt, %add3A_253, %lt3A : i32
      %convert_element_type3A = arith.extui %lt3A_254 : i1 to i32
      %cond3A = arith.constant 0 : i32
      %cond3A_255 = arith.cmpi ne, %convert_element_type3A, %cond3A : i32
      scf.if %cond3A_255 {
        %ge3A = arith.constant 4 : i32
        %ge3A_417 = arith.cmpi sge, %add3A_239, %ge3A : i32
        %convert_element_type3A_418 = arith.extui %ge3A_417 : i1 to i32
        %cond3A_419 = arith.constant 0 : i32
        %cond3A_420 = arith.cmpi ne, %convert_element_type3A_418, %cond3A_419 : i32
        scf.if %cond3A_420 {
          %sub3A = arith.constant 4 : i32
          %sub3A_429 = arith.subi %add3A_239, %sub3A : i32
          %dma_wait3A_430 = arith.constant 0 : i32
          %dma_wait3A_431 = tpu.memref_slice %arg8[%sub3A_429, %dma_wait3A_430] : memref<80x64xi32, #tpu.memory_space<vmem>> -> memref<1x64xi32, #tpu.memory_space<vmem>>
          %dma_wait3A_432 = tpu.memref_squeeze %dma_wait3A_431 : memref<1x64xi32, #tpu.memory_space<vmem>> -> memref<64xi32, #tpu.memory_space<vmem>>
          %dma_wait3A_433 = arith.constant 0 : i32
          %dma_wait3A_434 = arith.constant 0 : i32
          %dma_wait3A_435 = tpu.memref_slice %arg18[%dma_wait3A_433, %dma_wait3A_434] : memref<10240x64xf32, #tpu.memory_space<vmem_shared>> -> memref<10240x64xf32, #tpu.memory_space<vmem_shared>>
          tpu.wait_indirect_dma semaphore(%arg31 : memref<!tpu.dma_semaphore, #tpu.memory_space<semaphore_mem>>) src(%arg13 : memref<64x64xf32, #tpu.memory_space<vmem>>) dst(%dma_wait3A_435 : memref<10240x64xf32, #tpu.memory_space<vmem_shared>>)
        } else {
        }
        %add3A_421 = arith.constant 4 : i32
        %add3A_422 = arith.addi %add3A_239, %add3A_421 : i32
        %dma_start3A_423 = arith.constant 0 : i32
        %dma_start3A_424 = tpu.memref_slice %arg7[%add3A_422, %dma_start3A_423] : memref<80x64xi32, #tpu.memory_space<vmem>> -> memref<1x64xi32, #tpu.memory_space<vmem>>
        %dma_start3A_425 = tpu.memref_squeeze %dma_start3A_424 : memref<1x64xi32, #tpu.memory_space<vmem>> -> memref<64xi32, #tpu.memory_space<vmem>>
        %dma_start3A_426 = arith.constant 0 : i32
        %dma_start3A_427 = arith.constant 0 : i32
        %dma_start3A_428 = tpu.memref_slice %arg17[%dma_start3A_426, %dma_start3A_427] : memref<10000x64xf32, #tpu.memory_space<vmem_shared>> -> memref<10000x64xf32, #tpu.memory_space<vmem_shared>>
        tpu.enqueue_indirect_dma source(%dma_start3A_428 : memref<10000x64xf32, #tpu.memory_space<vmem_shared>>) target(%arg13 : memref<64x64xf32, #tpu.memory_space<vmem>>) offsets(%dma_start3A_425 : memref<64xi32, #tpu.memory_space<vmem>>) semaphore(%arg23 : memref<!tpu.dma_semaphore, #tpu.memory_space<semaphore_mem>>)
      } else {
      }
      %mul3A_256 = arith.constant 8 : i32
      %mul3A_257 = arith.muli %mul3A_256, %scan3A_235 : i32
      %add3A_258 = arith.constant 1 : i32
      %add3A_259 = arith.addi %mul3A_257, %add3A_258 : i32
      %dma_wait3A_260 = arith.constant 0 : i32
      %dma_wait3A_261 = tpu.memref_slice %arg7[%add3A_259, %dma_wait3A_260] : memref<80x64xi32, #tpu.memory_space<vmem>> -> memref<1x64xi32, #tpu.memory_space<vmem>>
      %dma_wait3A_262 = tpu.memref_squeeze %dma_wait3A_261 : memref<1x64xi32, #tpu.memory_space<vmem>> -> memref<64xi32, #tpu.memory_space<vmem>>
      %dma_wait3A_263 = arith.constant 0 : i32
      %dma_wait3A_264 = arith.constant 0 : i32
      %dma_wait3A_265 = tpu.memref_slice %arg17[%dma_wait3A_263, %dma_wait3A_264] : memref<10000x64xf32, #tpu.memory_space<vmem_shared>> -> memref<10000x64xf32, #tpu.memory_space<vmem_shared>>
      tpu.wait_indirect_dma semaphore(%arg20 : memref<!tpu.dma_semaphore, #tpu.memory_space<semaphore_mem>>) src(%dma_wait3A_265 : memref<10000x64xf32, #tpu.memory_space<vmem_shared>>) dst(%arg10 : memref<64x64xf32, #tpu.memory_space<vmem>>)
      %dma_start3A_266 = arith.constant 0 : i32
      %dma_start3A_267 = tpu.memref_slice %arg8[%add3A_259, %dma_start3A_266] : memref<80x64xi32, #tpu.memory_space<vmem>> -> memref<1x64xi32, #tpu.memory_space<vmem>>
      %dma_start3A_268 = tpu.memref_squeeze %dma_start3A_267 : memref<1x64xi32, #tpu.memory_space<vmem>> -> memref<64xi32, #tpu.memory_space<vmem>>
      %dma_start3A_269 = arith.constant 0 : i32
      %dma_start3A_270 = arith.constant 0 : i32
      %dma_start3A_271 = tpu.memref_slice %arg18[%dma_start3A_269, %dma_start3A_270] : memref<10240x64xf32, #tpu.memory_space<vmem_shared>> -> memref<10240x64xf32, #tpu.memory_space<vmem_shared>>
      tpu.enqueue_indirect_dma source(%arg10 : memref<64x64xf32, #tpu.memory_space<vmem>>) target(%dma_start3A_271 : memref<10240x64xf32, #tpu.memory_space<vmem_shared>>) offsets(%dma_start3A_268 : memref<64xi32, #tpu.memory_space<vmem>>) semaphore(%arg28 : memref<!tpu.dma_semaphore, #tpu.memory_space<semaphore_mem>>) {add = true}
      %add3A_272 = arith.constant 4 : i32
      %add3A_273 = arith.addi %add3A_259, %add3A_272 : i32
      %lt3A_274 = arith.constant 80 : i32
      %lt3A_275 = arith.cmpi slt, %add3A_273, %lt3A_274 : i32
      %convert_element_type3A_276 = arith.extui %lt3A_275 : i1 to i32
      %cond3A_277 = arith.constant 0 : i32
      %cond3A_278 = arith.cmpi ne, %convert_element_type3A_276, %cond3A_277 : i32
      scf.if %cond3A_278 {
        %ge3A = arith.constant 4 : i32
        %ge3A_417 = arith.cmpi sge, %add3A_259, %ge3A : i32
        %convert_element_type3A_418 = arith.extui %ge3A_417 : i1 to i32
        %cond3A_419 = arith.constant 0 : i32
        %cond3A_420 = arith.cmpi ne, %convert_element_type3A_418, %cond3A_419 : i32
        scf.if %cond3A_420 {
          %sub3A = arith.constant 4 : i32
          %sub3A_429 = arith.subi %add3A_259, %sub3A : i32
          %dma_wait3A_430 = arith.constant 0 : i32
          %dma_wait3A_431 = tpu.memref_slice %arg8[%sub3A_429, %dma_wait3A_430] : memref<80x64xi32, #tpu.memory_space<vmem>> -> memref<1x64xi32, #tpu.memory_space<vmem>>
          %dma_wait3A_432 = tpu.memref_squeeze %dma_wait3A_431 : memref<1x64xi32, #tpu.memory_space<vmem>> -> memref<64xi32, #tpu.memory_space<vmem>>
          %dma_wait3A_433 = arith.constant 0 : i32
          %dma_wait3A_434 = arith.constant 0 : i32
          %dma_wait3A_435 = tpu.memref_slice %arg18[%dma_wait3A_433, %dma_wait3A_434] : memref<10240x64xf32, #tpu.memory_space<vmem_shared>> -> memref<10240x64xf32, #tpu.memory_space<vmem_shared>>
          tpu.wait_indirect_dma semaphore(%arg32 : memref<!tpu.dma_semaphore, #tpu.memory_space<semaphore_mem>>) src(%arg14 : memref<64x64xf32, #tpu.memory_space<vmem>>) dst(%dma_wait3A_435 : memref<10240x64xf32, #tpu.memory_space<vmem_shared>>)
        } else {
        }
        %add3A_421 = arith.constant 4 : i32
        %add3A_422 = arith.addi %add3A_259, %add3A_421 : i32
        %dma_start3A_423 = arith.constant 0 : i32
        %dma_start3A_424 = tpu.memref_slice %arg7[%add3A_422, %dma_start3A_423] : memref<80x64xi32, #tpu.memory_space<vmem>> -> memref<1x64xi32, #tpu.memory_space<vmem>>
        %dma_start3A_425 = tpu.memref_squeeze %dma_start3A_424 : memref<1x64xi32, #tpu.memory_space<vmem>> -> memref<64xi32, #tpu.memory_space<vmem>>
        %dma_start3A_426 = arith.constant 0 : i32
        %dma_start3A_427 = arith.constant 0 : i32
        %dma_start3A_428 = tpu.memref_slice %arg17[%dma_start3A_426, %dma_start3A_427] : memref<10000x64xf32, #tpu.memory_space<vmem_shared>> -> memref<10000x64xf32, #tpu.memory_space<vmem_shared>>
        tpu.enqueue_indirect_dma source(%dma_start3A_428 : memref<10000x64xf32, #tpu.memory_space<vmem_shared>>) target(%arg14 : memref<64x64xf32, #tpu.memory_space<vmem>>) offsets(%dma_start3A_425 : memref<64xi32, #tpu.memory_space<vmem>>) semaphore(%arg24 : memref<!tpu.dma_semaphore, #tpu.memory_space<semaphore_mem>>)
      } else {
      }
      %mul3A_279 = arith.constant 8 : i32
      %mul3A_280 = arith.muli %mul3A_279, %scan3A_235 : i32
      %add3A_281 = arith.constant 2 : i32
      %add3A_282 = arith.addi %mul3A_280, %add3A_281 : i32
      %dma_wait3A_283 = arith.constant 0 : i32
      %dma_wait3A_284 = tpu.memref_slice %arg7[%add3A_282, %dma_wait3A_283] : memref<80x64xi32, #tpu.memory_space<vmem>> -> memref<1x64xi32, #tpu.memory_space<vmem>>
      %dma_wait3A_285 = tpu.memref_squeeze %dma_wait3A_284 : memref<1x64xi32, #tpu.memory_space<vmem>> -> memref<64xi32, #tpu.memory_space<vmem>>
      %dma_wait3A_286 = arith.constant 0 : i32
      %dma_wait3A_287 = arith.constant 0 : i32
      %dma_wait3A_288 = tpu.memref_slice %arg17[%dma_wait3A_286, %dma_wait3A_287] : memref<10000x64xf32, #tpu.memory_space<vmem_shared>> -> memref<10000x64xf32, #tpu.memory_space<vmem_shared>>
      tpu.wait_indirect_dma semaphore(%arg21 : memref<!tpu.dma_semaphore, #tpu.memory_space<semaphore_mem>>) src(%dma_wait3A_288 : memref<10000x64xf32, #tpu.memory_space<vmem_shared>>) dst(%arg11 : memref<64x64xf32, #tpu.memory_space<vmem>>)
      %dma_start3A_289 = arith.constant 0 : i32
      %dma_start3A_290 = tpu.memref_slice %arg8[%add3A_282, %dma_start3A_289] : memref<80x64xi32, #tpu.memory_space<vmem>> -> memref<1x64xi32, #tpu.memory_space<vmem>>
      %dma_start3A_291 = tpu.memref_squeeze %dma_start3A_290 : memref<1x64xi32, #tpu.memory_space<vmem>> -> memref<64xi32, #tpu.memory_space<vmem>>
      %dma_start3A_292 = arith.constant 0 : i32
      %dma_start3A_293 = arith.constant 0 : i32
      %dma_start3A_294 = tpu.memref_slice %arg18[%dma_start3A_292, %dma_start3A_293] : memref<10240x64xf32, #tpu.memory_space<vmem_shared>> -> memref<10240x64xf32, #tpu.memory_space<vmem_shared>>
      tpu.enqueue_indirect_dma source(%arg11 : memref<64x64xf32, #tpu.memory_space<vmem>>) target(%dma_start3A_294 : memref<10240x64xf32, #tpu.memory_space<vmem_shared>>) offsets(%dma_start3A_291 : memref<64xi32, #tpu.memory_space<vmem>>) semaphore(%arg29 : memref<!tpu.dma_semaphore, #tpu.memory_space<semaphore_mem>>) {add = true}
      %add3A_295 = arith.constant 4 : i32
      %add3A_296 = arith.addi %add3A_282, %add3A_295 : i32
      %lt3A_297 = arith.constant 80 : i32
      %lt3A_298 = arith.cmpi slt, %add3A_296, %lt3A_297 : i32
      %convert_element_type3A_299 = arith.extui %lt3A_298 : i1 to i32
      %cond3A_300 = arith.constant 0 : i32
      %cond3A_301 = arith.cmpi ne, %convert_element_type3A_299, %cond3A_300 : i32
      scf.if %cond3A_301 {
        %ge3A = arith.constant 4 : i32
        %ge3A_417 = arith.cmpi sge, %add3A_282, %ge3A : i32
        %convert_element_type3A_418 = arith.extui %ge3A_417 : i1 to i32
        %cond3A_419 = arith.constant 0 : i32
        %cond3A_420 = arith.cmpi ne, %convert_element_type3A_418, %cond3A_419 : i32
        scf.if %cond3A_420 {
          %sub3A = arith.constant 4 : i32
          %sub3A_429 = arith.subi %add3A_282, %sub3A : i32
          %dma_wait3A_430 = arith.constant 0 : i32
          %dma_wait3A_431 = tpu.memref_slice %arg8[%sub3A_429, %dma_wait3A_430] : memref<80x64xi32, #tpu.memory_space<vmem>> -> memref<1x64xi32, #tpu.memory_space<vmem>>
          %dma_wait3A_432 = tpu.memref_squeeze %dma_wait3A_431 : memref<1x64xi32, #tpu.memory_space<vmem>> -> memref<64xi32, #tpu.memory_space<vmem>>
          %dma_wait3A_433 = arith.constant 0 : i32
          %dma_wait3A_434 = arith.constant 0 : i32
          %dma_wait3A_435 = tpu.memref_slice %arg18[%dma_wait3A_433, %dma_wait3A_434] : memref<10240x64xf32, #tpu.memory_space<vmem_shared>> -> memref<10240x64xf32, #tpu.memory_space<vmem_shared>>
          tpu.wait_indirect_dma semaphore(%arg33 : memref<!tpu.dma_semaphore, #tpu.memory_space<semaphore_mem>>) src(%arg15 : memref<64x64xf32, #tpu.memory_space<vmem>>) dst(%dma_wait3A_435 : memref<10240x64xf32, #tpu.memory_space<vmem_shared>>)
        } else {
        }
        %add3A_421 = arith.constant 4 : i32
        %add3A_422 = arith.addi %add3A_282, %add3A_421 : i32
        %dma_start3A_423 = arith.constant 0 : i32
        %dma_start3A_424 = tpu.memref_slice %arg7[%add3A_422, %dma_start3A_423] : memref<80x64xi32, #tpu.memory_space<vmem>> -> memref<1x64xi32, #tpu.memory_space<vmem>>
        %dma_start3A_425 = tpu.memref_squeeze %dma_start3A_424 : memref<1x64xi32, #tpu.memory_space<vmem>> -> memref<64xi32, #tpu.memory_space<vmem>>
        %dma_start3A_426 = arith.constant 0 : i32
        %dma_start3A_427 = arith.constant 0 : i32
        %dma_start3A_428 = tpu.memref_slice %arg17[%dma_start3A_426, %dma_start3A_427] : memref<10000x64xf32, #tpu.memory_space<vmem_shared>> -> memref<10000x64xf32, #tpu.memory_space<vmem_shared>>
        tpu.enqueue_indirect_dma source(%dma_start3A_428 : memref<10000x64xf32, #tpu.memory_space<vmem_shared>>) target(%arg15 : memref<64x64xf32, #tpu.memory_space<vmem>>) offsets(%dma_start3A_425 : memref<64xi32, #tpu.memory_space<vmem>>) semaphore(%arg25 : memref<!tpu.dma_semaphore, #tpu.memory_space<semaphore_mem>>)
      } else {
      }
      %mul3A_302 = arith.constant 8 : i32
      %mul3A_303 = arith.muli %mul3A_302, %scan3A_235 : i32
      %add3A_304 = arith.constant 3 : i32
      %add3A_305 = arith.addi %mul3A_303, %add3A_304 : i32
      %dma_wait3A_306 = arith.constant 0 : i32
      %dma_wait3A_307 = tpu.memref_slice %arg7[%add3A_305, %dma_wait3A_306] : memref<80x64xi32, #tpu.memory_space<vmem>> -> memref<1x64xi32, #tpu.memory_space<vmem>>
      %dma_wait3A_308 = tpu.memref_squeeze %dma_wait3A_307 : memref<1x64xi32, #tpu.memory_space<vmem>> -> memref<64xi32, #tpu.memory_space<vmem>>
      %dma_wait3A_309 = arith.constant 0 : i32
      %dma_wait3A_310 = arith.constant 0 : i32
      %dma_wait3A_311 = tpu.memref_slice %arg17[%dma_wait3A_309, %dma_wait3A_310] : memref<10000x64xf32, #tpu.memory_space<vmem_shared>> -> memref<10000x64xf32, #tpu.memory_space<vmem_shared>>
      tpu.wait_indirect_dma semaphore(%arg22 : memref<!tpu.dma_semaphore, #tpu.memory_space<semaphore_mem>>) src(%dma_wait3A_311 : memref<10000x64xf32, #tpu.memory_space<vmem_shared>>) dst(%arg12 : memref<64x64xf32, #tpu.memory_space<vmem>>)
      %dma_start3A_312 = arith.constant 0 : i32
      %dma_start3A_313 = tpu.memref_slice %arg8[%add3A_305, %dma_start3A_312] : memref<80x64xi32, #tpu.memory_space<vmem>> -> memref<1x64xi32, #tpu.memory_space<vmem>>
      %dma_start3A_314 = tpu.memref_squeeze %dma_start3A_313 : memref<1x64xi32, #tpu.memory_space<vmem>> -> memref<64xi32, #tpu.memory_space<vmem>>
      %dma_start3A_315 = arith.constant 0 : i32
      %dma_start3A_316 = arith.constant 0 : i32
      %dma_start3A_317 = tpu.memref_slice %arg18[%dma_start3A_315, %dma_start3A_316] : memref<10240x64xf32, #tpu.memory_space<vmem_shared>> -> memref<10240x64xf32, #tpu.memory_space<vmem_shared>>
      tpu.enqueue_indirect_dma source(%arg12 : memref<64x64xf32, #tpu.memory_space<vmem>>) target(%dma_start3A_317 : memref<10240x64xf32, #tpu.memory_space<vmem_shared>>) offsets(%dma_start3A_314 : memref<64xi32, #tpu.memory_space<vmem>>) semaphore(%arg30 : memref<!tpu.dma_semaphore, #tpu.memory_space<semaphore_mem>>) {add = true}
      %add3A_318 = arith.constant 4 : i32
      %add3A_319 = arith.addi %add3A_305, %add3A_318 : i32
      %lt3A_320 = arith.constant 80 : i32
      %lt3A_321 = arith.cmpi slt, %add3A_319, %lt3A_320 : i32
      %convert_element_type3A_322 = arith.extui %lt3A_321 : i1 to i32
      %cond3A_323 = arith.constant 0 : i32
      %cond3A_324 = arith.cmpi ne, %convert_element_type3A_322, %cond3A_323 : i32
      scf.if %cond3A_324 {
        %ge3A = arith.constant 4 : i32
        %ge3A_417 = arith.cmpi sge, %add3A_305, %ge3A : i32
        %convert_element_type3A_418 = arith.extui %ge3A_417 : i1 to i32
        %cond3A_419 = arith.constant 0 : i32
        %cond3A_420 = arith.cmpi ne, %convert_element_type3A_418, %cond3A_419 : i32
        scf.if %cond3A_420 {
          %sub3A = arith.constant 4 : i32
          %sub3A_429 = arith.subi %add3A_305, %sub3A : i32
          %dma_wait3A_430 = arith.constant 0 : i32
          %dma_wait3A_431 = tpu.memref_slice %arg8[%sub3A_429, %dma_wait3A_430] : memref<80x64xi32, #tpu.memory_space<vmem>> -> memref<1x64xi32, #tpu.memory_space<vmem>>
          %dma_wait3A_432 = tpu.memref_squeeze %dma_wait3A_431 : memref<1x64xi32, #tpu.memory_space<vmem>> -> memref<64xi32, #tpu.memory_space<vmem>>
          %dma_wait3A_433 = arith.constant 0 : i32
          %dma_wait3A_434 = arith.constant 0 : i32
          %dma_wait3A_435 = tpu.memref_slice %arg18[%dma_wait3A_433, %dma_wait3A_434] : memref<10240x64xf32, #tpu.memory_space<vmem_shared>> -> memref<10240x64xf32, #tpu.memory_space<vmem_shared>>
          tpu.wait_indirect_dma semaphore(%arg34 : memref<!tpu.dma_semaphore, #tpu.memory_space<semaphore_mem>>) src(%arg16 : memref<64x64xf32, #tpu.memory_space<vmem>>) dst(%dma_wait3A_435 : memref<10240x64xf32, #tpu.memory_space<vmem_shared>>)
        } else {
        }
        %add3A_421 = arith.constant 4 : i32
        %add3A_422 = arith.addi %add3A_305, %add3A_421 : i32
        %dma_start3A_423 = arith.constant 0 : i32
        %dma_start3A_424 = tpu.memref_slice %arg7[%add3A_422, %dma_start3A_423] : memref<80x64xi32, #tpu.memory_space<vmem>> -> memref<1x64xi32, #tpu.memory_space<vmem>>
        %dma_start3A_425 = tpu.memref_squeeze %dma_start3A_424 : memref<1x64xi32, #tpu.memory_space<vmem>> -> memref<64xi32, #tpu.memory_space<vmem>>
        %dma_start3A_426 = arith.constant 0 : i32
        %dma_start3A_427 = arith.constant 0 : i32
        %dma_start3A_428 = tpu.memref_slice %arg17[%dma_start3A_426, %dma_start3A_427] : memref<10000x64xf32, #tpu.memory_space<vmem_shared>> -> memref<10000x64xf32, #tpu.memory_space<vmem_shared>>
        tpu.enqueue_indirect_dma source(%dma_start3A_428 : memref<10000x64xf32, #tpu.memory_space<vmem_shared>>) target(%arg16 : memref<64x64xf32, #tpu.memory_space<vmem>>) offsets(%dma_start3A_425 : memref<64xi32, #tpu.memory_space<vmem>>) semaphore(%arg26 : memref<!tpu.dma_semaphore, #tpu.memory_space<semaphore_mem>>)
      } else {
      }
      %mul3A_325 = arith.constant 8 : i32
      %mul3A_326 = arith.muli %mul3A_325, %scan3A_235 : i32
      %add3A_327 = arith.constant 4 : i32
      %add3A_328 = arith.addi %mul3A_326, %add3A_327 : i32
      %dma_wait3A_329 = arith.constant 0 : i32
      %dma_wait3A_330 = tpu.memref_slice %arg7[%add3A_328, %dma_wait3A_329] : memref<80x64xi32, #tpu.memory_space<vmem>> -> memref<1x64xi32, #tpu.memory_space<vmem>>
      %dma_wait3A_331 = tpu.memref_squeeze %dma_wait3A_330 : memref<1x64xi32, #tpu.memory_space<vmem>> -> memref<64xi32, #tpu.memory_space<vmem>>
      %dma_wait3A_332 = arith.constant 0 : i32
      %dma_wait3A_333 = arith.constant 0 : i32
      %dma_wait3A_334 = tpu.memref_slice %arg17[%dma_wait3A_332, %dma_wait3A_333] : memref<10000x64xf32, #tpu.memory_space<vmem_shared>> -> memref<10000x64xf32, #tpu.memory_space<vmem_shared>>
      tpu.wait_indirect_dma semaphore(%arg23 : memref<!tpu.dma_semaphore, #tpu.memory_space<semaphore_mem>>) src(%dma_wait3A_334 : memref<10000x64xf32, #tpu.memory_space<vmem_shared>>) dst(%arg13 : memref<64x64xf32, #tpu.memory_space<vmem>>)
      %dma_start3A_335 = arith.constant 0 : i32
      %dma_start3A_336 = tpu.memref_slice %arg8[%add3A_328, %dma_start3A_335] : memref<80x64xi32, #tpu.memory_space<vmem>> -> memref<1x64xi32, #tpu.memory_space<vmem>>
      %dma_start3A_337 = tpu.memref_squeeze %dma_start3A_336 : memref<1x64xi32, #tpu.memory_space<vmem>> -> memref<64xi32, #tpu.memory_space<vmem>>
      %dma_start3A_338 = arith.constant 0 : i32
      %dma_start3A_339 = arith.constant 0 : i32
      %dma_start3A_340 = tpu.memref_slice %arg18[%dma_start3A_338, %dma_start3A_339] : memref<10240x64xf32, #tpu.memory_space<vmem_shared>> -> memref<10240x64xf32, #tpu.memory_space<vmem_shared>>
      tpu.enqueue_indirect_dma source(%arg13 : memref<64x64xf32, #tpu.memory_space<vmem>>) target(%dma_start3A_340 : memref<10240x64xf32, #tpu.memory_space<vmem_shared>>) offsets(%dma_start3A_337 : memref<64xi32, #tpu.memory_space<vmem>>) semaphore(%arg31 : memref<!tpu.dma_semaphore, #tpu.memory_space<semaphore_mem>>) {add = true}
      %add3A_341 = arith.constant 4 : i32
      %add3A_342 = arith.addi %add3A_328, %add3A_341 : i32
      %lt3A_343 = arith.constant 80 : i32
      %lt3A_344 = arith.cmpi slt, %add3A_342, %lt3A_343 : i32
      %convert_element_type3A_345 = arith.extui %lt3A_344 : i1 to i32
      %cond3A_346 = arith.constant 0 : i32
      %cond3A_347 = arith.cmpi ne, %convert_element_type3A_345, %cond3A_346 : i32
      scf.if %cond3A_347 {
        %ge3A = arith.constant 4 : i32
        %ge3A_417 = arith.cmpi sge, %add3A_328, %ge3A : i32
        %convert_element_type3A_418 = arith.extui %ge3A_417 : i1 to i32
        %cond3A_419 = arith.constant 0 : i32
        %cond3A_420 = arith.cmpi ne, %convert_element_type3A_418, %cond3A_419 : i32
        scf.if %cond3A_420 {
          %sub3A = arith.constant 4 : i32
          %sub3A_429 = arith.subi %add3A_328, %sub3A : i32
          %dma_wait3A_430 = arith.constant 0 : i32
          %dma_wait3A_431 = tpu.memref_slice %arg8[%sub3A_429, %dma_wait3A_430] : memref<80x64xi32, #tpu.memory_space<vmem>> -> memref<1x64xi32, #tpu.memory_space<vmem>>
          %dma_wait3A_432 = tpu.memref_squeeze %dma_wait3A_431 : memref<1x64xi32, #tpu.memory_space<vmem>> -> memref<64xi32, #tpu.memory_space<vmem>>
          %dma_wait3A_433 = arith.constant 0 : i32
          %dma_wait3A_434 = arith.constant 0 : i32
          %dma_wait3A_435 = tpu.memref_slice %arg18[%dma_wait3A_433, %dma_wait3A_434] : memref<10240x64xf32, #tpu.memory_space<vmem_shared>> -> memref<10240x64xf32, #tpu.memory_space<vmem_shared>>
          tpu.wait_indirect_dma semaphore(%arg27 : memref<!tpu.dma_semaphore, #tpu.memory_space<semaphore_mem>>) src(%arg9 : memref<64x64xf32, #tpu.memory_space<vmem>>) dst(%dma_wait3A_435 : memref<10240x64xf32, #tpu.memory_space<vmem_shared>>)
        } else {
        }
        %add3A_421 = arith.constant 4 : i32
        %add3A_422 = arith.addi %add3A_328, %add3A_421 : i32
        %dma_start3A_423 = arith.constant 0 : i32
        %dma_start3A_424 = tpu.memref_slice %arg7[%add3A_422, %dma_start3A_423] : memref<80x64xi32, #tpu.memory_space<vmem>> -> memref<1x64xi32, #tpu.memory_space<vmem>>
        %dma_start3A_425 = tpu.memref_squeeze %dma_start3A_424 : memref<1x64xi32, #tpu.memory_space<vmem>> -> memref<64xi32, #tpu.memory_space<vmem>>
        %dma_start3A_426 = arith.constant 0 : i32
        %dma_start3A_427 = arith.constant 0 : i32
        %dma_start3A_428 = tpu.memref_slice %arg17[%dma_start3A_426, %dma_start3A_427] : memref<10000x64xf32, #tpu.memory_space<vmem_shared>> -> memref<10000x64xf32, #tpu.memory_space<vmem_shared>>
        tpu.enqueue_indirect_dma source(%dma_start3A_428 : memref<10000x64xf32, #tpu.memory_space<vmem_shared>>) target(%arg9 : memref<64x64xf32, #tpu.memory_space<vmem>>) offsets(%dma_start3A_425 : memref<64xi32, #tpu.memory_space<vmem>>) semaphore(%arg19 : memref<!tpu.dma_semaphore, #tpu.memory_space<semaphore_mem>>)
      } else {
      }
      %mul3A_348 = arith.constant 8 : i32
      %mul3A_349 = arith.muli %mul3A_348, %scan3A_235 : i32
      %add3A_350 = arith.constant 5 : i32
      %add3A_351 = arith.addi %mul3A_349, %add3A_350 : i32
      %dma_wait3A_352 = arith.constant 0 : i32
      %dma_wait3A_353 = tpu.memref_slice %arg7[%add3A_351, %dma_wait3A_352] : memref<80x64xi32, #tpu.memory_space<vmem>> -> memref<1x64xi32, #tpu.memory_space<vmem>>
      %dma_wait3A_354 = tpu.memref_squeeze %dma_wait3A_353 : memref<1x64xi32, #tpu.memory_space<vmem>> -> memref<64xi32, #tpu.memory_space<vmem>>
      %dma_wait3A_355 = arith.constant 0 : i32
      %dma_wait3A_356 = arith.constant 0 : i32
      %dma_wait3A_357 = tpu.memref_slice %arg17[%dma_wait3A_355, %dma_wait3A_356] : memref<10000x64xf32, #tpu.memory_space<vmem_shared>> -> memref<10000x64xf32, #tpu.memory_space<vmem_shared>>
      tpu.wait_indirect_dma semaphore(%arg24 : memref<!tpu.dma_semaphore, #tpu.memory_space<semaphore_mem>>) src(%dma_wait3A_357 : memref<10000x64xf32, #tpu.memory_space<vmem_shared>>) dst(%arg14 : memref<64x64xf32, #tpu.memory_space<vmem>>)
      %dma_start3A_358 = arith.constant 0 : i32
      %dma_start3A_359 = tpu.memref_slice %arg8[%add3A_351, %dma_start3A_358] : memref<80x64xi32, #tpu.memory_space<vmem>> -> memref<1x64xi32, #tpu.memory_space<vmem>>
      %dma_start3A_360 = tpu.memref_squeeze %dma_start3A_359 : memref<1x64xi32, #tpu.memory_space<vmem>> -> memref<64xi32, #tpu.memory_space<vmem>>
      %dma_start3A_361 = arith.constant 0 : i32
      %dma_start3A_362 = arith.constant 0 : i32
      %dma_start3A_363 = tpu.memref_slice %arg18[%dma_start3A_361, %dma_start3A_362] : memref<10240x64xf32, #tpu.memory_space<vmem_shared>> -> memref<10240x64xf32, #tpu.memory_space<vmem_shared>>
      tpu.enqueue_indirect_dma source(%arg14 : memref<64x64xf32, #tpu.memory_space<vmem>>) target(%dma_start3A_363 : memref<10240x64xf32, #tpu.memory_space<vmem_shared>>) offsets(%dma_start3A_360 : memref<64xi32, #tpu.memory_space<vmem>>) semaphore(%arg32 : memref<!tpu.dma_semaphore, #tpu.memory_space<semaphore_mem>>) {add = true}
      %add3A_364 = arith.constant 4 : i32
      %add3A_365 = arith.addi %add3A_351, %add3A_364 : i32
      %lt3A_366 = arith.constant 80 : i32
      %lt3A_367 = arith.cmpi slt, %add3A_365, %lt3A_366 : i32
      %convert_element_type3A_368 = arith.extui %lt3A_367 : i1 to i32
      %cond3A_369 = arith.constant 0 : i32
      %cond3A_370 = arith.cmpi ne, %convert_element_type3A_368, %cond3A_369 : i32
      scf.if %cond3A_370 {
        %ge3A = arith.constant 4 : i32
        %ge3A_417 = arith.cmpi sge, %add3A_351, %ge3A : i32
        %convert_element_type3A_418 = arith.extui %ge3A_417 : i1 to i32
        %cond3A_419 = arith.constant 0 : i32
        %cond3A_420 = arith.cmpi ne, %convert_element_type3A_418, %cond3A_419 : i32
        scf.if %cond3A_420 {
          %sub3A = arith.constant 4 : i32
          %sub3A_429 = arith.subi %add3A_351, %sub3A : i32
          %dma_wait3A_430 = arith.constant 0 : i32
          %dma_wait3A_431 = tpu.memref_slice %arg8[%sub3A_429, %dma_wait3A_430] : memref<80x64xi32, #tpu.memory_space<vmem>> -> memref<1x64xi32, #tpu.memory_space<vmem>>
          %dma_wait3A_432 = tpu.memref_squeeze %dma_wait3A_431 : memref<1x64xi32, #tpu.memory_space<vmem>> -> memref<64xi32, #tpu.memory_space<vmem>>
          %dma_wait3A_433 = arith.constant 0 : i32
          %dma_wait3A_434 = arith.constant 0 : i32
          %dma_wait3A_435 = tpu.memref_slice %arg18[%dma_wait3A_433, %dma_wait3A_434] : memref<10240x64xf32, #tpu.memory_space<vmem_shared>> -> memref<10240x64xf32, #tpu.memory_space<vmem_shared>>
          tpu.wait_indirect_dma semaphore(%arg28 : memref<!tpu.dma_semaphore, #tpu.memory_space<semaphore_mem>>) src(%arg10 : memref<64x64xf32, #tpu.memory_space<vmem>>) dst(%dma_wait3A_435 : memref<10240x64xf32, #tpu.memory_space<vmem_shared>>)
        } else {
        }
        %add3A_421 = arith.constant 4 : i32
        %add3A_422 = arith.addi %add3A_351, %add3A_421 : i32
        %dma_start3A_423 = arith.constant 0 : i32
        %dma_start3A_424 = tpu.memref_slice %arg7[%add3A_422, %dma_start3A_423] : memref<80x64xi32, #tpu.memory_space<vmem>> -> memref<1x64xi32, #tpu.memory_space<vmem>>
        %dma_start3A_425 = tpu.memref_squeeze %dma_start3A_424 : memref<1x64xi32, #tpu.memory_space<vmem>> -> memref<64xi32, #tpu.memory_space<vmem>>
        %dma_start3A_426 = arith.constant 0 : i32
        %dma_start3A_427 = arith.constant 0 : i32
        %dma_start3A_428 = tpu.memref_slice %arg17[%dma_start3A_426, %dma_start3A_427] : memref<10000x64xf32, #tpu.memory_space<vmem_shared>> -> memref<10000x64xf32, #tpu.memory_space<vmem_shared>>
        tpu.enqueue_indirect_dma source(%dma_start3A_428 : memref<10000x64xf32, #tpu.memory_space<vmem_shared>>) target(%arg10 : memref<64x64xf32, #tpu.memory_space<vmem>>) offsets(%dma_start3A_425 : memref<64xi32, #tpu.memory_space<vmem>>) semaphore(%arg20 : memref<!tpu.dma_semaphore, #tpu.memory_space<semaphore_mem>>)
      } else {
      }
      %mul3A_371 = arith.constant 8 : i32
      %mul3A_372 = arith.muli %mul3A_371, %scan3A_235 : i32
      %add3A_373 = arith.constant 6 : i32
      %add3A_374 = arith.addi %mul3A_372, %add3A_373 : i32
      %dma_wait3A_375 = arith.constant 0 : i32
      %dma_wait3A_376 = tpu.memref_slice %arg7[%add3A_374, %dma_wait3A_375] : memref<80x64xi32, #tpu.memory_space<vmem>> -> memref<1x64xi32, #tpu.memory_space<vmem>>
      %dma_wait3A_377 = tpu.memref_squeeze %dma_wait3A_376 : memref<1x64xi32, #tpu.memory_space<vmem>> -> memref<64xi32, #tpu.memory_space<vmem>>
      %dma_wait3A_378 = arith.constant 0 : i32
      %dma_wait3A_379 = arith.constant 0 : i32
      %dma_wait3A_380 = tpu.memref_slice %arg17[%dma_wait3A_378, %dma_wait3A_379] : memref<10000x64xf32, #tpu.memory_space<vmem_shared>> -> memref<10000x64xf32, #tpu.memory_space<vmem_shared>>
      tpu.wait_indirect_dma semaphore(%arg25 : memref<!tpu.dma_semaphore, #tpu.memory_space<semaphore_mem>>) src(%dma_wait3A_380 : memref<10000x64xf32, #tpu.memory_space<vmem_shared>>) dst(%arg15 : memref<64x64xf32, #tpu.memory_space<vmem>>)
      %dma_start3A_381 = arith.constant 0 : i32
      %dma_start3A_382 = tpu.memref_slice %arg8[%add3A_374, %dma_start3A_381] : memref<80x64xi32, #tpu.memory_space<vmem>> -> memref<1x64xi32, #tpu.memory_space<vmem>>
      %dma_start3A_383 = tpu.memref_squeeze %dma_start3A_382 : memref<1x64xi32, #tpu.memory_space<vmem>> -> memref<64xi32, #tpu.memory_space<vmem>>
      %dma_start3A_384 = arith.constant 0 : i32
      %dma_start3A_385 = arith.constant 0 : i32
      %dma_start3A_386 = tpu.memref_slice %arg18[%dma_start3A_384, %dma_start3A_385] : memref<10240x64xf32, #tpu.memory_space<vmem_shared>> -> memref<10240x64xf32, #tpu.memory_space<vmem_shared>>
      tpu.enqueue_indirect_dma source(%arg15 : memref<64x64xf32, #tpu.memory_space<vmem>>) target(%dma_start3A_386 : memref<10240x64xf32, #tpu.memory_space<vmem_shared>>) offsets(%dma_start3A_383 : memref<64xi32, #tpu.memory_space<vmem>>) semaphore(%arg33 : memref<!tpu.dma_semaphore, #tpu.memory_space<semaphore_mem>>) {add = true}
      %add3A_387 = arith.constant 4 : i32
      %add3A_388 = arith.addi %add3A_374, %add3A_387 : i32
      %lt3A_389 = arith.constant 80 : i32
      %lt3A_390 = arith.cmpi slt, %add3A_388, %lt3A_389 : i32
      %convert_element_type3A_391 = arith.extui %lt3A_390 : i1 to i32
      %cond3A_392 = arith.constant 0 : i32
      %cond3A_393 = arith.cmpi ne, %convert_element_type3A_391, %cond3A_392 : i32
      scf.if %cond3A_393 {
        %ge3A = arith.constant 4 : i32
        %ge3A_417 = arith.cmpi sge, %add3A_374, %ge3A : i32
        %convert_element_type3A_418 = arith.extui %ge3A_417 : i1 to i32
        %cond3A_419 = arith.constant 0 : i32
        %cond3A_420 = arith.cmpi ne, %convert_element_type3A_418, %cond3A_419 : i32
        scf.if %cond3A_420 {
          %sub3A = arith.constant 4 : i32
          %sub3A_429 = arith.subi %add3A_374, %sub3A : i32
          %dma_wait3A_430 = arith.constant 0 : i32
          %dma_wait3A_431 = tpu.memref_slice %arg8[%sub3A_429, %dma_wait3A_430] : memref<80x64xi32, #tpu.memory_space<vmem>> -> memref<1x64xi32, #tpu.memory_space<vmem>>
          %dma_wait3A_432 = tpu.memref_squeeze %dma_wait3A_431 : memref<1x64xi32, #tpu.memory_space<vmem>> -> memref<64xi32, #tpu.memory_space<vmem>>
          %dma_wait3A_433 = arith.constant 0 : i32
          %dma_wait3A_434 = arith.constant 0 : i32
          %dma_wait3A_435 = tpu.memref_slice %arg18[%dma_wait3A_433, %dma_wait3A_434] : memref<10240x64xf32, #tpu.memory_space<vmem_shared>> -> memref<10240x64xf32, #tpu.memory_space<vmem_shared>>
          tpu.wait_indirect_dma semaphore(%arg29 : memref<!tpu.dma_semaphore, #tpu.memory_space<semaphore_mem>>) src(%arg11 : memref<64x64xf32, #tpu.memory_space<vmem>>) dst(%dma_wait3A_435 : memref<10240x64xf32, #tpu.memory_space<vmem_shared>>)
        } else {
        }
        %add3A_421 = arith.constant 4 : i32
        %add3A_422 = arith.addi %add3A_374, %add3A_421 : i32
        %dma_start3A_423 = arith.constant 0 : i32
        %dma_start3A_424 = tpu.memref_slice %arg7[%add3A_422, %dma_start3A_423] : memref<80x64xi32, #tpu.memory_space<vmem>> -> memref<1x64xi32, #tpu.memory_space<vmem>>
        %dma_start3A_425 = tpu.memref_squeeze %dma_start3A_424 : memref<1x64xi32, #tpu.memory_space<vmem>> -> memref<64xi32, #tpu.memory_space<vmem>>
        %dma_start3A_426 = arith.constant 0 : i32
        %dma_start3A_427 = arith.constant 0 : i32
        %dma_start3A_428 = tpu.memref_slice %arg17[%dma_start3A_426, %dma_start3A_427] : memref<10000x64xf32, #tpu.memory_space<vmem_shared>> -> memref<10000x64xf32, #tpu.memory_space<vmem_shared>>
        tpu.enqueue_indirect_dma source(%dma_start3A_428 : memref<10000x64xf32, #tpu.memory_space<vmem_shared>>) target(%arg11 : memref<64x64xf32, #tpu.memory_space<vmem>>) offsets(%dma_start3A_425 : memref<64xi32, #tpu.memory_space<vmem>>) semaphore(%arg21 : memref<!tpu.dma_semaphore, #tpu.memory_space<semaphore_mem>>)
      } else {
      }
      %mul3A_394 = arith.constant 8 : i32
      %mul3A_395 = arith.muli %mul3A_394, %scan3A_235 : i32
      %add3A_396 = arith.constant 7 : i32
      %add3A_397 = arith.addi %mul3A_395, %add3A_396 : i32
      %dma_wait3A_398 = arith.constant 0 : i32
      %dma_wait3A_399 = tpu.memref_slice %arg7[%add3A_397, %dma_wait3A_398] : memref<80x64xi32, #tpu.memory_space<vmem>> -> memref<1x64xi32, #tpu.memory_space<vmem>>
      %dma_wait3A_400 = tpu.memref_squeeze %dma_wait3A_399 : memref<1x64xi32, #tpu.memory_space<vmem>> -> memref<64xi32, #tpu.memory_space<vmem>>
      %dma_wait3A_401 = arith.constant 0 : i32
      %dma_wait3A_402 = arith.constant 0 : i32
      %dma_wait3A_403 = tpu.memref_slice %arg17[%dma_wait3A_401, %dma_wait3A_402] : memref<10000x64xf32, #tpu.memory_space<vmem_shared>> -> memref<10000x64xf32, #tpu.memory_space<vmem_shared>>
      tpu.wait_indirect_dma semaphore(%arg26 : memref<!tpu.dma_semaphore, #tpu.memory_space<semaphore_mem>>) src(%dma_wait3A_403 : memref<10000x64xf32, #tpu.memory_space<vmem_shared>>) dst(%arg16 : memref<64x64xf32, #tpu.memory_space<vmem>>)
      %dma_start3A_404 = arith.constant 0 : i32
      %dma_start3A_405 = tpu.memref_slice %arg8[%add3A_397, %dma_start3A_404] : memref<80x64xi32, #tpu.memory_space<vmem>> -> memref<1x64xi32, #tpu.memory_space<vmem>>
      %dma_start3A_406 = tpu.memref_squeeze %dma_start3A_405 : memref<1x64xi32, #tpu.memory_space<vmem>> -> memref<64xi32, #tpu.memory_space<vmem>>
      %dma_start3A_407 = arith.constant 0 : i32
      %dma_start3A_408 = arith.constant 0 : i32
      %dma_start3A_409 = tpu.memref_slice %arg18[%dma_start3A_407, %dma_start3A_408] : memref<10240x64xf32, #tpu.memory_space<vmem_shared>> -> memref<10240x64xf32, #tpu.memory_space<vmem_shared>>
      tpu.enqueue_indirect_dma source(%arg16 : memref<64x64xf32, #tpu.memory_space<vmem>>) target(%dma_start3A_409 : memref<10240x64xf32, #tpu.memory_space<vmem_shared>>) offsets(%dma_start3A_406 : memref<64xi32, #tpu.memory_space<vmem>>) semaphore(%arg34 : memref<!tpu.dma_semaphore, #tpu.memory_space<semaphore_mem>>) {add = true}
      %add3A_410 = arith.constant 4 : i32
      %add3A_411 = arith.addi %add3A_397, %add3A_410 : i32
      %lt3A_412 = arith.constant 80 : i32
      %lt3A_413 = arith.cmpi slt, %add3A_411, %lt3A_412 : i32
      %convert_element_type3A_414 = arith.extui %lt3A_413 : i1 to i32
      %cond3A_415 = arith.constant 0 : i32
      %cond3A_416 = arith.cmpi ne, %convert_element_type3A_414, %cond3A_415 : i32
      scf.if %cond3A_416 {
        %ge3A = arith.constant 4 : i32
        %ge3A_417 = arith.cmpi sge, %add3A_397, %ge3A : i32
        %convert_element_type3A_418 = arith.extui %ge3A_417 : i1 to i32
        %cond3A_419 = arith.constant 0 : i32
        %cond3A_420 = arith.cmpi ne, %convert_element_type3A_418, %cond3A_419 : i32
        scf.if %cond3A_420 {
          %sub3A = arith.constant 4 : i32
          %sub3A_429 = arith.subi %add3A_397, %sub3A : i32
          %dma_wait3A_430 = arith.constant 0 : i32
          %dma_wait3A_431 = tpu.memref_slice %arg8[%sub3A_429, %dma_wait3A_430] : memref<80x64xi32, #tpu.memory_space<vmem>> -> memref<1x64xi32, #tpu.memory_space<vmem>>
          %dma_wait3A_432 = tpu.memref_squeeze %dma_wait3A_431 : memref<1x64xi32, #tpu.memory_space<vmem>> -> memref<64xi32, #tpu.memory_space<vmem>>
          %dma_wait3A_433 = arith.constant 0 : i32
          %dma_wait3A_434 = arith.constant 0 : i32
          %dma_wait3A_435 = tpu.memref_slice %arg18[%dma_wait3A_433, %dma_wait3A_434] : memref<10240x64xf32, #tpu.memory_space<vmem_shared>> -> memref<10240x64xf32, #tpu.memory_space<vmem_shared>>
          tpu.wait_indirect_dma semaphore(%arg30 : memref<!tpu.dma_semaphore, #tpu.memory_space<semaphore_mem>>) src(%arg12 : memref<64x64xf32, #tpu.memory_space<vmem>>) dst(%dma_wait3A_435 : memref<10240x64xf32, #tpu.memory_space<vmem_shared>>)
        } else {
        }
        %add3A_421 = arith.constant 4 : i32
        %add3A_422 = arith.addi %add3A_397, %add3A_421 : i32
        %dma_start3A_423 = arith.constant 0 : i32
        %dma_start3A_424 = tpu.memref_slice %arg7[%add3A_422, %dma_start3A_423] : memref<80x64xi32, #tpu.memory_space<vmem>> -> memref<1x64xi32, #tpu.memory_space<vmem>>
        %dma_start3A_425 = tpu.memref_squeeze %dma_start3A_424 : memref<1x64xi32, #tpu.memory_space<vmem>> -> memref<64xi32, #tpu.memory_space<vmem>>
        %dma_start3A_426 = arith.constant 0 : i32
        %dma_start3A_427 = arith.constant 0 : i32
        %dma_start3A_428 = tpu.memref_slice %arg17[%dma_start3A_426, %dma_start3A_427] : memref<10000x64xf32, #tpu.memory_space<vmem_shared>> -> memref<10000x64xf32, #tpu.memory_space<vmem_shared>>
        tpu.enqueue_indirect_dma source(%dma_start3A_428 : memref<10000x64xf32, #tpu.memory_space<vmem_shared>>) target(%arg12 : memref<64x64xf32, #tpu.memory_space<vmem>>) offsets(%dma_start3A_425 : memref<64xi32, #tpu.memory_space<vmem>>) semaphore(%arg22 : memref<!tpu.dma_semaphore, #tpu.memory_space<semaphore_mem>>)
      } else {
      }
    }
    %scan3A_84 = arith.constant 10 : i32
    %dma_wait3A_85 = arith.constant 72 : i32
    %dma_wait3A_86 = arith.constant 0 : i32
    %dma_wait3A_87 = tpu.memref_slice %arg8[%dma_wait3A_85, %dma_wait3A_86] : memref<80x64xi32, #tpu.memory_space<vmem>> -> memref<1x64xi32, #tpu.memory_space<vmem>>
    %dma_wait3A_88 = tpu.memref_squeeze %dma_wait3A_87 : memref<1x64xi32, #tpu.memory_space<vmem>> -> memref<64xi32, #tpu.memory_space<vmem>>
    %dma_wait3A_89 = arith.constant 0 : i32
    %dma_wait3A_90 = arith.constant 0 : i32
    %dma_wait3A_91 = tpu.memref_slice %arg18[%dma_wait3A_89, %dma_wait3A_90] : memref<10240x64xf32, #tpu.memory_space<vmem_shared>> -> memref<10240x64xf32, #tpu.memory_space<vmem_shared>>
    tpu.wait_indirect_dma semaphore(%arg27 : memref<!tpu.dma_semaphore, #tpu.memory_space<semaphore_mem>>) src(%arg9 : memref<64x64xf32, #tpu.memory_space<vmem>>) dst(%dma_wait3A_91 : memref<10240x64xf32, #tpu.memory_space<vmem_shared>>)
    %dma_wait3A_92 = arith.constant 73 : i32
    %dma_wait3A_93 = arith.constant 0 : i32
    %dma_wait3A_94 = tpu.memref_slice %arg8[%dma_wait3A_92, %dma_wait3A_93] : memref<80x64xi32, #tpu.memory_space<vmem>> -> memref<1x64xi32, #tpu.memory_space<vmem>>
    %dma_wait3A_95 = tpu.memref_squeeze %dma_wait3A_94 : memref<1x64xi32, #tpu.memory_space<vmem>> -> memref<64xi32, #tpu.memory_space<vmem>>
    %dma_wait3A_96 = arith.constant 0 : i32
    %dma_wait3A_97 = arith.constant 0 : i32
    %dma_wait3A_98 = tpu.memref_slice %arg18[%dma_wait3A_96, %dma_wait3A_97] : memref<10240x64xf32, #tpu.memory_space<vmem_shared>> -> memref<10240x64xf32, #tpu.memory_space<vmem_shared>>
    tpu.wait_indirect_dma semaphore(%arg28 : memref<!tpu.dma_semaphore, #tpu.memory_space<semaphore_mem>>) src(%arg10 : memref<64x64xf32, #tpu.memory_space<vmem>>) dst(%dma_wait3A_98 : memref<10240x64xf32, #tpu.memory_space<vmem_shared>>)
    %dma_wait3A_99 = arith.constant 74 : i32
    %dma_wait3A_100 = arith.constant 0 : i32
    %dma_wait3A_101 = tpu.memref_slice %arg8[%dma_wait3A_99, %dma_wait3A_100] : memref<80x64xi32, #tpu.memory_space<vmem>> -> memref<1x64xi32, #tpu.memory_space<vmem>>
    %dma_wait3A_102 = tpu.memref_squeeze %dma_wait3A_101 : memref<1x64xi32, #tpu.memory_space<vmem>> -> memref<64xi32, #tpu.memory_space<vmem>>
    %dma_wait3A_103 = arith.constant 0 : i32
    %dma_wait3A_104 = arith.constant 0 : i32
    %dma_wait3A_105 = tpu.memref_slice %arg18[%dma_wait3A_103, %dma_wait3A_104] : memref<10240x64xf32, #tpu.memory_space<vmem_shared>> -> memref<10240x64xf32, #tpu.memory_space<vmem_shared>>
    tpu.wait_indirect_dma semaphore(%arg29 : memref<!tpu.dma_semaphore, #tpu.memory_space<semaphore_mem>>) src(%arg11 : memref<64x64xf32, #tpu.memory_space<vmem>>) dst(%dma_wait3A_105 : memref<10240x64xf32, #tpu.memory_space<vmem_shared>>)
    %dma_wait3A_106 = arith.constant 75 : i32
    %dma_wait3A_107 = arith.constant 0 : i32
    %dma_wait3A_108 = tpu.memref_slice %arg8[%dma_wait3A_106, %dma_wait3A_107] : memref<80x64xi32, #tpu.memory_space<vmem>> -> memref<1x64xi32, #tpu.memory_space<vmem>>
    %dma_wait3A_109 = tpu.memref_squeeze %dma_wait3A_108 : memref<1x64xi32, #tpu.memory_space<vmem>> -> memref<64xi32, #tpu.memory_space<vmem>>
    %dma_wait3A_110 = arith.constant 0 : i32
    %dma_wait3A_111 = arith.constant 0 : i32
    %dma_wait3A_112 = tpu.memref_slice %arg18[%dma_wait3A_110, %dma_wait3A_111] : memref<10240x64xf32, #tpu.memory_space<vmem_shared>> -> memref<10240x64xf32, #tpu.memory_space<vmem_shared>>
    tpu.wait_indirect_dma semaphore(%arg30 : memref<!tpu.dma_semaphore, #tpu.memory_space<semaphore_mem>>) src(%arg12 : memref<64x64xf32, #tpu.memory_space<vmem>>) dst(%dma_wait3A_112 : memref<10240x64xf32, #tpu.memory_space<vmem_shared>>)
    %dma_wait3A_113 = arith.constant 76 : i32
    %dma_wait3A_114 = arith.constant 0 : i32
    %dma_wait3A_115 = tpu.memref_slice %arg8[%dma_wait3A_113, %dma_wait3A_114] : memref<80x64xi32, #tpu.memory_space<vmem>> -> memref<1x64xi32, #tpu.memory_space<vmem>>
    %dma_wait3A_116 = tpu.memref_squeeze %dma_wait3A_115 : memref<1x64xi32, #tpu.memory_space<vmem>> -> memref<64xi32, #tpu.memory_space<vmem>>
    %dma_wait3A_117 = arith.constant 0 : i32
    %dma_wait3A_118 = arith.constant 0 : i32
    %dma_wait3A_119 = tpu.memref_slice %arg18[%dma_wait3A_117, %dma_wait3A_118] : memref<10240x64xf32, #tpu.memory_space<vmem_shared>> -> memref<10240x64xf32, #tpu.memory_space<vmem_shared>>
    tpu.wait_indirect_dma semaphore(%arg31 : memref<!tpu.dma_semaphore, #tpu.memory_space<semaphore_mem>>) src(%arg13 : memref<64x64xf32, #tpu.memory_space<vmem>>) dst(%dma_wait3A_119 : memref<10240x64xf32, #tpu.memory_space<vmem_shared>>)
    %dma_wait3A_120 = arith.constant 77 : i32
    %dma_wait3A_121 = arith.constant 0 : i32
    %dma_wait3A_122 = tpu.memref_slice %arg8[%dma_wait3A_120, %dma_wait3A_121] : memref<80x64xi32, #tpu.memory_space<vmem>> -> memref<1x64xi32, #tpu.memory_space<vmem>>
    %dma_wait3A_123 = tpu.memref_squeeze %dma_wait3A_122 : memref<1x64xi32, #tpu.memory_space<vmem>> -> memref<64xi32, #tpu.memory_space<vmem>>
    %dma_wait3A_124 = arith.constant 0 : i32
    %dma_wait3A_125 = arith.constant 0 : i32
    %dma_wait3A_126 = tpu.memref_slice %arg18[%dma_wait3A_124, %dma_wait3A_125] : memref<10240x64xf32, #tpu.memory_space<vmem_shared>> -> memref<10240x64xf32, #tpu.memory_space<vmem_shared>>
    tpu.wait_indirect_dma semaphore(%arg32 : memref<!tpu.dma_semaphore, #tpu.memory_space<semaphore_mem>>) src(%arg14 : memref<64x64xf32, #tpu.memory_space<vmem>>) dst(%dma_wait3A_126 : memref<10240x64xf32, #tpu.memory_space<vmem_shared>>)
    %dma_wait3A_127 = arith.constant 78 : i32
    %dma_wait3A_128 = arith.constant 0 : i32
    %dma_wait3A_129 = tpu.memref_slice %arg8[%dma_wait3A_127, %dma_wait3A_128] : memref<80x64xi32, #tpu.memory_space<vmem>> -> memref<1x64xi32, #tpu.memory_space<vmem>>
    %dma_wait3A_130 = tpu.memref_squeeze %dma_wait3A_129 : memref<1x64xi32, #tpu.memory_space<vmem>> -> memref<64xi32, #tpu.memory_space<vmem>>
    %dma_wait3A_131 = arith.constant 0 : i32
    %dma_wait3A_132 = arith.constant 0 : i32
    %dma_wait3A_133 = tpu.memref_slice %arg18[%dma_wait3A_131, %dma_wait3A_132] : memref<10240x64xf32, #tpu.memory_space<vmem_shared>> -> memref<10240x64xf32, #tpu.memory_space<vmem_shared>>
    tpu.wait_indirect_dma semaphore(%arg33 : memref<!tpu.dma_semaphore, #tpu.memory_space<semaphore_mem>>) src(%arg15 : memref<64x64xf32, #tpu.memory_space<vmem>>) dst(%dma_wait3A_133 : memref<10240x64xf32, #tpu.memory_space<vmem_shared>>)
    %dma_wait3A_134 = arith.constant 79 : i32
    %dma_wait3A_135 = arith.constant 0 : i32
    %dma_wait3A_136 = tpu.memref_slice %arg8[%dma_wait3A_134, %dma_wait3A_135] : memref<80x64xi32, #tpu.memory_space<vmem>> -> memref<1x64xi32, #tpu.memory_space<vmem>>
    %dma_wait3A_137 = tpu.memref_squeeze %dma_wait3A_136 : memref<1x64xi32, #tpu.memory_space<vmem>> -> memref<64xi32, #tpu.memory_space<vmem>>
    %dma_wait3A_138 = arith.constant 0 : i32
    %dma_wait3A_139 = arith.constant 0 : i32
    %dma_wait3A_140 = tpu.memref_slice %arg18[%dma_wait3A_138, %dma_wait3A_139] : memref<10240x64xf32, #tpu.memory_space<vmem_shared>> -> memref<10240x64xf32, #tpu.memory_space<vmem_shared>>
    tpu.wait_indirect_dma semaphore(%arg34 : memref<!tpu.dma_semaphore, #tpu.memory_space<semaphore_mem>>) src(%arg16 : memref<64x64xf32, #tpu.memory_space<vmem>>) dst(%dma_wait3A_140 : memref<10240x64xf32, #tpu.memory_space<vmem_shared>>)
    "tpu.region"() ({
      %run_scoped3A = tpu.sem_alloc : memref<!tpu.dma_semaphore, #tpu.memory_space<semaphore_mem>>
      %dma_start3A_235 = arith.constant 80 : i32
      %dma_start3A_236 = arith.constant 0 : i32
      %dma_start3A_237 = tpu.memref_slice %arg3[%add3A, %dma_start3A_235, %dma_start3A_236] : memref<32x160x64xi32, #tpu.memory_space<hbm>> -> memref<1x80x64xi32, #tpu.memory_space<hbm>>
      %dma_start3A_238 = tpu.memref_squeeze %dma_start3A_237 : memref<1x80x64xi32, #tpu.memory_space<hbm>> -> memref<80x64xi32, #tpu.memory_space<hbm>>
      %dma_start3A_239 = arith.constant 80 : i32
      %dma_start3A_240 = arith.constant 0 : i32
      %dma_start3A_241 = tpu.memref_slice %arg3[%add3A, %dma_start3A_239, %dma_start3A_240] : memref<32x160x64xi32, #tpu.memory_space<hbm>> -> memref<1x80x64xi32, #tpu.memory_space<hbm>>
      %dma_start3A_242 = tpu.memref_squeeze %dma_start3A_241 : memref<1x80x64xi32, #tpu.memory_space<hbm>> -> memref<80x64xi32, #tpu.memory_space<hbm>>
      tpu.enqueue_dma source(%dma_start3A_242 : memref<80x64xi32, #tpu.memory_space<hbm>>) target(%arg7 : memref<80x64xi32, #tpu.memory_space<vmem>>) target_semaphore(%run_scoped3A : memref<!tpu.dma_semaphore, #tpu.memory_space<semaphore_mem>>)
      %dma_wait3A_243 = arith.constant 80 : i32
      %dma_wait3A_244 = arith.constant 0 : i32
      %dma_wait3A_245 = tpu.memref_slice %arg3[%add3A, %dma_wait3A_243, %dma_wait3A_244] : memref<32x160x64xi32, #tpu.memory_space<hbm>> -> memref<1x80x64xi32, #tpu.memory_space<hbm>>
      %dma_wait3A_246 = tpu.memref_squeeze %dma_wait3A_245 : memref<1x80x64xi32, #tpu.memory_space<hbm>> -> memref<80x64xi32, #tpu.memory_space<hbm>>
      %dma_wait3A_247 = arith.constant 80 : i32
      %dma_wait3A_248 = arith.constant 0 : i32
      %dma_wait3A_249 = tpu.memref_slice %arg3[%add3A, %dma_wait3A_247, %dma_wait3A_248] : memref<32x160x64xi32, #tpu.memory_space<hbm>> -> memref<1x80x64xi32, #tpu.memory_space<hbm>>
      %dma_wait3A_250 = tpu.memref_squeeze %dma_wait3A_249 : memref<1x80x64xi32, #tpu.memory_space<hbm>> -> memref<80x64xi32, #tpu.memory_space<hbm>>
      tpu.wait_dma2 semaphore(%run_scoped3A : memref<!tpu.dma_semaphore, #tpu.memory_space<semaphore_mem>>) src(%dma_wait3A_250 : memref<80x64xi32, #tpu.memory_space<hbm>>) dst(%arg7 : memref<80x64xi32, #tpu.memory_space<vmem>>)
      tpu.yield
    }) : () -> ()
    "tpu.region"() ({
      %run_scoped3A = tpu.sem_alloc : memref<!tpu.dma_semaphore, #tpu.memory_space<semaphore_mem>>
      %dma_start3A_235 = arith.constant 80 : i32
      %dma_start3A_236 = arith.constant 0 : i32
      %dma_start3A_237 = tpu.memref_slice %arg4[%add3A, %dma_start3A_235, %dma_start3A_236] : memref<32x160x64xi32, #tpu.memory_space<hbm>> -> memref<1x80x64xi32, #tpu.memory_space<hbm>>
      %dma_start3A_238 = tpu.memref_squeeze %dma_start3A_237 : memref<1x80x64xi32, #tpu.memory_space<hbm>> -> memref<80x64xi32, #tpu.memory_space<hbm>>
      %dma_start3A_239 = arith.constant 80 : i32
      %dma_start3A_240 = arith.constant 0 : i32
      %dma_start3A_241 = tpu.memref_slice %arg4[%add3A, %dma_start3A_239, %dma_start3A_240] : memref<32x160x64xi32, #tpu.memory_space<hbm>> -> memref<1x80x64xi32, #tpu.memory_space<hbm>>
      %dma_start3A_242 = tpu.memref_squeeze %dma_start3A_241 : memref<1x80x64xi32, #tpu.memory_space<hbm>> -> memref<80x64xi32, #tpu.memory_space<hbm>>
      tpu.enqueue_dma source(%dma_start3A_242 : memref<80x64xi32, #tpu.memory_space<hbm>>) target(%arg8 : memref<80x64xi32, #tpu.memory_space<vmem>>) target_semaphore(%run_scoped3A : memref<!tpu.dma_semaphore, #tpu.memory_space<semaphore_mem>>)
      %dma_wait3A_243 = arith.constant 80 : i32
      %dma_wait3A_244 = arith.constant 0 : i32
      %dma_wait3A_245 = tpu.memref_slice %arg4[%add3A, %dma_wait3A_243, %dma_wait3A_244] : memref<32x160x64xi32, #tpu.memory_space<hbm>> -> memref<1x80x64xi32, #tpu.memory_space<hbm>>
      %dma_wait3A_246 = tpu.memref_squeeze %dma_wait3A_245 : memref<1x80x64xi32, #tpu.memory_space<hbm>> -> memref<80x64xi32, #tpu.memory_space<hbm>>
      %dma_wait3A_247 = arith.constant 80 : i32
      %dma_wait3A_248 = arith.constant 0 : i32
      %dma_wait3A_249 = tpu.memref_slice %arg4[%add3A, %dma_wait3A_247, %dma_wait3A_248] : memref<32x160x64xi32, #tpu.memory_space<hbm>> -> memref<1x80x64xi32, #tpu.memory_space<hbm>>
      %dma_wait3A_250 = tpu.memref_squeeze %dma_wait3A_249 : memref<1x80x64xi32, #tpu.memory_space<hbm>> -> memref<80x64xi32, #tpu.memory_space<hbm>>
      tpu.wait_dma2 semaphore(%run_scoped3A : memref<!tpu.dma_semaphore, #tpu.memory_space<semaphore_mem>>) src(%dma_wait3A_250 : memref<80x64xi32, #tpu.memory_space<hbm>>) dst(%arg8 : memref<80x64xi32, #tpu.memory_space<vmem>>)
      tpu.yield
    }) : () -> ()
    %dma_start3A_141 = arith.constant 0 : i32
    %dma_start3A_142 = arith.constant 0 : i32
    %dma_start3A_143 = tpu.memref_slice %arg7[%dma_start3A_141, %dma_start3A_142] : memref<80x64xi32, #tpu.memory_space<vmem>> -> memref<1x64xi32, #tpu.memory_space<vmem>>
    %dma_start3A_144 = tpu.memref_squeeze %dma_start3A_143 : memref<1x64xi32, #tpu.memory_space<vmem>> -> memref<64xi32, #tpu.memory_space<vmem>>
    %dma_start3A_145 = arith.constant 0 : i32
    %dma_start3A_146 = arith.constant 0 : i32
    %dma_start3A_147 = tpu.memref_slice %arg17[%dma_start3A_145, %dma_start3A_146] : memref<10000x64xf32, #tpu.memory_space<vmem_shared>> -> memref<10000x64xf32, #tpu.memory_space<vmem_shared>>
    tpu.enqueue_indirect_dma source(%dma_start3A_147 : memref<10000x64xf32, #tpu.memory_space<vmem_shared>>) target(%arg9 : memref<64x64xf32, #tpu.memory_space<vmem>>) offsets(%dma_start3A_144 : memref<64xi32, #tpu.memory_space<vmem>>) semaphore(%arg19 : memref<!tpu.dma_semaphore, #tpu.memory_space<semaphore_mem>>)
    %dma_start3A_148 = arith.constant 1 : i32
    %dma_start3A_149 = arith.constant 0 : i32
    %dma_start3A_150 = tpu.memref_slice %arg7[%dma_start3A_148, %dma_start3A_149] : memref<80x64xi32, #tpu.memory_space<vmem>> -> memref<1x64xi32, #tpu.memory_space<vmem>>
    %dma_start3A_151 = tpu.memref_squeeze %dma_start3A_150 : memref<1x64xi32, #tpu.memory_space<vmem>> -> memref<64xi32, #tpu.memory_space<vmem>>
    %dma_start3A_152 = arith.constant 0 : i32
    %dma_start3A_153 = arith.constant 0 : i32
    %dma_start3A_154 = tpu.memref_slice %arg17[%dma_start3A_152, %dma_start3A_153] : memref<10000x64xf32, #tpu.memory_space<vmem_shared>> -> memref<10000x64xf32, #tpu.memory_space<vmem_shared>>
    tpu.enqueue_indirect_dma source(%dma_start3A_154 : memref<10000x64xf32, #tpu.memory_space<vmem_shared>>) target(%arg10 : memref<64x64xf32, #tpu.memory_space<vmem>>) offsets(%dma_start3A_151 : memref<64xi32, #tpu.memory_space<vmem>>) semaphore(%arg20 : memref<!tpu.dma_semaphore, #tpu.memory_space<semaphore_mem>>)
    %dma_start3A_155 = arith.constant 2 : i32
    %dma_start3A_156 = arith.constant 0 : i32
    %dma_start3A_157 = tpu.memref_slice %arg7[%dma_start3A_155, %dma_start3A_156] : memref<80x64xi32, #tpu.memory_space<vmem>> -> memref<1x64xi32, #tpu.memory_space<vmem>>
    %dma_start3A_158 = tpu.memref_squeeze %dma_start3A_157 : memref<1x64xi32, #tpu.memory_space<vmem>> -> memref<64xi32, #tpu.memory_space<vmem>>
    %dma_start3A_159 = arith.constant 0 : i32
    %dma_start3A_160 = arith.constant 0 : i32
    %dma_start3A_161 = tpu.memref_slice %arg17[%dma_start3A_159, %dma_start3A_160] : memref<10000x64xf32, #tpu.memory_space<vmem_shared>> -> memref<10000x64xf32, #tpu.memory_space<vmem_shared>>
    tpu.enqueue_indirect_dma source(%dma_start3A_161 : memref<10000x64xf32, #tpu.memory_space<vmem_shared>>) target(%arg11 : memref<64x64xf32, #tpu.memory_space<vmem>>) offsets(%dma_start3A_158 : memref<64xi32, #tpu.memory_space<vmem>>) semaphore(%arg21 : memref<!tpu.dma_semaphore, #tpu.memory_space<semaphore_mem>>)
    %dma_start3A_162 = arith.constant 3 : i32
    %dma_start3A_163 = arith.constant 0 : i32
    %dma_start3A_164 = tpu.memref_slice %arg7[%dma_start3A_162, %dma_start3A_163] : memref<80x64xi32, #tpu.memory_space<vmem>> -> memref<1x64xi32, #tpu.memory_space<vmem>>
    %dma_start3A_165 = tpu.memref_squeeze %dma_start3A_164 : memref<1x64xi32, #tpu.memory_space<vmem>> -> memref<64xi32, #tpu.memory_space<vmem>>
    %dma_start3A_166 = arith.constant 0 : i32
    %dma_start3A_167 = arith.constant 0 : i32
    %dma_start3A_168 = tpu.memref_slice %arg17[%dma_start3A_166, %dma_start3A_167] : memref<10000x64xf32, #tpu.memory_space<vmem_shared>> -> memref<10000x64xf32, #tpu.memory_space<vmem_shared>>
    tpu.enqueue_indirect_dma source(%dma_start3A_168 : memref<10000x64xf32, #tpu.memory_space<vmem_shared>>) target(%arg12 : memref<64x64xf32, #tpu.memory_space<vmem>>) offsets(%dma_start3A_165 : memref<64xi32, #tpu.memory_space<vmem>>) semaphore(%arg22 : memref<!tpu.dma_semaphore, #tpu.memory_space<semaphore_mem>>)
    %scan3A_169 = arith.constant 0 : i32
    %scan3A_170 = arith.constant 0 : i32
    %scan3A_171 = arith.constant 10 : i32
    %scan3A_172 = arith.addi %scan3A_170, %scan3A_171 : i32
    %scan3A_173 = arith.constant 1 : i32
    scf.for %scan3A_235 = %scan3A_170 to %scan3A_172 step %scan3A_173  : i32 {
      %mul3A_236 = arith.constant 8 : i32
      %mul3A_237 = arith.muli %mul3A_236, %scan3A_235 : i32
      %add3A_238 = arith.constant 0 : i32
      %add3A_239 = arith.addi %mul3A_237, %add3A_238 : i32
      %dma_wait3A_240 = arith.constant 0 : i32
      %dma_wait3A_241 = tpu.memref_slice %arg7[%add3A_239, %dma_wait3A_240] : memref<80x64xi32, #tpu.memory_space<vmem>> -> memref<1x64xi32, #tpu.memory_space<vmem>>
      %dma_wait3A_242 = tpu.memref_squeeze %dma_wait3A_241 : memref<1x64xi32, #tpu.memory_space<vmem>> -> memref<64xi32, #tpu.memory_space<vmem>>
      %dma_wait3A_243 = arith.constant 0 : i32
      %dma_wait3A_244 = arith.constant 0 : i32
      %dma_wait3A_245 = tpu.memref_slice %arg17[%dma_wait3A_243, %dma_wait3A_244] : memref<10000x64xf32, #tpu.memory_space<vmem_shared>> -> memref<10000x64xf32, #tpu.memory_space<vmem_shared>>
      tpu.wait_indirect_dma semaphore(%arg19 : memref<!tpu.dma_semaphore, #tpu.memory_space<semaphore_mem>>) src(%dma_wait3A_245 : memref<10000x64xf32, #tpu.memory_space<vmem_shared>>) dst(%arg9 : memref<64x64xf32, #tpu.memory_space<vmem>>)
      %dma_start3A_246 = arith.constant 0 : i32
      %dma_start3A_247 = tpu.memref_slice %arg8[%add3A_239, %dma_start3A_246] : memref<80x64xi32, #tpu.memory_space<vmem>> -> memref<1x64xi32, #tpu.memory_space<vmem>>
      %dma_start3A_248 = tpu.memref_squeeze %dma_start3A_247 : memref<1x64xi32, #tpu.memory_space<vmem>> -> memref<64xi32, #tpu.memory_space<vmem>>
      %dma_start3A_249 = arith.constant 0 : i32
      %dma_start3A_250 = arith.constant 0 : i32
      %dma_start3A_251 = tpu.memref_slice %arg18[%dma_start3A_249, %dma_start3A_250] : memref<10240x64xf32, #tpu.memory_space<vmem_shared>> -> memref<10240x64xf32, #tpu.memory_space<vmem_shared>>
      tpu.enqueue_indirect_dma source(%arg9 : memref<64x64xf32, #tpu.memory_space<vmem>>) target(%dma_start3A_251 : memref<10240x64xf32, #tpu.memory_space<vmem_shared>>) offsets(%dma_start3A_248 : memref<64xi32, #tpu.memory_space<vmem>>) semaphore(%arg27 : memref<!tpu.dma_semaphore, #tpu.memory_space<semaphore_mem>>) {add = true}
      %add3A_252 = arith.constant 4 : i32
      %add3A_253 = arith.addi %add3A_239, %add3A_252 : i32
      %lt3A = arith.constant 80 : i32
      %lt3A_254 = arith.cmpi slt, %add3A_253, %lt3A : i32
      %convert_element_type3A = arith.extui %lt3A_254 : i1 to i32
      %cond3A = arith.constant 0 : i32
      %cond3A_255 = arith.cmpi ne, %convert_element_type3A, %cond3A : i32
      scf.if %cond3A_255 {
        %ge3A = arith.constant 4 : i32
        %ge3A_417 = arith.cmpi sge, %add3A_239, %ge3A : i32
        %convert_element_type3A_418 = arith.extui %ge3A_417 : i1 to i32
        %cond3A_419 = arith.constant 0 : i32
        %cond3A_420 = arith.cmpi ne, %convert_element_type3A_418, %cond3A_419 : i32
        scf.if %cond3A_420 {
          %sub3A = arith.constant 4 : i32
          %sub3A_429 = arith.subi %add3A_239, %sub3A : i32
          %dma_wait3A_430 = arith.constant 0 : i32
          %dma_wait3A_431 = tpu.memref_slice %arg8[%sub3A_429, %dma_wait3A_430] : memref<80x64xi32, #tpu.memory_space<vmem>> -> memref<1x64xi32, #tpu.memory_space<vmem>>
          %dma_wait3A_432 = tpu.memref_squeeze %dma_wait3A_431 : memref<1x64xi32, #tpu.memory_space<vmem>> -> memref<64xi32, #tpu.memory_space<vmem>>
          %dma_wait3A_433 = arith.constant 0 : i32
          %dma_wait3A_434 = arith.constant 0 : i32
          %dma_wait3A_435 = tpu.memref_slice %arg18[%dma_wait3A_433, %dma_wait3A_434] : memref<10240x64xf32, #tpu.memory_space<vmem_shared>> -> memref<10240x64xf32, #tpu.memory_space<vmem_shared>>
          tpu.wait_indirect_dma semaphore(%arg31 : memref<!tpu.dma_semaphore, #tpu.memory_space<semaphore_mem>>) src(%arg13 : memref<64x64xf32, #tpu.memory_space<vmem>>) dst(%dma_wait3A_435 : memref<10240x64xf32, #tpu.memory_space<vmem_shared>>)
        } else {
        }
        %add3A_421 = arith.constant 4 : i32
        %add3A_422 = arith.addi %add3A_239, %add3A_421 : i32
        %dma_start3A_423 = arith.constant 0 : i32
        %dma_start3A_424 = tpu.memref_slice %arg7[%add3A_422, %dma_start3A_423] : memref<80x64xi32, #tpu.memory_space<vmem>> -> memref<1x64xi32, #tpu.memory_space<vmem>>
        %dma_start3A_425 = tpu.memref_squeeze %dma_start3A_424 : memref<1x64xi32, #tpu.memory_space<vmem>> -> memref<64xi32, #tpu.memory_space<vmem>>
        %dma_start3A_426 = arith.constant 0 : i32
        %dma_start3A_427 = arith.constant 0 : i32
        %dma_start3A_428 = tpu.memref_slice %arg17[%dma_start3A_426, %dma_start3A_427] : memref<10000x64xf32, #tpu.memory_space<vmem_shared>> -> memref<10000x64xf32, #tpu.memory_space<vmem_shared>>
        tpu.enqueue_indirect_dma source(%dma_start3A_428 : memref<10000x64xf32, #tpu.memory_space<vmem_shared>>) target(%arg13 : memref<64x64xf32, #tpu.memory_space<vmem>>) offsets(%dma_start3A_425 : memref<64xi32, #tpu.memory_space<vmem>>) semaphore(%arg23 : memref<!tpu.dma_semaphore, #tpu.memory_space<semaphore_mem>>)
      } else {
      }
      %mul3A_256 = arith.constant 8 : i32
      %mul3A_257 = arith.muli %mul3A_256, %scan3A_235 : i32
      %add3A_258 = arith.constant 1 : i32
      %add3A_259 = arith.addi %mul3A_257, %add3A_258 : i32
      %dma_wait3A_260 = arith.constant 0 : i32
      %dma_wait3A_261 = tpu.memref_slice %arg7[%add3A_259, %dma_wait3A_260] : memref<80x64xi32, #tpu.memory_space<vmem>> -> memref<1x64xi32, #tpu.memory_space<vmem>>
      %dma_wait3A_262 = tpu.memref_squeeze %dma_wait3A_261 : memref<1x64xi32, #tpu.memory_space<vmem>> -> memref<64xi32, #tpu.memory_space<vmem>>
      %dma_wait3A_263 = arith.constant 0 : i32
      %dma_wait3A_264 = arith.constant 0 : i32
      %dma_wait3A_265 = tpu.memref_slice %arg17[%dma_wait3A_263, %dma_wait3A_264] : memref<10000x64xf32, #tpu.memory_space<vmem_shared>> -> memref<10000x64xf32, #tpu.memory_space<vmem_shared>>
      tpu.wait_indirect_dma semaphore(%arg20 : memref<!tpu.dma_semaphore, #tpu.memory_space<semaphore_mem>>) src(%dma_wait3A_265 : memref<10000x64xf32, #tpu.memory_space<vmem_shared>>) dst(%arg10 : memref<64x64xf32, #tpu.memory_space<vmem>>)
      %dma_start3A_266 = arith.constant 0 : i32
      %dma_start3A_267 = tpu.memref_slice %arg8[%add3A_259, %dma_start3A_266] : memref<80x64xi32, #tpu.memory_space<vmem>> -> memref<1x64xi32, #tpu.memory_space<vmem>>
      %dma_start3A_268 = tpu.memref_squeeze %dma_start3A_267 : memref<1x64xi32, #tpu.memory_space<vmem>> -> memref<64xi32, #tpu.memory_space<vmem>>
      %dma_start3A_269 = arith.constant 0 : i32
      %dma_start3A_270 = arith.constant 0 : i32
      %dma_start3A_271 = tpu.memref_slice %arg18[%dma_start3A_269, %dma_start3A_270] : memref<10240x64xf32, #tpu.memory_space<vmem_shared>> -> memref<10240x64xf32, #tpu.memory_space<vmem_shared>>
      tpu.enqueue_indirect_dma source(%arg10 : memref<64x64xf32, #tpu.memory_space<vmem>>) target(%dma_start3A_271 : memref<10240x64xf32, #tpu.memory_space<vmem_shared>>) offsets(%dma_start3A_268 : memref<64xi32, #tpu.memory_space<vmem>>) semaphore(%arg28 : memref<!tpu.dma_semaphore, #tpu.memory_space<semaphore_mem>>) {add = true}
      %add3A_272 = arith.constant 4 : i32
      %add3A_273 = arith.addi %add3A_259, %add3A_272 : i32
      %lt3A_274 = arith.constant 80 : i32
      %lt3A_275 = arith.cmpi slt, %add3A_273, %lt3A_274 : i32
      %convert_element_type3A_276 = arith.extui %lt3A_275 : i1 to i32
      %cond3A_277 = arith.constant 0 : i32
      %cond3A_278 = arith.cmpi ne, %convert_element_type3A_276, %cond3A_277 : i32
      scf.if %cond3A_278 {
        %ge3A = arith.constant 4 : i32
        %ge3A_417 = arith.cmpi sge, %add3A_259, %ge3A : i32
        %convert_element_type3A_418 = arith.extui %ge3A_417 : i1 to i32
        %cond3A_419 = arith.constant 0 : i32
        %cond3A_420 = arith.cmpi ne, %convert_element_type3A_418, %cond3A_419 : i32
        scf.if %cond3A_420 {
          %sub3A = arith.constant 4 : i32
          %sub3A_429 = arith.subi %add3A_259, %sub3A : i32
          %dma_wait3A_430 = arith.constant 0 : i32
          %dma_wait3A_431 = tpu.memref_slice %arg8[%sub3A_429, %dma_wait3A_430] : memref<80x64xi32, #tpu.memory_space<vmem>> -> memref<1x64xi32, #tpu.memory_space<vmem>>
          %dma_wait3A_432 = tpu.memref_squeeze %dma_wait3A_431 : memref<1x64xi32, #tpu.memory_space<vmem>> -> memref<64xi32, #tpu.memory_space<vmem>>
          %dma_wait3A_433 = arith.constant 0 : i32
          %dma_wait3A_434 = arith.constant 0 : i32
          %dma_wait3A_435 = tpu.memref_slice %arg18[%dma_wait3A_433, %dma_wait3A_434] : memref<10240x64xf32, #tpu.memory_space<vmem_shared>> -> memref<10240x64xf32, #tpu.memory_space<vmem_shared>>
          tpu.wait_indirect_dma semaphore(%arg32 : memref<!tpu.dma_semaphore, #tpu.memory_space<semaphore_mem>>) src(%arg14 : memref<64x64xf32, #tpu.memory_space<vmem>>) dst(%dma_wait3A_435 : memref<10240x64xf32, #tpu.memory_space<vmem_shared>>)
        } else {
        }
        %add3A_421 = arith.constant 4 : i32
        %add3A_422 = arith.addi %add3A_259, %add3A_421 : i32
        %dma_start3A_423 = arith.constant 0 : i32
        %dma_start3A_424 = tpu.memref_slice %arg7[%add3A_422, %dma_start3A_423] : memref<80x64xi32, #tpu.memory_space<vmem>> -> memref<1x64xi32, #tpu.memory_space<vmem>>
        %dma_start3A_425 = tpu.memref_squeeze %dma_start3A_424 : memref<1x64xi32, #tpu.memory_space<vmem>> -> memref<64xi32, #tpu.memory_space<vmem>>
        %dma_start3A_426 = arith.constant 0 : i32
        %dma_start3A_427 = arith.constant 0 : i32
        %dma_start3A_428 = tpu.memref_slice %arg17[%dma_start3A_426, %dma_start3A_427] : memref<10000x64xf32, #tpu.memory_space<vmem_shared>> -> memref<10000x64xf32, #tpu.memory_space<vmem_shared>>
        tpu.enqueue_indirect_dma source(%dma_start3A_428 : memref<10000x64xf32, #tpu.memory_space<vmem_shared>>) target(%arg14 : memref<64x64xf32, #tpu.memory_space<vmem>>) offsets(%dma_start3A_425 : memref<64xi32, #tpu.memory_space<vmem>>) semaphore(%arg24 : memref<!tpu.dma_semaphore, #tpu.memory_space<semaphore_mem>>)
      } else {
      }
      %mul3A_279 = arith.constant 8 : i32
      %mul3A_280 = arith.muli %mul3A_279, %scan3A_235 : i32
      %add3A_281 = arith.constant 2 : i32
      %add3A_282 = arith.addi %mul3A_280, %add3A_281 : i32
      %dma_wait3A_283 = arith.constant 0 : i32
      %dma_wait3A_284 = tpu.memref_slice %arg7[%add3A_282, %dma_wait3A_283] : memref<80x64xi32, #tpu.memory_space<vmem>> -> memref<1x64xi32, #tpu.memory_space<vmem>>
      %dma_wait3A_285 = tpu.memref_squeeze %dma_wait3A_284 : memref<1x64xi32, #tpu.memory_space<vmem>> -> memref<64xi32, #tpu.memory_space<vmem>>
      %dma_wait3A_286 = arith.constant 0 : i32
      %dma_wait3A_287 = arith.constant 0 : i32
      %dma_wait3A_288 = tpu.memref_slice %arg17[%dma_wait3A_286, %dma_wait3A_287] : memref<10000x64xf32, #tpu.memory_space<vmem_shared>> -> memref<10000x64xf32, #tpu.memory_space<vmem_shared>>
      tpu.wait_indirect_dma semaphore(%arg21 : memref<!tpu.dma_semaphore, #tpu.memory_space<semaphore_mem>>) src(%dma_wait3A_288 : memref<10000x64xf32, #tpu.memory_space<vmem_shared>>) dst(%arg11 : memref<64x64xf32, #tpu.memory_space<vmem>>)
      %dma_start3A_289 = arith.constant 0 : i32
      %dma_start3A_290 = tpu.memref_slice %arg8[%add3A_282, %dma_start3A_289] : memref<80x64xi32, #tpu.memory_space<vmem>> -> memref<1x64xi32, #tpu.memory_space<vmem>>
      %dma_start3A_291 = tpu.memref_squeeze %dma_start3A_290 : memref<1x64xi32, #tpu.memory_space<vmem>> -> memref<64xi32, #tpu.memory_space<vmem>>
      %dma_start3A_292 = arith.constant 0 : i32
      %dma_start3A_293 = arith.constant 0 : i32
      %dma_start3A_294 = tpu.memref_slice %arg18[%dma_start3A_292, %dma_start3A_293] : memref<10240x64xf32, #tpu.memory_space<vmem_shared>> -> memref<10240x64xf32, #tpu.memory_space<vmem_shared>>
      tpu.enqueue_indirect_dma source(%arg11 : memref<64x64xf32, #tpu.memory_space<vmem>>) target(%dma_start3A_294 : memref<10240x64xf32, #tpu.memory_space<vmem_shared>>) offsets(%dma_start3A_291 : memref<64xi32, #tpu.memory_space<vmem>>) semaphore(%arg29 : memref<!tpu.dma_semaphore, #tpu.memory_space<semaphore_mem>>) {add = true}
      %add3A_295 = arith.constant 4 : i32
      %add3A_296 = arith.addi %add3A_282, %add3A_295 : i32
      %lt3A_297 = arith.constant 80 : i32
      %lt3A_298 = arith.cmpi slt, %add3A_296, %lt3A_297 : i32
      %convert_element_type3A_299 = arith.extui %lt3A_298 : i1 to i32
      %cond3A_300 = arith.constant 0 : i32
      %cond3A_301 = arith.cmpi ne, %convert_element_type3A_299, %cond3A_300 : i32
      scf.if %cond3A_301 {
        %ge3A = arith.constant 4 : i32
        %ge3A_417 = arith.cmpi sge, %add3A_282, %ge3A : i32
        %convert_element_type3A_418 = arith.extui %ge3A_417 : i1 to i32
        %cond3A_419 = arith.constant 0 : i32
        %cond3A_420 = arith.cmpi ne, %convert_element_type3A_418, %cond3A_419 : i32
        scf.if %cond3A_420 {
          %sub3A = arith.constant 4 : i32
          %sub3A_429 = arith.subi %add3A_282, %sub3A : i32
          %dma_wait3A_430 = arith.constant 0 : i32
          %dma_wait3A_431 = tpu.memref_slice %arg8[%sub3A_429, %dma_wait3A_430] : memref<80x64xi32, #tpu.memory_space<vmem>> -> memref<1x64xi32, #tpu.memory_space<vmem>>
          %dma_wait3A_432 = tpu.memref_squeeze %dma_wait3A_431 : memref<1x64xi32, #tpu.memory_space<vmem>> -> memref<64xi32, #tpu.memory_space<vmem>>
          %dma_wait3A_433 = arith.constant 0 : i32
          %dma_wait3A_434 = arith.constant 0 : i32
          %dma_wait3A_435 = tpu.memref_slice %arg18[%dma_wait3A_433, %dma_wait3A_434] : memref<10240x64xf32, #tpu.memory_space<vmem_shared>> -> memref<10240x64xf32, #tpu.memory_space<vmem_shared>>
          tpu.wait_indirect_dma semaphore(%arg33 : memref<!tpu.dma_semaphore, #tpu.memory_space<semaphore_mem>>) src(%arg15 : memref<64x64xf32, #tpu.memory_space<vmem>>) dst(%dma_wait3A_435 : memref<10240x64xf32, #tpu.memory_space<vmem_shared>>)
        } else {
        }
        %add3A_421 = arith.constant 4 : i32
        %add3A_422 = arith.addi %add3A_282, %add3A_421 : i32
        %dma_start3A_423 = arith.constant 0 : i32
        %dma_start3A_424 = tpu.memref_slice %arg7[%add3A_422, %dma_start3A_423] : memref<80x64xi32, #tpu.memory_space<vmem>> -> memref<1x64xi32, #tpu.memory_space<vmem>>
        %dma_start3A_425 = tpu.memref_squeeze %dma_start3A_424 : memref<1x64xi32, #tpu.memory_space<vmem>> -> memref<64xi32, #tpu.memory_space<vmem>>
        %dma_start3A_426 = arith.constant 0 : i32
        %dma_start3A_427 = arith.constant 0 : i32
        %dma_start3A_428 = tpu.memref_slice %arg17[%dma_start3A_426, %dma_start3A_427] : memref<10000x64xf32, #tpu.memory_space<vmem_shared>> -> memref<10000x64xf32, #tpu.memory_space<vmem_shared>>
        tpu.enqueue_indirect_dma source(%dma_start3A_428 : memref<10000x64xf32, #tpu.memory_space<vmem_shared>>) target(%arg15 : memref<64x64xf32, #tpu.memory_space<vmem>>) offsets(%dma_start3A_425 : memref<64xi32, #tpu.memory_space<vmem>>) semaphore(%arg25 : memref<!tpu.dma_semaphore, #tpu.memory_space<semaphore_mem>>)
      } else {
      }
      %mul3A_302 = arith.constant 8 : i32
      %mul3A_303 = arith.muli %mul3A_302, %scan3A_235 : i32
      %add3A_304 = arith.constant 3 : i32
      %add3A_305 = arith.addi %mul3A_303, %add3A_304 : i32
      %dma_wait3A_306 = arith.constant 0 : i32
      %dma_wait3A_307 = tpu.memref_slice %arg7[%add3A_305, %dma_wait3A_306] : memref<80x64xi32, #tpu.memory_space<vmem>> -> memref<1x64xi32, #tpu.memory_space<vmem>>
      %dma_wait3A_308 = tpu.memref_squeeze %dma_wait3A_307 : memref<1x64xi32, #tpu.memory_space<vmem>> -> memref<64xi32, #tpu.memory_space<vmem>>
      %dma_wait3A_309 = arith.constant 0 : i32
      %dma_wait3A_310 = arith.constant 0 : i32
      %dma_wait3A_311 = tpu.memref_slice %arg17[%dma_wait3A_309, %dma_wait3A_310] : memref<10000x64xf32, #tpu.memory_space<vmem_shared>> -> memref<10000x64xf32, #tpu.memory_space<vmem_shared>>
      tpu.wait_indirect_dma semaphore(%arg22 : memref<!tpu.dma_semaphore, #tpu.memory_space<semaphore_mem>>) src(%dma_wait3A_311 : memref<10000x64xf32, #tpu.memory_space<vmem_shared>>) dst(%arg12 : memref<64x64xf32, #tpu.memory_space<vmem>>)
      %dma_start3A_312 = arith.constant 0 : i32
      %dma_start3A_313 = tpu.memref_slice %arg8[%add3A_305, %dma_start3A_312] : memref<80x64xi32, #tpu.memory_space<vmem>> -> memref<1x64xi32, #tpu.memory_space<vmem>>
      %dma_start3A_314 = tpu.memref_squeeze %dma_start3A_313 : memref<1x64xi32, #tpu.memory_space<vmem>> -> memref<64xi32, #tpu.memory_space<vmem>>
      %dma_start3A_315 = arith.constant 0 : i32
      %dma_start3A_316 = arith.constant 0 : i32
      %dma_start3A_317 = tpu.memref_slice %arg18[%dma_start3A_315, %dma_start3A_316] : memref<10240x64xf32, #tpu.memory_space<vmem_shared>> -> memref<10240x64xf32, #tpu.memory_space<vmem_shared>>
      tpu.enqueue_indirect_dma source(%arg12 : memref<64x64xf32, #tpu.memory_space<vmem>>) target(%dma_start3A_317 : memref<10240x64xf32, #tpu.memory_space<vmem_shared>>) offsets(%dma_start3A_314 : memref<64xi32, #tpu.memory_space<vmem>>) semaphore(%arg30 : memref<!tpu.dma_semaphore, #tpu.memory_space<semaphore_mem>>) {add = true}
      %add3A_318 = arith.constant 4 : i32
      %add3A_319 = arith.addi %add3A_305, %add3A_318 : i32
      %lt3A_320 = arith.constant 80 : i32
      %lt3A_321 = arith.cmpi slt, %add3A_319, %lt3A_320 : i32
      %convert_element_type3A_322 = arith.extui %lt3A_321 : i1 to i32
      %cond3A_323 = arith.constant 0 : i32
      %cond3A_324 = arith.cmpi ne, %convert_element_type3A_322, %cond3A_323 : i32
      scf.if %cond3A_324 {
        %ge3A = arith.constant 4 : i32
        %ge3A_417 = arith.cmpi sge, %add3A_305, %ge3A : i32
        %convert_element_type3A_418 = arith.extui %ge3A_417 : i1 to i32
        %cond3A_419 = arith.constant 0 : i32
        %cond3A_420 = arith.cmpi ne, %convert_element_type3A_418, %cond3A_419 : i32
        scf.if %cond3A_420 {
          %sub3A = arith.constant 4 : i32
          %sub3A_429 = arith.subi %add3A_305, %sub3A : i32
          %dma_wait3A_430 = arith.constant 0 : i32
          %dma_wait3A_431 = tpu.memref_slice %arg8[%sub3A_429, %dma_wait3A_430] : memref<80x64xi32, #tpu.memory_space<vmem>> -> memref<1x64xi32, #tpu.memory_space<vmem>>
          %dma_wait3A_432 = tpu.memref_squeeze %dma_wait3A_431 : memref<1x64xi32, #tpu.memory_space<vmem>> -> memref<64xi32, #tpu.memory_space<vmem>>
          %dma_wait3A_433 = arith.constant 0 : i32
          %dma_wait3A_434 = arith.constant 0 : i32
          %dma_wait3A_435 = tpu.memref_slice %arg18[%dma_wait3A_433, %dma_wait3A_434] : memref<10240x64xf32, #tpu.memory_space<vmem_shared>> -> memref<10240x64xf32, #tpu.memory_space<vmem_shared>>
          tpu.wait_indirect_dma semaphore(%arg34 : memref<!tpu.dma_semaphore, #tpu.memory_space<semaphore_mem>>) src(%arg16 : memref<64x64xf32, #tpu.memory_space<vmem>>) dst(%dma_wait3A_435 : memref<10240x64xf32, #tpu.memory_space<vmem_shared>>)
        } else {
        }
        %add3A_421 = arith.constant 4 : i32
        %add3A_422 = arith.addi %add3A_305, %add3A_421 : i32
        %dma_start3A_423 = arith.constant 0 : i32
        %dma_start3A_424 = tpu.memref_slice %arg7[%add3A_422, %dma_start3A_423] : memref<80x64xi32, #tpu.memory_space<vmem>> -> memref<1x64xi32, #tpu.memory_space<vmem>>
        %dma_start3A_425 = tpu.memref_squeeze %dma_start3A_424 : memref<1x64xi32, #tpu.memory_space<vmem>> -> memref<64xi32, #tpu.memory_space<vmem>>
        %dma_start3A_426 = arith.constant 0 : i32
        %dma_start3A_427 = arith.constant 0 : i32
        %dma_start3A_428 = tpu.memref_slice %arg17[%dma_start3A_426, %dma_start3A_427] : memref<10000x64xf32, #tpu.memory_space<vmem_shared>> -> memref<10000x64xf32, #tpu.memory_space<vmem_shared>>
        tpu.enqueue_indirect_dma source(%dma_start3A_428 : memref<10000x64xf32, #tpu.memory_space<vmem_shared>>) target(%arg16 : memref<64x64xf32, #tpu.memory_space<vmem>>) offsets(%dma_start3A_425 : memref<64xi32, #tpu.memory_space<vmem>>) semaphore(%arg26 : memref<!tpu.dma_semaphore, #tpu.memory_space<semaphore_mem>>)
      } else {
      }
      %mul3A_325 = arith.constant 8 : i32
      %mul3A_326 = arith.muli %mul3A_325, %scan3A_235 : i32
      %add3A_327 = arith.constant 4 : i32
      %add3A_328 = arith.addi %mul3A_326, %add3A_327 : i32
      %dma_wait3A_329 = arith.constant 0 : i32
      %dma_wait3A_330 = tpu.memref_slice %arg7[%add3A_328, %dma_wait3A_329] : memref<80x64xi32, #tpu.memory_space<vmem>> -> memref<1x64xi32, #tpu.memory_space<vmem>>
      %dma_wait3A_331 = tpu.memref_squeeze %dma_wait3A_330 : memref<1x64xi32, #tpu.memory_space<vmem>> -> memref<64xi32, #tpu.memory_space<vmem>>
      %dma_wait3A_332 = arith.constant 0 : i32
      %dma_wait3A_333 = arith.constant 0 : i32
      %dma_wait3A_334 = tpu.memref_slice %arg17[%dma_wait3A_332, %dma_wait3A_333] : memref<10000x64xf32, #tpu.memory_space<vmem_shared>> -> memref<10000x64xf32, #tpu.memory_space<vmem_shared>>
      tpu.wait_indirect_dma semaphore(%arg23 : memref<!tpu.dma_semaphore, #tpu.memory_space<semaphore_mem>>) src(%dma_wait3A_334 : memref<10000x64xf32, #tpu.memory_space<vmem_shared>>) dst(%arg13 : memref<64x64xf32, #tpu.memory_space<vmem>>)
      %dma_start3A_335 = arith.constant 0 : i32
      %dma_start3A_336 = tpu.memref_slice %arg8[%add3A_328, %dma_start3A_335] : memref<80x64xi32, #tpu.memory_space<vmem>> -> memref<1x64xi32, #tpu.memory_space<vmem>>
      %dma_start3A_337 = tpu.memref_squeeze %dma_start3A_336 : memref<1x64xi32, #tpu.memory_space<vmem>> -> memref<64xi32, #tpu.memory_space<vmem>>
      %dma_start3A_338 = arith.constant 0 : i32
      %dma_start3A_339 = arith.constant 0 : i32
      %dma_start3A_340 = tpu.memref_slice %arg18[%dma_start3A_338, %dma_start3A_339] : memref<10240x64xf32, #tpu.memory_space<vmem_shared>> -> memref<10240x64xf32, #tpu.memory_space<vmem_shared>>
      tpu.enqueue_indirect_dma source(%arg13 : memref<64x64xf32, #tpu.memory_space<vmem>>) target(%dma_start3A_340 : memref<10240x64xf32, #tpu.memory_space<vmem_shared>>) offsets(%dma_start3A_337 : memref<64xi32, #tpu.memory_space<vmem>>) semaphore(%arg31 : memref<!tpu.dma_semaphore, #tpu.memory_space<semaphore_mem>>) {add = true}
      %add3A_341 = arith.constant 4 : i32
      %add3A_342 = arith.addi %add3A_328, %add3A_341 : i32
      %lt3A_343 = arith.constant 80 : i32
      %lt3A_344 = arith.cmpi slt, %add3A_342, %lt3A_343 : i32
      %convert_element_type3A_345 = arith.extui %lt3A_344 : i1 to i32
      %cond3A_346 = arith.constant 0 : i32
      %cond3A_347 = arith.cmpi ne, %convert_element_type3A_345, %cond3A_346 : i32
      scf.if %cond3A_347 {
        %ge3A = arith.constant 4 : i32
        %ge3A_417 = arith.cmpi sge, %add3A_328, %ge3A : i32
        %convert_element_type3A_418 = arith.extui %ge3A_417 : i1 to i32
        %cond3A_419 = arith.constant 0 : i32
        %cond3A_420 = arith.cmpi ne, %convert_element_type3A_418, %cond3A_419 : i32
        scf.if %cond3A_420 {
          %sub3A = arith.constant 4 : i32
          %sub3A_429 = arith.subi %add3A_328, %sub3A : i32
          %dma_wait3A_430 = arith.constant 0 : i32
          %dma_wait3A_431 = tpu.memref_slice %arg8[%sub3A_429, %dma_wait3A_430] : memref<80x64xi32, #tpu.memory_space<vmem>> -> memref<1x64xi32, #tpu.memory_space<vmem>>
          %dma_wait3A_432 = tpu.memref_squeeze %dma_wait3A_431 : memref<1x64xi32, #tpu.memory_space<vmem>> -> memref<64xi32, #tpu.memory_space<vmem>>
          %dma_wait3A_433 = arith.constant 0 : i32
          %dma_wait3A_434 = arith.constant 0 : i32
          %dma_wait3A_435 = tpu.memref_slice %arg18[%dma_wait3A_433, %dma_wait3A_434] : memref<10240x64xf32, #tpu.memory_space<vmem_shared>> -> memref<10240x64xf32, #tpu.memory_space<vmem_shared>>
          tpu.wait_indirect_dma semaphore(%arg27 : memref<!tpu.dma_semaphore, #tpu.memory_space<semaphore_mem>>) src(%arg9 : memref<64x64xf32, #tpu.memory_space<vmem>>) dst(%dma_wait3A_435 : memref<10240x64xf32, #tpu.memory_space<vmem_shared>>)
        } else {
        }
        %add3A_421 = arith.constant 4 : i32
        %add3A_422 = arith.addi %add3A_328, %add3A_421 : i32
        %dma_start3A_423 = arith.constant 0 : i32
        %dma_start3A_424 = tpu.memref_slice %arg7[%add3A_422, %dma_start3A_423] : memref<80x64xi32, #tpu.memory_space<vmem>> -> memref<1x64xi32, #tpu.memory_space<vmem>>
        %dma_start3A_425 = tpu.memref_squeeze %dma_start3A_424 : memref<1x64xi32, #tpu.memory_space<vmem>> -> memref<64xi32, #tpu.memory_space<vmem>>
        %dma_start3A_426 = arith.constant 0 : i32
        %dma_start3A_427 = arith.constant 0 : i32
        %dma_start3A_428 = tpu.memref_slice %arg17[%dma_start3A_426, %dma_start3A_427] : memref<10000x64xf32, #tpu.memory_space<vmem_shared>> -> memref<10000x64xf32, #tpu.memory_space<vmem_shared>>
        tpu.enqueue_indirect_dma source(%dma_start3A_428 : memref<10000x64xf32, #tpu.memory_space<vmem_shared>>) target(%arg9 : memref<64x64xf32, #tpu.memory_space<vmem>>) offsets(%dma_start3A_425 : memref<64xi32, #tpu.memory_space<vmem>>) semaphore(%arg19 : memref<!tpu.dma_semaphore, #tpu.memory_space<semaphore_mem>>)
      } else {
      }
      %mul3A_348 = arith.constant 8 : i32
      %mul3A_349 = arith.muli %mul3A_348, %scan3A_235 : i32
      %add3A_350 = arith.constant 5 : i32
      %add3A_351 = arith.addi %mul3A_349, %add3A_350 : i32
      %dma_wait3A_352 = arith.constant 0 : i32
      %dma_wait3A_353 = tpu.memref_slice %arg7[%add3A_351, %dma_wait3A_352] : memref<80x64xi32, #tpu.memory_space<vmem>> -> memref<1x64xi32, #tpu.memory_space<vmem>>
      %dma_wait3A_354 = tpu.memref_squeeze %dma_wait3A_353 : memref<1x64xi32, #tpu.memory_space<vmem>> -> memref<64xi32, #tpu.memory_space<vmem>>
      %dma_wait3A_355 = arith.constant 0 : i32
      %dma_wait3A_356 = arith.constant 0 : i32
      %dma_wait3A_357 = tpu.memref_slice %arg17[%dma_wait3A_355, %dma_wait3A_356] : memref<10000x64xf32, #tpu.memory_space<vmem_shared>> -> memref<10000x64xf32, #tpu.memory_space<vmem_shared>>
      tpu.wait_indirect_dma semaphore(%arg24 : memref<!tpu.dma_semaphore, #tpu.memory_space<semaphore_mem>>) src(%dma_wait3A_357 : memref<10000x64xf32, #tpu.memory_space<vmem_shared>>) dst(%arg14 : memref<64x64xf32, #tpu.memory_space<vmem>>)
      %dma_start3A_358 = arith.constant 0 : i32
      %dma_start3A_359 = tpu.memref_slice %arg8[%add3A_351, %dma_start3A_358] : memref<80x64xi32, #tpu.memory_space<vmem>> -> memref<1x64xi32, #tpu.memory_space<vmem>>
      %dma_start3A_360 = tpu.memref_squeeze %dma_start3A_359 : memref<1x64xi32, #tpu.memory_space<vmem>> -> memref<64xi32, #tpu.memory_space<vmem>>
      %dma_start3A_361 = arith.constant 0 : i32
      %dma_start3A_362 = arith.constant 0 : i32
      %dma_start3A_363 = tpu.memref_slice %arg18[%dma_start3A_361, %dma_start3A_362] : memref<10240x64xf32, #tpu.memory_space<vmem_shared>> -> memref<10240x64xf32, #tpu.memory_space<vmem_shared>>
      tpu.enqueue_indirect_dma source(%arg14 : memref<64x64xf32, #tpu.memory_space<vmem>>) target(%dma_start3A_363 : memref<10240x64xf32, #tpu.memory_space<vmem_shared>>) offsets(%dma_start3A_360 : memref<64xi32, #tpu.memory_space<vmem>>) semaphore(%arg32 : memref<!tpu.dma_semaphore, #tpu.memory_space<semaphore_mem>>) {add = true}
      %add3A_364 = arith.constant 4 : i32
      %add3A_365 = arith.addi %add3A_351, %add3A_364 : i32
      %lt3A_366 = arith.constant 80 : i32
      %lt3A_367 = arith.cmpi slt, %add3A_365, %lt3A_366 : i32
      %convert_element_type3A_368 = arith.extui %lt3A_367 : i1 to i32
      %cond3A_369 = arith.constant 0 : i32
      %cond3A_370 = arith.cmpi ne, %convert_element_type3A_368, %cond3A_369 : i32
      scf.if %cond3A_370 {
        %ge3A = arith.constant 4 : i32
        %ge3A_417 = arith.cmpi sge, %add3A_351, %ge3A : i32
        %convert_element_type3A_418 = arith.extui %ge3A_417 : i1 to i32
        %cond3A_419 = arith.constant 0 : i32
        %cond3A_420 = arith.cmpi ne, %convert_element_type3A_418, %cond3A_419 : i32
        scf.if %cond3A_420 {
          %sub3A = arith.constant 4 : i32
          %sub3A_429 = arith.subi %add3A_351, %sub3A : i32
          %dma_wait3A_430 = arith.constant 0 : i32
          %dma_wait3A_431 = tpu.memref_slice %arg8[%sub3A_429, %dma_wait3A_430] : memref<80x64xi32, #tpu.memory_space<vmem>> -> memref<1x64xi32, #tpu.memory_space<vmem>>
          %dma_wait3A_432 = tpu.memref_squeeze %dma_wait3A_431 : memref<1x64xi32, #tpu.memory_space<vmem>> -> memref<64xi32, #tpu.memory_space<vmem>>
          %dma_wait3A_433 = arith.constant 0 : i32
          %dma_wait3A_434 = arith.constant 0 : i32
          %dma_wait3A_435 = tpu.memref_slice %arg18[%dma_wait3A_433, %dma_wait3A_434] : memref<10240x64xf32, #tpu.memory_space<vmem_shared>> -> memref<10240x64xf32, #tpu.memory_space<vmem_shared>>
          tpu.wait_indirect_dma semaphore(%arg28 : memref<!tpu.dma_semaphore, #tpu.memory_space<semaphore_mem>>) src(%arg10 : memref<64x64xf32, #tpu.memory_space<vmem>>) dst(%dma_wait3A_435 : memref<10240x64xf32, #tpu.memory_space<vmem_shared>>)
        } else {
        }
        %add3A_421 = arith.constant 4 : i32
        %add3A_422 = arith.addi %add3A_351, %add3A_421 : i32
        %dma_start3A_423 = arith.constant 0 : i32
        %dma_start3A_424 = tpu.memref_slice %arg7[%add3A_422, %dma_start3A_423] : memref<80x64xi32, #tpu.memory_space<vmem>> -> memref<1x64xi32, #tpu.memory_space<vmem>>
        %dma_start3A_425 = tpu.memref_squeeze %dma_start3A_424 : memref<1x64xi32, #tpu.memory_space<vmem>> -> memref<64xi32, #tpu.memory_space<vmem>>
        %dma_start3A_426 = arith.constant 0 : i32
        %dma_start3A_427 = arith.constant 0 : i32
        %dma_start3A_428 = tpu.memref_slice %arg17[%dma_start3A_426, %dma_start3A_427] : memref<10000x64xf32, #tpu.memory_space<vmem_shared>> -> memref<10000x64xf32, #tpu.memory_space<vmem_shared>>
        tpu.enqueue_indirect_dma source(%dma_start3A_428 : memref<10000x64xf32, #tpu.memory_space<vmem_shared>>) target(%arg10 : memref<64x64xf32, #tpu.memory_space<vmem>>) offsets(%dma_start3A_425 : memref<64xi32, #tpu.memory_space<vmem>>) semaphore(%arg20 : memref<!tpu.dma_semaphore, #tpu.memory_space<semaphore_mem>>)
      } else {
      }
      %mul3A_371 = arith.constant 8 : i32
      %mul3A_372 = arith.muli %mul3A_371, %scan3A_235 : i32
      %add3A_373 = arith.constant 6 : i32
      %add3A_374 = arith.addi %mul3A_372, %add3A_373 : i32
      %dma_wait3A_375 = arith.constant 0 : i32
      %dma_wait3A_376 = tpu.memref_slice %arg7[%add3A_374, %dma_wait3A_375] : memref<80x64xi32, #tpu.memory_space<vmem>> -> memref<1x64xi32, #tpu.memory_space<vmem>>
      %dma_wait3A_377 = tpu.memref_squeeze %dma_wait3A_376 : memref<1x64xi32, #tpu.memory_space<vmem>> -> memref<64xi32, #tpu.memory_space<vmem>>
      %dma_wait3A_378 = arith.constant 0 : i32
      %dma_wait3A_379 = arith.constant 0 : i32
      %dma_wait3A_380 = tpu.memref_slice %arg17[%dma_wait3A_378, %dma_wait3A_379] : memref<10000x64xf32, #tpu.memory_space<vmem_shared>> -> memref<10000x64xf32, #tpu.memory_space<vmem_shared>>
      tpu.wait_indirect_dma semaphore(%arg25 : memref<!tpu.dma_semaphore, #tpu.memory_space<semaphore_mem>>) src(%dma_wait3A_380 : memref<10000x64xf32, #tpu.memory_space<vmem_shared>>) dst(%arg15 : memref<64x64xf32, #tpu.memory_space<vmem>>)
      %dma_start3A_381 = arith.constant 0 : i32
      %dma_start3A_382 = tpu.memref_slice %arg8[%add3A_374, %dma_start3A_381] : memref<80x64xi32, #tpu.memory_space<vmem>> -> memref<1x64xi32, #tpu.memory_space<vmem>>
      %dma_start3A_383 = tpu.memref_squeeze %dma_start3A_382 : memref<1x64xi32, #tpu.memory_space<vmem>> -> memref<64xi32, #tpu.memory_space<vmem>>
      %dma_start3A_384 = arith.constant 0 : i32
      %dma_start3A_385 = arith.constant 0 : i32
      %dma_start3A_386 = tpu.memref_slice %arg18[%dma_start3A_384, %dma_start3A_385] : memref<10240x64xf32, #tpu.memory_space<vmem_shared>> -> memref<10240x64xf32, #tpu.memory_space<vmem_shared>>
      tpu.enqueue_indirect_dma source(%arg15 : memref<64x64xf32, #tpu.memory_space<vmem>>) target(%dma_start3A_386 : memref<10240x64xf32, #tpu.memory_space<vmem_shared>>) offsets(%dma_start3A_383 : memref<64xi32, #tpu.memory_space<vmem>>) semaphore(%arg33 : memref<!tpu.dma_semaphore, #tpu.memory_space<semaphore_mem>>) {add = true}
      %add3A_387 = arith.constant 4 : i32
      %add3A_388 = arith.addi %add3A_374, %add3A_387 : i32
      %lt3A_389 = arith.constant 80 : i32
      %lt3A_390 = arith.cmpi slt, %add3A_388, %lt3A_389 : i32
      %convert_element_type3A_391 = arith.extui %lt3A_390 : i1 to i32
      %cond3A_392 = arith.constant 0 : i32
      %cond3A_393 = arith.cmpi ne, %convert_element_type3A_391, %cond3A_392 : i32
      scf.if %cond3A_393 {
        %ge3A = arith.constant 4 : i32
        %ge3A_417 = arith.cmpi sge, %add3A_374, %ge3A : i32
        %convert_element_type3A_418 = arith.extui %ge3A_417 : i1 to i32
        %cond3A_419 = arith.constant 0 : i32
        %cond3A_420 = arith.cmpi ne, %convert_element_type3A_418, %cond3A_419 : i32
        scf.if %cond3A_420 {
          %sub3A = arith.constant 4 : i32
          %sub3A_429 = arith.subi %add3A_374, %sub3A : i32
          %dma_wait3A_430 = arith.constant 0 : i32
          %dma_wait3A_431 = tpu.memref_slice %arg8[%sub3A_429, %dma_wait3A_430] : memref<80x64xi32, #tpu.memory_space<vmem>> -> memref<1x64xi32, #tpu.memory_space<vmem>>
          %dma_wait3A_432 = tpu.memref_squeeze %dma_wait3A_431 : memref<1x64xi32, #tpu.memory_space<vmem>> -> memref<64xi32, #tpu.memory_space<vmem>>
          %dma_wait3A_433 = arith.constant 0 : i32
          %dma_wait3A_434 = arith.constant 0 : i32
          %dma_wait3A_435 = tpu.memref_slice %arg18[%dma_wait3A_433, %dma_wait3A_434] : memref<10240x64xf32, #tpu.memory_space<vmem_shared>> -> memref<10240x64xf32, #tpu.memory_space<vmem_shared>>
          tpu.wait_indirect_dma semaphore(%arg29 : memref<!tpu.dma_semaphore, #tpu.memory_space<semaphore_mem>>) src(%arg11 : memref<64x64xf32, #tpu.memory_space<vmem>>) dst(%dma_wait3A_435 : memref<10240x64xf32, #tpu.memory_space<vmem_shared>>)
        } else {
        }
        %add3A_421 = arith.constant 4 : i32
        %add3A_422 = arith.addi %add3A_374, %add3A_421 : i32
        %dma_start3A_423 = arith.constant 0 : i32
        %dma_start3A_424 = tpu.memref_slice %arg7[%add3A_422, %dma_start3A_423] : memref<80x64xi32, #tpu.memory_space<vmem>> -> memref<1x64xi32, #tpu.memory_space<vmem>>
        %dma_start3A_425 = tpu.memref_squeeze %dma_start3A_424 : memref<1x64xi32, #tpu.memory_space<vmem>> -> memref<64xi32, #tpu.memory_space<vmem>>
        %dma_start3A_426 = arith.constant 0 : i32
        %dma_start3A_427 = arith.constant 0 : i32
        %dma_start3A_428 = tpu.memref_slice %arg17[%dma_start3A_426, %dma_start3A_427] : memref<10000x64xf32, #tpu.memory_space<vmem_shared>> -> memref<10000x64xf32, #tpu.memory_space<vmem_shared>>
        tpu.enqueue_indirect_dma source(%dma_start3A_428 : memref<10000x64xf32, #tpu.memory_space<vmem_shared>>) target(%arg11 : memref<64x64xf32, #tpu.memory_space<vmem>>) offsets(%dma_start3A_425 : memref<64xi32, #tpu.memory_space<vmem>>) semaphore(%arg21 : memref<!tpu.dma_semaphore, #tpu.memory_space<semaphore_mem>>)
      } else {
      }
      %mul3A_394 = arith.constant 8 : i32
      %mul3A_395 = arith.muli %mul3A_394, %scan3A_235 : i32
      %add3A_396 = arith.constant 7 : i32
      %add3A_397 = arith.addi %mul3A_395, %add3A_396 : i32
      %dma_wait3A_398 = arith.constant 0 : i32
      %dma_wait3A_399 = tpu.memref_slice %arg7[%add3A_397, %dma_wait3A_398] : memref<80x64xi32, #tpu.memory_space<vmem>> -> memref<1x64xi32, #tpu.memory_space<vmem>>
      %dma_wait3A_400 = tpu.memref_squeeze %dma_wait3A_399 : memref<1x64xi32, #tpu.memory_space<vmem>> -> memref<64xi32, #tpu.memory_space<vmem>>
      %dma_wait3A_401 = arith.constant 0 : i32
      %dma_wait3A_402 = arith.constant 0 : i32
      %dma_wait3A_403 = tpu.memref_slice %arg17[%dma_wait3A_401, %dma_wait3A_402] : memref<10000x64xf32, #tpu.memory_space<vmem_shared>> -> memref<10000x64xf32, #tpu.memory_space<vmem_shared>>
      tpu.wait_indirect_dma semaphore(%arg26 : memref<!tpu.dma_semaphore, #tpu.memory_space<semaphore_mem>>) src(%dma_wait3A_403 : memref<10000x64xf32, #tpu.memory_space<vmem_shared>>) dst(%arg16 : memref<64x64xf32, #tpu.memory_space<vmem>>)
      %dma_start3A_404 = arith.constant 0 : i32
      %dma_start3A_405 = tpu.memref_slice %arg8[%add3A_397, %dma_start3A_404] : memref<80x64xi32, #tpu.memory_space<vmem>> -> memref<1x64xi32, #tpu.memory_space<vmem>>
      %dma_start3A_406 = tpu.memref_squeeze %dma_start3A_405 : memref<1x64xi32, #tpu.memory_space<vmem>> -> memref<64xi32, #tpu.memory_space<vmem>>
      %dma_start3A_407 = arith.constant 0 : i32
      %dma_start3A_408 = arith.constant 0 : i32
      %dma_start3A_409 = tpu.memref_slice %arg18[%dma_start3A_407, %dma_start3A_408] : memref<10240x64xf32, #tpu.memory_space<vmem_shared>> -> memref<10240x64xf32, #tpu.memory_space<vmem_shared>>
      tpu.enqueue_indirect_dma source(%arg16 : memref<64x64xf32, #tpu.memory_space<vmem>>) target(%dma_start3A_409 : memref<10240x64xf32, #tpu.memory_space<vmem_shared>>) offsets(%dma_start3A_406 : memref<64xi32, #tpu.memory_space<vmem>>) semaphore(%arg34 : memref<!tpu.dma_semaphore, #tpu.memory_space<semaphore_mem>>) {add = true}
      %add3A_410 = arith.constant 4 : i32
      %add3A_411 = arith.addi %add3A_397, %add3A_410 : i32
      %lt3A_412 = arith.constant 80 : i32
      %lt3A_413 = arith.cmpi slt, %add3A_411, %lt3A_412 : i32
      %convert_element_type3A_414 = arith.extui %lt3A_413 : i1 to i32
      %cond3A_415 = arith.constant 0 : i32
      %cond3A_416 = arith.cmpi ne, %convert_element_type3A_414, %cond3A_415 : i32
      scf.if %cond3A_416 {
        %ge3A = arith.constant 4 : i32
        %ge3A_417 = arith.cmpi sge, %add3A_397, %ge3A : i32
        %convert_element_type3A_418 = arith.extui %ge3A_417 : i1 to i32
        %cond3A_419 = arith.constant 0 : i32
        %cond3A_420 = arith.cmpi ne, %convert_element_type3A_418, %cond3A_419 : i32
        scf.if %cond3A_420 {
          %sub3A = arith.constant 4 : i32
          %sub3A_429 = arith.subi %add3A_397, %sub3A : i32
          %dma_wait3A_430 = arith.constant 0 : i32
          %dma_wait3A_431 = tpu.memref_slice %arg8[%sub3A_429, %dma_wait3A_430] : memref<80x64xi32, #tpu.memory_space<vmem>> -> memref<1x64xi32, #tpu.memory_space<vmem>>
          %dma_wait3A_432 = tpu.memref_squeeze %dma_wait3A_431 : memref<1x64xi32, #tpu.memory_space<vmem>> -> memref<64xi32, #tpu.memory_space<vmem>>
          %dma_wait3A_433 = arith.constant 0 : i32
          %dma_wait3A_434 = arith.constant 0 : i32
          %dma_wait3A_435 = tpu.memref_slice %arg18[%dma_wait3A_433, %dma_wait3A_434] : memref<10240x64xf32, #tpu.memory_space<vmem_shared>> -> memref<10240x64xf32, #tpu.memory_space<vmem_shared>>
          tpu.wait_indirect_dma semaphore(%arg30 : memref<!tpu.dma_semaphore, #tpu.memory_space<semaphore_mem>>) src(%arg12 : memref<64x64xf32, #tpu.memory_space<vmem>>) dst(%dma_wait3A_435 : memref<10240x64xf32, #tpu.memory_space<vmem_shared>>)
        } else {
        }
        %add3A_421 = arith.constant 4 : i32
        %add3A_422 = arith.addi %add3A_397, %add3A_421 : i32
        %dma_start3A_423 = arith.constant 0 : i32
        %dma_start3A_424 = tpu.memref_slice %arg7[%add3A_422, %dma_start3A_423] : memref<80x64xi32, #tpu.memory_space<vmem>> -> memref<1x64xi32, #tpu.memory_space<vmem>>
        %dma_start3A_425 = tpu.memref_squeeze %dma_start3A_424 : memref<1x64xi32, #tpu.memory_space<vmem>> -> memref<64xi32, #tpu.memory_space<vmem>>
        %dma_start3A_426 = arith.constant 0 : i32
        %dma_start3A_427 = arith.constant 0 : i32
        %dma_start3A_428 = tpu.memref_slice %arg17[%dma_start3A_426, %dma_start3A_427] : memref<10000x64xf32, #tpu.memory_space<vmem_shared>> -> memref<10000x64xf32, #tpu.memory_space<vmem_shared>>
        tpu.enqueue_indirect_dma source(%dma_start3A_428 : memref<10000x64xf32, #tpu.memory_space<vmem_shared>>) target(%arg12 : memref<64x64xf32, #tpu.memory_space<vmem>>) offsets(%dma_start3A_425 : memref<64xi32, #tpu.memory_space<vmem>>) semaphore(%arg22 : memref<!tpu.dma_semaphore, #tpu.memory_space<semaphore_mem>>)
      } else {
      }
    }
    %scan3A_174 = arith.constant 10 : i32
    %dma_wait3A_175 = arith.constant 72 : i32
    %dma_wait3A_176 = arith.constant 0 : i32
    %dma_wait3A_177 = tpu.memref_slice %arg8[%dma_wait3A_175, %dma_wait3A_176] : memref<80x64xi32, #tpu.memory_space<vmem>> -> memref<1x64xi32, #tpu.memory_space<vmem>>
    %dma_wait3A_178 = tpu.memref_squeeze %dma_wait3A_177 : memref<1x64xi32, #tpu.memory_space<vmem>> -> memref<64xi32, #tpu.memory_space<vmem>>
    %dma_wait3A_179 = arith.constant 0 : i32
    %dma_wait3A_180 = arith.constant 0 : i32
    %dma_wait3A_181 = tpu.memref_slice %arg18[%dma_wait3A_179, %dma_wait3A_180] : memref<10240x64xf32, #tpu.memory_space<vmem_shared>> -> memref<10240x64xf32, #tpu.memory_space<vmem_shared>>
    tpu.wait_indirect_dma semaphore(%arg27 : memref<!tpu.dma_semaphore, #tpu.memory_space<semaphore_mem>>) src(%arg9 : memref<64x64xf32, #tpu.memory_space<vmem>>) dst(%dma_wait3A_181 : memref<10240x64xf32, #tpu.memory_space<vmem_shared>>)
    %dma_wait3A_182 = arith.constant 73 : i32
    %dma_wait3A_183 = arith.constant 0 : i32
    %dma_wait3A_184 = tpu.memref_slice %arg8[%dma_wait3A_182, %dma_wait3A_183] : memref<80x64xi32, #tpu.memory_space<vmem>> -> memref<1x64xi32, #tpu.memory_space<vmem>>
    %dma_wait3A_185 = tpu.memref_squeeze %dma_wait3A_184 : memref<1x64xi32, #tpu.memory_space<vmem>> -> memref<64xi32, #tpu.memory_space<vmem>>
    %dma_wait3A_186 = arith.constant 0 : i32
    %dma_wait3A_187 = arith.constant 0 : i32
    %dma_wait3A_188 = tpu.memref_slice %arg18[%dma_wait3A_186, %dma_wait3A_187] : memref<10240x64xf32, #tpu.memory_space<vmem_shared>> -> memref<10240x64xf32, #tpu.memory_space<vmem_shared>>
    tpu.wait_indirect_dma semaphore(%arg28 : memref<!tpu.dma_semaphore, #tpu.memory_space<semaphore_mem>>) src(%arg10 : memref<64x64xf32, #tpu.memory_space<vmem>>) dst(%dma_wait3A_188 : memref<10240x64xf32, #tpu.memory_space<vmem_shared>>)
    %dma_wait3A_189 = arith.constant 74 : i32
    %dma_wait3A_190 = arith.constant 0 : i32
    %dma_wait3A_191 = tpu.memref_slice %arg8[%dma_wait3A_189, %dma_wait3A_190] : memref<80x64xi32, #tpu.memory_space<vmem>> -> memref<1x64xi32, #tpu.memory_space<vmem>>
    %dma_wait3A_192 = tpu.memref_squeeze %dma_wait3A_191 : memref<1x64xi32, #tpu.memory_space<vmem>> -> memref<64xi32, #tpu.memory_space<vmem>>
    %dma_wait3A_193 = arith.constant 0 : i32
    %dma_wait3A_194 = arith.constant 0 : i32
    %dma_wait3A_195 = tpu.memref_slice %arg18[%dma_wait3A_193, %dma_wait3A_194] : memref<10240x64xf32, #tpu.memory_space<vmem_shared>> -> memref<10240x64xf32, #tpu.memory_space<vmem_shared>>
    tpu.wait_indirect_dma semaphore(%arg29 : memref<!tpu.dma_semaphore, #tpu.memory_space<semaphore_mem>>) src(%arg11 : memref<64x64xf32, #tpu.memory_space<vmem>>) dst(%dma_wait3A_195 : memref<10240x64xf32, #tpu.memory_space<vmem_shared>>)
    %dma_wait3A_196 = arith.constant 75 : i32
    %dma_wait3A_197 = arith.constant 0 : i32
    %dma_wait3A_198 = tpu.memref_slice %arg8[%dma_wait3A_196, %dma_wait3A_197] : memref<80x64xi32, #tpu.memory_space<vmem>> -> memref<1x64xi32, #tpu.memory_space<vmem>>
    %dma_wait3A_199 = tpu.memref_squeeze %dma_wait3A_198 : memref<1x64xi32, #tpu.memory_space<vmem>> -> memref<64xi32, #tpu.memory_space<vmem>>
    %dma_wait3A_200 = arith.constant 0 : i32
    %dma_wait3A_201 = arith.constant 0 : i32
    %dma_wait3A_202 = tpu.memref_slice %arg18[%dma_wait3A_200, %dma_wait3A_201] : memref<10240x64xf32, #tpu.memory_space<vmem_shared>> -> memref<10240x64xf32, #tpu.memory_space<vmem_shared>>
    tpu.wait_indirect_dma semaphore(%arg30 : memref<!tpu.dma_semaphore, #tpu.memory_space<semaphore_mem>>) src(%arg12 : memref<64x64xf32, #tpu.memory_space<vmem>>) dst(%dma_wait3A_202 : memref<10240x64xf32, #tpu.memory_space<vmem_shared>>)
    %dma_wait3A_203 = arith.constant 76 : i32
    %dma_wait3A_204 = arith.constant 0 : i32
    %dma_wait3A_205 = tpu.memref_slice %arg8[%dma_wait3A_203, %dma_wait3A_204] : memref<80x64xi32, #tpu.memory_space<vmem>> -> memref<1x64xi32, #tpu.memory_space<vmem>>
    %dma_wait3A_206 = tpu.memref_squeeze %dma_wait3A_205 : memref<1x64xi32, #tpu.memory_space<vmem>> -> memref<64xi32, #tpu.memory_space<vmem>>
    %dma_wait3A_207 = arith.constant 0 : i32
    %dma_wait3A_208 = arith.constant 0 : i32
    %dma_wait3A_209 = tpu.memref_slice %arg18[%dma_wait3A_207, %dma_wait3A_208] : memref<10240x64xf32, #tpu.memory_space<vmem_shared>> -> memref<10240x64xf32, #tpu.memory_space<vmem_shared>>
    tpu.wait_indirect_dma semaphore(%arg31 : memref<!tpu.dma_semaphore, #tpu.memory_space<semaphore_mem>>) src(%arg13 : memref<64x64xf32, #tpu.memory_space<vmem>>) dst(%dma_wait3A_209 : memref<10240x64xf32, #tpu.memory_space<vmem_shared>>)
    %dma_wait3A_210 = arith.constant 77 : i32
    %dma_wait3A_211 = arith.constant 0 : i32
    %dma_wait3A_212 = tpu.memref_slice %arg8[%dma_wait3A_210, %dma_wait3A_211] : memref<80x64xi32, #tpu.memory_space<vmem>> -> memref<1x64xi32, #tpu.memory_space<vmem>>
    %dma_wait3A_213 = tpu.memref_squeeze %dma_wait3A_212 : memref<1x64xi32, #tpu.memory_space<vmem>> -> memref<64xi32, #tpu.memory_space<vmem>>
    %dma_wait3A_214 = arith.constant 0 : i32
    %dma_wait3A_215 = arith.constant 0 : i32
    %dma_wait3A_216 = tpu.memref_slice %arg18[%dma_wait3A_214, %dma_wait3A_215] : memref<10240x64xf32, #tpu.memory_space<vmem_shared>> -> memref<10240x64xf32, #tpu.memory_space<vmem_shared>>
    tpu.wait_indirect_dma semaphore(%arg32 : memref<!tpu.dma_semaphore, #tpu.memory_space<semaphore_mem>>) src(%arg14 : memref<64x64xf32, #tpu.memory_space<vmem>>) dst(%dma_wait3A_216 : memref<10240x64xf32, #tpu.memory_space<vmem_shared>>)
    %dma_wait3A_217 = arith.constant 78 : i32
    %dma_wait3A_218 = arith.constant 0 : i32
    %dma_wait3A_219 = tpu.memref_slice %arg8[%dma_wait3A_217, %dma_wait3A_218] : memref<80x64xi32, #tpu.memory_space<vmem>> -> memref<1x64xi32, #tpu.memory_space<vmem>>
    %dma_wait3A_220 = tpu.memref_squeeze %dma_wait3A_219 : memref<1x64xi32, #tpu.memory_space<vmem>> -> memref<64xi32, #tpu.memory_space<vmem>>
    %dma_wait3A_221 = arith.constant 0 : i32
    %dma_wait3A_222 = arith.constant 0 : i32
    %dma_wait3A_223 = tpu.memref_slice %arg18[%dma_wait3A_221, %dma_wait3A_222] : memref<10240x64xf32, #tpu.memory_space<vmem_shared>> -> memref<10240x64xf32, #tpu.memory_space<vmem_shared>>
    tpu.wait_indirect_dma semaphore(%arg33 : memref<!tpu.dma_semaphore, #tpu.memory_space<semaphore_mem>>) src(%arg15 : memref<64x64xf32, #tpu.memory_space<vmem>>) dst(%dma_wait3A_223 : memref<10240x64xf32, #tpu.memory_space<vmem_shared>>)
    %dma_wait3A_224 = arith.constant 79 : i32
    %dma_wait3A_225 = arith.constant 0 : i32
    %dma_wait3A_226 = tpu.memref_slice %arg8[%dma_wait3A_224, %dma_wait3A_225] : memref<80x64xi32, #tpu.memory_space<vmem>> -> memref<1x64xi32, #tpu.memory_space<vmem>>
    %dma_wait3A_227 = tpu.memref_squeeze %dma_wait3A_226 : memref<1x64xi32, #tpu.memory_space<vmem>> -> memref<64xi32, #tpu.memory_space<vmem>>
    %dma_wait3A_228 = arith.constant 0 : i32
    %dma_wait3A_229 = arith.constant 0 : i32
    %dma_wait3A_230 = tpu.memref_slice %arg18[%dma_wait3A_228, %dma_wait3A_229] : memref<10240x64xf32, #tpu.memory_space<vmem_shared>> -> memref<10240x64xf32, #tpu.memory_space<vmem_shared>>
    tpu.wait_indirect_dma semaphore(%arg34 : memref<!tpu.dma_semaphore, #tpu.memory_space<semaphore_mem>>) src(%arg16 : memref<64x64xf32, #tpu.memory_space<vmem>>) dst(%dma_wait3A_230 : memref<10240x64xf32, #tpu.memory_space<vmem_shared>>)
    %barrier3A_231 = arith.constant 0 : index
    tpu.barrier barrier_id(%barrier3A_231)
    %mul3A_232 = arith.constant 10240 : i32
    %mul3A_233 = arith.muli %arg0, %mul3A_232 : i32
    %add3A_234 = arith.addi %mul3A_233, %mul3A_2 : i32
    "tpu.region"() ({
      %run_scoped3A = tpu.sem_alloc : memref<!tpu.dma_semaphore, #tpu.memory_space<semaphore_mem>>
      %dma_start3A_235 = arith.constant 0 : i32
      %dma_start3A_236 = tpu.memref_slice %arg6[%add3A_234, %dma_start3A_235] : memref<20480x64xf32, #tpu.memory_space<hbm>> -> memref<640x64xf32, #tpu.memory_space<hbm>>
      %dma_start3A_237 = arith.constant 0 : i32
      %dma_start3A_238 = tpu.memref_slice %arg18[%mul3A_2, %dma_start3A_237] : memref<10240x64xf32, #tpu.memory_space<vmem_shared>> -> memref<640x64xf32, #tpu.memory_space<vmem_shared>>
      tpu.enqueue_dma source(%dma_start3A_238 : memref<640x64xf32, #tpu.memory_space<vmem_shared>>) target(%dma_start3A_236 : memref<640x64xf32, #tpu.memory_space<hbm>>) target_semaphore(%run_scoped3A : memref<!tpu.dma_semaphore, #tpu.memory_space<semaphore_mem>>)
      %dma_wait3A_239 = arith.constant 0 : i32
      %dma_wait3A_240 = tpu.memref_slice %arg6[%add3A_234, %dma_wait3A_239] : memref<20480x64xf32, #tpu.memory_space<hbm>> -> memref<640x64xf32, #tpu.memory_space<hbm>>
      %dma_wait3A_241 = arith.constant 0 : i32
      %dma_wait3A_242 = tpu.memref_slice %arg18[%mul3A_2, %dma_wait3A_241] : memref<10240x64xf32, #tpu.memory_space<vmem_shared>> -> memref<640x64xf32, #tpu.memory_space<vmem_shared>>
      tpu.wait_dma2 semaphore(%run_scoped3A : memref<!tpu.dma_semaphore, #tpu.memory_space<semaphore_mem>>) src(%dma_wait3A_242 : memref<640x64xf32, #tpu.memory_space<vmem_shared>>) dst(%dma_wait3A_240 : memref<640x64xf32, #tpu.memory_space<hbm>>)
      tpu.yield
    }) : () -> ()
    return
  }
}

#map = affine_map<(d0, d1) -> (0, 0)>
#map1 = affine_map<(d0, d1) -> (0, 0, 0)>
module attributes {stable_mosaic.version = 14 : i64} {
  func.func @prop(%arg0: i32, %arg1: i32, %arg2: memref<20000x64xf32, #tpu.memory_space<hbm>>, %arg3: memref<32x160x64xi32, #tpu.memory_space<hbm>>, %arg4: memref<32x160x64xi32, #tpu.memory_space<hbm>>, %arg5: memref<640x64xf32, #tpu.memory_space<hbm>>, %arg6: memref<20480x64xf32, #tpu.memory_space<hbm>>, %arg7: memref<80x64xi32, #tpu.memory_space<vmem>>, %arg8: memref<80x64xi32, #tpu.memory_space<vmem>>, %arg9: memref<64x64xf32, #tpu.memory_space<vmem>>, %arg10: memref<64x64xf32, #tpu.memory_space<vmem>>, %arg11: memref<64x64xf32, #tpu.memory_space<vmem>>, %arg12: memref<64x64xf32, #tpu.memory_space<vmem>>, %arg13: memref<64x64xf32, #tpu.memory_space<vmem>>, %arg14: memref<64x64xf32, #tpu.memory_space<vmem>>, %arg15: memref<64x64xf32, #tpu.memory_space<vmem>>, %arg16: memref<64x64xf32, #tpu.memory_space<vmem>>, %arg17: memref<10000x64xf32, #tpu.memory_space<vmem_shared>>, %arg18: memref<10240x64xf32, #tpu.memory_space<vmem_shared>>, %arg19: memref<!tpu.dma_semaphore, #tpu.memory_space<semaphore_mem>>, %arg20: memref<!tpu.dma_semaphore, #tpu.memory_space<semaphore_mem>>, %arg21: memref<!tpu.dma_semaphore, #tpu.memory_space<semaphore_mem>>, %arg22: memref<!tpu.dma_semaphore, #tpu.memory_space<semaphore_mem>>, %arg23: memref<!tpu.dma_semaphore, #tpu.memory_space<semaphore_mem>>, %arg24: memref<!tpu.dma_semaphore, #tpu.memory_space<semaphore_mem>>, %arg25: memref<!tpu.dma_semaphore, #tpu.memory_space<semaphore_mem>>, %arg26: memref<!tpu.dma_semaphore, #tpu.memory_space<semaphore_mem>>, %arg27: memref<!tpu.dma_semaphore, #tpu.memory_space<semaphore_mem>>, %arg28: memref<!tpu.dma_semaphore, #tpu.memory_space<semaphore_mem>>, %arg29: memref<!tpu.dma_semaphore, #tpu.memory_space<semaphore_mem>>, %arg30: memref<!tpu.dma_semaphore, #tpu.memory_space<semaphore_mem>>, %arg31: memref<!tpu.dma_semaphore, #tpu.memory_space<semaphore_mem>>, %arg32: memref<!tpu.dma_semaphore, #tpu.memory_space<semaphore_mem>>, %arg33: memref<!tpu.dma_semaphore, #tpu.memory_space<semaphore_mem>>, %arg34: memref<!tpu.dma_semaphore, #tpu.memory_space<semaphore_mem>>) attributes {dimension_semantics = [#tpu.dimension_semantics<core_parallel>, #tpu.dimension_semantics<subcore_parallel>], iteration_bounds = array<i64: 2, 16>, scalar_prefetch = 0 : i64, scratch_operands = 28 : i64, tpu.core_type = #tpu.core_type<sc_vector_subcore>, window_params = [{transform_indices = #map}, {transform_indices = #map1}, {transform_indices = #map1}, {transform_indices = #map}, {transform_indices = #map}]} {
    %mul3A = arith.constant 16 : i32
    %mul3A_0 = arith.muli %arg0, %mul3A : i32
    %add3A = arith.addi %mul3A_0, %arg1 : i32
    %mul3A_1 = arith.constant 640 : i32
    %mul3A_2 = arith.muli %arg1, %mul3A_1 : i32
    %dma_start3A = arith.constant 0 : i32
    %dma_start3A_3 = tpu.memref_slice %arg18[%mul3A_2, %dma_start3A] : memref<10240x64xf32, #tpu.memory_space<vmem_shared>> -> memref<640x64xf32, #tpu.memory_space<vmem_shared>>
    tpu.enqueue_dma source(%arg5 : memref<640x64xf32, #tpu.memory_space<hbm>>) target(%dma_start3A_3 : memref<640x64xf32, #tpu.memory_space<vmem_shared>>) target_semaphore(%arg27 : memref<!tpu.dma_semaphore, #tpu.memory_space<semaphore_mem>>)
    %mul3A_4 = arith.constant 10000 : i32
    %mul3A_5 = arith.muli %arg0, %mul3A_4 : i32
    %mul3A_6 = arith.constant 625 : i32
    %mul3A_7 = arith.muli %arg1, %mul3A_6 : i32
    %add3A_8 = arith.addi %mul3A_5, %mul3A_7 : i32
    %mul3A_9 = arith.constant 625 : i32
    %mul3A_10 = arith.muli %arg1, %mul3A_9 : i32
    %dma_start3A_11 = arith.constant 0 : i32
    %dma_start3A_12 = tpu.memref_slice %arg17[%mul3A_10, %dma_start3A_11] : memref<10000x64xf32, #tpu.memory_space<vmem_shared>> -> memref<625x64xf32, #tpu.memory_space<vmem_shared>>
    %dma_start3A_13 = arith.constant 0 : i32
    %dma_start3A_14 = tpu.memref_slice %arg2[%add3A_8, %dma_start3A_13] : memref<20000x64xf32, #tpu.memory_space<hbm>> -> memref<625x64xf32, #tpu.memory_space<hbm>>
    tpu.enqueue_dma source(%dma_start3A_14 : memref<625x64xf32, #tpu.memory_space<hbm>>) target(%dma_start3A_12 : memref<625x64xf32, #tpu.memory_space<vmem_shared>>) target_semaphore(%arg28 : memref<!tpu.dma_semaphore, #tpu.memory_space<semaphore_mem>>)
    %dma_start3A_15 = arith.constant 0 : i32
    %dma_start3A_16 = arith.constant 0 : i32
    %dma_start3A_17 = tpu.memref_slice %arg3[%add3A, %dma_start3A_15, %dma_start3A_16] : memref<32x160x64xi32, #tpu.memory_space<hbm>> -> memref<1x80x64xi32, #tpu.memory_space<hbm>>
    %dma_start3A_18 = tpu.memref_squeeze %dma_start3A_17 : memref<1x80x64xi32, #tpu.memory_space<hbm>> -> memref<80x64xi32, #tpu.memory_space<hbm>>
    %dma_start3A_19 = arith.constant 0 : i32
    %dma_start3A_20 = arith.constant 0 : i32
    %dma_start3A_21 = tpu.memref_slice %arg3[%add3A, %dma_start3A_19, %dma_start3A_20] : memref<32x160x64xi32, #tpu.memory_space<hbm>> -> memref<1x80x64xi32, #tpu.memory_space<hbm>>
    %dma_start3A_22 = tpu.memref_squeeze %dma_start3A_21 : memref<1x80x64xi32, #tpu.memory_space<hbm>> -> memref<80x64xi32, #tpu.memory_space<hbm>>
    tpu.enqueue_dma source(%dma_start3A_22 : memref<80x64xi32, #tpu.memory_space<hbm>>) target(%arg7 : memref<80x64xi32, #tpu.memory_space<vmem>>) target_semaphore(%arg29 : memref<!tpu.dma_semaphore, #tpu.memory_space<semaphore_mem>>)
    %dma_start3A_23 = arith.constant 0 : i32
    %dma_start3A_24 = arith.constant 0 : i32
    %dma_start3A_25 = tpu.memref_slice %arg4[%add3A, %dma_start3A_23, %dma_start3A_24] : memref<32x160x64xi32, #tpu.memory_space<hbm>> -> memref<1x80x64xi32, #tpu.memory_space<hbm>>
    %dma_start3A_26 = tpu.memref_squeeze %dma_start3A_25 : memref<1x80x64xi32, #tpu.memory_space<hbm>> -> memref<80x64xi32, #tpu.memory_space<hbm>>
    %dma_start3A_27 = arith.constant 0 : i32
    %dma_start3A_28 = arith.constant 0 : i32
    %dma_start3A_29 = tpu.memref_slice %arg4[%add3A, %dma_start3A_27, %dma_start3A_28] : memref<32x160x64xi32, #tpu.memory_space<hbm>> -> memref<1x80x64xi32, #tpu.memory_space<hbm>>
    %dma_start3A_30 = tpu.memref_squeeze %dma_start3A_29 : memref<1x80x64xi32, #tpu.memory_space<hbm>> -> memref<80x64xi32, #tpu.memory_space<hbm>>
    tpu.enqueue_dma source(%dma_start3A_30 : memref<80x64xi32, #tpu.memory_space<hbm>>) target(%arg8 : memref<80x64xi32, #tpu.memory_space<vmem>>) target_semaphore(%arg30 : memref<!tpu.dma_semaphore, #tpu.memory_space<semaphore_mem>>)
    %dma_wait3A = arith.constant 0 : i32
    %dma_wait3A_31 = tpu.memref_slice %arg18[%mul3A_2, %dma_wait3A] : memref<10240x64xf32, #tpu.memory_space<vmem_shared>> -> memref<640x64xf32, #tpu.memory_space<vmem_shared>>
    tpu.wait_dma2 semaphore(%arg27 : memref<!tpu.dma_semaphore, #tpu.memory_space<semaphore_mem>>) src(%arg5 : memref<640x64xf32, #tpu.memory_space<hbm>>) dst(%dma_wait3A_31 : memref<640x64xf32, #tpu.memory_space<vmem_shared>>)
    %dma_wait3A_32 = arith.constant 0 : i32
    %dma_wait3A_33 = tpu.memref_slice %arg17[%mul3A_10, %dma_wait3A_32] : memref<10000x64xf32, #tpu.memory_space<vmem_shared>> -> memref<625x64xf32, #tpu.memory_space<vmem_shared>>
    %dma_wait3A_34 = arith.constant 0 : i32
    %dma_wait3A_35 = tpu.memref_slice %arg2[%add3A_8, %dma_wait3A_34] : memref<20000x64xf32, #tpu.memory_space<hbm>> -> memref<625x64xf32, #tpu.memory_space<hbm>>
    tpu.wait_dma2 semaphore(%arg28 : memref<!tpu.dma_semaphore, #tpu.memory_space<semaphore_mem>>) src(%dma_wait3A_35 : memref<625x64xf32, #tpu.memory_space<hbm>>) dst(%dma_wait3A_33 : memref<625x64xf32, #tpu.memory_space<vmem_shared>>)
    %dma_wait3A_36 = arith.constant 0 : i32
    %dma_wait3A_37 = arith.constant 0 : i32
    %dma_wait3A_38 = tpu.memref_slice %arg3[%add3A, %dma_wait3A_36, %dma_wait3A_37] : memref<32x160x64xi32, #tpu.memory_space<hbm>> -> memref<1x80x64xi32, #tpu.memory_space<hbm>>
    %dma_wait3A_39 = tpu.memref_squeeze %dma_wait3A_38 : memref<1x80x64xi32, #tpu.memory_space<hbm>> -> memref<80x64xi32, #tpu.memory_space<hbm>>
    %dma_wait3A_40 = arith.constant 0 : i32
    %dma_wait3A_41 = arith.constant 0 : i32
    %dma_wait3A_42 = tpu.memref_slice %arg3[%add3A, %dma_wait3A_40, %dma_wait3A_41] : memref<32x160x64xi32, #tpu.memory_space<hbm>> -> memref<1x80x64xi32, #tpu.memory_space<hbm>>
    %dma_wait3A_43 = tpu.memref_squeeze %dma_wait3A_42 : memref<1x80x64xi32, #tpu.memory_space<hbm>> -> memref<80x64xi32, #tpu.memory_space<hbm>>
    tpu.wait_dma2 semaphore(%arg29 : memref<!tpu.dma_semaphore, #tpu.memory_space<semaphore_mem>>) src(%dma_wait3A_43 : memref<80x64xi32, #tpu.memory_space<hbm>>) dst(%arg7 : memref<80x64xi32, #tpu.memory_space<vmem>>)
    %dma_wait3A_44 = arith.constant 0 : i32
    %dma_wait3A_45 = arith.constant 0 : i32
    %dma_wait3A_46 = tpu.memref_slice %arg4[%add3A, %dma_wait3A_44, %dma_wait3A_45] : memref<32x160x64xi32, #tpu.memory_space<hbm>> -> memref<1x80x64xi32, #tpu.memory_space<hbm>>
    %dma_wait3A_47 = tpu.memref_squeeze %dma_wait3A_46 : memref<1x80x64xi32, #tpu.memory_space<hbm>> -> memref<80x64xi32, #tpu.memory_space<hbm>>
    %dma_wait3A_48 = arith.constant 0 : i32
    %dma_wait3A_49 = arith.constant 0 : i32
    %dma_wait3A_50 = tpu.memref_slice %arg4[%add3A, %dma_wait3A_48, %dma_wait3A_49] : memref<32x160x64xi32, #tpu.memory_space<hbm>> -> memref<1x80x64xi32, #tpu.memory_space<hbm>>
    %dma_wait3A_51 = tpu.memref_squeeze %dma_wait3A_50 : memref<1x80x64xi32, #tpu.memory_space<hbm>> -> memref<80x64xi32, #tpu.memory_space<hbm>>
    tpu.wait_dma2 semaphore(%arg30 : memref<!tpu.dma_semaphore, #tpu.memory_space<semaphore_mem>>) src(%dma_wait3A_51 : memref<80x64xi32, #tpu.memory_space<hbm>>) dst(%arg8 : memref<80x64xi32, #tpu.memory_space<vmem>>)
    %barrier3A = arith.constant 0 : index
    tpu.barrier barrier_id(%barrier3A)
    %dma_start3A_52 = arith.constant 0 : i32
    %dma_start3A_53 = arith.constant 0 : i32
    %dma_start3A_54 = tpu.memref_slice %arg7[%dma_start3A_52, %dma_start3A_53] : memref<80x64xi32, #tpu.memory_space<vmem>> -> memref<1x64xi32, #tpu.memory_space<vmem>>
    %dma_start3A_55 = tpu.memref_squeeze %dma_start3A_54 : memref<1x64xi32, #tpu.memory_space<vmem>> -> memref<64xi32, #tpu.memory_space<vmem>>
    %dma_start3A_56 = arith.constant 0 : i32
    %dma_start3A_57 = arith.constant 0 : i32
    %dma_start3A_58 = tpu.memref_slice %arg17[%dma_start3A_56, %dma_start3A_57] : memref<10000x64xf32, #tpu.memory_space<vmem_shared>> -> memref<10000x64xf32, #tpu.memory_space<vmem_shared>>
    tpu.enqueue_indirect_dma source(%dma_start3A_58 : memref<10000x64xf32, #tpu.memory_space<vmem_shared>>) target(%arg9 : memref<64x64xf32, #tpu.memory_space<vmem>>) offsets(%dma_start3A_55 : memref<64xi32, #tpu.memory_space<vmem>>) semaphore(%arg19 : memref<!tpu.dma_semaphore, #tpu.memory_space<semaphore_mem>>)
    %dma_start3A_59 = arith.constant 1 : i32
    %dma_start3A_60 = arith.constant 0 : i32
    %dma_start3A_61 = tpu.memref_slice %arg7[%dma_start3A_59, %dma_start3A_60] : memref<80x64xi32, #tpu.memory_space<vmem>> -> memref<1x64xi32, #tpu.memory_space<vmem>>
    %dma_start3A_62 = tpu.memref_squeeze %dma_start3A_61 : memref<1x64xi32, #tpu.memory_space<vmem>> -> memref<64xi32, #tpu.memory_space<vmem>>
    %dma_start3A_63 = arith.constant 0 : i32
    %dma_start3A_64 = arith.constant 0 : i32
    %dma_start3A_65 = tpu.memref_slice %arg17[%dma_start3A_63, %dma_start3A_64] : memref<10000x64xf32, #tpu.memory_space<vmem_shared>> -> memref<10000x64xf32, #tpu.memory_space<vmem_shared>>
    tpu.enqueue_indirect_dma source(%dma_start3A_65 : memref<10000x64xf32, #tpu.memory_space<vmem_shared>>) target(%arg10 : memref<64x64xf32, #tpu.memory_space<vmem>>) offsets(%dma_start3A_62 : memref<64xi32, #tpu.memory_space<vmem>>) semaphore(%arg20 : memref<!tpu.dma_semaphore, #tpu.memory_space<semaphore_mem>>)
    %dma_start3A_66 = arith.constant 2 : i32
    %dma_start3A_67 = arith.constant 0 : i32
    %dma_start3A_68 = tpu.memref_slice %arg7[%dma_start3A_66, %dma_start3A_67] : memref<80x64xi32, #tpu.memory_space<vmem>> -> memref<1x64xi32, #tpu.memory_space<vmem>>
    %dma_start3A_69 = tpu.memref_squeeze %dma_start3A_68 : memref<1x64xi32, #tpu.memory_space<vmem>> -> memref<64xi32, #tpu.memory_space<vmem>>
    %dma_start3A_70 = arith.constant 0 : i32
    %dma_start3A_71 = arith.constant 0 : i32
    %dma_start3A_72 = tpu.memref_slice %arg17[%dma_start3A_70, %dma_start3A_71] : memref<10000x64xf32, #tpu.memory_space<vmem_shared>> -> memref<10000x64xf32, #tpu.memory_space<vmem_shared>>
    tpu.enqueue_indirect_dma source(%dma_start3A_72 : memref<10000x64xf32, #tpu.memory_space<vmem_shared>>) target(%arg11 : memref<64x64xf32, #tpu.memory_space<vmem>>) offsets(%dma_start3A_69 : memref<64xi32, #tpu.memory_space<vmem>>) semaphore(%arg21 : memref<!tpu.dma_semaphore, #tpu.memory_space<semaphore_mem>>)
    %dma_start3A_73 = arith.constant 3 : i32
    %dma_start3A_74 = arith.constant 0 : i32
    %dma_start3A_75 = tpu.memref_slice %arg7[%dma_start3A_73, %dma_start3A_74] : memref<80x64xi32, #tpu.memory_space<vmem>> -> memref<1x64xi32, #tpu.memory_space<vmem>>
    %dma_start3A_76 = tpu.memref_squeeze %dma_start3A_75 : memref<1x64xi32, #tpu.memory_space<vmem>> -> memref<64xi32, #tpu.memory_space<vmem>>
    %dma_start3A_77 = arith.constant 0 : i32
    %dma_start3A_78 = arith.constant 0 : i32
    %dma_start3A_79 = tpu.memref_slice %arg17[%dma_start3A_77, %dma_start3A_78] : memref<10000x64xf32, #tpu.memory_space<vmem_shared>> -> memref<10000x64xf32, #tpu.memory_space<vmem_shared>>
    tpu.enqueue_indirect_dma source(%dma_start3A_79 : memref<10000x64xf32, #tpu.memory_space<vmem_shared>>) target(%arg12 : memref<64x64xf32, #tpu.memory_space<vmem>>) offsets(%dma_start3A_76 : memref<64xi32, #tpu.memory_space<vmem>>) semaphore(%arg22 : memref<!tpu.dma_semaphore, #tpu.memory_space<semaphore_mem>>)
    %scan3A = arith.constant 0 : i32
    %scan3A_80 = arith.constant 0 : i32
    %scan3A_81 = arith.constant 10 : i32
    %scan3A_82 = arith.addi %scan3A_80, %scan3A_81 : i32
    %scan3A_83 = arith.constant 1 : i32
    scf.for %scan3A_235 = %scan3A_80 to %scan3A_82 step %scan3A_83  : i32 {
      %mul3A_236 = arith.constant 8 : i32
      %mul3A_237 = arith.muli %mul3A_236, %scan3A_235 : i32
      %add3A_238 = arith.constant 0 : i32
      %add3A_239 = arith.addi %mul3A_237, %add3A_238 : i32
      %dma_wait3A_240 = arith.constant 0 : i32
      %dma_wait3A_241 = tpu.memref_slice %arg7[%add3A_239, %dma_wait3A_240] : memref<80x64xi32, #tpu.memory_space<vmem>> -> memref<1x64xi32, #tpu.memory_space<vmem>>
      %dma_wait3A_242 = tpu.memref_squeeze %dma_wait3A_241 : memref<1x64xi32, #tpu.memory_space<vmem>> -> memref<64xi32, #tpu.memory_space<vmem>>
      %dma_wait3A_243 = arith.constant 0 : i32
      %dma_wait3A_244 = arith.constant 0 : i32
      %dma_wait3A_245 = tpu.memref_slice %arg17[%dma_wait3A_243, %dma_wait3A_244] : memref<10000x64xf32, #tpu.memory_space<vmem_shared>> -> memref<10000x64xf32, #tpu.memory_space<vmem_shared>>
      tpu.wait_indirect_dma semaphore(%arg19 : memref<!tpu.dma_semaphore, #tpu.memory_space<semaphore_mem>>) src(%dma_wait3A_245 : memref<10000x64xf32, #tpu.memory_space<vmem_shared>>) dst(%arg9 : memref<64x64xf32, #tpu.memory_space<vmem>>)
      %dma_start3A_246 = arith.constant 0 : i32
      %dma_start3A_247 = tpu.memref_slice %arg8[%add3A_239, %dma_start3A_246] : memref<80x64xi32, #tpu.memory_space<vmem>> -> memref<1x64xi32, #tpu.memory_space<vmem>>
      %dma_start3A_248 = tpu.memref_squeeze %dma_start3A_247 : memref<1x64xi32, #tpu.memory_space<vmem>> -> memref<64xi32, #tpu.memory_space<vmem>>
      %dma_start3A_249 = arith.constant 0 : i32
      %dma_start3A_250 = arith.constant 0 : i32
      %dma_start3A_251 = tpu.memref_slice %arg18[%dma_start3A_249, %dma_start3A_250] : memref<10240x64xf32, #tpu.memory_space<vmem_shared>> -> memref<10240x64xf32, #tpu.memory_space<vmem_shared>>
      tpu.enqueue_indirect_dma source(%arg9 : memref<64x64xf32, #tpu.memory_space<vmem>>) target(%dma_start3A_251 : memref<10240x64xf32, #tpu.memory_space<vmem_shared>>) offsets(%dma_start3A_248 : memref<64xi32, #tpu.memory_space<vmem>>) semaphore(%arg27 : memref<!tpu.dma_semaphore, #tpu.memory_space<semaphore_mem>>) {add = true}
      %add3A_252 = arith.constant 4 : i32
      %add3A_253 = arith.addi %add3A_239, %add3A_252 : i32
      %lt3A = arith.constant 80 : i32
      %lt3A_254 = arith.cmpi slt, %add3A_253, %lt3A : i32
      %convert_element_type3A = arith.extui %lt3A_254 : i1 to i32
      %cond3A = arith.constant 0 : i32
      %cond3A_255 = arith.cmpi ne, %convert_element_type3A, %cond3A : i32
      scf.if %cond3A_255 {
        %ge3A = arith.constant 4 : i32
        %ge3A_417 = arith.cmpi sge, %add3A_239, %ge3A : i32
        %convert_element_type3A_418 = arith.extui %ge3A_417 : i1 to i32
        %cond3A_419 = arith.constant 0 : i32
        %cond3A_420 = arith.cmpi ne, %convert_element_type3A_418, %cond3A_419 : i32
        scf.if %cond3A_420 {
          %sub3A = arith.constant 4 : i32
          %sub3A_429 = arith.subi %add3A_239, %sub3A : i32
          %dma_wait3A_430 = arith.constant 0 : i32
          %dma_wait3A_431 = tpu.memref_slice %arg8[%sub3A_429, %dma_wait3A_430] : memref<80x64xi32, #tpu.memory_space<vmem>> -> memref<1x64xi32, #tpu.memory_space<vmem>>
          %dma_wait3A_432 = tpu.memref_squeeze %dma_wait3A_431 : memref<1x64xi32, #tpu.memory_space<vmem>> -> memref<64xi32, #tpu.memory_space<vmem>>
          %dma_wait3A_433 = arith.constant 0 : i32
          %dma_wait3A_434 = arith.constant 0 : i32
          %dma_wait3A_435 = tpu.memref_slice %arg18[%dma_wait3A_433, %dma_wait3A_434] : memref<10240x64xf32, #tpu.memory_space<vmem_shared>> -> memref<10240x64xf32, #tpu.memory_space<vmem_shared>>
          tpu.wait_indirect_dma semaphore(%arg31 : memref<!tpu.dma_semaphore, #tpu.memory_space<semaphore_mem>>) src(%arg13 : memref<64x64xf32, #tpu.memory_space<vmem>>) dst(%dma_wait3A_435 : memref<10240x64xf32, #tpu.memory_space<vmem_shared>>)
        } else {
        }
        %add3A_421 = arith.constant 4 : i32
        %add3A_422 = arith.addi %add3A_239, %add3A_421 : i32
        %dma_start3A_423 = arith.constant 0 : i32
        %dma_start3A_424 = tpu.memref_slice %arg7[%add3A_422, %dma_start3A_423] : memref<80x64xi32, #tpu.memory_space<vmem>> -> memref<1x64xi32, #tpu.memory_space<vmem>>
        %dma_start3A_425 = tpu.memref_squeeze %dma_start3A_424 : memref<1x64xi32, #tpu.memory_space<vmem>> -> memref<64xi32, #tpu.memory_space<vmem>>
        %dma_start3A_426 = arith.constant 0 : i32
        %dma_start3A_427 = arith.constant 0 : i32
        %dma_start3A_428 = tpu.memref_slice %arg17[%dma_start3A_426, %dma_start3A_427] : memref<10000x64xf32, #tpu.memory_space<vmem_shared>> -> memref<10000x64xf32, #tpu.memory_space<vmem_shared>>
        tpu.enqueue_indirect_dma source(%dma_start3A_428 : memref<10000x64xf32, #tpu.memory_space<vmem_shared>>) target(%arg13 : memref<64x64xf32, #tpu.memory_space<vmem>>) offsets(%dma_start3A_425 : memref<64xi32, #tpu.memory_space<vmem>>) semaphore(%arg23 : memref<!tpu.dma_semaphore, #tpu.memory_space<semaphore_mem>>)
      } else {
      }
      %mul3A_256 = arith.constant 8 : i32
      %mul3A_257 = arith.muli %mul3A_256, %scan3A_235 : i32
      %add3A_258 = arith.constant 1 : i32
      %add3A_259 = arith.addi %mul3A_257, %add3A_258 : i32
      %dma_wait3A_260 = arith.constant 0 : i32
      %dma_wait3A_261 = tpu.memref_slice %arg7[%add3A_259, %dma_wait3A_260] : memref<80x64xi32, #tpu.memory_space<vmem>> -> memref<1x64xi32, #tpu.memory_space<vmem>>
      %dma_wait3A_262 = tpu.memref_squeeze %dma_wait3A_261 : memref<1x64xi32, #tpu.memory_space<vmem>> -> memref<64xi32, #tpu.memory_space<vmem>>
      %dma_wait3A_263 = arith.constant 0 : i32
      %dma_wait3A_264 = arith.constant 0 : i32
      %dma_wait3A_265 = tpu.memref_slice %arg17[%dma_wait3A_263, %dma_wait3A_264] : memref<10000x64xf32, #tpu.memory_space<vmem_shared>> -> memref<10000x64xf32, #tpu.memory_space<vmem_shared>>
      tpu.wait_indirect_dma semaphore(%arg20 : memref<!tpu.dma_semaphore, #tpu.memory_space<semaphore_mem>>) src(%dma_wait3A_265 : memref<10000x64xf32, #tpu.memory_space<vmem_shared>>) dst(%arg10 : memref<64x64xf32, #tpu.memory_space<vmem>>)
      %dma_start3A_266 = arith.constant 0 : i32
      %dma_start3A_267 = tpu.memref_slice %arg8[%add3A_259, %dma_start3A_266] : memref<80x64xi32, #tpu.memory_space<vmem>> -> memref<1x64xi32, #tpu.memory_space<vmem>>
      %dma_start3A_268 = tpu.memref_squeeze %dma_start3A_267 : memref<1x64xi32, #tpu.memory_space<vmem>> -> memref<64xi32, #tpu.memory_space<vmem>>
      %dma_start3A_269 = arith.constant 0 : i32
      %dma_start3A_270 = arith.constant 0 : i32
      %dma_start3A_271 = tpu.memref_slice %arg18[%dma_start3A_269, %dma_start3A_270] : memref<10240x64xf32, #tpu.memory_space<vmem_shared>> -> memref<10240x64xf32, #tpu.memory_space<vmem_shared>>
      tpu.enqueue_indirect_dma source(%arg10 : memref<64x64xf32, #tpu.memory_space<vmem>>) target(%dma_start3A_271 : memref<10240x64xf32, #tpu.memory_space<vmem_shared>>) offsets(%dma_start3A_268 : memref<64xi32, #tpu.memory_space<vmem>>) semaphore(%arg28 : memref<!tpu.dma_semaphore, #tpu.memory_space<semaphore_mem>>) {add = true}
      %add3A_272 = arith.constant 4 : i32
      %add3A_273 = arith.addi %add3A_259, %add3A_272 : i32
      %lt3A_274 = arith.constant 80 : i32
      %lt3A_275 = arith.cmpi slt, %add3A_273, %lt3A_274 : i32
      %convert_element_type3A_276 = arith.extui %lt3A_275 : i1 to i32
      %cond3A_277 = arith.constant 0 : i32
      %cond3A_278 = arith.cmpi ne, %convert_element_type3A_276, %cond3A_277 : i32
      scf.if %cond3A_278 {
        %ge3A = arith.constant 4 : i32
        %ge3A_417 = arith.cmpi sge, %add3A_259, %ge3A : i32
        %convert_element_type3A_418 = arith.extui %ge3A_417 : i1 to i32
        %cond3A_419 = arith.constant 0 : i32
        %cond3A_420 = arith.cmpi ne, %convert_element_type3A_418, %cond3A_419 : i32
        scf.if %cond3A_420 {
          %sub3A = arith.constant 4 : i32
          %sub3A_429 = arith.subi %add3A_259, %sub3A : i32
          %dma_wait3A_430 = arith.constant 0 : i32
          %dma_wait3A_431 = tpu.memref_slice %arg8[%sub3A_429, %dma_wait3A_430] : memref<80x64xi32, #tpu.memory_space<vmem>> -> memref<1x64xi32, #tpu.memory_space<vmem>>
          %dma_wait3A_432 = tpu.memref_squeeze %dma_wait3A_431 : memref<1x64xi32, #tpu.memory_space<vmem>> -> memref<64xi32, #tpu.memory_space<vmem>>
          %dma_wait3A_433 = arith.constant 0 : i32
          %dma_wait3A_434 = arith.constant 0 : i32
          %dma_wait3A_435 = tpu.memref_slice %arg18[%dma_wait3A_433, %dma_wait3A_434] : memref<10240x64xf32, #tpu.memory_space<vmem_shared>> -> memref<10240x64xf32, #tpu.memory_space<vmem_shared>>
          tpu.wait_indirect_dma semaphore(%arg32 : memref<!tpu.dma_semaphore, #tpu.memory_space<semaphore_mem>>) src(%arg14 : memref<64x64xf32, #tpu.memory_space<vmem>>) dst(%dma_wait3A_435 : memref<10240x64xf32, #tpu.memory_space<vmem_shared>>)
        } else {
        }
        %add3A_421 = arith.constant 4 : i32
        %add3A_422 = arith.addi %add3A_259, %add3A_421 : i32
        %dma_start3A_423 = arith.constant 0 : i32
        %dma_start3A_424 = tpu.memref_slice %arg7[%add3A_422, %dma_start3A_423] : memref<80x64xi32, #tpu.memory_space<vmem>> -> memref<1x64xi32, #tpu.memory_space<vmem>>
        %dma_start3A_425 = tpu.memref_squeeze %dma_start3A_424 : memref<1x64xi32, #tpu.memory_space<vmem>> -> memref<64xi32, #tpu.memory_space<vmem>>
        %dma_start3A_426 = arith.constant 0 : i32
        %dma_start3A_427 = arith.constant 0 : i32
        %dma_start3A_428 = tpu.memref_slice %arg17[%dma_start3A_426, %dma_start3A_427] : memref<10000x64xf32, #tpu.memory_space<vmem_shared>> -> memref<10000x64xf32, #tpu.memory_space<vmem_shared>>
        tpu.enqueue_indirect_dma source(%dma_start3A_428 : memref<10000x64xf32, #tpu.memory_space<vmem_shared>>) target(%arg14 : memref<64x64xf32, #tpu.memory_space<vmem>>) offsets(%dma_start3A_425 : memref<64xi32, #tpu.memory_space<vmem>>) semaphore(%arg24 : memref<!tpu.dma_semaphore, #tpu.memory_space<semaphore_mem>>)
      } else {
      }
      %mul3A_279 = arith.constant 8 : i32
      %mul3A_280 = arith.muli %mul3A_279, %scan3A_235 : i32
      %add3A_281 = arith.constant 2 : i32
      %add3A_282 = arith.addi %mul3A_280, %add3A_281 : i32
      %dma_wait3A_283 = arith.constant 0 : i32
      %dma_wait3A_284 = tpu.memref_slice %arg7[%add3A_282, %dma_wait3A_283] : memref<80x64xi32, #tpu.memory_space<vmem>> -> memref<1x64xi32, #tpu.memory_space<vmem>>
      %dma_wait3A_285 = tpu.memref_squeeze %dma_wait3A_284 : memref<1x64xi32, #tpu.memory_space<vmem>> -> memref<64xi32, #tpu.memory_space<vmem>>
      %dma_wait3A_286 = arith.constant 0 : i32
      %dma_wait3A_287 = arith.constant 0 : i32
      %dma_wait3A_288 = tpu.memref_slice %arg17[%dma_wait3A_286, %dma_wait3A_287] : memref<10000x64xf32, #tpu.memory_space<vmem_shared>> -> memref<10000x64xf32, #tpu.memory_space<vmem_shared>>
      tpu.wait_indirect_dma semaphore(%arg21 : memref<!tpu.dma_semaphore, #tpu.memory_space<semaphore_mem>>) src(%dma_wait3A_288 : memref<10000x64xf32, #tpu.memory_space<vmem_shared>>) dst(%arg11 : memref<64x64xf32, #tpu.memory_space<vmem>>)
      %dma_start3A_289 = arith.constant 0 : i32
      %dma_start3A_290 = tpu.memref_slice %arg8[%add3A_282, %dma_start3A_289] : memref<80x64xi32, #tpu.memory_space<vmem>> -> memref<1x64xi32, #tpu.memory_space<vmem>>
      %dma_start3A_291 = tpu.memref_squeeze %dma_start3A_290 : memref<1x64xi32, #tpu.memory_space<vmem>> -> memref<64xi32, #tpu.memory_space<vmem>>
      %dma_start3A_292 = arith.constant 0 : i32
      %dma_start3A_293 = arith.constant 0 : i32
      %dma_start3A_294 = tpu.memref_slice %arg18[%dma_start3A_292, %dma_start3A_293] : memref<10240x64xf32, #tpu.memory_space<vmem_shared>> -> memref<10240x64xf32, #tpu.memory_space<vmem_shared>>
      tpu.enqueue_indirect_dma source(%arg11 : memref<64x64xf32, #tpu.memory_space<vmem>>) target(%dma_start3A_294 : memref<10240x64xf32, #tpu.memory_space<vmem_shared>>) offsets(%dma_start3A_291 : memref<64xi32, #tpu.memory_space<vmem>>) semaphore(%arg29 : memref<!tpu.dma_semaphore, #tpu.memory_space<semaphore_mem>>) {add = true}
      %add3A_295 = arith.constant 4 : i32
      %add3A_296 = arith.addi %add3A_282, %add3A_295 : i32
      %lt3A_297 = arith.constant 80 : i32
      %lt3A_298 = arith.cmpi slt, %add3A_296, %lt3A_297 : i32
      %convert_element_type3A_299 = arith.extui %lt3A_298 : i1 to i32
      %cond3A_300 = arith.constant 0 : i32
      %cond3A_301 = arith.cmpi ne, %convert_element_type3A_299, %cond3A_300 : i32
      scf.if %cond3A_301 {
        %ge3A = arith.constant 4 : i32
        %ge3A_417 = arith.cmpi sge, %add3A_282, %ge3A : i32
        %convert_element_type3A_418 = arith.extui %ge3A_417 : i1 to i32
        %cond3A_419 = arith.constant 0 : i32
        %cond3A_420 = arith.cmpi ne, %convert_element_type3A_418, %cond3A_419 : i32
        scf.if %cond3A_420 {
          %sub3A = arith.constant 4 : i32
          %sub3A_429 = arith.subi %add3A_282, %sub3A : i32
          %dma_wait3A_430 = arith.constant 0 : i32
          %dma_wait3A_431 = tpu.memref_slice %arg8[%sub3A_429, %dma_wait3A_430] : memref<80x64xi32, #tpu.memory_space<vmem>> -> memref<1x64xi32, #tpu.memory_space<vmem>>
          %dma_wait3A_432 = tpu.memref_squeeze %dma_wait3A_431 : memref<1x64xi32, #tpu.memory_space<vmem>> -> memref<64xi32, #tpu.memory_space<vmem>>
          %dma_wait3A_433 = arith.constant 0 : i32
          %dma_wait3A_434 = arith.constant 0 : i32
          %dma_wait3A_435 = tpu.memref_slice %arg18[%dma_wait3A_433, %dma_wait3A_434] : memref<10240x64xf32, #tpu.memory_space<vmem_shared>> -> memref<10240x64xf32, #tpu.memory_space<vmem_shared>>
          tpu.wait_indirect_dma semaphore(%arg33 : memref<!tpu.dma_semaphore, #tpu.memory_space<semaphore_mem>>) src(%arg15 : memref<64x64xf32, #tpu.memory_space<vmem>>) dst(%dma_wait3A_435 : memref<10240x64xf32, #tpu.memory_space<vmem_shared>>)
        } else {
        }
        %add3A_421 = arith.constant 4 : i32
        %add3A_422 = arith.addi %add3A_282, %add3A_421 : i32
        %dma_start3A_423 = arith.constant 0 : i32
        %dma_start3A_424 = tpu.memref_slice %arg7[%add3A_422, %dma_start3A_423] : memref<80x64xi32, #tpu.memory_space<vmem>> -> memref<1x64xi32, #tpu.memory_space<vmem>>
        %dma_start3A_425 = tpu.memref_squeeze %dma_start3A_424 : memref<1x64xi32, #tpu.memory_space<vmem>> -> memref<64xi32, #tpu.memory_space<vmem>>
        %dma_start3A_426 = arith.constant 0 : i32
        %dma_start3A_427 = arith.constant 0 : i32
        %dma_start3A_428 = tpu.memref_slice %arg17[%dma_start3A_426, %dma_start3A_427] : memref<10000x64xf32, #tpu.memory_space<vmem_shared>> -> memref<10000x64xf32, #tpu.memory_space<vmem_shared>>
        tpu.enqueue_indirect_dma source(%dma_start3A_428 : memref<10000x64xf32, #tpu.memory_space<vmem_shared>>) target(%arg15 : memref<64x64xf32, #tpu.memory_space<vmem>>) offsets(%dma_start3A_425 : memref<64xi32, #tpu.memory_space<vmem>>) semaphore(%arg25 : memref<!tpu.dma_semaphore, #tpu.memory_space<semaphore_mem>>)
      } else {
      }
      %mul3A_302 = arith.constant 8 : i32
      %mul3A_303 = arith.muli %mul3A_302, %scan3A_235 : i32
      %add3A_304 = arith.constant 3 : i32
      %add3A_305 = arith.addi %mul3A_303, %add3A_304 : i32
      %dma_wait3A_306 = arith.constant 0 : i32
      %dma_wait3A_307 = tpu.memref_slice %arg7[%add3A_305, %dma_wait3A_306] : memref<80x64xi32, #tpu.memory_space<vmem>> -> memref<1x64xi32, #tpu.memory_space<vmem>>
      %dma_wait3A_308 = tpu.memref_squeeze %dma_wait3A_307 : memref<1x64xi32, #tpu.memory_space<vmem>> -> memref<64xi32, #tpu.memory_space<vmem>>
      %dma_wait3A_309 = arith.constant 0 : i32
      %dma_wait3A_310 = arith.constant 0 : i32
      %dma_wait3A_311 = tpu.memref_slice %arg17[%dma_wait3A_309, %dma_wait3A_310] : memref<10000x64xf32, #tpu.memory_space<vmem_shared>> -> memref<10000x64xf32, #tpu.memory_space<vmem_shared>>
      tpu.wait_indirect_dma semaphore(%arg22 : memref<!tpu.dma_semaphore, #tpu.memory_space<semaphore_mem>>) src(%dma_wait3A_311 : memref<10000x64xf32, #tpu.memory_space<vmem_shared>>) dst(%arg12 : memref<64x64xf32, #tpu.memory_space<vmem>>)
      %dma_start3A_312 = arith.constant 0 : i32
      %dma_start3A_313 = tpu.memref_slice %arg8[%add3A_305, %dma_start3A_312] : memref<80x64xi32, #tpu.memory_space<vmem>> -> memref<1x64xi32, #tpu.memory_space<vmem>>
      %dma_start3A_314 = tpu.memref_squeeze %dma_start3A_313 : memref<1x64xi32, #tpu.memory_space<vmem>> -> memref<64xi32, #tpu.memory_space<vmem>>
      %dma_start3A_315 = arith.constant 0 : i32
      %dma_start3A_316 = arith.constant 0 : i32
      %dma_start3A_317 = tpu.memref_slice %arg18[%dma_start3A_315, %dma_start3A_316] : memref<10240x64xf32, #tpu.memory_space<vmem_shared>> -> memref<10240x64xf32, #tpu.memory_space<vmem_shared>>
      tpu.enqueue_indirect_dma source(%arg12 : memref<64x64xf32, #tpu.memory_space<vmem>>) target(%dma_start3A_317 : memref<10240x64xf32, #tpu.memory_space<vmem_shared>>) offsets(%dma_start3A_314 : memref<64xi32, #tpu.memory_space<vmem>>) semaphore(%arg30 : memref<!tpu.dma_semaphore, #tpu.memory_space<semaphore_mem>>) {add = true}
      %add3A_318 = arith.constant 4 : i32
      %add3A_319 = arith.addi %add3A_305, %add3A_318 : i32
      %lt3A_320 = arith.constant 80 : i32
      %lt3A_321 = arith.cmpi slt, %add3A_319, %lt3A_320 : i32
      %convert_element_type3A_322 = arith.extui %lt3A_321 : i1 to i32
      %cond3A_323 = arith.constant 0 : i32
      %cond3A_324 = arith.cmpi ne, %convert_element_type3A_322, %cond3A_323 : i32
      scf.if %cond3A_324 {
        %ge3A = arith.constant 4 : i32
        %ge3A_417 = arith.cmpi sge, %add3A_305, %ge3A : i32
        %convert_element_type3A_418 = arith.extui %ge3A_417 : i1 to i32
        %cond3A_419 = arith.constant 0 : i32
        %cond3A_420 = arith.cmpi ne, %convert_element_type3A_418, %cond3A_419 : i32
        scf.if %cond3A_420 {
          %sub3A = arith.constant 4 : i32
          %sub3A_429 = arith.subi %add3A_305, %sub3A : i32
          %dma_wait3A_430 = arith.constant 0 : i32
          %dma_wait3A_431 = tpu.memref_slice %arg8[%sub3A_429, %dma_wait3A_430] : memref<80x64xi32, #tpu.memory_space<vmem>> -> memref<1x64xi32, #tpu.memory_space<vmem>>
          %dma_wait3A_432 = tpu.memref_squeeze %dma_wait3A_431 : memref<1x64xi32, #tpu.memory_space<vmem>> -> memref<64xi32, #tpu.memory_space<vmem>>
          %dma_wait3A_433 = arith.constant 0 : i32
          %dma_wait3A_434 = arith.constant 0 : i32
          %dma_wait3A_435 = tpu.memref_slice %arg18[%dma_wait3A_433, %dma_wait3A_434] : memref<10240x64xf32, #tpu.memory_space<vmem_shared>> -> memref<10240x64xf32, #tpu.memory_space<vmem_shared>>
          tpu.wait_indirect_dma semaphore(%arg34 : memref<!tpu.dma_semaphore, #tpu.memory_space<semaphore_mem>>) src(%arg16 : memref<64x64xf32, #tpu.memory_space<vmem>>) dst(%dma_wait3A_435 : memref<10240x64xf32, #tpu.memory_space<vmem_shared>>)
        } else {
        }
        %add3A_421 = arith.constant 4 : i32
        %add3A_422 = arith.addi %add3A_305, %add3A_421 : i32
        %dma_start3A_423 = arith.constant 0 : i32
        %dma_start3A_424 = tpu.memref_slice %arg7[%add3A_422, %dma_start3A_423] : memref<80x64xi32, #tpu.memory_space<vmem>> -> memref<1x64xi32, #tpu.memory_space<vmem>>
        %dma_start3A_425 = tpu.memref_squeeze %dma_start3A_424 : memref<1x64xi32, #tpu.memory_space<vmem>> -> memref<64xi32, #tpu.memory_space<vmem>>
        %dma_start3A_426 = arith.constant 0 : i32
        %dma_start3A_427 = arith.constant 0 : i32
        %dma_start3A_428 = tpu.memref_slice %arg17[%dma_start3A_426, %dma_start3A_427] : memref<10000x64xf32, #tpu.memory_space<vmem_shared>> -> memref<10000x64xf32, #tpu.memory_space<vmem_shared>>
        tpu.enqueue_indirect_dma source(%dma_start3A_428 : memref<10000x64xf32, #tpu.memory_space<vmem_shared>>) target(%arg16 : memref<64x64xf32, #tpu.memory_space<vmem>>) offsets(%dma_start3A_425 : memref<64xi32, #tpu.memory_space<vmem>>) semaphore(%arg26 : memref<!tpu.dma_semaphore, #tpu.memory_space<semaphore_mem>>)
      } else {
      }
      %mul3A_325 = arith.constant 8 : i32
      %mul3A_326 = arith.muli %mul3A_325, %scan3A_235 : i32
      %add3A_327 = arith.constant 4 : i32
      %add3A_328 = arith.addi %mul3A_326, %add3A_327 : i32
      %dma_wait3A_329 = arith.constant 0 : i32
      %dma_wait3A_330 = tpu.memref_slice %arg7[%add3A_328, %dma_wait3A_329] : memref<80x64xi32, #tpu.memory_space<vmem>> -> memref<1x64xi32, #tpu.memory_space<vmem>>
      %dma_wait3A_331 = tpu.memref_squeeze %dma_wait3A_330 : memref<1x64xi32, #tpu.memory_space<vmem>> -> memref<64xi32, #tpu.memory_space<vmem>>
      %dma_wait3A_332 = arith.constant 0 : i32
      %dma_wait3A_333 = arith.constant 0 : i32
      %dma_wait3A_334 = tpu.memref_slice %arg17[%dma_wait3A_332, %dma_wait3A_333] : memref<10000x64xf32, #tpu.memory_space<vmem_shared>> -> memref<10000x64xf32, #tpu.memory_space<vmem_shared>>
      tpu.wait_indirect_dma semaphore(%arg23 : memref<!tpu.dma_semaphore, #tpu.memory_space<semaphore_mem>>) src(%dma_wait3A_334 : memref<10000x64xf32, #tpu.memory_space<vmem_shared>>) dst(%arg13 : memref<64x64xf32, #tpu.memory_space<vmem>>)
      %dma_start3A_335 = arith.constant 0 : i32
      %dma_start3A_336 = tpu.memref_slice %arg8[%add3A_328, %dma_start3A_335] : memref<80x64xi32, #tpu.memory_space<vmem>> -> memref<1x64xi32, #tpu.memory_space<vmem>>
      %dma_start3A_337 = tpu.memref_squeeze %dma_start3A_336 : memref<1x64xi32, #tpu.memory_space<vmem>> -> memref<64xi32, #tpu.memory_space<vmem>>
      %dma_start3A_338 = arith.constant 0 : i32
      %dma_start3A_339 = arith.constant 0 : i32
      %dma_start3A_340 = tpu.memref_slice %arg18[%dma_start3A_338, %dma_start3A_339] : memref<10240x64xf32, #tpu.memory_space<vmem_shared>> -> memref<10240x64xf32, #tpu.memory_space<vmem_shared>>
      tpu.enqueue_indirect_dma source(%arg13 : memref<64x64xf32, #tpu.memory_space<vmem>>) target(%dma_start3A_340 : memref<10240x64xf32, #tpu.memory_space<vmem_shared>>) offsets(%dma_start3A_337 : memref<64xi32, #tpu.memory_space<vmem>>) semaphore(%arg31 : memref<!tpu.dma_semaphore, #tpu.memory_space<semaphore_mem>>) {add = true}
      %add3A_341 = arith.constant 4 : i32
      %add3A_342 = arith.addi %add3A_328, %add3A_341 : i32
      %lt3A_343 = arith.constant 80 : i32
      %lt3A_344 = arith.cmpi slt, %add3A_342, %lt3A_343 : i32
      %convert_element_type3A_345 = arith.extui %lt3A_344 : i1 to i32
      %cond3A_346 = arith.constant 0 : i32
      %cond3A_347 = arith.cmpi ne, %convert_element_type3A_345, %cond3A_346 : i32
      scf.if %cond3A_347 {
        %ge3A = arith.constant 4 : i32
        %ge3A_417 = arith.cmpi sge, %add3A_328, %ge3A : i32
        %convert_element_type3A_418 = arith.extui %ge3A_417 : i1 to i32
        %cond3A_419 = arith.constant 0 : i32
        %cond3A_420 = arith.cmpi ne, %convert_element_type3A_418, %cond3A_419 : i32
        scf.if %cond3A_420 {
          %sub3A = arith.constant 4 : i32
          %sub3A_429 = arith.subi %add3A_328, %sub3A : i32
          %dma_wait3A_430 = arith.constant 0 : i32
          %dma_wait3A_431 = tpu.memref_slice %arg8[%sub3A_429, %dma_wait3A_430] : memref<80x64xi32, #tpu.memory_space<vmem>> -> memref<1x64xi32, #tpu.memory_space<vmem>>
          %dma_wait3A_432 = tpu.memref_squeeze %dma_wait3A_431 : memref<1x64xi32, #tpu.memory_space<vmem>> -> memref<64xi32, #tpu.memory_space<vmem>>
          %dma_wait3A_433 = arith.constant 0 : i32
          %dma_wait3A_434 = arith.constant 0 : i32
          %dma_wait3A_435 = tpu.memref_slice %arg18[%dma_wait3A_433, %dma_wait3A_434] : memref<10240x64xf32, #tpu.memory_space<vmem_shared>> -> memref<10240x64xf32, #tpu.memory_space<vmem_shared>>
          tpu.wait_indirect_dma semaphore(%arg27 : memref<!tpu.dma_semaphore, #tpu.memory_space<semaphore_mem>>) src(%arg9 : memref<64x64xf32, #tpu.memory_space<vmem>>) dst(%dma_wait3A_435 : memref<10240x64xf32, #tpu.memory_space<vmem_shared>>)
        } else {
        }
        %add3A_421 = arith.constant 4 : i32
        %add3A_422 = arith.addi %add3A_328, %add3A_421 : i32
        %dma_start3A_423 = arith.constant 0 : i32
        %dma_start3A_424 = tpu.memref_slice %arg7[%add3A_422, %dma_start3A_423] : memref<80x64xi32, #tpu.memory_space<vmem>> -> memref<1x64xi32, #tpu.memory_space<vmem>>
        %dma_start3A_425 = tpu.memref_squeeze %dma_start3A_424 : memref<1x64xi32, #tpu.memory_space<vmem>> -> memref<64xi32, #tpu.memory_space<vmem>>
        %dma_start3A_426 = arith.constant 0 : i32
        %dma_start3A_427 = arith.constant 0 : i32
        %dma_start3A_428 = tpu.memref_slice %arg17[%dma_start3A_426, %dma_start3A_427] : memref<10000x64xf32, #tpu.memory_space<vmem_shared>> -> memref<10000x64xf32, #tpu.memory_space<vmem_shared>>
        tpu.enqueue_indirect_dma source(%dma_start3A_428 : memref<10000x64xf32, #tpu.memory_space<vmem_shared>>) target(%arg9 : memref<64x64xf32, #tpu.memory_space<vmem>>) offsets(%dma_start3A_425 : memref<64xi32, #tpu.memory_space<vmem>>) semaphore(%arg19 : memref<!tpu.dma_semaphore, #tpu.memory_space<semaphore_mem>>)
      } else {
      }
      %mul3A_348 = arith.constant 8 : i32
      %mul3A_349 = arith.muli %mul3A_348, %scan3A_235 : i32
      %add3A_350 = arith.constant 5 : i32
      %add3A_351 = arith.addi %mul3A_349, %add3A_350 : i32
      %dma_wait3A_352 = arith.constant 0 : i32
      %dma_wait3A_353 = tpu.memref_slice %arg7[%add3A_351, %dma_wait3A_352] : memref<80x64xi32, #tpu.memory_space<vmem>> -> memref<1x64xi32, #tpu.memory_space<vmem>>
      %dma_wait3A_354 = tpu.memref_squeeze %dma_wait3A_353 : memref<1x64xi32, #tpu.memory_space<vmem>> -> memref<64xi32, #tpu.memory_space<vmem>>
      %dma_wait3A_355 = arith.constant 0 : i32
      %dma_wait3A_356 = arith.constant 0 : i32
      %dma_wait3A_357 = tpu.memref_slice %arg17[%dma_wait3A_355, %dma_wait3A_356] : memref<10000x64xf32, #tpu.memory_space<vmem_shared>> -> memref<10000x64xf32, #tpu.memory_space<vmem_shared>>
      tpu.wait_indirect_dma semaphore(%arg24 : memref<!tpu.dma_semaphore, #tpu.memory_space<semaphore_mem>>) src(%dma_wait3A_357 : memref<10000x64xf32, #tpu.memory_space<vmem_shared>>) dst(%arg14 : memref<64x64xf32, #tpu.memory_space<vmem>>)
      %dma_start3A_358 = arith.constant 0 : i32
      %dma_start3A_359 = tpu.memref_slice %arg8[%add3A_351, %dma_start3A_358] : memref<80x64xi32, #tpu.memory_space<vmem>> -> memref<1x64xi32, #tpu.memory_space<vmem>>
      %dma_start3A_360 = tpu.memref_squeeze %dma_start3A_359 : memref<1x64xi32, #tpu.memory_space<vmem>> -> memref<64xi32, #tpu.memory_space<vmem>>
      %dma_start3A_361 = arith.constant 0 : i32
      %dma_start3A_362 = arith.constant 0 : i32
      %dma_start3A_363 = tpu.memref_slice %arg18[%dma_start3A_361, %dma_start3A_362] : memref<10240x64xf32, #tpu.memory_space<vmem_shared>> -> memref<10240x64xf32, #tpu.memory_space<vmem_shared>>
      tpu.enqueue_indirect_dma source(%arg14 : memref<64x64xf32, #tpu.memory_space<vmem>>) target(%dma_start3A_363 : memref<10240x64xf32, #tpu.memory_space<vmem_shared>>) offsets(%dma_start3A_360 : memref<64xi32, #tpu.memory_space<vmem>>) semaphore(%arg32 : memref<!tpu.dma_semaphore, #tpu.memory_space<semaphore_mem>>) {add = true}
      %add3A_364 = arith.constant 4 : i32
      %add3A_365 = arith.addi %add3A_351, %add3A_364 : i32
      %lt3A_366 = arith.constant 80 : i32
      %lt3A_367 = arith.cmpi slt, %add3A_365, %lt3A_366 : i32
      %convert_element_type3A_368 = arith.extui %lt3A_367 : i1 to i32
      %cond3A_369 = arith.constant 0 : i32
      %cond3A_370 = arith.cmpi ne, %convert_element_type3A_368, %cond3A_369 : i32
      scf.if %cond3A_370 {
        %ge3A = arith.constant 4 : i32
        %ge3A_417 = arith.cmpi sge, %add3A_351, %ge3A : i32
        %convert_element_type3A_418 = arith.extui %ge3A_417 : i1 to i32
        %cond3A_419 = arith.constant 0 : i32
        %cond3A_420 = arith.cmpi ne, %convert_element_type3A_418, %cond3A_419 : i32
        scf.if %cond3A_420 {
          %sub3A = arith.constant 4 : i32
          %sub3A_429 = arith.subi %add3A_351, %sub3A : i32
          %dma_wait3A_430 = arith.constant 0 : i32
          %dma_wait3A_431 = tpu.memref_slice %arg8[%sub3A_429, %dma_wait3A_430] : memref<80x64xi32, #tpu.memory_space<vmem>> -> memref<1x64xi32, #tpu.memory_space<vmem>>
          %dma_wait3A_432 = tpu.memref_squeeze %dma_wait3A_431 : memref<1x64xi32, #tpu.memory_space<vmem>> -> memref<64xi32, #tpu.memory_space<vmem>>
          %dma_wait3A_433 = arith.constant 0 : i32
          %dma_wait3A_434 = arith.constant 0 : i32
          %dma_wait3A_435 = tpu.memref_slice %arg18[%dma_wait3A_433, %dma_wait3A_434] : memref<10240x64xf32, #tpu.memory_space<vmem_shared>> -> memref<10240x64xf32, #tpu.memory_space<vmem_shared>>
          tpu.wait_indirect_dma semaphore(%arg28 : memref<!tpu.dma_semaphore, #tpu.memory_space<semaphore_mem>>) src(%arg10 : memref<64x64xf32, #tpu.memory_space<vmem>>) dst(%dma_wait3A_435 : memref<10240x64xf32, #tpu.memory_space<vmem_shared>>)
        } else {
        }
        %add3A_421 = arith.constant 4 : i32
        %add3A_422 = arith.addi %add3A_351, %add3A_421 : i32
        %dma_start3A_423 = arith.constant 0 : i32
        %dma_start3A_424 = tpu.memref_slice %arg7[%add3A_422, %dma_start3A_423] : memref<80x64xi32, #tpu.memory_space<vmem>> -> memref<1x64xi32, #tpu.memory_space<vmem>>
        %dma_start3A_425 = tpu.memref_squeeze %dma_start3A_424 : memref<1x64xi32, #tpu.memory_space<vmem>> -> memref<64xi32, #tpu.memory_space<vmem>>
        %dma_start3A_426 = arith.constant 0 : i32
        %dma_start3A_427 = arith.constant 0 : i32
        %dma_start3A_428 = tpu.memref_slice %arg17[%dma_start3A_426, %dma_start3A_427] : memref<10000x64xf32, #tpu.memory_space<vmem_shared>> -> memref<10000x64xf32, #tpu.memory_space<vmem_shared>>
        tpu.enqueue_indirect_dma source(%dma_start3A_428 : memref<10000x64xf32, #tpu.memory_space<vmem_shared>>) target(%arg10 : memref<64x64xf32, #tpu.memory_space<vmem>>) offsets(%dma_start3A_425 : memref<64xi32, #tpu.memory_space<vmem>>) semaphore(%arg20 : memref<!tpu.dma_semaphore, #tpu.memory_space<semaphore_mem>>)
      } else {
      }
      %mul3A_371 = arith.constant 8 : i32
      %mul3A_372 = arith.muli %mul3A_371, %scan3A_235 : i32
      %add3A_373 = arith.constant 6 : i32
      %add3A_374 = arith.addi %mul3A_372, %add3A_373 : i32
      %dma_wait3A_375 = arith.constant 0 : i32
      %dma_wait3A_376 = tpu.memref_slice %arg7[%add3A_374, %dma_wait3A_375] : memref<80x64xi32, #tpu.memory_space<vmem>> -> memref<1x64xi32, #tpu.memory_space<vmem>>
      %dma_wait3A_377 = tpu.memref_squeeze %dma_wait3A_376 : memref<1x64xi32, #tpu.memory_space<vmem>> -> memref<64xi32, #tpu.memory_space<vmem>>
      %dma_wait3A_378 = arith.constant 0 : i32
      %dma_wait3A_379 = arith.constant 0 : i32
      %dma_wait3A_380 = tpu.memref_slice %arg17[%dma_wait3A_378, %dma_wait3A_379] : memref<10000x64xf32, #tpu.memory_space<vmem_shared>> -> memref<10000x64xf32, #tpu.memory_space<vmem_shared>>
      tpu.wait_indirect_dma semaphore(%arg25 : memref<!tpu.dma_semaphore, #tpu.memory_space<semaphore_mem>>) src(%dma_wait3A_380 : memref<10000x64xf32, #tpu.memory_space<vmem_shared>>) dst(%arg15 : memref<64x64xf32, #tpu.memory_space<vmem>>)
      %dma_start3A_381 = arith.constant 0 : i32
      %dma_start3A_382 = tpu.memref_slice %arg8[%add3A_374, %dma_start3A_381] : memref<80x64xi32, #tpu.memory_space<vmem>> -> memref<1x64xi32, #tpu.memory_space<vmem>>
      %dma_start3A_383 = tpu.memref_squeeze %dma_start3A_382 : memref<1x64xi32, #tpu.memory_space<vmem>> -> memref<64xi32, #tpu.memory_space<vmem>>
      %dma_start3A_384 = arith.constant 0 : i32
      %dma_start3A_385 = arith.constant 0 : i32
      %dma_start3A_386 = tpu.memref_slice %arg18[%dma_start3A_384, %dma_start3A_385] : memref<10240x64xf32, #tpu.memory_space<vmem_shared>> -> memref<10240x64xf32, #tpu.memory_space<vmem_shared>>
      tpu.enqueue_indirect_dma source(%arg15 : memref<64x64xf32, #tpu.memory_space<vmem>>) target(%dma_start3A_386 : memref<10240x64xf32, #tpu.memory_space<vmem_shared>>) offsets(%dma_start3A_383 : memref<64xi32, #tpu.memory_space<vmem>>) semaphore(%arg33 : memref<!tpu.dma_semaphore, #tpu.memory_space<semaphore_mem>>) {add = true}
      %add3A_387 = arith.constant 4 : i32
      %add3A_388 = arith.addi %add3A_374, %add3A_387 : i32
      %lt3A_389 = arith.constant 80 : i32
      %lt3A_390 = arith.cmpi slt, %add3A_388, %lt3A_389 : i32
      %convert_element_type3A_391 = arith.extui %lt3A_390 : i1 to i32
      %cond3A_392 = arith.constant 0 : i32
      %cond3A_393 = arith.cmpi ne, %convert_element_type3A_391, %cond3A_392 : i32
      scf.if %cond3A_393 {
        %ge3A = arith.constant 4 : i32
        %ge3A_417 = arith.cmpi sge, %add3A_374, %ge3A : i32
        %convert_element_type3A_418 = arith.extui %ge3A_417 : i1 to i32
        %cond3A_419 = arith.constant 0 : i32
        %cond3A_420 = arith.cmpi ne, %convert_element_type3A_418, %cond3A_419 : i32
        scf.if %cond3A_420 {
          %sub3A = arith.constant 4 : i32
          %sub3A_429 = arith.subi %add3A_374, %sub3A : i32
          %dma_wait3A_430 = arith.constant 0 : i32
          %dma_wait3A_431 = tpu.memref_slice %arg8[%sub3A_429, %dma_wait3A_430] : memref<80x64xi32, #tpu.memory_space<vmem>> -> memref<1x64xi32, #tpu.memory_space<vmem>>
          %dma_wait3A_432 = tpu.memref_squeeze %dma_wait3A_431 : memref<1x64xi32, #tpu.memory_space<vmem>> -> memref<64xi32, #tpu.memory_space<vmem>>
          %dma_wait3A_433 = arith.constant 0 : i32
          %dma_wait3A_434 = arith.constant 0 : i32
          %dma_wait3A_435 = tpu.memref_slice %arg18[%dma_wait3A_433, %dma_wait3A_434] : memref<10240x64xf32, #tpu.memory_space<vmem_shared>> -> memref<10240x64xf32, #tpu.memory_space<vmem_shared>>
          tpu.wait_indirect_dma semaphore(%arg29 : memref<!tpu.dma_semaphore, #tpu.memory_space<semaphore_mem>>) src(%arg11 : memref<64x64xf32, #tpu.memory_space<vmem>>) dst(%dma_wait3A_435 : memref<10240x64xf32, #tpu.memory_space<vmem_shared>>)
        } else {
        }
        %add3A_421 = arith.constant 4 : i32
        %add3A_422 = arith.addi %add3A_374, %add3A_421 : i32
        %dma_start3A_423 = arith.constant 0 : i32
        %dma_start3A_424 = tpu.memref_slice %arg7[%add3A_422, %dma_start3A_423] : memref<80x64xi32, #tpu.memory_space<vmem>> -> memref<1x64xi32, #tpu.memory_space<vmem>>
        %dma_start3A_425 = tpu.memref_squeeze %dma_start3A_424 : memref<1x64xi32, #tpu.memory_space<vmem>> -> memref<64xi32, #tpu.memory_space<vmem>>
        %dma_start3A_426 = arith.constant 0 : i32
        %dma_start3A_427 = arith.constant 0 : i32
        %dma_start3A_428 = tpu.memref_slice %arg17[%dma_start3A_426, %dma_start3A_427] : memref<10000x64xf32, #tpu.memory_space<vmem_shared>> -> memref<10000x64xf32, #tpu.memory_space<vmem_shared>>
        tpu.enqueue_indirect_dma source(%dma_start3A_428 : memref<10000x64xf32, #tpu.memory_space<vmem_shared>>) target(%arg11 : memref<64x64xf32, #tpu.memory_space<vmem>>) offsets(%dma_start3A_425 : memref<64xi32, #tpu.memory_space<vmem>>) semaphore(%arg21 : memref<!tpu.dma_semaphore, #tpu.memory_space<semaphore_mem>>)
      } else {
      }
      %mul3A_394 = arith.constant 8 : i32
      %mul3A_395 = arith.muli %mul3A_394, %scan3A_235 : i32
      %add3A_396 = arith.constant 7 : i32
      %add3A_397 = arith.addi %mul3A_395, %add3A_396 : i32
      %dma_wait3A_398 = arith.constant 0 : i32
      %dma_wait3A_399 = tpu.memref_slice %arg7[%add3A_397, %dma_wait3A_398] : memref<80x64xi32, #tpu.memory_space<vmem>> -> memref<1x64xi32, #tpu.memory_space<vmem>>
      %dma_wait3A_400 = tpu.memref_squeeze %dma_wait3A_399 : memref<1x64xi32, #tpu.memory_space<vmem>> -> memref<64xi32, #tpu.memory_space<vmem>>
      %dma_wait3A_401 = arith.constant 0 : i32
      %dma_wait3A_402 = arith.constant 0 : i32
      %dma_wait3A_403 = tpu.memref_slice %arg17[%dma_wait3A_401, %dma_wait3A_402] : memref<10000x64xf32, #tpu.memory_space<vmem_shared>> -> memref<10000x64xf32, #tpu.memory_space<vmem_shared>>
      tpu.wait_indirect_dma semaphore(%arg26 : memref<!tpu.dma_semaphore, #tpu.memory_space<semaphore_mem>>) src(%dma_wait3A_403 : memref<10000x64xf32, #tpu.memory_space<vmem_shared>>) dst(%arg16 : memref<64x64xf32, #tpu.memory_space<vmem>>)
      %dma_start3A_404 = arith.constant 0 : i32
      %dma_start3A_405 = tpu.memref_slice %arg8[%add3A_397, %dma_start3A_404] : memref<80x64xi32, #tpu.memory_space<vmem>> -> memref<1x64xi32, #tpu.memory_space<vmem>>
      %dma_start3A_406 = tpu.memref_squeeze %dma_start3A_405 : memref<1x64xi32, #tpu.memory_space<vmem>> -> memref<64xi32, #tpu.memory_space<vmem>>
      %dma_start3A_407 = arith.constant 0 : i32
      %dma_start3A_408 = arith.constant 0 : i32
      %dma_start3A_409 = tpu.memref_slice %arg18[%dma_start3A_407, %dma_start3A_408] : memref<10240x64xf32, #tpu.memory_space<vmem_shared>> -> memref<10240x64xf32, #tpu.memory_space<vmem_shared>>
      tpu.enqueue_indirect_dma source(%arg16 : memref<64x64xf32, #tpu.memory_space<vmem>>) target(%dma_start3A_409 : memref<10240x64xf32, #tpu.memory_space<vmem_shared>>) offsets(%dma_start3A_406 : memref<64xi32, #tpu.memory_space<vmem>>) semaphore(%arg34 : memref<!tpu.dma_semaphore, #tpu.memory_space<semaphore_mem>>) {add = true}
      %add3A_410 = arith.constant 4 : i32
      %add3A_411 = arith.addi %add3A_397, %add3A_410 : i32
      %lt3A_412 = arith.constant 80 : i32
      %lt3A_413 = arith.cmpi slt, %add3A_411, %lt3A_412 : i32
      %convert_element_type3A_414 = arith.extui %lt3A_413 : i1 to i32
      %cond3A_415 = arith.constant 0 : i32
      %cond3A_416 = arith.cmpi ne, %convert_element_type3A_414, %cond3A_415 : i32
      scf.if %cond3A_416 {
        %ge3A = arith.constant 4 : i32
        %ge3A_417 = arith.cmpi sge, %add3A_397, %ge3A : i32
        %convert_element_type3A_418 = arith.extui %ge3A_417 : i1 to i32
        %cond3A_419 = arith.constant 0 : i32
        %cond3A_420 = arith.cmpi ne, %convert_element_type3A_418, %cond3A_419 : i32
        scf.if %cond3A_420 {
          %sub3A = arith.constant 4 : i32
          %sub3A_429 = arith.subi %add3A_397, %sub3A : i32
          %dma_wait3A_430 = arith.constant 0 : i32
          %dma_wait3A_431 = tpu.memref_slice %arg8[%sub3A_429, %dma_wait3A_430] : memref<80x64xi32, #tpu.memory_space<vmem>> -> memref<1x64xi32, #tpu.memory_space<vmem>>
          %dma_wait3A_432 = tpu.memref_squeeze %dma_wait3A_431 : memref<1x64xi32, #tpu.memory_space<vmem>> -> memref<64xi32, #tpu.memory_space<vmem>>
          %dma_wait3A_433 = arith.constant 0 : i32
          %dma_wait3A_434 = arith.constant 0 : i32
          %dma_wait3A_435 = tpu.memref_slice %arg18[%dma_wait3A_433, %dma_wait3A_434] : memref<10240x64xf32, #tpu.memory_space<vmem_shared>> -> memref<10240x64xf32, #tpu.memory_space<vmem_shared>>
          tpu.wait_indirect_dma semaphore(%arg30 : memref<!tpu.dma_semaphore, #tpu.memory_space<semaphore_mem>>) src(%arg12 : memref<64x64xf32, #tpu.memory_space<vmem>>) dst(%dma_wait3A_435 : memref<10240x64xf32, #tpu.memory_space<vmem_shared>>)
        } else {
        }
        %add3A_421 = arith.constant 4 : i32
        %add3A_422 = arith.addi %add3A_397, %add3A_421 : i32
        %dma_start3A_423 = arith.constant 0 : i32
        %dma_start3A_424 = tpu.memref_slice %arg7[%add3A_422, %dma_start3A_423] : memref<80x64xi32, #tpu.memory_space<vmem>> -> memref<1x64xi32, #tpu.memory_space<vmem>>
        %dma_start3A_425 = tpu.memref_squeeze %dma_start3A_424 : memref<1x64xi32, #tpu.memory_space<vmem>> -> memref<64xi32, #tpu.memory_space<vmem>>
        %dma_start3A_426 = arith.constant 0 : i32
        %dma_start3A_427 = arith.constant 0 : i32
        %dma_start3A_428 = tpu.memref_slice %arg17[%dma_start3A_426, %dma_start3A_427] : memref<10000x64xf32, #tpu.memory_space<vmem_shared>> -> memref<10000x64xf32, #tpu.memory_space<vmem_shared>>
        tpu.enqueue_indirect_dma source(%dma_start3A_428 : memref<10000x64xf32, #tpu.memory_space<vmem_shared>>) target(%arg12 : memref<64x64xf32, #tpu.memory_space<vmem>>) offsets(%dma_start3A_425 : memref<64xi32, #tpu.memory_space<vmem>>) semaphore(%arg22 : memref<!tpu.dma_semaphore, #tpu.memory_space<semaphore_mem>>)
      } else {
      }
    }
    %scan3A_84 = arith.constant 10 : i32
    %dma_wait3A_85 = arith.constant 72 : i32
    %dma_wait3A_86 = arith.constant 0 : i32
    %dma_wait3A_87 = tpu.memref_slice %arg8[%dma_wait3A_85, %dma_wait3A_86] : memref<80x64xi32, #tpu.memory_space<vmem>> -> memref<1x64xi32, #tpu.memory_space<vmem>>
    %dma_wait3A_88 = tpu.memref_squeeze %dma_wait3A_87 : memref<1x64xi32, #tpu.memory_space<vmem>> -> memref<64xi32, #tpu.memory_space<vmem>>
    %dma_wait3A_89 = arith.constant 0 : i32
    %dma_wait3A_90 = arith.constant 0 : i32
    %dma_wait3A_91 = tpu.memref_slice %arg18[%dma_wait3A_89, %dma_wait3A_90] : memref<10240x64xf32, #tpu.memory_space<vmem_shared>> -> memref<10240x64xf32, #tpu.memory_space<vmem_shared>>
    tpu.wait_indirect_dma semaphore(%arg27 : memref<!tpu.dma_semaphore, #tpu.memory_space<semaphore_mem>>) src(%arg9 : memref<64x64xf32, #tpu.memory_space<vmem>>) dst(%dma_wait3A_91 : memref<10240x64xf32, #tpu.memory_space<vmem_shared>>)
    %dma_wait3A_92 = arith.constant 73 : i32
    %dma_wait3A_93 = arith.constant 0 : i32
    %dma_wait3A_94 = tpu.memref_slice %arg8[%dma_wait3A_92, %dma_wait3A_93] : memref<80x64xi32, #tpu.memory_space<vmem>> -> memref<1x64xi32, #tpu.memory_space<vmem>>
    %dma_wait3A_95 = tpu.memref_squeeze %dma_wait3A_94 : memref<1x64xi32, #tpu.memory_space<vmem>> -> memref<64xi32, #tpu.memory_space<vmem>>
    %dma_wait3A_96 = arith.constant 0 : i32
    %dma_wait3A_97 = arith.constant 0 : i32
    %dma_wait3A_98 = tpu.memref_slice %arg18[%dma_wait3A_96, %dma_wait3A_97] : memref<10240x64xf32, #tpu.memory_space<vmem_shared>> -> memref<10240x64xf32, #tpu.memory_space<vmem_shared>>
    tpu.wait_indirect_dma semaphore(%arg28 : memref<!tpu.dma_semaphore, #tpu.memory_space<semaphore_mem>>) src(%arg10 : memref<64x64xf32, #tpu.memory_space<vmem>>) dst(%dma_wait3A_98 : memref<10240x64xf32, #tpu.memory_space<vmem_shared>>)
    %dma_wait3A_99 = arith.constant 74 : i32
    %dma_wait3A_100 = arith.constant 0 : i32
    %dma_wait3A_101 = tpu.memref_slice %arg8[%dma_wait3A_99, %dma_wait3A_100] : memref<80x64xi32, #tpu.memory_space<vmem>> -> memref<1x64xi32, #tpu.memory_space<vmem>>
    %dma_wait3A_102 = tpu.memref_squeeze %dma_wait3A_101 : memref<1x64xi32, #tpu.memory_space<vmem>> -> memref<64xi32, #tpu.memory_space<vmem>>
    %dma_wait3A_103 = arith.constant 0 : i32
    %dma_wait3A_104 = arith.constant 0 : i32
    %dma_wait3A_105 = tpu.memref_slice %arg18[%dma_wait3A_103, %dma_wait3A_104] : memref<10240x64xf32, #tpu.memory_space<vmem_shared>> -> memref<10240x64xf32, #tpu.memory_space<vmem_shared>>
    tpu.wait_indirect_dma semaphore(%arg29 : memref<!tpu.dma_semaphore, #tpu.memory_space<semaphore_mem>>) src(%arg11 : memref<64x64xf32, #tpu.memory_space<vmem>>) dst(%dma_wait3A_105 : memref<10240x64xf32, #tpu.memory_space<vmem_shared>>)
    %dma_wait3A_106 = arith.constant 75 : i32
    %dma_wait3A_107 = arith.constant 0 : i32
    %dma_wait3A_108 = tpu.memref_slice %arg8[%dma_wait3A_106, %dma_wait3A_107] : memref<80x64xi32, #tpu.memory_space<vmem>> -> memref<1x64xi32, #tpu.memory_space<vmem>>
    %dma_wait3A_109 = tpu.memref_squeeze %dma_wait3A_108 : memref<1x64xi32, #tpu.memory_space<vmem>> -> memref<64xi32, #tpu.memory_space<vmem>>
    %dma_wait3A_110 = arith.constant 0 : i32
    %dma_wait3A_111 = arith.constant 0 : i32
    %dma_wait3A_112 = tpu.memref_slice %arg18[%dma_wait3A_110, %dma_wait3A_111] : memref<10240x64xf32, #tpu.memory_space<vmem_shared>> -> memref<10240x64xf32, #tpu.memory_space<vmem_shared>>
    tpu.wait_indirect_dma semaphore(%arg30 : memref<!tpu.dma_semaphore, #tpu.memory_space<semaphore_mem>>) src(%arg12 : memref<64x64xf32, #tpu.memory_space<vmem>>) dst(%dma_wait3A_112 : memref<10240x64xf32, #tpu.memory_space<vmem_shared>>)
    %dma_wait3A_113 = arith.constant 76 : i32
    %dma_wait3A_114 = arith.constant 0 : i32
    %dma_wait3A_115 = tpu.memref_slice %arg8[%dma_wait3A_113, %dma_wait3A_114] : memref<80x64xi32, #tpu.memory_space<vmem>> -> memref<1x64xi32, #tpu.memory_space<vmem>>
    %dma_wait3A_116 = tpu.memref_squeeze %dma_wait3A_115 : memref<1x64xi32, #tpu.memory_space<vmem>> -> memref<64xi32, #tpu.memory_space<vmem>>
    %dma_wait3A_117 = arith.constant 0 : i32
    %dma_wait3A_118 = arith.constant 0 : i32
    %dma_wait3A_119 = tpu.memref_slice %arg18[%dma_wait3A_117, %dma_wait3A_118] : memref<10240x64xf32, #tpu.memory_space<vmem_shared>> -> memref<10240x64xf32, #tpu.memory_space<vmem_shared>>
    tpu.wait_indirect_dma semaphore(%arg31 : memref<!tpu.dma_semaphore, #tpu.memory_space<semaphore_mem>>) src(%arg13 : memref<64x64xf32, #tpu.memory_space<vmem>>) dst(%dma_wait3A_119 : memref<10240x64xf32, #tpu.memory_space<vmem_shared>>)
    %dma_wait3A_120 = arith.constant 77 : i32
    %dma_wait3A_121 = arith.constant 0 : i32
    %dma_wait3A_122 = tpu.memref_slice %arg8[%dma_wait3A_120, %dma_wait3A_121] : memref<80x64xi32, #tpu.memory_space<vmem>> -> memref<1x64xi32, #tpu.memory_space<vmem>>
    %dma_wait3A_123 = tpu.memref_squeeze %dma_wait3A_122 : memref<1x64xi32, #tpu.memory_space<vmem>> -> memref<64xi32, #tpu.memory_space<vmem>>
    %dma_wait3A_124 = arith.constant 0 : i32
    %dma_wait3A_125 = arith.constant 0 : i32
    %dma_wait3A_126 = tpu.memref_slice %arg18[%dma_wait3A_124, %dma_wait3A_125] : memref<10240x64xf32, #tpu.memory_space<vmem_shared>> -> memref<10240x64xf32, #tpu.memory_space<vmem_shared>>
    tpu.wait_indirect_dma semaphore(%arg32 : memref<!tpu.dma_semaphore, #tpu.memory_space<semaphore_mem>>) src(%arg14 : memref<64x64xf32, #tpu.memory_space<vmem>>) dst(%dma_wait3A_126 : memref<10240x64xf32, #tpu.memory_space<vmem_shared>>)
    %dma_wait3A_127 = arith.constant 78 : i32
    %dma_wait3A_128 = arith.constant 0 : i32
    %dma_wait3A_129 = tpu.memref_slice %arg8[%dma_wait3A_127, %dma_wait3A_128] : memref<80x64xi32, #tpu.memory_space<vmem>> -> memref<1x64xi32, #tpu.memory_space<vmem>>
    %dma_wait3A_130 = tpu.memref_squeeze %dma_wait3A_129 : memref<1x64xi32, #tpu.memory_space<vmem>> -> memref<64xi32, #tpu.memory_space<vmem>>
    %dma_wait3A_131 = arith.constant 0 : i32
    %dma_wait3A_132 = arith.constant 0 : i32
    %dma_wait3A_133 = tpu.memref_slice %arg18[%dma_wait3A_131, %dma_wait3A_132] : memref<10240x64xf32, #tpu.memory_space<vmem_shared>> -> memref<10240x64xf32, #tpu.memory_space<vmem_shared>>
    tpu.wait_indirect_dma semaphore(%arg33 : memref<!tpu.dma_semaphore, #tpu.memory_space<semaphore_mem>>) src(%arg15 : memref<64x64xf32, #tpu.memory_space<vmem>>) dst(%dma_wait3A_133 : memref<10240x64xf32, #tpu.memory_space<vmem_shared>>)
    %dma_wait3A_134 = arith.constant 79 : i32
    %dma_wait3A_135 = arith.constant 0 : i32
    %dma_wait3A_136 = tpu.memref_slice %arg8[%dma_wait3A_134, %dma_wait3A_135] : memref<80x64xi32, #tpu.memory_space<vmem>> -> memref<1x64xi32, #tpu.memory_space<vmem>>
    %dma_wait3A_137 = tpu.memref_squeeze %dma_wait3A_136 : memref<1x64xi32, #tpu.memory_space<vmem>> -> memref<64xi32, #tpu.memory_space<vmem>>
    %dma_wait3A_138 = arith.constant 0 : i32
    %dma_wait3A_139 = arith.constant 0 : i32
    %dma_wait3A_140 = tpu.memref_slice %arg18[%dma_wait3A_138, %dma_wait3A_139] : memref<10240x64xf32, #tpu.memory_space<vmem_shared>> -> memref<10240x64xf32, #tpu.memory_space<vmem_shared>>
    tpu.wait_indirect_dma semaphore(%arg34 : memref<!tpu.dma_semaphore, #tpu.memory_space<semaphore_mem>>) src(%arg16 : memref<64x64xf32, #tpu.memory_space<vmem>>) dst(%dma_wait3A_140 : memref<10240x64xf32, #tpu.memory_space<vmem_shared>>)
    "tpu.region"() ({
      %run_scoped3A = tpu.sem_alloc : memref<!tpu.dma_semaphore, #tpu.memory_space<semaphore_mem>>
      %dma_start3A_235 = arith.constant 80 : i32
      %dma_start3A_236 = arith.constant 0 : i32
      %dma_start3A_237 = tpu.memref_slice %arg3[%add3A, %dma_start3A_235, %dma_start3A_236] : memref<32x160x64xi32, #tpu.memory_space<hbm>> -> memref<1x80x64xi32, #tpu.memory_space<hbm>>
      %dma_start3A_238 = tpu.memref_squeeze %dma_start3A_237 : memref<1x80x64xi32, #tpu.memory_space<hbm>> -> memref<80x64xi32, #tpu.memory_space<hbm>>
      %dma_start3A_239 = arith.constant 80 : i32
      %dma_start3A_240 = arith.constant 0 : i32
      %dma_start3A_241 = tpu.memref_slice %arg3[%add3A, %dma_start3A_239, %dma_start3A_240] : memref<32x160x64xi32, #tpu.memory_space<hbm>> -> memref<1x80x64xi32, #tpu.memory_space<hbm>>
      %dma_start3A_242 = tpu.memref_squeeze %dma_start3A_241 : memref<1x80x64xi32, #tpu.memory_space<hbm>> -> memref<80x64xi32, #tpu.memory_space<hbm>>
      tpu.enqueue_dma source(%dma_start3A_242 : memref<80x64xi32, #tpu.memory_space<hbm>>) target(%arg7 : memref<80x64xi32, #tpu.memory_space<vmem>>) target_semaphore(%run_scoped3A : memref<!tpu.dma_semaphore, #tpu.memory_space<semaphore_mem>>)
      %dma_wait3A_243 = arith.constant 80 : i32
      %dma_wait3A_244 = arith.constant 0 : i32
      %dma_wait3A_245 = tpu.memref_slice %arg3[%add3A, %dma_wait3A_243, %dma_wait3A_244] : memref<32x160x64xi32, #tpu.memory_space<hbm>> -> memref<1x80x64xi32, #tpu.memory_space<hbm>>
      %dma_wait3A_246 = tpu.memref_squeeze %dma_wait3A_245 : memref<1x80x64xi32, #tpu.memory_space<hbm>> -> memref<80x64xi32, #tpu.memory_space<hbm>>
      %dma_wait3A_247 = arith.constant 80 : i32
      %dma_wait3A_248 = arith.constant 0 : i32
      %dma_wait3A_249 = tpu.memref_slice %arg3[%add3A, %dma_wait3A_247, %dma_wait3A_248] : memref<32x160x64xi32, #tpu.memory_space<hbm>> -> memref<1x80x64xi32, #tpu.memory_space<hbm>>
      %dma_wait3A_250 = tpu.memref_squeeze %dma_wait3A_249 : memref<1x80x64xi32, #tpu.memory_space<hbm>> -> memref<80x64xi32, #tpu.memory_space<hbm>>
      tpu.wait_dma2 semaphore(%run_scoped3A : memref<!tpu.dma_semaphore, #tpu.memory_space<semaphore_mem>>) src(%dma_wait3A_250 : memref<80x64xi32, #tpu.memory_space<hbm>>) dst(%arg7 : memref<80x64xi32, #tpu.memory_space<vmem>>)
      tpu.yield
    }) : () -> ()
    "tpu.region"() ({
      %run_scoped3A = tpu.sem_alloc : memref<!tpu.dma_semaphore, #tpu.memory_space<semaphore_mem>>
      %dma_start3A_235 = arith.constant 80 : i32
      %dma_start3A_236 = arith.constant 0 : i32
      %dma_start3A_237 = tpu.memref_slice %arg4[%add3A, %dma_start3A_235, %dma_start3A_236] : memref<32x160x64xi32, #tpu.memory_space<hbm>> -> memref<1x80x64xi32, #tpu.memory_space<hbm>>
      %dma_start3A_238 = tpu.memref_squeeze %dma_start3A_237 : memref<1x80x64xi32, #tpu.memory_space<hbm>> -> memref<80x64xi32, #tpu.memory_space<hbm>>
      %dma_start3A_239 = arith.constant 80 : i32
      %dma_start3A_240 = arith.constant 0 : i32
      %dma_start3A_241 = tpu.memref_slice %arg4[%add3A, %dma_start3A_239, %dma_start3A_240] : memref<32x160x64xi32, #tpu.memory_space<hbm>> -> memref<1x80x64xi32, #tpu.memory_space<hbm>>
      %dma_start3A_242 = tpu.memref_squeeze %dma_start3A_241 : memref<1x80x64xi32, #tpu.memory_space<hbm>> -> memref<80x64xi32, #tpu.memory_space<hbm>>
      tpu.enqueue_dma source(%dma_start3A_242 : memref<80x64xi32, #tpu.memory_space<hbm>>) target(%arg8 : memref<80x64xi32, #tpu.memory_space<vmem>>) target_semaphore(%run_scoped3A : memref<!tpu.dma_semaphore, #tpu.memory_space<semaphore_mem>>)
      %dma_wait3A_243 = arith.constant 80 : i32
      %dma_wait3A_244 = arith.constant 0 : i32
      %dma_wait3A_245 = tpu.memref_slice %arg4[%add3A, %dma_wait3A_243, %dma_wait3A_244] : memref<32x160x64xi32, #tpu.memory_space<hbm>> -> memref<1x80x64xi32, #tpu.memory_space<hbm>>
      %dma_wait3A_246 = tpu.memref_squeeze %dma_wait3A_245 : memref<1x80x64xi32, #tpu.memory_space<hbm>> -> memref<80x64xi32, #tpu.memory_space<hbm>>
      %dma_wait3A_247 = arith.constant 80 : i32
      %dma_wait3A_248 = arith.constant 0 : i32
      %dma_wait3A_249 = tpu.memref_slice %arg4[%add3A, %dma_wait3A_247, %dma_wait3A_248] : memref<32x160x64xi32, #tpu.memory_space<hbm>> -> memref<1x80x64xi32, #tpu.memory_space<hbm>>
      %dma_wait3A_250 = tpu.memref_squeeze %dma_wait3A_249 : memref<1x80x64xi32, #tpu.memory_space<hbm>> -> memref<80x64xi32, #tpu.memory_space<hbm>>
      tpu.wait_dma2 semaphore(%run_scoped3A : memref<!tpu.dma_semaphore, #tpu.memory_space<semaphore_mem>>) src(%dma_wait3A_250 : memref<80x64xi32, #tpu.memory_space<hbm>>) dst(%arg8 : memref<80x64xi32, #tpu.memory_space<vmem>>)
      tpu.yield
    }) : () -> ()
    %dma_start3A_141 = arith.constant 0 : i32
    %dma_start3A_142 = arith.constant 0 : i32
    %dma_start3A_143 = tpu.memref_slice %arg7[%dma_start3A_141, %dma_start3A_142] : memref<80x64xi32, #tpu.memory_space<vmem>> -> memref<1x64xi32, #tpu.memory_space<vmem>>
    %dma_start3A_144 = tpu.memref_squeeze %dma_start3A_143 : memref<1x64xi32, #tpu.memory_space<vmem>> -> memref<64xi32, #tpu.memory_space<vmem>>
    %dma_start3A_145 = arith.constant 0 : i32
    %dma_start3A_146 = arith.constant 0 : i32
    %dma_start3A_147 = tpu.memref_slice %arg17[%dma_start3A_145, %dma_start3A_146] : memref<10000x64xf32, #tpu.memory_space<vmem_shared>> -> memref<10000x64xf32, #tpu.memory_space<vmem_shared>>
    tpu.enqueue_indirect_dma source(%dma_start3A_147 : memref<10000x64xf32, #tpu.memory_space<vmem_shared>>) target(%arg9 : memref<64x64xf32, #tpu.memory_space<vmem>>) offsets(%dma_start3A_144 : memref<64xi32, #tpu.memory_space<vmem>>) semaphore(%arg19 : memref<!tpu.dma_semaphore, #tpu.memory_space<semaphore_mem>>)
    %dma_start3A_148 = arith.constant 1 : i32
    %dma_start3A_149 = arith.constant 0 : i32
    %dma_start3A_150 = tpu.memref_slice %arg7[%dma_start3A_148, %dma_start3A_149] : memref<80x64xi32, #tpu.memory_space<vmem>> -> memref<1x64xi32, #tpu.memory_space<vmem>>
    %dma_start3A_151 = tpu.memref_squeeze %dma_start3A_150 : memref<1x64xi32, #tpu.memory_space<vmem>> -> memref<64xi32, #tpu.memory_space<vmem>>
    %dma_start3A_152 = arith.constant 0 : i32
    %dma_start3A_153 = arith.constant 0 : i32
    %dma_start3A_154 = tpu.memref_slice %arg17[%dma_start3A_152, %dma_start3A_153] : memref<10000x64xf32, #tpu.memory_space<vmem_shared>> -> memref<10000x64xf32, #tpu.memory_space<vmem_shared>>
    tpu.enqueue_indirect_dma source(%dma_start3A_154 : memref<10000x64xf32, #tpu.memory_space<vmem_shared>>) target(%arg10 : memref<64x64xf32, #tpu.memory_space<vmem>>) offsets(%dma_start3A_151 : memref<64xi32, #tpu.memory_space<vmem>>) semaphore(%arg20 : memref<!tpu.dma_semaphore, #tpu.memory_space<semaphore_mem>>)
    %dma_start3A_155 = arith.constant 2 : i32
    %dma_start3A_156 = arith.constant 0 : i32
    %dma_start3A_157 = tpu.memref_slice %arg7[%dma_start3A_155, %dma_start3A_156] : memref<80x64xi32, #tpu.memory_space<vmem>> -> memref<1x64xi32, #tpu.memory_space<vmem>>
    %dma_start3A_158 = tpu.memref_squeeze %dma_start3A_157 : memref<1x64xi32, #tpu.memory_space<vmem>> -> memref<64xi32, #tpu.memory_space<vmem>>
    %dma_start3A_159 = arith.constant 0 : i32
    %dma_start3A_160 = arith.constant 0 : i32
    %dma_start3A_161 = tpu.memref_slice %arg17[%dma_start3A_159, %dma_start3A_160] : memref<10000x64xf32, #tpu.memory_space<vmem_shared>> -> memref<10000x64xf32, #tpu.memory_space<vmem_shared>>
    tpu.enqueue_indirect_dma source(%dma_start3A_161 : memref<10000x64xf32, #tpu.memory_space<vmem_shared>>) target(%arg11 : memref<64x64xf32, #tpu.memory_space<vmem>>) offsets(%dma_start3A_158 : memref<64xi32, #tpu.memory_space<vmem>>) semaphore(%arg21 : memref<!tpu.dma_semaphore, #tpu.memory_space<semaphore_mem>>)
    %dma_start3A_162 = arith.constant 3 : i32
    %dma_start3A_163 = arith.constant 0 : i32
    %dma_start3A_164 = tpu.memref_slice %arg7[%dma_start3A_162, %dma_start3A_163] : memref<80x64xi32, #tpu.memory_space<vmem>> -> memref<1x64xi32, #tpu.memory_space<vmem>>
    %dma_start3A_165 = tpu.memref_squeeze %dma_start3A_164 : memref<1x64xi32, #tpu.memory_space<vmem>> -> memref<64xi32, #tpu.memory_space<vmem>>
    %dma_start3A_166 = arith.constant 0 : i32
    %dma_start3A_167 = arith.constant 0 : i32
    %dma_start3A_168 = tpu.memref_slice %arg17[%dma_start3A_166, %dma_start3A_167] : memref<10000x64xf32, #tpu.memory_space<vmem_shared>> -> memref<10000x64xf32, #tpu.memory_space<vmem_shared>>
    tpu.enqueue_indirect_dma source(%dma_start3A_168 : memref<10000x64xf32, #tpu.memory_space<vmem_shared>>) target(%arg12 : memref<64x64xf32, #tpu.memory_space<vmem>>) offsets(%dma_start3A_165 : memref<64xi32, #tpu.memory_space<vmem>>) semaphore(%arg22 : memref<!tpu.dma_semaphore, #tpu.memory_space<semaphore_mem>>)
    %scan3A_169 = arith.constant 0 : i32
    %scan3A_170 = arith.constant 0 : i32
    %scan3A_171 = arith.constant 10 : i32
    %scan3A_172 = arith.addi %scan3A_170, %scan3A_171 : i32
    %scan3A_173 = arith.constant 1 : i32
    scf.for %scan3A_235 = %scan3A_170 to %scan3A_172 step %scan3A_173  : i32 {
      %mul3A_236 = arith.constant 8 : i32
      %mul3A_237 = arith.muli %mul3A_236, %scan3A_235 : i32
      %add3A_238 = arith.constant 0 : i32
      %add3A_239 = arith.addi %mul3A_237, %add3A_238 : i32
      %dma_wait3A_240 = arith.constant 0 : i32
      %dma_wait3A_241 = tpu.memref_slice %arg7[%add3A_239, %dma_wait3A_240] : memref<80x64xi32, #tpu.memory_space<vmem>> -> memref<1x64xi32, #tpu.memory_space<vmem>>
      %dma_wait3A_242 = tpu.memref_squeeze %dma_wait3A_241 : memref<1x64xi32, #tpu.memory_space<vmem>> -> memref<64xi32, #tpu.memory_space<vmem>>
      %dma_wait3A_243 = arith.constant 0 : i32
      %dma_wait3A_244 = arith.constant 0 : i32
      %dma_wait3A_245 = tpu.memref_slice %arg17[%dma_wait3A_243, %dma_wait3A_244] : memref<10000x64xf32, #tpu.memory_space<vmem_shared>> -> memref<10000x64xf32, #tpu.memory_space<vmem_shared>>
      tpu.wait_indirect_dma semaphore(%arg19 : memref<!tpu.dma_semaphore, #tpu.memory_space<semaphore_mem>>) src(%dma_wait3A_245 : memref<10000x64xf32, #tpu.memory_space<vmem_shared>>) dst(%arg9 : memref<64x64xf32, #tpu.memory_space<vmem>>)
      %dma_start3A_246 = arith.constant 0 : i32
      %dma_start3A_247 = tpu.memref_slice %arg8[%add3A_239, %dma_start3A_246] : memref<80x64xi32, #tpu.memory_space<vmem>> -> memref<1x64xi32, #tpu.memory_space<vmem>>
      %dma_start3A_248 = tpu.memref_squeeze %dma_start3A_247 : memref<1x64xi32, #tpu.memory_space<vmem>> -> memref<64xi32, #tpu.memory_space<vmem>>
      %dma_start3A_249 = arith.constant 0 : i32
      %dma_start3A_250 = arith.constant 0 : i32
      %dma_start3A_251 = tpu.memref_slice %arg18[%dma_start3A_249, %dma_start3A_250] : memref<10240x64xf32, #tpu.memory_space<vmem_shared>> -> memref<10240x64xf32, #tpu.memory_space<vmem_shared>>
      tpu.enqueue_indirect_dma source(%arg9 : memref<64x64xf32, #tpu.memory_space<vmem>>) target(%dma_start3A_251 : memref<10240x64xf32, #tpu.memory_space<vmem_shared>>) offsets(%dma_start3A_248 : memref<64xi32, #tpu.memory_space<vmem>>) semaphore(%arg27 : memref<!tpu.dma_semaphore, #tpu.memory_space<semaphore_mem>>) {add = true}
      %add3A_252 = arith.constant 4 : i32
      %add3A_253 = arith.addi %add3A_239, %add3A_252 : i32
      %lt3A = arith.constant 80 : i32
      %lt3A_254 = arith.cmpi slt, %add3A_253, %lt3A : i32
      %convert_element_type3A = arith.extui %lt3A_254 : i1 to i32
      %cond3A = arith.constant 0 : i32
      %cond3A_255 = arith.cmpi ne, %convert_element_type3A, %cond3A : i32
      scf.if %cond3A_255 {
        %ge3A = arith.constant 4 : i32
        %ge3A_417 = arith.cmpi sge, %add3A_239, %ge3A : i32
        %convert_element_type3A_418 = arith.extui %ge3A_417 : i1 to i32
        %cond3A_419 = arith.constant 0 : i32
        %cond3A_420 = arith.cmpi ne, %convert_element_type3A_418, %cond3A_419 : i32
        scf.if %cond3A_420 {
          %sub3A = arith.constant 4 : i32
          %sub3A_429 = arith.subi %add3A_239, %sub3A : i32
          %dma_wait3A_430 = arith.constant 0 : i32
          %dma_wait3A_431 = tpu.memref_slice %arg8[%sub3A_429, %dma_wait3A_430] : memref<80x64xi32, #tpu.memory_space<vmem>> -> memref<1x64xi32, #tpu.memory_space<vmem>>
          %dma_wait3A_432 = tpu.memref_squeeze %dma_wait3A_431 : memref<1x64xi32, #tpu.memory_space<vmem>> -> memref<64xi32, #tpu.memory_space<vmem>>
          %dma_wait3A_433 = arith.constant 0 : i32
          %dma_wait3A_434 = arith.constant 0 : i32
          %dma_wait3A_435 = tpu.memref_slice %arg18[%dma_wait3A_433, %dma_wait3A_434] : memref<10240x64xf32, #tpu.memory_space<vmem_shared>> -> memref<10240x64xf32, #tpu.memory_space<vmem_shared>>
          tpu.wait_indirect_dma semaphore(%arg31 : memref<!tpu.dma_semaphore, #tpu.memory_space<semaphore_mem>>) src(%arg13 : memref<64x64xf32, #tpu.memory_space<vmem>>) dst(%dma_wait3A_435 : memref<10240x64xf32, #tpu.memory_space<vmem_shared>>)
        } else {
        }
        %add3A_421 = arith.constant 4 : i32
        %add3A_422 = arith.addi %add3A_239, %add3A_421 : i32
        %dma_start3A_423 = arith.constant 0 : i32
        %dma_start3A_424 = tpu.memref_slice %arg7[%add3A_422, %dma_start3A_423] : memref<80x64xi32, #tpu.memory_space<vmem>> -> memref<1x64xi32, #tpu.memory_space<vmem>>
        %dma_start3A_425 = tpu.memref_squeeze %dma_start3A_424 : memref<1x64xi32, #tpu.memory_space<vmem>> -> memref<64xi32, #tpu.memory_space<vmem>>
        %dma_start3A_426 = arith.constant 0 : i32
        %dma_start3A_427 = arith.constant 0 : i32
        %dma_start3A_428 = tpu.memref_slice %arg17[%dma_start3A_426, %dma_start3A_427] : memref<10000x64xf32, #tpu.memory_space<vmem_shared>> -> memref<10000x64xf32, #tpu.memory_space<vmem_shared>>
        tpu.enqueue_indirect_dma source(%dma_start3A_428 : memref<10000x64xf32, #tpu.memory_space<vmem_shared>>) target(%arg13 : memref<64x64xf32, #tpu.memory_space<vmem>>) offsets(%dma_start3A_425 : memref<64xi32, #tpu.memory_space<vmem>>) semaphore(%arg23 : memref<!tpu.dma_semaphore, #tpu.memory_space<semaphore_mem>>)
      } else {
      }
      %mul3A_256 = arith.constant 8 : i32
      %mul3A_257 = arith.muli %mul3A_256, %scan3A_235 : i32
      %add3A_258 = arith.constant 1 : i32
      %add3A_259 = arith.addi %mul3A_257, %add3A_258 : i32
      %dma_wait3A_260 = arith.constant 0 : i32
      %dma_wait3A_261 = tpu.memref_slice %arg7[%add3A_259, %dma_wait3A_260] : memref<80x64xi32, #tpu.memory_space<vmem>> -> memref<1x64xi32, #tpu.memory_space<vmem>>
      %dma_wait3A_262 = tpu.memref_squeeze %dma_wait3A_261 : memref<1x64xi32, #tpu.memory_space<vmem>> -> memref<64xi32, #tpu.memory_space<vmem>>
      %dma_wait3A_263 = arith.constant 0 : i32
      %dma_wait3A_264 = arith.constant 0 : i32
      %dma_wait3A_265 = tpu.memref_slice %arg17[%dma_wait3A_263, %dma_wait3A_264] : memref<10000x64xf32, #tpu.memory_space<vmem_shared>> -> memref<10000x64xf32, #tpu.memory_space<vmem_shared>>
      tpu.wait_indirect_dma semaphore(%arg20 : memref<!tpu.dma_semaphore, #tpu.memory_space<semaphore_mem>>) src(%dma_wait3A_265 : memref<10000x64xf32, #tpu.memory_space<vmem_shared>>) dst(%arg10 : memref<64x64xf32, #tpu.memory_space<vmem>>)
      %dma_start3A_266 = arith.constant 0 : i32
      %dma_start3A_267 = tpu.memref_slice %arg8[%add3A_259, %dma_start3A_266] : memref<80x64xi32, #tpu.memory_space<vmem>> -> memref<1x64xi32, #tpu.memory_space<vmem>>
      %dma_start3A_268 = tpu.memref_squeeze %dma_start3A_267 : memref<1x64xi32, #tpu.memory_space<vmem>> -> memref<64xi32, #tpu.memory_space<vmem>>
      %dma_start3A_269 = arith.constant 0 : i32
      %dma_start3A_270 = arith.constant 0 : i32
      %dma_start3A_271 = tpu.memref_slice %arg18[%dma_start3A_269, %dma_start3A_270] : memref<10240x64xf32, #tpu.memory_space<vmem_shared>> -> memref<10240x64xf32, #tpu.memory_space<vmem_shared>>
      tpu.enqueue_indirect_dma source(%arg10 : memref<64x64xf32, #tpu.memory_space<vmem>>) target(%dma_start3A_271 : memref<10240x64xf32, #tpu.memory_space<vmem_shared>>) offsets(%dma_start3A_268 : memref<64xi32, #tpu.memory_space<vmem>>) semaphore(%arg28 : memref<!tpu.dma_semaphore, #tpu.memory_space<semaphore_mem>>) {add = true}
      %add3A_272 = arith.constant 4 : i32
      %add3A_273 = arith.addi %add3A_259, %add3A_272 : i32
      %lt3A_274 = arith.constant 80 : i32
      %lt3A_275 = arith.cmpi slt, %add3A_273, %lt3A_274 : i32
      %convert_element_type3A_276 = arith.extui %lt3A_275 : i1 to i32
      %cond3A_277 = arith.constant 0 : i32
      %cond3A_278 = arith.cmpi ne, %convert_element_type3A_276, %cond3A_277 : i32
      scf.if %cond3A_278 {
        %ge3A = arith.constant 4 : i32
        %ge3A_417 = arith.cmpi sge, %add3A_259, %ge3A : i32
        %convert_element_type3A_418 = arith.extui %ge3A_417 : i1 to i32
        %cond3A_419 = arith.constant 0 : i32
        %cond3A_420 = arith.cmpi ne, %convert_element_type3A_418, %cond3A_419 : i32
        scf.if %cond3A_420 {
          %sub3A = arith.constant 4 : i32
          %sub3A_429 = arith.subi %add3A_259, %sub3A : i32
          %dma_wait3A_430 = arith.constant 0 : i32
          %dma_wait3A_431 = tpu.memref_slice %arg8[%sub3A_429, %dma_wait3A_430] : memref<80x64xi32, #tpu.memory_space<vmem>> -> memref<1x64xi32, #tpu.memory_space<vmem>>
          %dma_wait3A_432 = tpu.memref_squeeze %dma_wait3A_431 : memref<1x64xi32, #tpu.memory_space<vmem>> -> memref<64xi32, #tpu.memory_space<vmem>>
          %dma_wait3A_433 = arith.constant 0 : i32
          %dma_wait3A_434 = arith.constant 0 : i32
          %dma_wait3A_435 = tpu.memref_slice %arg18[%dma_wait3A_433, %dma_wait3A_434] : memref<10240x64xf32, #tpu.memory_space<vmem_shared>> -> memref<10240x64xf32, #tpu.memory_space<vmem_shared>>
          tpu.wait_indirect_dma semaphore(%arg32 : memref<!tpu.dma_semaphore, #tpu.memory_space<semaphore_mem>>) src(%arg14 : memref<64x64xf32, #tpu.memory_space<vmem>>) dst(%dma_wait3A_435 : memref<10240x64xf32, #tpu.memory_space<vmem_shared>>)
        } else {
        }
        %add3A_421 = arith.constant 4 : i32
        %add3A_422 = arith.addi %add3A_259, %add3A_421 : i32
        %dma_start3A_423 = arith.constant 0 : i32
        %dma_start3A_424 = tpu.memref_slice %arg7[%add3A_422, %dma_start3A_423] : memref<80x64xi32, #tpu.memory_space<vmem>> -> memref<1x64xi32, #tpu.memory_space<vmem>>
        %dma_start3A_425 = tpu.memref_squeeze %dma_start3A_424 : memref<1x64xi32, #tpu.memory_space<vmem>> -> memref<64xi32, #tpu.memory_space<vmem>>
        %dma_start3A_426 = arith.constant 0 : i32
        %dma_start3A_427 = arith.constant 0 : i32
        %dma_start3A_428 = tpu.memref_slice %arg17[%dma_start3A_426, %dma_start3A_427] : memref<10000x64xf32, #tpu.memory_space<vmem_shared>> -> memref<10000x64xf32, #tpu.memory_space<vmem_shared>>
        tpu.enqueue_indirect_dma source(%dma_start3A_428 : memref<10000x64xf32, #tpu.memory_space<vmem_shared>>) target(%arg14 : memref<64x64xf32, #tpu.memory_space<vmem>>) offsets(%dma_start3A_425 : memref<64xi32, #tpu.memory_space<vmem>>) semaphore(%arg24 : memref<!tpu.dma_semaphore, #tpu.memory_space<semaphore_mem>>)
      } else {
      }
      %mul3A_279 = arith.constant 8 : i32
      %mul3A_280 = arith.muli %mul3A_279, %scan3A_235 : i32
      %add3A_281 = arith.constant 2 : i32
      %add3A_282 = arith.addi %mul3A_280, %add3A_281 : i32
      %dma_wait3A_283 = arith.constant 0 : i32
      %dma_wait3A_284 = tpu.memref_slice %arg7[%add3A_282, %dma_wait3A_283] : memref<80x64xi32, #tpu.memory_space<vmem>> -> memref<1x64xi32, #tpu.memory_space<vmem>>
      %dma_wait3A_285 = tpu.memref_squeeze %dma_wait3A_284 : memref<1x64xi32, #tpu.memory_space<vmem>> -> memref<64xi32, #tpu.memory_space<vmem>>
      %dma_wait3A_286 = arith.constant 0 : i32
      %dma_wait3A_287 = arith.constant 0 : i32
      %dma_wait3A_288 = tpu.memref_slice %arg17[%dma_wait3A_286, %dma_wait3A_287] : memref<10000x64xf32, #tpu.memory_space<vmem_shared>> -> memref<10000x64xf32, #tpu.memory_space<vmem_shared>>
      tpu.wait_indirect_dma semaphore(%arg21 : memref<!tpu.dma_semaphore, #tpu.memory_space<semaphore_mem>>) src(%dma_wait3A_288 : memref<10000x64xf32, #tpu.memory_space<vmem_shared>>) dst(%arg11 : memref<64x64xf32, #tpu.memory_space<vmem>>)
      %dma_start3A_289 = arith.constant 0 : i32
      %dma_start3A_290 = tpu.memref_slice %arg8[%add3A_282, %dma_start3A_289] : memref<80x64xi32, #tpu.memory_space<vmem>> -> memref<1x64xi32, #tpu.memory_space<vmem>>
      %dma_start3A_291 = tpu.memref_squeeze %dma_start3A_290 : memref<1x64xi32, #tpu.memory_space<vmem>> -> memref<64xi32, #tpu.memory_space<vmem>>
      %dma_start3A_292 = arith.constant 0 : i32
      %dma_start3A_293 = arith.constant 0 : i32
      %dma_start3A_294 = tpu.memref_slice %arg18[%dma_start3A_292, %dma_start3A_293] : memref<10240x64xf32, #tpu.memory_space<vmem_shared>> -> memref<10240x64xf32, #tpu.memory_space<vmem_shared>>
      tpu.enqueue_indirect_dma source(%arg11 : memref<64x64xf32, #tpu.memory_space<vmem>>) target(%dma_start3A_294 : memref<10240x64xf32, #tpu.memory_space<vmem_shared>>) offsets(%dma_start3A_291 : memref<64xi32, #tpu.memory_space<vmem>>) semaphore(%arg29 : memref<!tpu.dma_semaphore, #tpu.memory_space<semaphore_mem>>) {add = true}
      %add3A_295 = arith.constant 4 : i32
      %add3A_296 = arith.addi %add3A_282, %add3A_295 : i32
      %lt3A_297 = arith.constant 80 : i32
      %lt3A_298 = arith.cmpi slt, %add3A_296, %lt3A_297 : i32
      %convert_element_type3A_299 = arith.extui %lt3A_298 : i1 to i32
      %cond3A_300 = arith.constant 0 : i32
      %cond3A_301 = arith.cmpi ne, %convert_element_type3A_299, %cond3A_300 : i32
      scf.if %cond3A_301 {
        %ge3A = arith.constant 4 : i32
        %ge3A_417 = arith.cmpi sge, %add3A_282, %ge3A : i32
        %convert_element_type3A_418 = arith.extui %ge3A_417 : i1 to i32
        %cond3A_419 = arith.constant 0 : i32
        %cond3A_420 = arith.cmpi ne, %convert_element_type3A_418, %cond3A_419 : i32
        scf.if %cond3A_420 {
          %sub3A = arith.constant 4 : i32
          %sub3A_429 = arith.subi %add3A_282, %sub3A : i32
          %dma_wait3A_430 = arith.constant 0 : i32
          %dma_wait3A_431 = tpu.memref_slice %arg8[%sub3A_429, %dma_wait3A_430] : memref<80x64xi32, #tpu.memory_space<vmem>> -> memref<1x64xi32, #tpu.memory_space<vmem>>
          %dma_wait3A_432 = tpu.memref_squeeze %dma_wait3A_431 : memref<1x64xi32, #tpu.memory_space<vmem>> -> memref<64xi32, #tpu.memory_space<vmem>>
          %dma_wait3A_433 = arith.constant 0 : i32
          %dma_wait3A_434 = arith.constant 0 : i32
          %dma_wait3A_435 = tpu.memref_slice %arg18[%dma_wait3A_433, %dma_wait3A_434] : memref<10240x64xf32, #tpu.memory_space<vmem_shared>> -> memref<10240x64xf32, #tpu.memory_space<vmem_shared>>
          tpu.wait_indirect_dma semaphore(%arg33 : memref<!tpu.dma_semaphore, #tpu.memory_space<semaphore_mem>>) src(%arg15 : memref<64x64xf32, #tpu.memory_space<vmem>>) dst(%dma_wait3A_435 : memref<10240x64xf32, #tpu.memory_space<vmem_shared>>)
        } else {
        }
        %add3A_421 = arith.constant 4 : i32
        %add3A_422 = arith.addi %add3A_282, %add3A_421 : i32
        %dma_start3A_423 = arith.constant 0 : i32
        %dma_start3A_424 = tpu.memref_slice %arg7[%add3A_422, %dma_start3A_423] : memref<80x64xi32, #tpu.memory_space<vmem>> -> memref<1x64xi32, #tpu.memory_space<vmem>>
        %dma_start3A_425 = tpu.memref_squeeze %dma_start3A_424 : memref<1x64xi32, #tpu.memory_space<vmem>> -> memref<64xi32, #tpu.memory_space<vmem>>
        %dma_start3A_426 = arith.constant 0 : i32
        %dma_start3A_427 = arith.constant 0 : i32
        %dma_start3A_428 = tpu.memref_slice %arg17[%dma_start3A_426, %dma_start3A_427] : memref<10000x64xf32, #tpu.memory_space<vmem_shared>> -> memref<10000x64xf32, #tpu.memory_space<vmem_shared>>
        tpu.enqueue_indirect_dma source(%dma_start3A_428 : memref<10000x64xf32, #tpu.memory_space<vmem_shared>>) target(%arg15 : memref<64x64xf32, #tpu.memory_space<vmem>>) offsets(%dma_start3A_425 : memref<64xi32, #tpu.memory_space<vmem>>) semaphore(%arg25 : memref<!tpu.dma_semaphore, #tpu.memory_space<semaphore_mem>>)
      } else {
      }
      %mul3A_302 = arith.constant 8 : i32
      %mul3A_303 = arith.muli %mul3A_302, %scan3A_235 : i32
      %add3A_304 = arith.constant 3 : i32
      %add3A_305 = arith.addi %mul3A_303, %add3A_304 : i32
      %dma_wait3A_306 = arith.constant 0 : i32
      %dma_wait3A_307 = tpu.memref_slice %arg7[%add3A_305, %dma_wait3A_306] : memref<80x64xi32, #tpu.memory_space<vmem>> -> memref<1x64xi32, #tpu.memory_space<vmem>>
      %dma_wait3A_308 = tpu.memref_squeeze %dma_wait3A_307 : memref<1x64xi32, #tpu.memory_space<vmem>> -> memref<64xi32, #tpu.memory_space<vmem>>
      %dma_wait3A_309 = arith.constant 0 : i32
      %dma_wait3A_310 = arith.constant 0 : i32
      %dma_wait3A_311 = tpu.memref_slice %arg17[%dma_wait3A_309, %dma_wait3A_310] : memref<10000x64xf32, #tpu.memory_space<vmem_shared>> -> memref<10000x64xf32, #tpu.memory_space<vmem_shared>>
      tpu.wait_indirect_dma semaphore(%arg22 : memref<!tpu.dma_semaphore, #tpu.memory_space<semaphore_mem>>) src(%dma_wait3A_311 : memref<10000x64xf32, #tpu.memory_space<vmem_shared>>) dst(%arg12 : memref<64x64xf32, #tpu.memory_space<vmem>>)
      %dma_start3A_312 = arith.constant 0 : i32
      %dma_start3A_313 = tpu.memref_slice %arg8[%add3A_305, %dma_start3A_312] : memref<80x64xi32, #tpu.memory_space<vmem>> -> memref<1x64xi32, #tpu.memory_space<vmem>>
      %dma_start3A_314 = tpu.memref_squeeze %dma_start3A_313 : memref<1x64xi32, #tpu.memory_space<vmem>> -> memref<64xi32, #tpu.memory_space<vmem>>
      %dma_start3A_315 = arith.constant 0 : i32
      %dma_start3A_316 = arith.constant 0 : i32
      %dma_start3A_317 = tpu.memref_slice %arg18[%dma_start3A_315, %dma_start3A_316] : memref<10240x64xf32, #tpu.memory_space<vmem_shared>> -> memref<10240x64xf32, #tpu.memory_space<vmem_shared>>
      tpu.enqueue_indirect_dma source(%arg12 : memref<64x64xf32, #tpu.memory_space<vmem>>) target(%dma_start3A_317 : memref<10240x64xf32, #tpu.memory_space<vmem_shared>>) offsets(%dma_start3A_314 : memref<64xi32, #tpu.memory_space<vmem>>) semaphore(%arg30 : memref<!tpu.dma_semaphore, #tpu.memory_space<semaphore_mem>>) {add = true}
      %add3A_318 = arith.constant 4 : i32
      %add3A_319 = arith.addi %add3A_305, %add3A_318 : i32
      %lt3A_320 = arith.constant 80 : i32
      %lt3A_321 = arith.cmpi slt, %add3A_319, %lt3A_320 : i32
      %convert_element_type3A_322 = arith.extui %lt3A_321 : i1 to i32
      %cond3A_323 = arith.constant 0 : i32
      %cond3A_324 = arith.cmpi ne, %convert_element_type3A_322, %cond3A_323 : i32
      scf.if %cond3A_324 {
        %ge3A = arith.constant 4 : i32
        %ge3A_417 = arith.cmpi sge, %add3A_305, %ge3A : i32
        %convert_element_type3A_418 = arith.extui %ge3A_417 : i1 to i32
        %cond3A_419 = arith.constant 0 : i32
        %cond3A_420 = arith.cmpi ne, %convert_element_type3A_418, %cond3A_419 : i32
        scf.if %cond3A_420 {
          %sub3A = arith.constant 4 : i32
          %sub3A_429 = arith.subi %add3A_305, %sub3A : i32
          %dma_wait3A_430 = arith.constant 0 : i32
          %dma_wait3A_431 = tpu.memref_slice %arg8[%sub3A_429, %dma_wait3A_430] : memref<80x64xi32, #tpu.memory_space<vmem>> -> memref<1x64xi32, #tpu.memory_space<vmem>>
          %dma_wait3A_432 = tpu.memref_squeeze %dma_wait3A_431 : memref<1x64xi32, #tpu.memory_space<vmem>> -> memref<64xi32, #tpu.memory_space<vmem>>
          %dma_wait3A_433 = arith.constant 0 : i32
          %dma_wait3A_434 = arith.constant 0 : i32
          %dma_wait3A_435 = tpu.memref_slice %arg18[%dma_wait3A_433, %dma_wait3A_434] : memref<10240x64xf32, #tpu.memory_space<vmem_shared>> -> memref<10240x64xf32, #tpu.memory_space<vmem_shared>>
          tpu.wait_indirect_dma semaphore(%arg34 : memref<!tpu.dma_semaphore, #tpu.memory_space<semaphore_mem>>) src(%arg16 : memref<64x64xf32, #tpu.memory_space<vmem>>) dst(%dma_wait3A_435 : memref<10240x64xf32, #tpu.memory_space<vmem_shared>>)
        } else {
        }
        %add3A_421 = arith.constant 4 : i32
        %add3A_422 = arith.addi %add3A_305, %add3A_421 : i32
        %dma_start3A_423 = arith.constant 0 : i32
        %dma_start3A_424 = tpu.memref_slice %arg7[%add3A_422, %dma_start3A_423] : memref<80x64xi32, #tpu.memory_space<vmem>> -> memref<1x64xi32, #tpu.memory_space<vmem>>
        %dma_start3A_425 = tpu.memref_squeeze %dma_start3A_424 : memref<1x64xi32, #tpu.memory_space<vmem>> -> memref<64xi32, #tpu.memory_space<vmem>>
        %dma_start3A_426 = arith.constant 0 : i32
        %dma_start3A_427 = arith.constant 0 : i32
        %dma_start3A_428 = tpu.memref_slice %arg17[%dma_start3A_426, %dma_start3A_427] : memref<10000x64xf32, #tpu.memory_space<vmem_shared>> -> memref<10000x64xf32, #tpu.memory_space<vmem_shared>>
        tpu.enqueue_indirect_dma source(%dma_start3A_428 : memref<10000x64xf32, #tpu.memory_space<vmem_shared>>) target(%arg16 : memref<64x64xf32, #tpu.memory_space<vmem>>) offsets(%dma_start3A_425 : memref<64xi32, #tpu.memory_space<vmem>>) semaphore(%arg26 : memref<!tpu.dma_semaphore, #tpu.memory_space<semaphore_mem>>)
      } else {
      }
      %mul3A_325 = arith.constant 8 : i32
      %mul3A_326 = arith.muli %mul3A_325, %scan3A_235 : i32
      %add3A_327 = arith.constant 4 : i32
      %add3A_328 = arith.addi %mul3A_326, %add3A_327 : i32
      %dma_wait3A_329 = arith.constant 0 : i32
      %dma_wait3A_330 = tpu.memref_slice %arg7[%add3A_328, %dma_wait3A_329] : memref<80x64xi32, #tpu.memory_space<vmem>> -> memref<1x64xi32, #tpu.memory_space<vmem>>
      %dma_wait3A_331 = tpu.memref_squeeze %dma_wait3A_330 : memref<1x64xi32, #tpu.memory_space<vmem>> -> memref<64xi32, #tpu.memory_space<vmem>>
      %dma_wait3A_332 = arith.constant 0 : i32
      %dma_wait3A_333 = arith.constant 0 : i32
      %dma_wait3A_334 = tpu.memref_slice %arg17[%dma_wait3A_332, %dma_wait3A_333] : memref<10000x64xf32, #tpu.memory_space<vmem_shared>> -> memref<10000x64xf32, #tpu.memory_space<vmem_shared>>
      tpu.wait_indirect_dma semaphore(%arg23 : memref<!tpu.dma_semaphore, #tpu.memory_space<semaphore_mem>>) src(%dma_wait3A_334 : memref<10000x64xf32, #tpu.memory_space<vmem_shared>>) dst(%arg13 : memref<64x64xf32, #tpu.memory_space<vmem>>)
      %dma_start3A_335 = arith.constant 0 : i32
      %dma_start3A_336 = tpu.memref_slice %arg8[%add3A_328, %dma_start3A_335] : memref<80x64xi32, #tpu.memory_space<vmem>> -> memref<1x64xi32, #tpu.memory_space<vmem>>
      %dma_start3A_337 = tpu.memref_squeeze %dma_start3A_336 : memref<1x64xi32, #tpu.memory_space<vmem>> -> memref<64xi32, #tpu.memory_space<vmem>>
      %dma_start3A_338 = arith.constant 0 : i32
      %dma_start3A_339 = arith.constant 0 : i32
      %dma_start3A_340 = tpu.memref_slice %arg18[%dma_start3A_338, %dma_start3A_339] : memref<10240x64xf32, #tpu.memory_space<vmem_shared>> -> memref<10240x64xf32, #tpu.memory_space<vmem_shared>>
      tpu.enqueue_indirect_dma source(%arg13 : memref<64x64xf32, #tpu.memory_space<vmem>>) target(%dma_start3A_340 : memref<10240x64xf32, #tpu.memory_space<vmem_shared>>) offsets(%dma_start3A_337 : memref<64xi32, #tpu.memory_space<vmem>>) semaphore(%arg31 : memref<!tpu.dma_semaphore, #tpu.memory_space<semaphore_mem>>) {add = true}
      %add3A_341 = arith.constant 4 : i32
      %add3A_342 = arith.addi %add3A_328, %add3A_341 : i32
      %lt3A_343 = arith.constant 80 : i32
      %lt3A_344 = arith.cmpi slt, %add3A_342, %lt3A_343 : i32
      %convert_element_type3A_345 = arith.extui %lt3A_344 : i1 to i32
      %cond3A_346 = arith.constant 0 : i32
      %cond3A_347 = arith.cmpi ne, %convert_element_type3A_345, %cond3A_346 : i32
      scf.if %cond3A_347 {
        %ge3A = arith.constant 4 : i32
        %ge3A_417 = arith.cmpi sge, %add3A_328, %ge3A : i32
        %convert_element_type3A_418 = arith.extui %ge3A_417 : i1 to i32
        %cond3A_419 = arith.constant 0 : i32
        %cond3A_420 = arith.cmpi ne, %convert_element_type3A_418, %cond3A_419 : i32
        scf.if %cond3A_420 {
          %sub3A = arith.constant 4 : i32
          %sub3A_429 = arith.subi %add3A_328, %sub3A : i32
          %dma_wait3A_430 = arith.constant 0 : i32
          %dma_wait3A_431 = tpu.memref_slice %arg8[%sub3A_429, %dma_wait3A_430] : memref<80x64xi32, #tpu.memory_space<vmem>> -> memref<1x64xi32, #tpu.memory_space<vmem>>
          %dma_wait3A_432 = tpu.memref_squeeze %dma_wait3A_431 : memref<1x64xi32, #tpu.memory_space<vmem>> -> memref<64xi32, #tpu.memory_space<vmem>>
          %dma_wait3A_433 = arith.constant 0 : i32
          %dma_wait3A_434 = arith.constant 0 : i32
          %dma_wait3A_435 = tpu.memref_slice %arg18[%dma_wait3A_433, %dma_wait3A_434] : memref<10240x64xf32, #tpu.memory_space<vmem_shared>> -> memref<10240x64xf32, #tpu.memory_space<vmem_shared>>
          tpu.wait_indirect_dma semaphore(%arg27 : memref<!tpu.dma_semaphore, #tpu.memory_space<semaphore_mem>>) src(%arg9 : memref<64x64xf32, #tpu.memory_space<vmem>>) dst(%dma_wait3A_435 : memref<10240x64xf32, #tpu.memory_space<vmem_shared>>)
        } else {
        }
        %add3A_421 = arith.constant 4 : i32
        %add3A_422 = arith.addi %add3A_328, %add3A_421 : i32
        %dma_start3A_423 = arith.constant 0 : i32
        %dma_start3A_424 = tpu.memref_slice %arg7[%add3A_422, %dma_start3A_423] : memref<80x64xi32, #tpu.memory_space<vmem>> -> memref<1x64xi32, #tpu.memory_space<vmem>>
        %dma_start3A_425 = tpu.memref_squeeze %dma_start3A_424 : memref<1x64xi32, #tpu.memory_space<vmem>> -> memref<64xi32, #tpu.memory_space<vmem>>
        %dma_start3A_426 = arith.constant 0 : i32
        %dma_start3A_427 = arith.constant 0 : i32
        %dma_start3A_428 = tpu.memref_slice %arg17[%dma_start3A_426, %dma_start3A_427] : memref<10000x64xf32, #tpu.memory_space<vmem_shared>> -> memref<10000x64xf32, #tpu.memory_space<vmem_shared>>
        tpu.enqueue_indirect_dma source(%dma_start3A_428 : memref<10000x64xf32, #tpu.memory_space<vmem_shared>>) target(%arg9 : memref<64x64xf32, #tpu.memory_space<vmem>>) offsets(%dma_start3A_425 : memref<64xi32, #tpu.memory_space<vmem>>) semaphore(%arg19 : memref<!tpu.dma_semaphore, #tpu.memory_space<semaphore_mem>>)
      } else {
      }
      %mul3A_348 = arith.constant 8 : i32
      %mul3A_349 = arith.muli %mul3A_348, %scan3A_235 : i32
      %add3A_350 = arith.constant 5 : i32
      %add3A_351 = arith.addi %mul3A_349, %add3A_350 : i32
      %dma_wait3A_352 = arith.constant 0 : i32
      %dma_wait3A_353 = tpu.memref_slice %arg7[%add3A_351, %dma_wait3A_352] : memref<80x64xi32, #tpu.memory_space<vmem>> -> memref<1x64xi32, #tpu.memory_space<vmem>>
      %dma_wait3A_354 = tpu.memref_squeeze %dma_wait3A_353 : memref<1x64xi32, #tpu.memory_space<vmem>> -> memref<64xi32, #tpu.memory_space<vmem>>
      %dma_wait3A_355 = arith.constant 0 : i32
      %dma_wait3A_356 = arith.constant 0 : i32
      %dma_wait3A_357 = tpu.memref_slice %arg17[%dma_wait3A_355, %dma_wait3A_356] : memref<10000x64xf32, #tpu.memory_space<vmem_shared>> -> memref<10000x64xf32, #tpu.memory_space<vmem_shared>>
      tpu.wait_indirect_dma semaphore(%arg24 : memref<!tpu.dma_semaphore, #tpu.memory_space<semaphore_mem>>) src(%dma_wait3A_357 : memref<10000x64xf32, #tpu.memory_space<vmem_shared>>) dst(%arg14 : memref<64x64xf32, #tpu.memory_space<vmem>>)
      %dma_start3A_358 = arith.constant 0 : i32
      %dma_start3A_359 = tpu.memref_slice %arg8[%add3A_351, %dma_start3A_358] : memref<80x64xi32, #tpu.memory_space<vmem>> -> memref<1x64xi32, #tpu.memory_space<vmem>>
      %dma_start3A_360 = tpu.memref_squeeze %dma_start3A_359 : memref<1x64xi32, #tpu.memory_space<vmem>> -> memref<64xi32, #tpu.memory_space<vmem>>
      %dma_start3A_361 = arith.constant 0 : i32
      %dma_start3A_362 = arith.constant 0 : i32
      %dma_start3A_363 = tpu.memref_slice %arg18[%dma_start3A_361, %dma_start3A_362] : memref<10240x64xf32, #tpu.memory_space<vmem_shared>> -> memref<10240x64xf32, #tpu.memory_space<vmem_shared>>
      tpu.enqueue_indirect_dma source(%arg14 : memref<64x64xf32, #tpu.memory_space<vmem>>) target(%dma_start3A_363 : memref<10240x64xf32, #tpu.memory_space<vmem_shared>>) offsets(%dma_start3A_360 : memref<64xi32, #tpu.memory_space<vmem>>) semaphore(%arg32 : memref<!tpu.dma_semaphore, #tpu.memory_space<semaphore_mem>>) {add = true}
      %add3A_364 = arith.constant 4 : i32
      %add3A_365 = arith.addi %add3A_351, %add3A_364 : i32
      %lt3A_366 = arith.constant 80 : i32
      %lt3A_367 = arith.cmpi slt, %add3A_365, %lt3A_366 : i32
      %convert_element_type3A_368 = arith.extui %lt3A_367 : i1 to i32
      %cond3A_369 = arith.constant 0 : i32
      %cond3A_370 = arith.cmpi ne, %convert_element_type3A_368, %cond3A_369 : i32
      scf.if %cond3A_370 {
        %ge3A = arith.constant 4 : i32
        %ge3A_417 = arith.cmpi sge, %add3A_351, %ge3A : i32
        %convert_element_type3A_418 = arith.extui %ge3A_417 : i1 to i32
        %cond3A_419 = arith.constant 0 : i32
        %cond3A_420 = arith.cmpi ne, %convert_element_type3A_418, %cond3A_419 : i32
        scf.if %cond3A_420 {
          %sub3A = arith.constant 4 : i32
          %sub3A_429 = arith.subi %add3A_351, %sub3A : i32
          %dma_wait3A_430 = arith.constant 0 : i32
          %dma_wait3A_431 = tpu.memref_slice %arg8[%sub3A_429, %dma_wait3A_430] : memref<80x64xi32, #tpu.memory_space<vmem>> -> memref<1x64xi32, #tpu.memory_space<vmem>>
          %dma_wait3A_432 = tpu.memref_squeeze %dma_wait3A_431 : memref<1x64xi32, #tpu.memory_space<vmem>> -> memref<64xi32, #tpu.memory_space<vmem>>
          %dma_wait3A_433 = arith.constant 0 : i32
          %dma_wait3A_434 = arith.constant 0 : i32
          %dma_wait3A_435 = tpu.memref_slice %arg18[%dma_wait3A_433, %dma_wait3A_434] : memref<10240x64xf32, #tpu.memory_space<vmem_shared>> -> memref<10240x64xf32, #tpu.memory_space<vmem_shared>>
          tpu.wait_indirect_dma semaphore(%arg28 : memref<!tpu.dma_semaphore, #tpu.memory_space<semaphore_mem>>) src(%arg10 : memref<64x64xf32, #tpu.memory_space<vmem>>) dst(%dma_wait3A_435 : memref<10240x64xf32, #tpu.memory_space<vmem_shared>>)
        } else {
        }
        %add3A_421 = arith.constant 4 : i32
        %add3A_422 = arith.addi %add3A_351, %add3A_421 : i32
        %dma_start3A_423 = arith.constant 0 : i32
        %dma_start3A_424 = tpu.memref_slice %arg7[%add3A_422, %dma_start3A_423] : memref<80x64xi32, #tpu.memory_space<vmem>> -> memref<1x64xi32, #tpu.memory_space<vmem>>
        %dma_start3A_425 = tpu.memref_squeeze %dma_start3A_424 : memref<1x64xi32, #tpu.memory_space<vmem>> -> memref<64xi32, #tpu.memory_space<vmem>>
        %dma_start3A_426 = arith.constant 0 : i32
        %dma_start3A_427 = arith.constant 0 : i32
        %dma_start3A_428 = tpu.memref_slice %arg17[%dma_start3A_426, %dma_start3A_427] : memref<10000x64xf32, #tpu.memory_space<vmem_shared>> -> memref<10000x64xf32, #tpu.memory_space<vmem_shared>>
        tpu.enqueue_indirect_dma source(%dma_start3A_428 : memref<10000x64xf32, #tpu.memory_space<vmem_shared>>) target(%arg10 : memref<64x64xf32, #tpu.memory_space<vmem>>) offsets(%dma_start3A_425 : memref<64xi32, #tpu.memory_space<vmem>>) semaphore(%arg20 : memref<!tpu.dma_semaphore, #tpu.memory_space<semaphore_mem>>)
      } else {
      }
      %mul3A_371 = arith.constant 8 : i32
      %mul3A_372 = arith.muli %mul3A_371, %scan3A_235 : i32
      %add3A_373 = arith.constant 6 : i32
      %add3A_374 = arith.addi %mul3A_372, %add3A_373 : i32
      %dma_wait3A_375 = arith.constant 0 : i32
      %dma_wait3A_376 = tpu.memref_slice %arg7[%add3A_374, %dma_wait3A_375] : memref<80x64xi32, #tpu.memory_space<vmem>> -> memref<1x64xi32, #tpu.memory_space<vmem>>
      %dma_wait3A_377 = tpu.memref_squeeze %dma_wait3A_376 : memref<1x64xi32, #tpu.memory_space<vmem>> -> memref<64xi32, #tpu.memory_space<vmem>>
      %dma_wait3A_378 = arith.constant 0 : i32
      %dma_wait3A_379 = arith.constant 0 : i32
      %dma_wait3A_380 = tpu.memref_slice %arg17[%dma_wait3A_378, %dma_wait3A_379] : memref<10000x64xf32, #tpu.memory_space<vmem_shared>> -> memref<10000x64xf32, #tpu.memory_space<vmem_shared>>
      tpu.wait_indirect_dma semaphore(%arg25 : memref<!tpu.dma_semaphore, #tpu.memory_space<semaphore_mem>>) src(%dma_wait3A_380 : memref<10000x64xf32, #tpu.memory_space<vmem_shared>>) dst(%arg15 : memref<64x64xf32, #tpu.memory_space<vmem>>)
      %dma_start3A_381 = arith.constant 0 : i32
      %dma_start3A_382 = tpu.memref_slice %arg8[%add3A_374, %dma_start3A_381] : memref<80x64xi32, #tpu.memory_space<vmem>> -> memref<1x64xi32, #tpu.memory_space<vmem>>
      %dma_start3A_383 = tpu.memref_squeeze %dma_start3A_382 : memref<1x64xi32, #tpu.memory_space<vmem>> -> memref<64xi32, #tpu.memory_space<vmem>>
      %dma_start3A_384 = arith.constant 0 : i32
      %dma_start3A_385 = arith.constant 0 : i32
      %dma_start3A_386 = tpu.memref_slice %arg18[%dma_start3A_384, %dma_start3A_385] : memref<10240x64xf32, #tpu.memory_space<vmem_shared>> -> memref<10240x64xf32, #tpu.memory_space<vmem_shared>>
      tpu.enqueue_indirect_dma source(%arg15 : memref<64x64xf32, #tpu.memory_space<vmem>>) target(%dma_start3A_386 : memref<10240x64xf32, #tpu.memory_space<vmem_shared>>) offsets(%dma_start3A_383 : memref<64xi32, #tpu.memory_space<vmem>>) semaphore(%arg33 : memref<!tpu.dma_semaphore, #tpu.memory_space<semaphore_mem>>) {add = true}
      %add3A_387 = arith.constant 4 : i32
      %add3A_388 = arith.addi %add3A_374, %add3A_387 : i32
      %lt3A_389 = arith.constant 80 : i32
      %lt3A_390 = arith.cmpi slt, %add3A_388, %lt3A_389 : i32
      %convert_element_type3A_391 = arith.extui %lt3A_390 : i1 to i32
      %cond3A_392 = arith.constant 0 : i32
      %cond3A_393 = arith.cmpi ne, %convert_element_type3A_391, %cond3A_392 : i32
      scf.if %cond3A_393 {
        %ge3A = arith.constant 4 : i32
        %ge3A_417 = arith.cmpi sge, %add3A_374, %ge3A : i32
        %convert_element_type3A_418 = arith.extui %ge3A_417 : i1 to i32
        %cond3A_419 = arith.constant 0 : i32
        %cond3A_420 = arith.cmpi ne, %convert_element_type3A_418, %cond3A_419 : i32
        scf.if %cond3A_420 {
          %sub3A = arith.constant 4 : i32
          %sub3A_429 = arith.subi %add3A_374, %sub3A : i32
          %dma_wait3A_430 = arith.constant 0 : i32
          %dma_wait3A_431 = tpu.memref_slice %arg8[%sub3A_429, %dma_wait3A_430] : memref<80x64xi32, #tpu.memory_space<vmem>> -> memref<1x64xi32, #tpu.memory_space<vmem>>
          %dma_wait3A_432 = tpu.memref_squeeze %dma_wait3A_431 : memref<1x64xi32, #tpu.memory_space<vmem>> -> memref<64xi32, #tpu.memory_space<vmem>>
          %dma_wait3A_433 = arith.constant 0 : i32
          %dma_wait3A_434 = arith.constant 0 : i32
          %dma_wait3A_435 = tpu.memref_slice %arg18[%dma_wait3A_433, %dma_wait3A_434] : memref<10240x64xf32, #tpu.memory_space<vmem_shared>> -> memref<10240x64xf32, #tpu.memory_space<vmem_shared>>
          tpu.wait_indirect_dma semaphore(%arg29 : memref<!tpu.dma_semaphore, #tpu.memory_space<semaphore_mem>>) src(%arg11 : memref<64x64xf32, #tpu.memory_space<vmem>>) dst(%dma_wait3A_435 : memref<10240x64xf32, #tpu.memory_space<vmem_shared>>)
        } else {
        }
        %add3A_421 = arith.constant 4 : i32
        %add3A_422 = arith.addi %add3A_374, %add3A_421 : i32
        %dma_start3A_423 = arith.constant 0 : i32
        %dma_start3A_424 = tpu.memref_slice %arg7[%add3A_422, %dma_start3A_423] : memref<80x64xi32, #tpu.memory_space<vmem>> -> memref<1x64xi32, #tpu.memory_space<vmem>>
        %dma_start3A_425 = tpu.memref_squeeze %dma_start3A_424 : memref<1x64xi32, #tpu.memory_space<vmem>> -> memref<64xi32, #tpu.memory_space<vmem>>
        %dma_start3A_426 = arith.constant 0 : i32
        %dma_start3A_427 = arith.constant 0 : i32
        %dma_start3A_428 = tpu.memref_slice %arg17[%dma_start3A_426, %dma_start3A_427] : memref<10000x64xf32, #tpu.memory_space<vmem_shared>> -> memref<10000x64xf32, #tpu.memory_space<vmem_shared>>
        tpu.enqueue_indirect_dma source(%dma_start3A_428 : memref<10000x64xf32, #tpu.memory_space<vmem_shared>>) target(%arg11 : memref<64x64xf32, #tpu.memory_space<vmem>>) offsets(%dma_start3A_425 : memref<64xi32, #tpu.memory_space<vmem>>) semaphore(%arg21 : memref<!tpu.dma_semaphore, #tpu.memory_space<semaphore_mem>>)
      } else {
      }
      %mul3A_394 = arith.constant 8 : i32
      %mul3A_395 = arith.muli %mul3A_394, %scan3A_235 : i32
      %add3A_396 = arith.constant 7 : i32
      %add3A_397 = arith.addi %mul3A_395, %add3A_396 : i32
      %dma_wait3A_398 = arith.constant 0 : i32
      %dma_wait3A_399 = tpu.memref_slice %arg7[%add3A_397, %dma_wait3A_398] : memref<80x64xi32, #tpu.memory_space<vmem>> -> memref<1x64xi32, #tpu.memory_space<vmem>>
      %dma_wait3A_400 = tpu.memref_squeeze %dma_wait3A_399 : memref<1x64xi32, #tpu.memory_space<vmem>> -> memref<64xi32, #tpu.memory_space<vmem>>
      %dma_wait3A_401 = arith.constant 0 : i32
      %dma_wait3A_402 = arith.constant 0 : i32
      %dma_wait3A_403 = tpu.memref_slice %arg17[%dma_wait3A_401, %dma_wait3A_402] : memref<10000x64xf32, #tpu.memory_space<vmem_shared>> -> memref<10000x64xf32, #tpu.memory_space<vmem_shared>>
      tpu.wait_indirect_dma semaphore(%arg26 : memref<!tpu.dma_semaphore, #tpu.memory_space<semaphore_mem>>) src(%dma_wait3A_403 : memref<10000x64xf32, #tpu.memory_space<vmem_shared>>) dst(%arg16 : memref<64x64xf32, #tpu.memory_space<vmem>>)
      %dma_start3A_404 = arith.constant 0 : i32
      %dma_start3A_405 = tpu.memref_slice %arg8[%add3A_397, %dma_start3A_404] : memref<80x64xi32, #tpu.memory_space<vmem>> -> memref<1x64xi32, #tpu.memory_space<vmem>>
      %dma_start3A_406 = tpu.memref_squeeze %dma_start3A_405 : memref<1x64xi32, #tpu.memory_space<vmem>> -> memref<64xi32, #tpu.memory_space<vmem>>
      %dma_start3A_407 = arith.constant 0 : i32
      %dma_start3A_408 = arith.constant 0 : i32
      %dma_start3A_409 = tpu.memref_slice %arg18[%dma_start3A_407, %dma_start3A_408] : memref<10240x64xf32, #tpu.memory_space<vmem_shared>> -> memref<10240x64xf32, #tpu.memory_space<vmem_shared>>
      tpu.enqueue_indirect_dma source(%arg16 : memref<64x64xf32, #tpu.memory_space<vmem>>) target(%dma_start3A_409 : memref<10240x64xf32, #tpu.memory_space<vmem_shared>>) offsets(%dma_start3A_406 : memref<64xi32, #tpu.memory_space<vmem>>) semaphore(%arg34 : memref<!tpu.dma_semaphore, #tpu.memory_space<semaphore_mem>>) {add = true}
      %add3A_410 = arith.constant 4 : i32
      %add3A_411 = arith.addi %add3A_397, %add3A_410 : i32
      %lt3A_412 = arith.constant 80 : i32
      %lt3A_413 = arith.cmpi slt, %add3A_411, %lt3A_412 : i32
      %convert_element_type3A_414 = arith.extui %lt3A_413 : i1 to i32
      %cond3A_415 = arith.constant 0 : i32
      %cond3A_416 = arith.cmpi ne, %convert_element_type3A_414, %cond3A_415 : i32
      scf.if %cond3A_416 {
        %ge3A = arith.constant 4 : i32
        %ge3A_417 = arith.cmpi sge, %add3A_397, %ge3A : i32
        %convert_element_type3A_418 = arith.extui %ge3A_417 : i1 to i32
        %cond3A_419 = arith.constant 0 : i32
        %cond3A_420 = arith.cmpi ne, %convert_element_type3A_418, %cond3A_419 : i32
        scf.if %cond3A_420 {
          %sub3A = arith.constant 4 : i32
          %sub3A_429 = arith.subi %add3A_397, %sub3A : i32
          %dma_wait3A_430 = arith.constant 0 : i32
          %dma_wait3A_431 = tpu.memref_slice %arg8[%sub3A_429, %dma_wait3A_430] : memref<80x64xi32, #tpu.memory_space<vmem>> -> memref<1x64xi32, #tpu.memory_space<vmem>>
          %dma_wait3A_432 = tpu.memref_squeeze %dma_wait3A_431 : memref<1x64xi32, #tpu.memory_space<vmem>> -> memref<64xi32, #tpu.memory_space<vmem>>
          %dma_wait3A_433 = arith.constant 0 : i32
          %dma_wait3A_434 = arith.constant 0 : i32
          %dma_wait3A_435 = tpu.memref_slice %arg18[%dma_wait3A_433, %dma_wait3A_434] : memref<10240x64xf32, #tpu.memory_space<vmem_shared>> -> memref<10240x64xf32, #tpu.memory_space<vmem_shared>>
          tpu.wait_indirect_dma semaphore(%arg30 : memref<!tpu.dma_semaphore, #tpu.memory_space<semaphore_mem>>) src(%arg12 : memref<64x64xf32, #tpu.memory_space<vmem>>) dst(%dma_wait3A_435 : memref<10240x64xf32, #tpu.memory_space<vmem_shared>>)
        } else {
        }
        %add3A_421 = arith.constant 4 : i32
        %add3A_422 = arith.addi %add3A_397, %add3A_421 : i32
        %dma_start3A_423 = arith.constant 0 : i32
        %dma_start3A_424 = tpu.memref_slice %arg7[%add3A_422, %dma_start3A_423] : memref<80x64xi32, #tpu.memory_space<vmem>> -> memref<1x64xi32, #tpu.memory_space<vmem>>
        %dma_start3A_425 = tpu.memref_squeeze %dma_start3A_424 : memref<1x64xi32, #tpu.memory_space<vmem>> -> memref<64xi32, #tpu.memory_space<vmem>>
        %dma_start3A_426 = arith.constant 0 : i32
        %dma_start3A_427 = arith.constant 0 : i32
        %dma_start3A_428 = tpu.memref_slice %arg17[%dma_start3A_426, %dma_start3A_427] : memref<10000x64xf32, #tpu.memory_space<vmem_shared>> -> memref<10000x64xf32, #tpu.memory_space<vmem_shared>>
        tpu.enqueue_indirect_dma source(%dma_start3A_428 : memref<10000x64xf32, #tpu.memory_space<vmem_shared>>) target(%arg12 : memref<64x64xf32, #tpu.memory_space<vmem>>) offsets(%dma_start3A_425 : memref<64xi32, #tpu.memory_space<vmem>>) semaphore(%arg22 : memref<!tpu.dma_semaphore, #tpu.memory_space<semaphore_mem>>)
      } else {
      }
    }
    %scan3A_174 = arith.constant 10 : i32
    %dma_wait3A_175 = arith.constant 72 : i32
    %dma_wait3A_176 = arith.constant 0 : i32
    %dma_wait3A_177 = tpu.memref_slice %arg8[%dma_wait3A_175, %dma_wait3A_176] : memref<80x64xi32, #tpu.memory_space<vmem>> -> memref<1x64xi32, #tpu.memory_space<vmem>>
    %dma_wait3A_178 = tpu.memref_squeeze %dma_wait3A_177 : memref<1x64xi32, #tpu.memory_space<vmem>> -> memref<64xi32, #tpu.memory_space<vmem>>
    %dma_wait3A_179 = arith.constant 0 : i32
    %dma_wait3A_180 = arith.constant 0 : i32
    %dma_wait3A_181 = tpu.memref_slice %arg18[%dma_wait3A_179, %dma_wait3A_180] : memref<10240x64xf32, #tpu.memory_space<vmem_shared>> -> memref<10240x64xf32, #tpu.memory_space<vmem_shared>>
    tpu.wait_indirect_dma semaphore(%arg27 : memref<!tpu.dma_semaphore, #tpu.memory_space<semaphore_mem>>) src(%arg9 : memref<64x64xf32, #tpu.memory_space<vmem>>) dst(%dma_wait3A_181 : memref<10240x64xf32, #tpu.memory_space<vmem_shared>>)
    %dma_wait3A_182 = arith.constant 73 : i32
    %dma_wait3A_183 = arith.constant 0 : i32
    %dma_wait3A_184 = tpu.memref_slice %arg8[%dma_wait3A_182, %dma_wait3A_183] : memref<80x64xi32, #tpu.memory_space<vmem>> -> memref<1x64xi32, #tpu.memory_space<vmem>>
    %dma_wait3A_185 = tpu.memref_squeeze %dma_wait3A_184 : memref<1x64xi32, #tpu.memory_space<vmem>> -> memref<64xi32, #tpu.memory_space<vmem>>
    %dma_wait3A_186 = arith.constant 0 : i32
    %dma_wait3A_187 = arith.constant 0 : i32
    %dma_wait3A_188 = tpu.memref_slice %arg18[%dma_wait3A_186, %dma_wait3A_187] : memref<10240x64xf32, #tpu.memory_space<vmem_shared>> -> memref<10240x64xf32, #tpu.memory_space<vmem_shared>>
    tpu.wait_indirect_dma semaphore(%arg28 : memref<!tpu.dma_semaphore, #tpu.memory_space<semaphore_mem>>) src(%arg10 : memref<64x64xf32, #tpu.memory_space<vmem>>) dst(%dma_wait3A_188 : memref<10240x64xf32, #tpu.memory_space<vmem_shared>>)
    %dma_wait3A_189 = arith.constant 74 : i32
    %dma_wait3A_190 = arith.constant 0 : i32
    %dma_wait3A_191 = tpu.memref_slice %arg8[%dma_wait3A_189, %dma_wait3A_190] : memref<80x64xi32, #tpu.memory_space<vmem>> -> memref<1x64xi32, #tpu.memory_space<vmem>>
    %dma_wait3A_192 = tpu.memref_squeeze %dma_wait3A_191 : memref<1x64xi32, #tpu.memory_space<vmem>> -> memref<64xi32, #tpu.memory_space<vmem>>
    %dma_wait3A_193 = arith.constant 0 : i32
    %dma_wait3A_194 = arith.constant 0 : i32
    %dma_wait3A_195 = tpu.memref_slice %arg18[%dma_wait3A_193, %dma_wait3A_194] : memref<10240x64xf32, #tpu.memory_space<vmem_shared>> -> memref<10240x64xf32, #tpu.memory_space<vmem_shared>>
    tpu.wait_indirect_dma semaphore(%arg29 : memref<!tpu.dma_semaphore, #tpu.memory_space<semaphore_mem>>) src(%arg11 : memref<64x64xf32, #tpu.memory_space<vmem>>) dst(%dma_wait3A_195 : memref<10240x64xf32, #tpu.memory_space<vmem_shared>>)
    %dma_wait3A_196 = arith.constant 75 : i32
    %dma_wait3A_197 = arith.constant 0 : i32
    %dma_wait3A_198 = tpu.memref_slice %arg8[%dma_wait3A_196, %dma_wait3A_197] : memref<80x64xi32, #tpu.memory_space<vmem>> -> memref<1x64xi32, #tpu.memory_space<vmem>>
    %dma_wait3A_199 = tpu.memref_squeeze %dma_wait3A_198 : memref<1x64xi32, #tpu.memory_space<vmem>> -> memref<64xi32, #tpu.memory_space<vmem>>
    %dma_wait3A_200 = arith.constant 0 : i32
    %dma_wait3A_201 = arith.constant 0 : i32
    %dma_wait3A_202 = tpu.memref_slice %arg18[%dma_wait3A_200, %dma_wait3A_201] : memref<10240x64xf32, #tpu.memory_space<vmem_shared>> -> memref<10240x64xf32, #tpu.memory_space<vmem_shared>>
    tpu.wait_indirect_dma semaphore(%arg30 : memref<!tpu.dma_semaphore, #tpu.memory_space<semaphore_mem>>) src(%arg12 : memref<64x64xf32, #tpu.memory_space<vmem>>) dst(%dma_wait3A_202 : memref<10240x64xf32, #tpu.memory_space<vmem_shared>>)
    %dma_wait3A_203 = arith.constant 76 : i32
    %dma_wait3A_204 = arith.constant 0 : i32
    %dma_wait3A_205 = tpu.memref_slice %arg8[%dma_wait3A_203, %dma_wait3A_204] : memref<80x64xi32, #tpu.memory_space<vmem>> -> memref<1x64xi32, #tpu.memory_space<vmem>>
    %dma_wait3A_206 = tpu.memref_squeeze %dma_wait3A_205 : memref<1x64xi32, #tpu.memory_space<vmem>> -> memref<64xi32, #tpu.memory_space<vmem>>
    %dma_wait3A_207 = arith.constant 0 : i32
    %dma_wait3A_208 = arith.constant 0 : i32
    %dma_wait3A_209 = tpu.memref_slice %arg18[%dma_wait3A_207, %dma_wait3A_208] : memref<10240x64xf32, #tpu.memory_space<vmem_shared>> -> memref<10240x64xf32, #tpu.memory_space<vmem_shared>>
    tpu.wait_indirect_dma semaphore(%arg31 : memref<!tpu.dma_semaphore, #tpu.memory_space<semaphore_mem>>) src(%arg13 : memref<64x64xf32, #tpu.memory_space<vmem>>) dst(%dma_wait3A_209 : memref<10240x64xf32, #tpu.memory_space<vmem_shared>>)
    %dma_wait3A_210 = arith.constant 77 : i32
    %dma_wait3A_211 = arith.constant 0 : i32
    %dma_wait3A_212 = tpu.memref_slice %arg8[%dma_wait3A_210, %dma_wait3A_211] : memref<80x64xi32, #tpu.memory_space<vmem>> -> memref<1x64xi32, #tpu.memory_space<vmem>>
    %dma_wait3A_213 = tpu.memref_squeeze %dma_wait3A_212 : memref<1x64xi32, #tpu.memory_space<vmem>> -> memref<64xi32, #tpu.memory_space<vmem>>
    %dma_wait3A_214 = arith.constant 0 : i32
    %dma_wait3A_215 = arith.constant 0 : i32
    %dma_wait3A_216 = tpu.memref_slice %arg18[%dma_wait3A_214, %dma_wait3A_215] : memref<10240x64xf32, #tpu.memory_space<vmem_shared>> -> memref<10240x64xf32, #tpu.memory_space<vmem_shared>>
    tpu.wait_indirect_dma semaphore(%arg32 : memref<!tpu.dma_semaphore, #tpu.memory_space<semaphore_mem>>) src(%arg14 : memref<64x64xf32, #tpu.memory_space<vmem>>) dst(%dma_wait3A_216 : memref<10240x64xf32, #tpu.memory_space<vmem_shared>>)
    %dma_wait3A_217 = arith.constant 78 : i32
    %dma_wait3A_218 = arith.constant 0 : i32
    %dma_wait3A_219 = tpu.memref_slice %arg8[%dma_wait3A_217, %dma_wait3A_218] : memref<80x64xi32, #tpu.memory_space<vmem>> -> memref<1x64xi32, #tpu.memory_space<vmem>>
    %dma_wait3A_220 = tpu.memref_squeeze %dma_wait3A_219 : memref<1x64xi32, #tpu.memory_space<vmem>> -> memref<64xi32, #tpu.memory_space<vmem>>
    %dma_wait3A_221 = arith.constant 0 : i32
    %dma_wait3A_222 = arith.constant 0 : i32
    %dma_wait3A_223 = tpu.memref_slice %arg18[%dma_wait3A_221, %dma_wait3A_222] : memref<10240x64xf32, #tpu.memory_space<vmem_shared>> -> memref<10240x64xf32, #tpu.memory_space<vmem_shared>>
    tpu.wait_indirect_dma semaphore(%arg33 : memref<!tpu.dma_semaphore, #tpu.memory_space<semaphore_mem>>) src(%arg15 : memref<64x64xf32, #tpu.memory_space<vmem>>) dst(%dma_wait3A_223 : memref<10240x64xf32, #tpu.memory_space<vmem_shared>>)
    %dma_wait3A_224 = arith.constant 79 : i32
    %dma_wait3A_225 = arith.constant 0 : i32
    %dma_wait3A_226 = tpu.memref_slice %arg8[%dma_wait3A_224, %dma_wait3A_225] : memref<80x64xi32, #tpu.memory_space<vmem>> -> memref<1x64xi32, #tpu.memory_space<vmem>>
    %dma_wait3A_227 = tpu.memref_squeeze %dma_wait3A_226 : memref<1x64xi32, #tpu.memory_space<vmem>> -> memref<64xi32, #tpu.memory_space<vmem>>
    %dma_wait3A_228 = arith.constant 0 : i32
    %dma_wait3A_229 = arith.constant 0 : i32
    %dma_wait3A_230 = tpu.memref_slice %arg18[%dma_wait3A_228, %dma_wait3A_229] : memref<10240x64xf32, #tpu.memory_space<vmem_shared>> -> memref<10240x64xf32, #tpu.memory_space<vmem_shared>>
    tpu.wait_indirect_dma semaphore(%arg34 : memref<!tpu.dma_semaphore, #tpu.memory_space<semaphore_mem>>) src(%arg16 : memref<64x64xf32, #tpu.memory_space<vmem>>) dst(%dma_wait3A_230 : memref<10240x64xf32, #tpu.memory_space<vmem_shared>>)
    %barrier3A_231 = arith.constant 0 : index
    tpu.barrier barrier_id(%barrier3A_231)
    %mul3A_232 = arith.constant 10240 : i32
    %mul3A_233 = arith.muli %arg0, %mul3A_232 : i32
    %add3A_234 = arith.addi %mul3A_233, %mul3A_2 : i32
    "tpu.region"() ({
      %run_scoped3A = tpu.sem_alloc : memref<!tpu.dma_semaphore, #tpu.memory_space<semaphore_mem>>
      %dma_start3A_235 = arith.constant 0 : i32
      %dma_start3A_236 = tpu.memref_slice %arg6[%add3A_234, %dma_start3A_235] : memref<20480x64xf32, #tpu.memory_space<hbm>> -> memref<640x64xf32, #tpu.memory_space<hbm>>
      %dma_start3A_237 = arith.constant 0 : i32
      %dma_start3A_238 = tpu.memref_slice %arg18[%mul3A_2, %dma_start3A_237] : memref<10240x64xf32, #tpu.memory_space<vmem_shared>> -> memref<640x64xf32, #tpu.memory_space<vmem_shared>>
      tpu.enqueue_dma source(%dma_start3A_238 : memref<640x64xf32, #tpu.memory_space<vmem_shared>>) target(%dma_start3A_236 : memref<640x64xf32, #tpu.memory_space<hbm>>) target_semaphore(%run_scoped3A : memref<!tpu.dma_semaphore, #tpu.memory_space<semaphore_mem>>)
      %dma_wait3A_239 = arith.constant 0 : i32
      %dma_wait3A_240 = tpu.memref_slice %arg6[%add3A_234, %dma_wait3A_239] : memref<20480x64xf32, #tpu.memory_space<hbm>> -> memref<640x64xf32, #tpu.memory_space<hbm>>
      %dma_wait3A_241 = arith.constant 0 : i32
      %dma_wait3A_242 = tpu.memref_slice %arg18[%mul3A_2, %dma_wait3A_241] : memref<10240x64xf32, #tpu.memory_space<vmem_shared>> -> memref<640x64xf32, #tpu.memory_space<vmem_shared>>
      tpu.wait_dma2 semaphore(%run_scoped3A : memref<!tpu.dma_semaphore, #tpu.memory_space<semaphore_mem>>) src(%dma_wait3A_242 : memref<640x64xf32, #tpu.memory_space<vmem_shared>>) dst(%dma_wait3A_240 : memref<640x64xf32, #tpu.memory_space<hbm>>)
      tpu.yield
    }) : () -> ()
    return
  }
}

module attributes {stable_mosaic.version = 14 : i64} {
  func.func @body(%arg0: i32, %arg1: i32, %arg2: memref<10000x128xf32, #tpu.memory_space<vmem>>, %arg3: memref<1x128x64xf32, #tpu.memory_space<vmem>>, %arg4: memref<1x10000x64xf32, #tpu.memory_space<vmem>>) attributes {dimension_semantics = [#tpu.dimension_semantics<arbitrary>, #tpu.dimension_semantics<arbitrary>], iteration_bounds = array<i64: 1, 2>, scalar_prefetch = 0 : i64, scratch_operands = 0 : i64, tpu.core_type = #tpu.core_type<tc>, window_params = [{transform_indices = @transform_0, window_bounds = array<i64: 10000, 128>}, {transform_indices = @transform_1, window_bounds = array<i64: 1, 128, 64>}, {transform_indices = @transform_2, window_bounds = array<i64: 1, 10000, 64>}]} {
    %get3A = arith.constant 0 : index
    %get3A_0 = arith.constant 0 : index
    %get3A_1 = vector.load %arg2[%get3A, %get3A_0] : memref<10000x128xf32, #tpu.memory_space<vmem>>, vector<10000x128xf32>
    %get3A_2 = arith.constant 0 : index
    %get3A_3 = arith.constant 0 : index
    %get3A_4 = arith.constant 0 : index
    %get3A_5 = vector.load %arg3[%get3A_2, %get3A_3, %get3A_4] : memref<1x128x64xf32, #tpu.memory_space<vmem>>, vector<1x128x64xf32>
    %get3A_6 = vector.shape_cast %get3A_5 : vector<1x128x64xf32> to vector<128x64xf32>
    %dot_general3A = arith.constant dense<0.000000e+00> : vector<10000x64xf32>
    %dot_general3A_7 = tpu.matmul %get3A_1, %get3A_6, %dot_general3A {dimension_numbers = #tpu.dot_dimension_numbers<[1], [0], [0], [1], [0, 0, 1, 1], [], []>, transpose_lhs_hint = false} : vector<10000x128xf32>, vector<128x64xf32>, vector<10000x64xf32> -> vector<10000x64xf32>
    %swap3A = arith.constant 0 : index
    %swap3A_8 = arith.constant 0 : index
    %swap3A_9 = arith.constant 0 : index
    %swap3A_10 = vector.load %arg4[%swap3A, %swap3A_8, %swap3A_9] : memref<1x10000x64xf32, #tpu.memory_space<vmem>>, vector<1x10000x64xf32>
    %swap3A_11 = vector.shape_cast %swap3A_10 : vector<1x10000x64xf32> to vector<10000x64xf32>
    %swap3A_12 = vector.shape_cast %dot_general3A_7 : vector<10000x64xf32> to vector<1x10000x64xf32>
    tpu.vector_store %arg4[%swap3A, %swap3A_8, %swap3A_9], %swap3A_12 {strides = array<i32>} : memref<1x10000x64xf32, #tpu.memory_space<vmem>>, vector<1x10000x64xf32>,
    return
  }
  func.func @transform_0(%arg0: i32, %arg1: i32) -> (i32, i32) {
    %c0_i32 = arith.constant 0 : i32
    %c0_i32_0 = arith.constant 0 : i32
    return %arg0, %c0_i32 : i32, i32
  }
  func.func @transform_1(%arg0: i32, %arg1: i32) -> (i32, i32, i32) {
    %c0_i32 = arith.constant 0 : i32
    %c0_i32_0 = arith.constant 0 : i32
    %c0_i32_1 = arith.constant 0 : i32
    return %arg1, %c0_i32, %c0_i32_0 : i32, i32, i32
  }
  func.func @transform_2(%arg0: i32, %arg1: i32) -> (i32, i32, i32) {
    %c0_i32 = arith.constant 0 : i32
    %c0_i32_0 = arith.constant 0 : i32
    return %arg1, %arg0, %c0_i32 : i32, i32, i32
  }
}

module attributes {stable_mosaic.version = 14 : i64} {
  func.func @body(%arg0: i32, %arg1: i32, %arg2: memref<1x10000x64xf32, #tpu.memory_space<vmem>>, %arg3: memref<1x10000x64xf32, #tpu.memory_space<vmem>>, %arg4: memref<1x64x64xf32, #tpu.memory_space<vmem>>, %arg5: memref<1x10000x64xf32, #tpu.memory_space<vmem>>) attributes {dimension_semantics = [#tpu.dimension_semantics<arbitrary>, #tpu.dimension_semantics<arbitrary>], iteration_bounds = array<i64: 1, 2>, scalar_prefetch = 0 : i64, scratch_operands = 0 : i64, tpu.core_type = #tpu.core_type<tc>, window_params = [{transform_indices = @transform_0, window_bounds = array<i64: 1, 10000, 64>}, {transform_indices = @transform_1, window_bounds = array<i64: 1, 10000, 64>}, {transform_indices = @transform_2, window_bounds = array<i64: 1, 64, 64>}, {transform_indices = @transform_3, window_bounds = array<i64: 1, 10000, 64>}]} {
    %get3A = arith.constant 0 : index
    %get3A_0 = arith.constant 0 : index
    %get3A_1 = arith.constant 0 : index
    %get3A_2 = vector.load %arg2[%get3A, %get3A_0, %get3A_1] : memref<1x10000x64xf32, #tpu.memory_space<vmem>>, vector<1x10000x64xf32>
    %get3A_3 = vector.shape_cast %get3A_2 : vector<1x10000x64xf32> to vector<10000x64xf32>
    %get3A_4 = arith.constant 0 : index
    %get3A_5 = arith.constant 0 : index
    %get3A_6 = arith.constant 0 : index
    %get3A_7 = vector.load %arg3[%get3A_4, %get3A_5, %get3A_6] : memref<1x10000x64xf32, #tpu.memory_space<vmem>>, vector<1x10000x64xf32>
    %get3A_8 = vector.shape_cast %get3A_7 : vector<1x10000x64xf32> to vector<10000x64xf32>
    %add3A = arith.addf %get3A_3, %get3A_8 : vector<10000x64xf32>
    %max3A = arith.constant 0.000000e+00 : f32
    %max3A_9 = vector.broadcast %max3A : f32 to vector<10000x64xf32>
    %max3A_10 = arith.maximumf %add3A, %max3A_9 : vector<10000x64xf32>
    %get3A_11 = arith.constant 0 : index
    %get3A_12 = arith.constant 0 : index
    %get3A_13 = arith.constant 0 : index
    %get3A_14 = vector.load %arg4[%get3A_11, %get3A_12, %get3A_13] : memref<1x64x64xf32, #tpu.memory_space<vmem>>, vector<1x64x64xf32>
    %get3A_15 = vector.shape_cast %get3A_14 : vector<1x64x64xf32> to vector<64x64xf32>
    %dot_general3A = arith.constant dense<0.000000e+00> : vector<10000x64xf32>
    %dot_general3A_16 = tpu.matmul %max3A_10, %get3A_15, %dot_general3A {dimension_numbers = #tpu.dot_dimension_numbers<[1], [0], [0], [1], [0, 0, 1, 1], [], []>, transpose_lhs_hint = false} : vector<10000x64xf32>, vector<64x64xf32>, vector<10000x64xf32> -> vector<10000x64xf32>
    %swap3A = arith.constant 0 : index
    %swap3A_17 = arith.constant 0 : index
    %swap3A_18 = arith.constant 0 : index
    %swap3A_19 = vector.load %arg5[%swap3A, %swap3A_17, %swap3A_18] : memref<1x10000x64xf32, #tpu.memory_space<vmem>>, vector<1x10000x64xf32>
    %swap3A_20 = vector.shape_cast %swap3A_19 : vector<1x10000x64xf32> to vector<10000x64xf32>
    %swap3A_21 = vector.shape_cast %dot_general3A_16 : vector<10000x64xf32> to vector<1x10000x64xf32>
    tpu.vector_store %arg5[%swap3A, %swap3A_17, %swap3A_18], %swap3A_21 {strides = array<i32>} : memref<1x10000x64xf32, #tpu.memory_space<vmem>>, vector<1x10000x64xf32>,
    return
  }
  func.func @transform_0(%arg0: i32, %arg1: i32) -> (i32, i32, i32) {
    %c0_i32 = arith.constant 0 : i32
    %c0_i32_0 = arith.constant 0 : i32
    %c0_i32_1 = arith.constant 0 : i32
    return %c0_i32, %arg0, %c0_i32_0 : i32, i32, i32
  }
  func.func @transform_1(%arg0: i32, %arg1: i32) -> (i32, i32, i32) {
    %c1_i32 = arith.constant 1 : i32
    %c0_i32 = arith.constant 0 : i32
    %c0_i32_0 = arith.constant 0 : i32
    return %c1_i32, %arg0, %c0_i32 : i32, i32, i32
  }
  func.func @transform_2(%arg0: i32, %arg1: i32) -> (i32, i32, i32) {
    %c0_i32 = arith.constant 0 : i32
    %c0_i32_0 = arith.constant 0 : i32
    %c0_i32_1 = arith.constant 0 : i32
    return %arg1, %c0_i32, %c0_i32_0 : i32, i32, i32
  }
  func.func @transform_3(%arg0: i32, %arg1: i32) -> (i32, i32, i32) {
    %c0_i32 = arith.constant 0 : i32
    %c0_i32_0 = arith.constant 0 : i32
    return %arg1, %arg0, %c0_i32 : i32, i32, i32
  }
}

module attributes {stable_mosaic.version = 14 : i64} {
  func.func @body(%arg0: i32, %arg1: memref<1x10000x64xf32, #tpu.memory_space<vmem>>, %arg2: memref<1x10000x64xf32, #tpu.memory_space<vmem>>, %arg3: memref<10000x64xf32, #tpu.memory_space<vmem>>) attributes {dimension_semantics = [#tpu.dimension_semantics<arbitrary>], iteration_bounds = array<i64: 1>, scalar_prefetch = 0 : i64, scratch_operands = 0 : i64, tpu.core_type = #tpu.core_type<tc>, window_params = [{transform_indices = @transform_0, window_bounds = array<i64: 1, 10000, 64>}, {transform_indices = @transform_1, window_bounds = array<i64: 1, 10000, 64>}, {transform_indices = @transform_2, window_bounds = array<i64: 10000, 64>}]} {
    %get3A = arith.constant 0 : index
    %get3A_0 = arith.constant 0 : index
    %get3A_1 = arith.constant 0 : index
    %get3A_2 = vector.load %arg1[%get3A, %get3A_0, %get3A_1] : memref<1x10000x64xf32, #tpu.memory_space<vmem>>, vector<1x10000x64xf32>
    %get3A_3 = vector.shape_cast %get3A_2 : vector<1x10000x64xf32> to vector<10000x64xf32>
    %get3A_4 = arith.constant 0 : index
    %get3A_5 = arith.constant 0 : index
    %get3A_6 = arith.constant 0 : index
    %get3A_7 = vector.load %arg2[%get3A_4, %get3A_5, %get3A_6] : memref<1x10000x64xf32, #tpu.memory_space<vmem>>, vector<1x10000x64xf32>
    %get3A_8 = vector.shape_cast %get3A_7 : vector<1x10000x64xf32> to vector<10000x64xf32>
    %add3A = arith.addf %get3A_3, %get3A_8 : vector<10000x64xf32>
    %max3A = arith.constant 0.000000e+00 : f32
    %max3A_9 = vector.broadcast %max3A : f32 to vector<10000x64xf32>
    %max3A_10 = arith.maximumf %add3A, %max3A_9 : vector<10000x64xf32>
    %swap3A = arith.constant 0 : index
    %swap3A_11 = arith.constant 0 : index
    %swap3A_12 = vector.load %arg3[%swap3A, %swap3A_11] : memref<10000x64xf32, #tpu.memory_space<vmem>>, vector<10000x64xf32>
    tpu.vector_store %arg3[%swap3A, %swap3A_11], %max3A_10 {strides = array<i32>} : memref<10000x64xf32, #tpu.memory_space<vmem>>, vector<10000x64xf32>,
    return
  }
  func.func @transform_0(%arg0: i32) -> (i32, i32, i32) {
    %c0_i32 = arith.constant 0 : i32
    %c0_i32_0 = arith.constant 0 : i32
    %c0_i32_1 = arith.constant 0 : i32
    return %c0_i32, %arg0, %c0_i32_0 : i32, i32, i32
  }
  func.func @transform_1(%arg0: i32) -> (i32, i32, i32) {
    %c1_i32 = arith.constant 1 : i32
    %c0_i32 = arith.constant 0 : i32
    %c0_i32_0 = arith.constant 0 : i32
    return %c1_i32, %arg0, %c0_i32 : i32, i32, i32
  }
  func.func @transform_2(%arg0: i32) -> (i32, i32) {
    %c0_i32 = arith.constant 0 : i32
    %c0_i32_0 = arith.constant 0 : i32
    return %arg0, %c0_i32 : i32, i32
  }
}

</mosaic_0001>

<sc_bundles>
// kernel: kernel.10.cloned.1.call-start
scs
__scs_entry_jumppad:
0x0: {  	(pc) =	sbr.rel $0x88, $3  }
0x1: {  	(tag) =	ssettag $0x0;
	lr =	simm.s32 $0x1  }
0x2: {  	[smem:$0x3F9A] =	sst lr;
	_ =	strace $0xD0000000  }
0x3: {  	_ = 	snop  }
0x4: {  	_ = 	snop  }
0x5: {  	_ = 	snop  }
0x6: {  	_ = 	snop  }
0x7: {  	_ = 	snop  }
__scs_overlays_trampoline_lowered:
0x8: {  	[smem:$0x3FA9] =	sst s0  }
0x9: {  	[smem:$0x3FAA] =	sst s1  }
0xa: {  	[smem:$0x3FAB] =	sst s2  }
0xb: {  	[smem:$0x3FAC] =	sst s3  }
0xc: {  	[smem:$0x3FAD] =	sst s4  }
0xd: {  	[smem:$0x3FAE] =	sst s5  }
0xe: {  	[smem:$0x3FAF] =	sst s6  }
0xf: {  	[smem:$0x3FB0] =	sst s7  }
0x10: {  	[smem:$0x3FB1] =	sst s8  }
0x11: {  	[smem:$0x3FB2] =	sst s9;
	s0 =	simm.s32 @!p0 $0x0  }
0x12: {  	s1 =	sld [smem:$0x3F98];
	s0 =	simm.s32 @p0 $0x1  }
0x13: {  	[smem:$0x3FB3] =	sst s0;
	s0 =	simm.s32 @!p1 $0x0  }
0x14: {  	s2 =	sld [smem:$0x3F97];
	s0 =	simm.s32 @p1 $0x1  }
0x15: {  	[smem:$0x3FB4] =	sst s0;
	s0 =	simm.s32 @!p2 $0x0  }
0x16: {  	s3 =	sld [smem:$0x3FDB];
	s0 =	simm.s32 @p2 $0x1  }
0x17: {  	s4 =	simm.s32 $0x1BF5;
	[smem:$0x3FB6] =	sst s0  }
0x18: {  	s0 =	sld [smem:$0x3F99];
	_ =	swait.ge [sflag:s4], $0x0  }
0x19: {  	s7 =	sld [smem:$0x3F9A]  }
0x1a: {  	s8 =	sadd.s32 $0xFFFFE003, lr  }
0x1b: {  	s9 =	sadd.s32 $0xFFFFFEF7, lr;
	s5 =	simm.s32 $0xFFFFFFFF;
	p2 =	slt.u32 s8, $0xFFFFF086  }
0x1c: {  	p1 =	slt.u32 s9, $0xF7A;
	s5 =	simm.s32 @!p2 $0x0  }
0x1d: {  	s5 =	simm.s32 @p1 $0x1;
	p0 =	seq.s32 s7, s2  }
0x1e: {  	s7 =	smul.u32 @!p0 $0xF7A, s2;
	p2 =	seq.s32 @!p0 s5, $0x0  }
0x1f: {  	s9 =	smul.u32 $0xF7A, s1;
	s8 =	simm.s32 @!p0 $0x1BF5;
	p2 =	por !p2, p0  }
0x20: {  	[sflag:s8] =	ssyncset.s32 @!p0 $0xFFFFF086;
	s6 =	sadd.s32 @!p0 s3, s7;
	s7 =	simm.s32 @!p0 $0x108  }
0x21: {  	s3 =	sadd.s32 s3, s9;
	s6 =	sadd.s32 @!p0 $0x88, s6;
	s7 =	simm.s32 @p2 $0x1082  }
0x22: {  	[simem:s7], [sflag:s8] =	dma.local @!p0 [hbm:s6], $0xF7A  }
0x23: {  	s9 =	sor.u32 $0xD0000000, s2;
	s6 =	simm.s32 $0x108;
	_ =	swait.ge @!p0 [sflag:s8], $0x0  }
0x24: {  	s3 =	sadd.s32 $0x88, s3;
	s6 =	simm.s32 @!p1 $0x1082;
	[sflag:s4] =	ssyncset.s32 $0xFFFFF086  }
0x25: {  	[simem:s6], [sflag:s4] =	dma.local [hbm:s3], $0xF7A  }
0x26: {  	[smem:$0x3F9A] =	sst s1;
	(tag) =	ssettag s2;
	_ =	strace s9  }
0x27: {  	s1 =	sld [smem:$0x3FAA]  }
0x28: {  	s2 =	sld [smem:$0x3FAB]  }
0x29: {  	s4 =	sld [smem:$0x3FAD]  }
0x2a: {  	p0 =	seq.s32 s5, $0x0;
	s5 =	sld [smem:$0x3FAE]  }
0x2b: {  	s6 =	sld [smem:$0x3FAF]  }
0x2c: {  	s7 =	sld [smem:$0x3FB0]  }
0x2d: {  	s3 =	simm.s32 $0x108;
	s8 =	sld [smem:$0x3FB1]  }
0x2e: {  	s3 =	simm.s32 @!p0 $0x1082;
	s9 =	sld [smem:$0x3FB2]  }
0x2f: {  	lr =	sadd.s32 s0, s3;
	s0 =	sld [smem:$0x3FA9]  }
0x30: {  	s3 =	sld [smem:$0x3FAC]  }
0x31: {  	[smem:$0x3FB5] =	sst s10  }
0x32: {  	s10 =	sld [smem:$0x3FB3];
	_ =	sdelay $0x3  }
0x33: {  	p0 =	seq.s32 s10, $0x1;
	s10 =	sld [smem:$0x3FB5];
	_ =	sdelay $0x3  }
0x34: {  	[smem:$0x3FB5] =	sst s10  }
0x35: {  	s10 =	sld [smem:$0x3FB4];
	_ =	sdelay $0x3  }
0x36: {  	p1 =	seq.s32 s10, $0x1;
	s10 =	sld [smem:$0x3FB5];
	_ =	sdelay $0x3  }
0x37: {  	[smem:$0x3FB5] =	sst s10  }
0x38: {  	s10 =	sld [smem:$0x3FB6]  }
0x39: {  	_ = 	snop;
	(pc) =	sbr.ind lr, $3  }
0x3a: {  	_ = 	snop  }
0x3b: {  	_ = 	snop  }
0x3c: {  	p2 =	seq.s32 s10, $0x1;
	s10 =	sld [smem:$0x3FB5]  }
0x3d: {  	_ =	shalt  }
0x3e: {  	_ =	shalt  }
0x3f: {  	_ =	shalt  }
0x40: {  	_ =	shalt  }
0x41: {  	_ =	shalt  }
0x42: {  	_ =	shalt  }
0x43: {  	_ =	shalt  }
0x44: {  	_ =	shalt  }
0x45: {  	_ =	shalt  }
0x46: {  	_ =	shalt  }
0x47: {  	_ =	shalt  }
0x48: {  	_ =	shalt  }
0x49: {  	_ =	shalt  }
0x4a: {  	_ =	shalt  }
0x4b: {  	_ =	shalt  }
0x4c: {  	_ =	shalt  }
0x4d: {  	_ =	shalt  }
0x4e: {  	_ =	shalt  }
0x4f: {  	_ =	shalt  }
0x50: {  	_ =	shalt  }
0x51: {  	_ =	shalt  }
0x52: {  	_ =	shalt  }
0x53: {  	_ =	shalt  }
0x54: {  	_ =	shalt  }
0x55: {  	_ =	shalt  }
0x56: {  	_ =	shalt  }
0x57: {  	_ =	shalt  }
0x58: {  	_ =	shalt  }
0x59: {  	_ =	shalt  }
0x5a: {  	_ =	shalt  }
0x5b: {  	_ =	shalt  }
0x5c: {  	_ =	shalt  }
0x5d: {  	_ =	shalt  }
0x5e: {  	_ =	shalt  }
0x5f: {  	_ =	shalt  }
0x60: {  	_ =	shalt  }
0x61: {  	_ =	shalt  }
0x62: {  	_ =	shalt  }
0x63: {  	_ =	shalt  }
0x64: {  	_ =	shalt  }
0x65: {  	_ =	shalt  }
0x66: {  	_ =	shalt  }
0x67: {  	_ =	shalt  }
0x68: {  	_ =	shalt  }
0x69: {  	_ =	shalt  }
0x6a: {  	_ =	shalt  }
0x6b: {  	_ =	shalt  }
0x6c: {  	_ =	shalt  }
0x6d: {  	_ =	shalt  }
0x6e: {  	_ =	shalt  }
0x6f: {  	_ =	shalt  }
0x70: {  	_ =	shalt  }
0x71: {  	_ =	shalt  }
0x72: {  	_ =	shalt  }
0x73: {  	_ =	shalt  }
0x74: {  	_ =	shalt  }
0x75: {  	_ =	shalt  }
0x76: {  	_ =	shalt  }
0x77: {  	_ =	shalt  }
0x78: {  	_ =	shalt  }
0x79: {  	_ =	shalt  }
0x7a: {  	_ =	shalt  }
0x7b: {  	_ =	shalt  }
0x7c: {  	_ =	shalt  }
0x7d: {  	_ =	shalt  }
0x7e: {  	_ =	shalt  }
0x7f: {  	_ =	shalt  }
0x80: {  	_ =	shalt  }
0x81: {  	_ =	shalt  }
0x82: {  	_ =	shalt  }
0x83: {  	_ =	shalt  }
0x84: {  	_ =	shalt  }
0x85: {  	_ =	shalt  }
0x86: {  	_ =	shalt  }
0x87: {  	_ =	shalt  }
.Lfunc_end0:
.L_simem_size_0:
called_computation.1_lowered:
.L_overlay_start_0:
0x88: {  	s2 =	sld [smem:$0x3FD9]  }
0x89: {  	s3 =	sld [smem:$0x3FFE];
	_ =	sdelay $0x1  }
0x8a: {  	s1 =	srdreg.scid  }
0x8b: {  	s0 =	sand.u32 $0x1, s1  }
0x8c: {  	s17 =	sshll.u32 s0, $0xA;
	s2 =	sadd.s32 s3, s2  }
0x8d: {  	s2 =	sadd.s32 s2, s17  }
0x8e: {  	[smem:$0x3FC1] =	sst s2  }
0x8f: {  	_ = 	snop  }
0x90: {  	s2 =	sld [smem:$0x3FD0];
	(tm) =	ssettm $0x1  }
0x91: {  	s18 =	sld [smem:$0x3FFB];
	_ =	sdelay $0x3  }
0x92: {  	_ =	strace s18  }
0x93: {  	s3 =	sld [smem:$0x3FFC];
	_ =	sdelay $0x3  }
0x94: {  	_ =	strace s3  }
0x95: {  	s3 =	sld [smem:$0x3FFD];
	_ =	sdelay $0x3  }
0x96: {  	_ =	strace s3  }
0x97: {  	_ =	strace $0x8FFFFFFF  }
0x98: {  	s19 =	sld [smem:$0x3FDB];
	_ =	sdelay $0x1  }
0x99: {  	s4 =	simm.s32 $_scs_section_size  }
0x9a: {  	s5 =	simm.s32 $_size__tile_overlayer_lowered;
	s6 =	simm.s32 $_tile_overlayer_lowered  }
0x9b: {  	s22 =	simm.s32 $0x1BFF;
	s21 =	sshll.u32 s6, $0x1;
	s3 =	sadd.s32 s4, s19  }
0x9c: {  	s7 =	simm.s32 $0x0;
	s20 =	sshll.u32 s5, $0x1;
	s5 =	sadd.s32 s21, s3  }
0x9d: {  	[timem:s7], [sflag:s22] =	dma.local [hbm:s5], s20  }
0x9e: {  	_ =	swait.ge [sflag:s22], s20  }
0x9f: {  	s4 =	ssub.s32 $0x0, s20;
	[sflag:s22] =	ssyncset.done $0x0  }
0xa0: {  	[sflag:s22] =	ssyncadd.s32 s4;
	_ =	sdelay $0x1  }
0xa1: {  	s23 =	simm.s32 $0x1B8B  }
0xa2: {  	_ =	swait.ge [sflag:s23], $0x1  }
0xa3: {  	[sflag:s23] =	ssyncset.done $0x0  }
0xa4: {  	s25 =	simm.s32 $0x1B8E;
	s24 =	sld [smem:$0x3FFE];
	[sflag:s23] =	ssyncadd.s32 $0xFFFFFFFF  }
0xa5: {  	s26 =	simm.s32 $execute0_lowered;
	[smem:$0x3FD2] =	sst s25  }
0xa6: {  	s5 =	sshll.u32 s26, $0x1;
	_ =	strace $0x80000049;
	[dreg:$0x1] =	wrdreg $0xFFFFFFFF  }
0xa7: {  	s28 =	simm.s32 $_size_execute0_lowered;
	s3 =	sadd.s32 s3, s5;
	[dreg:$0x0] =	wrdreg $0x0  }
0xa8: {  	s5 =	sshll.u32 s28, $0x1;
	[dreg:$0x2] =	wrdreg s3  }
0xa9: {  	[dreg:$0x3] =	wrdreg s5  }
0xaa: {  	[dreg:$0x4] =	wrdreg $0xC0  }
0xab: {  	_ =	task [dreg:s7], $0x5FFFF  }
0xac: {  	[dreg:$0x1] =	wrdreg $0xFFFFFFFF  }
0xad: {  	[dreg:$0x0] =	wrdreg $0x60  }
0xae: {  	[dreg:$0x2] =	wrdreg s24  }
0xaf: {  	[dreg:$0x3] =	wrdreg s2  }
0xb0: {  	[dreg:$0x4] =	wrdreg $0x144400  }
0xb1: {  	[dreg:$0x5] =	wrdreg $0xA8000  }
0xb2: {  	[dreg:$0x6] =	wrdreg $0x9  }
0xb3: {  	_ =	task.clear_ibuf [dreg:s7], $0x7FFFF;
	_ =	strace $0x90000049  }
0xb4: {  	s29 =	simm.s32 $0x9;
	_ =	strace $0x8000004B  }
0xb5: {  	_ =	swait.ge [sflag:s29], $0x1  }
0xb6: {  	[sflag:s29] =	ssyncadd.s32 $0xFFFFFFFF  }
0xb7: {  	_ =	strace $0x9000004B  }
0xb8: {  	_ =	sfence  }
0xb9: {  	s30 =	sld [smem:$0x0];
	_ =	sdelay $0x2  }
0xba: {  	s31 =	sshll.u32 s1, $0xD;
	s1 =	sshrl.u32 s1, $0x2  }
0xbb: {  	s3 =	sand.u32 $0x4000, s31;
	s1 =	sadd.s32 s1, s30  }
0xbc: {  	s0 =	sor.u32 s3, s0;
	s1 =	sshll.u32 s1, $0x11  }
0xbd: {  	s0 =	sor.u32 s1, s0  }
0xbe: {  	s0 =	sadd.s32 $0x8F2B, s0  }
0xbf: {  	[sflag:s0] =	ssyncadd.remote.s32 $0x1  }
0xc0: {  	_ =	sfence.sel $0xFFFF  }
0xc1: {  	[dreg:$0x0] =	wrdreg $0xFFFFFFFF;
	(pc) =	sbr.abs _section_cstart, $3  }
0xc2: {  	[dreg:$0x1] =	wrdreg $0xFFFFFFFF  }
0xc3: {  	_ =	task.clear_ibuf [dreg:s7], $0x2FFFF;
	_ =	strace $0x9FFFFFFF  }
0xc4: {  	(tm) =	ssettm $0x7FFFFFFF  }
0xc5: {  	_ =	shalt  }
tec
execute0_lowered:
.L_overlay_start_1:
0x0: {  	(tag) =	ssettag $0x1  }
0x1: {  	s0 =	rddreg [dreg:$0x0]  }
0x2: {  	s1 =	rddreg [dreg:$0x1];
	s3 =	srdreg.scid  }
0x3: {  	s2 =	rddreg [dreg:$0x2];
	s10 =	stileid.u32  }
0x4: {  	s8 =	simm.s32 $0x0;
	s28 =	simm.s32 $0x4800;
	s6 =	smul.u32 $0x1388, s10  }
0x5: {  	s30 =	simm.s32 $0x5800;
	s31 =	simm.s32 $0x1;
	s7 =	smul.u32 $0x1400, s10  }
0x6: {  	s12 =	simm.s32 $0x7;
	s29 =	simm.s32 $0x0;
	s9 =	smul.u32 $0x28000, s10  }
0x7: {  	s4 =	sand.u32 $0x1, s3;
	s3 =	rddreg [dreg:$0x3];
	s20 =	smul.u32 $0x27100, s10  }
0x8: {  	[smem:$0x7FF] =	sst s8;
	s16 =	sadd.s32 $0x1C00, s0;
	s5 =	smul.u32 $0x13880, s4  }
0x9: {  	s17 =	sadd.s32 $0x32E00, s0;
	s15 =	smul.u32 $0x14000, s4;
	_ =	strace $0x8000004A  }
0xa: {  	[dreg:$0x5] =	wrdreg s17;
	s18 =	ssub.s32 $0x2, s4;
	s4 =	sshll.u32 s4, $0x4  }
0xb: {  	s17 =	simm.s32 $0x10;
	s19 =	sshrl.u32 s18, $0x1;
	s4 =	sor.u32 s10, s4  }
0xc: {  	s9 =	sshrl.u32 s9, $0x2;
	s10 =	sshll.u32 s10, $0x6;
	s8 =	sshrl.u32 s20, $0x2  }
0xd: {  	s20 =	simm.s32 $0xA;
	s5 =	sadd.s32 s6, s5;
	s7 =	sadd.s32 s7, s15  }
0xe: {  	s4 =	smul.u32 $0x2800, s4;
	s9 =	sadd.s32 s9, s2;
	s11 =	sor.u32 $0x1C09, s10  }
0xf: {  	s8 =	sadd.s32 s8, s3;
	[dreg:$0x6] =	wrdreg s10;
	s25 =	sor.u32 $0x1C0A, s10  }
0x10: {  	s10 =	simm.s32 $0x9800;
	s5 =	sadd.s32 s5, s0;
	s0 =	sadd.s32 s7, s0  }
0x11: {  	s7 =	ssub.s32 s18, s19;
	[dreg:$0x7] =	wrdreg s11;
	s13 =	sshrl.u32 s9, $0x3  }
0x12: {  	[dreg:$0x10] =	wrdreg s25;
	s26 =	sshrl.u32 s8, $0x3;
	s19 =	simm.s32 $0x9  }
0x13: {  	s25 =	simm.s32 $0x3800;
	s8 =	simm.s32 $0x8800;
	s9 =	simm.s32 $0x4  }
0x14: {  	s11 =	simm.s32 $0x5;
	s18 =	simm.s32 $0x8;
	s5 =	sadd.s32 $0xBC00, s5  }
0x15: {  	s4 =	sshrl.u32 s4, $0x3;
	s0 =	sadd.s32 $0x34200, s0;
	[dreg:$0x11] =	wrdreg s26  }
0x16: {  	s24 =	smax.u32 s7, $0x1;
	s7 =	simm.s32 $0x3;
	[dreg:$0xf] =	wrdreg s13  }
0x17: {  	s26 =	simm.s32 $0x11;
	[dreg:$0x8] =	wrdreg s5;
	s21 =	sadd.s32 s1, s4  }
0x18: {  	s22 =	sadd.s32 s16, s4;
	s4 =	sadd.s32 $0x280, s4;
	[dreg:$0xd] =	wrdreg s0  }
.Ltmp0:
0x19: {  	[dreg:$0xe] =	wrdreg s24;
	s24 =	simm.s32 $0x2800;
	(pc) =	sbr.rel .LBB2_1-.Ltmp0, $4  }
0x1a: {  	s0 =	simm.s32 $0x2;
	s5 =	simm.s32 $0x7800;
	[dreg:$0x9] =	wrdreg s21  }
0x1b: {  	[dreg:$0xa] =	wrdreg s22;
	s1 =	sadd.s32 s1, s4;
	s23 =	sadd.s32 s16, s4  }
0x1c: {  	s21 =	simm.s32 $0xB;
	s22 =	simm.s32 $0xC;
	[dreg:$0xb] =	wrdreg s1  }
0x1d: {  	[dreg:$0xc] =	wrdreg s23;
	s23 =	simm.s32 $0x40;
	s1 =	simm.s32 $0x6800  }
.LBB2_7:
0x1e: {  	_ =	swait.ge [sflag:s18], $0x1000  }
0x1f: {  	[sflag:s18] =	ssyncset.done $0x0  }
0x20: {  	[sflag:s18] =	ssyncadd.s32 $0xFFFFF000  }
0x21: {  	[spmem:s2] =	stream.indirect.scatter.add.f32 [tilespmem:s10], [sflag:$0x10], $0x40, s15, s23, $0xb8;
	[tilespmem:$0x1E440] =	vst v63  }
0x22: {  	_ =	swait.ge [sflag:s19], $0x1000  }
0x23: {  	[sflag:s19] =	ssyncset.done $0x0  }
0x24: {  	[sflag:s19] =	ssyncadd.s32 $0xFFFFF000  }
0x25: {  	_ =	swait.ge [sflag:s20], $0x1000  }
0x26: {  	[sflag:s20] =	ssyncset.done $0x0  }
0x27: {  	[sflag:s20] =	ssyncadd.s32 $0xFFFFF000  }
0x28: {  	_ =	swait.ge [sflag:s21], $0x1000  }
0x29: {  	[sflag:s21] =	ssyncset.done $0x0  }
0x2a: {  	[sflag:s21] =	ssyncadd.s32 $0xFFFFF000  }
0x2b: {  	_ =	swait.ge [sflag:s22], $0x1000  }
0x2c: {  	[sflag:s22] =	ssyncset.done $0x0  }
0x2d: {  	s4 =	simm.s32 $0xD;
	[sflag:s22] =	ssyncadd.s32 $0xFFFFF000  }
0x2e: {  	_ =	swait.ge [sflag:s4], $0x1000  }
0x2f: {  	[sflag:s4] =	ssyncset.done $0x0  }
0x30: {  	s13 =	simm.s32 $0xE;
	[sflag:s4] =	ssyncadd.s32 $0xFFFFF000  }
0x31: {  	_ =	swait.ge [sflag:s13], $0x1000  }
0x32: {  	[sflag:s13] =	ssyncset.done $0x0  }
0x33: {  	s14 =	simm.s32 $0xF;
	[sflag:s13] =	ssyncadd.s32 $0xFFFFF000  }
0x34: {  	_ =	swait.ge [sflag:s14], $0x1000  }
0x35: {  	[sflag:s14] =	ssyncset.done $0x0  }
0x36: {  	[sflag:s14] =	ssyncadd.s32 $0xFFFFF000  }
0x37: {  	_ =	swait.ge [sflag:s17], $0x1000  }
0x38: {  	[sflag:s17] =	ssyncset.done $0x0  }
0x39: {  	[sflag:s17] =	ssyncadd.s32 $0xFFFFF000  }
0x3a: {  	[bflag:$0x0] =	sbarrier.arrive $0xFFFF  }
0x3b: {  	s15 =	rddreg [dreg:$0x6]  }
0x3c: {  	s6 =	rddreg [dreg:$0xd]  }
0x3d: {  	s13 =	rddreg [dreg:$0xf];
	s4 =	sor.u32 $0x1C11, s15  }
0x3e: {  	[hbm:s6], [sflag:s4] =	dma.local [spmem:s13], $0x1400  }
0x3f: {  	_ =	swait.ge [sflag:s26], $0x1400  }
0x40: {  	s29 =	sadd.s32 $0x1, s29;
	s16 =	rddreg [dreg:$0xe]  }
0x41: {  	p0 =	sne.s32 s29, s16  }
.Ltmp1:
0x42: {  	_ = 	snop;
	(pc) =	sbr.rel @!p0 .LBB2_8-.Ltmp1, $3  }
0x43: {  	_ =	sdelay $0x1  }
0x44: {  	[sflag:s26] =	ssyncset.done $0x0  }
0x45: {  	[sflag:s26] =	ssyncadd.s32 $0xFFFFEC00  }
.LBB2_1:
0x46: {  	s4 =	rddreg [dreg:$0x5]  }
0x47: {  	s6 =	rddreg [dreg:$0x7]  }
0x48: {  	[spmem:s13], [sflag:s6] =	dma.local [hbm:s4], $0x1400  }
0x49: {  	s4 =	rddreg [dreg:$0x8]  }
0x4a: {  	s6 =	rddreg [dreg:$0x10]  }
0x4b: {  	s13 =	rddreg [dreg:$0x11]  }
0x4c: {  	[spmem:s13], [sflag:s6] =	dma.local [hbm:s4], $0x1388  }
0x4d: {  	s16 =	simm.s32 $0x0;
	s6 =	rddreg [dreg:$0x9]  }
0x4e: {  	[tilespmem:s16], [sflag:$0xB] =	stream.linear.gather [hbm4b:s6+s16], $0x1400, $0x38;
	[tilespmem:$0x1E440] =	vst v63  }
0x4f: {  	s14 =	simm.s32 $0x1400;
	s13 =	rddreg [dreg:$0xa]  }
0x50: {  	[tilespmem:s14], [sflag:$0xC] =	stream.linear.gather [hbm4b:s13+s16], $0x1400, $0x38;
	[tilespmem:$0x1E440] =	vst v63  }
0x51: {  	_ =	swait.ge [sflag:s19], $0x1400  }
0x52: {  	[sflag:s19] =	ssyncset.done $0x0  }
0x53: {  	[sflag:s19] =	ssyncadd.s32 $0xFFFFEC00  }
0x54: {  	_ =	swait.ge [sflag:s20], $0x1388  }
0x55: {  	[sflag:s20] =	ssyncset.done $0x0  }
0x56: {  	[sflag:s20] =	ssyncadd.s32 $0xFFFFEC78  }
0x57: {  	_ =	swait.ge [sflag:s21], $0x1400  }
0x58: {  	[sflag:s21] =	ssyncset.done $0x0  }
0x59: {  	[sflag:s21] =	ssyncadd.s32 $0xFFFFEC00  }
0x5a: {  	_ =	swait.ge [sflag:s22], $0x1400  }
0x5b: {  	[sflag:s22] =	ssyncset.done $0x0  }
0x5c: {  	[sflag:s22] =	ssyncadd.s32 $0xFFFFEC00  }
0x5d: {  	[bflag:$0x0] =	sbarrier.arrive $0xFFFF  }
0x5e: {  	[tilespmem:s24], [sflag:$0x1] =	stream.indirect.gather [spmem:s3], $0x40, s16, s23, $0xb8;
	[tilespmem:$0x1E440] =	vst v63  }
0x5f: {  	_ = 	snop  }
0x60: {  	[tilespmem:s25], [sflag:$0x2] =	stream.indirect.gather [spmem:s3], $0x40, s23, s23, $0xb8;
	[tilespmem:$0x1E440] =	vst v63  }
0x61: {  	s15 =	simm.s32 $0x80  }
0x62: {  	[tilespmem:s28], [sflag:$0x3] =	stream.indirect.gather [spmem:s3], $0x40, s15, s23, $0xb8;
	[tilespmem:$0x1E440] =	vst v63  }
0x63: {  	s6 =	simm.s32 $0x0;
	s16 =	simm.s32 $0xC0  }
0x64: {  	[tilespmem:s30], [sflag:$0x4] =	stream.indirect.gather [spmem:s3], $0x40, s16, s23, $0xb8;
	[tilespmem:$0x1E440] =	vst v63  }
.LBB2_2:
0x65: {  	_ =	swait.ge [sflag:s31], $0x1000  }
0x66: {  	s4 =	sshra.s32 s6, $0x2;
	[sflag:s31] =	ssyncset.done $0x0  }
0x67: {  	p0 =	seq.s32 s6, $0x0;
	s15 =	sadd.s32 $0x1400, s4;
	[sflag:s31] =	ssyncadd.s32 $0xFFFFF000  }
0x68: {  	[spmem:s2] =	stream.indirect.scatter.add.f32 [tilespmem:s24], [sflag:$0x9], $0x40, s15, s23, $0xb8;
	[tilespmem:$0x1E440] =	vst v63  }
0x69: {  	s15 =	simm.s32 @!p0 $0xD  }
0x6a: {  	_ =	swait.ge @!p0 [sflag:s15], $0x1000  }
0x6b: {  	[sflag:s15] =	ssyncset.done @!p0 $0x0  }
0x6c: {  	s13 =	sadd.s32 $0x100, s4;
	[sflag:s15] =	ssyncadd.s32 @!p0 $0xFFFFF000  }
0x6d: {  	[tilespmem:s1], [sflag:$0x5] =	stream.indirect.gather [spmem:s3], $0x40, s13, s23, $0xb8;
	[tilespmem:$0x1E440] =	vst v63  }
0x6e: {  	_ =	swait.ge [sflag:s0], $0x1000  }
0x6f: {  	[sflag:s0] =	ssyncset.done $0x0  }
0x70: {  	s14 =	sadd.s32 $0x1440, s4;
	s15 =	simm.s32 @!p0 $0xE;
	[sflag:s0] =	ssyncadd.s32 $0xFFFFF000  }
0x71: {  	[spmem:s2] =	stream.indirect.scatter.add.f32 [tilespmem:s25], [sflag:$0xA], $0x40, s14, s23, $0xb8;
	[tilespmem:$0x1E440] =	vst v63  }
0x72: {  	_ =	swait.ge @!p0 [sflag:s15], $0x1000  }
0x73: {  	[sflag:s15] =	ssyncset.done @!p0 $0x0  }
0x74: {  	s16 =	sadd.s32 $0x140, s4;
	[sflag:s15] =	ssyncadd.s32 @!p0 $0xFFFFF000  }
0x75: {  	[tilespmem:s5], [sflag:$0x6] =	stream.indirect.gather [spmem:s3], $0x40, s16, s23, $0xb8;
	[tilespmem:$0x1E440] =	vst v63  }
0x76: {  	_ =	swait.ge [sflag:s7], $0x1000  }
0x77: {  	[sflag:s7] =	ssyncset.done $0x0  }
0x78: {  	s13 =	sadd.s32 $0x1480, s4;
	s15 =	simm.s32 @!p0 $0xF;
	[sflag:s7] =	ssyncadd.s32 $0xFFFFF000  }
0x79: {  	[spmem:s2] =	stream.indirect.scatter.add.f32 [tilespmem:s28], [sflag:$0xB], $0x40, s13, s23, $0xb8;
	[tilespmem:$0x1E440] =	vst v63  }
0x7a: {  	_ =	swait.ge @!p0 [sflag:s15], $0x1000  }
0x7b: {  	[sflag:s15] =	ssyncset.done @!p0 $0x0  }
0x7c: {  	s14 =	sadd.s32 $0x180, s4;
	[sflag:s15] =	ssyncadd.s32 @!p0 $0xFFFFF000  }
0x7d: {  	[tilespmem:s8], [sflag:$0x7] =	stream.indirect.gather [spmem:s3], $0x40, s14, s23, $0xb8;
	[tilespmem:$0x1E440] =	vst v63  }
0x7e: {  	_ =	swait.ge [sflag:s9], $0x1000  }
0x7f: {  	[sflag:s9] =	ssyncset.done $0x0  }
0x80: {  	s16 =	sadd.s32 $0x14C0, s4;
	s15 =	simm.s32 @!p0 $0x10;
	[sflag:s9] =	ssyncadd.s32 $0xFFFFF000  }
0x81: {  	[spmem:s2] =	stream.indirect.scatter.add.f32 [tilespmem:s30], [sflag:$0xC], $0x40, s16, s23, $0xb8;
	[tilespmem:$0x1E440] =	vst v63  }
0x82: {  	_ =	swait.ge @!p0 [sflag:s15], $0x1000  }
0x83: {  	[sflag:s15] =	ssyncset.done @!p0 $0x0  }
0x84: {  	s13 =	sadd.s32 $0x1C0, s4;
	[sflag:s15] =	ssyncadd.s32 @!p0 $0xFFFFF000  }
0x85: {  	[tilespmem:s10], [sflag:$0x8] =	stream.indirect.gather [spmem:s3], $0x40, s13, s23, $0xb8;
	[tilespmem:$0x1E440] =	vst v63  }
0x86: {  	_ =	swait.ge [sflag:s11], $0x1000  }
0x87: {  	p0 =	seq.s32 s6, $0x4800;
	[sflag:s11] =	ssyncset.done $0x0  }
0x88: {  	s14 =	sadd.s32 $0x1500, s4;
	s15 =	simm.s32 @p0 $0x6;
	[sflag:s11] =	ssyncadd.s32 $0xFFFFF000  }
0x89: {  	[spmem:s2] =	stream.indirect.scatter.add.f32 [tilespmem:s1], [sflag:$0xD], $0x40, s14, s23, $0xb8;
	[tilespmem:$0x1E440] =	vst v63  }
0x8a: {  	_ =	swait.ge @p0 [sflag:s15], $0x1000  }
0x8b: {  	[sflag:s15] =	ssyncset.done @p0 $0x0  }
0x8c: {  	[sflag:s15] =	ssyncadd.s32 @p0 $0xFFFFF000;
	s15 =	sshra.s32 @p0 s6, $0x2  }
0x8d: {  	s13 =	simm.s32 @p0 $0x40;
	s14 =	simm.s32 @p0 $0x7800;
	s15 =	sadd.s32 @p0 $0x1540, s15  }
0x8e: {  	[spmem:s2] =	stream.indirect.scatter.add.f32 @p0 [tilespmem:s14], [sflag:$0xE], $0x40, s15, s13, $0xb8;
	[tilespmem:$0x1E440] =	vst v63  }
0x8f: {  	s13 =	simm.s32 @!p0 $0x9  }
0x90: {  	_ =	swait.ge @!p0 [sflag:s13], $0x1000  }
0x91: {  	[sflag:s13] =	ssyncset.done @!p0 $0x0  }
0x92: {  	[sflag:s13] =	ssyncadd.s32 @!p0 $0xFFFFF000;
	s13 =	sshra.s32 @!p0 s6, $0x2  }
0x93: {  	s16 =	simm.s32 @!p0 $0x2800;
	s15 =	simm.s32 @!p0 $0x40;
	s14 =	sadd.s32 @!p0 $0x200, s13  }
0x94: {  	[tilespmem:s16], [sflag:$0x1] =	stream.indirect.gather @!p0 [spmem:s3], $0x40, s14, s15, $0xb8;
	[tilespmem:$0x1E440] =	vst v63  }
0x95: {  	s14 =	simm.s32 @!p0 $0x6  }
0x96: {  	_ =	swait.ge @!p0 [sflag:s14], $0x1000  }
0x97: {  	[sflag:s14] =	ssyncset.done @!p0 $0x0  }
0x98: {  	s16 =	simm.s32 @!p0 $0x7800;
	[sflag:s14] =	ssyncadd.s32 @!p0 $0xFFFFF000;
	s14 =	sadd.s32 @!p0 $0x1540, s13  }
0x99: {  	[spmem:s2] =	stream.indirect.scatter.add.f32 @!p0 [tilespmem:s16], [sflag:$0xE], $0x40, s14, s15, $0xb8;
	[tilespmem:$0x1E440] =	vst v63  }
0x9a: {  	s14 =	simm.s32 @!p0 $0xA  }
0x9b: {  	_ =	swait.ge @!p0 [sflag:s14], $0x1000  }
0x9c: {  	[sflag:s14] =	ssyncset.done @!p0 $0x0  }
0x9d: {  	s13 =	sadd.s32 @!p0 $0x240, s13;
	[sflag:s14] =	ssyncadd.s32 @!p0 $0xFFFFF000;
	s14 =	simm.s32 @!p0 $0x3800  }
0x9e: {  	[tilespmem:s14], [sflag:$0x2] =	stream.indirect.gather @!p0 [spmem:s3], $0x40, s13, s15, $0xb8;
	[tilespmem:$0x1E440] =	vst v63  }
.Ltmp2:
0x9f: {  	_ = 	snop;
	(pc) =	sbr.rel @p0 .LBB2_4-.Ltmp2, $4  }
0xa0: {  	_ =	swait.ge [sflag:s12], $0x1000  }
0xa1: {  	[sflag:s12] =	ssyncset.done $0x0  }
0xa2: {  	s16 =	sadd.s32 $0x1580, s4;
	s15 =	sadd.s32 $0x15C0, s4;
	[sflag:s12] =	ssyncadd.s32 $0xFFFFF000  }
0xa3: {  	[spmem:s2] =	stream.indirect.scatter.add.f32 [tilespmem:s8], [sflag:$0xF], $0x40, s16, s23, $0xb8;
	[tilespmem:$0x1E440] =	vst v63  }
0xa4: {  	_ =	swait.ge [sflag:s21], $0x1000  }
0xa5: {  	[sflag:s21] =	ssyncset.done $0x0  }
0xa6: {  	s13 =	sadd.s32 $0x280, s4;
	[sflag:s21] =	ssyncadd.s32 $0xFFFFF000  }
0xa7: {  	[tilespmem:s28], [sflag:$0x3] =	stream.indirect.gather [spmem:s3], $0x40, s13, s23, $0xb8;
	[tilespmem:$0x1E440] =	vst v63  }
0xa8: {  	_ =	swait.ge [sflag:s18], $0x1000  }
0xa9: {  	[sflag:s18] =	ssyncset.done $0x0  }
0xaa: {  	[sflag:s18] =	ssyncadd.s32 $0xFFFFF000  }
0xab: {  	[spmem:s2] =	stream.indirect.scatter.add.f32 [tilespmem:s10], [sflag:$0x10], $0x40, s15, s23, $0xb8;
	[tilespmem:$0x1E440] =	vst v63  }
.Ltmp3:
0xac: {  	_ = 	snop;
	(pc) =	sbr.rel .LBB2_2-.Ltmp3, $4  }
0xad: {  	_ =	swait.ge [sflag:s22], $0x1000  }
0xae: {  	[sflag:s22] =	ssyncset.done $0x0  }
0xaf: {  	s16 =	sadd.s32 $0x2C0, s4;
	s6 =	sadd.s32 $0x800, s6;
	[sflag:s22] =	ssyncadd.s32 $0xFFFFF000  }
0xb0: {  	[tilespmem:s30], [sflag:$0x4] =	stream.indirect.gather [spmem:s3], $0x40, s16, s23, $0xb8;
	[tilespmem:$0x1E440] =	vst v63  }
.LBB2_4:
0xb1: {  	_ =	swait.ge [sflag:s18], $0x1000  }
0xb2: {  	[sflag:s18] =	ssyncset.done $0x0  }
0xb3: {  	[sflag:s18] =	ssyncadd.s32 $0xFFFFF000  }
0xb4: {  	[spmem:s2] =	stream.indirect.scatter.add.f32 [tilespmem:s10], [sflag:$0x10], $0x40, s15, s23, $0xb8;
	[tilespmem:$0x1E440] =	vst v63  }
0xb5: {  	_ =	swait.ge [sflag:s19], $0x1000  }
0xb6: {  	[sflag:s19] =	ssyncset.done $0x0  }
0xb7: {  	[sflag:s19] =	ssyncadd.s32 $0xFFFFF000  }
0xb8: {  	_ =	swait.ge [sflag:s20], $0x1000  }
0xb9: {  	[sflag:s20] =	ssyncset.done $0x0  }
0xba: {  	[sflag:s20] =	ssyncadd.s32 $0xFFFFF000  }
0xbb: {  	_ =	swait.ge [sflag:s21], $0x1000  }
0xbc: {  	[sflag:s21] =	ssyncset.done $0x0  }
0xbd: {  	[sflag:s21] =	ssyncadd.s32 $0xFFFFF000  }
0xbe: {  	_ =	swait.ge [sflag:s22], $0x1000  }
0xbf: {  	[sflag:s22] =	ssyncset.done $0x0  }
0xc0: {  	s4 =	simm.s32 $0xD;
	[sflag:s22] =	ssyncadd.s32 $0xFFFFF000  }
0xc1: {  	_ =	swait.ge [sflag:s4], $0x1000  }
0xc2: {  	[sflag:s4] =	ssyncset.done $0x0  }
0xc3: {  	s16 =	simm.s32 $0xE;
	[sflag:s4] =	ssyncadd.s32 $0xFFFFF000  }
0xc4: {  	_ =	swait.ge [sflag:s16], $0x1000  }
0xc5: {  	[sflag:s16] =	ssyncset.done $0x0  }
0xc6: {  	s6 =	simm.s32 $0xF;
	[sflag:s16] =	ssyncadd.s32 $0xFFFFF000  }
0xc7: {  	_ =	swait.ge [sflag:s6], $0x1000  }
0xc8: {  	[sflag:s6] =	ssyncset.done $0x0  }
0xc9: {  	[sflag:s6] =	ssyncadd.s32 $0xFFFFF000  }
0xca: {  	_ =	swait.ge [sflag:s17], $0x1000  }
0xcb: {  	[sflag:s17] =	ssyncset.done $0x0  }
0xcc: {  	s6 =	simm.s32 $0x0;
	s13 =	rddreg [dreg:$0xb];
	[sflag:s17] =	ssyncadd.s32 $0xFFFFF000  }
0xcd: {  	[tilespmem:s6], [sflag:$0x11] =	stream.linear.gather [hbm4b:s13+s6], $0x1400, $0x38;
	[tilespmem:$0x1E440] =	vst v63  }
0xce: {  	_ =	swait.ge [sflag:s26], $0x1400  }
0xcf: {  	[sflag:s26] =	ssyncset.done $0x0  }
0xd0: {  	s13 =	simm.s32 $0x1400;
	s14 =	rddreg [dreg:$0xc];
	[sflag:s26] =	ssyncadd.s32 $0xFFFFEC00  }
0xd1: {  	[tilespmem:s13], [sflag:$0x11] =	stream.linear.gather [hbm4b:s14+s6], $0x1400, $0x38;
	[tilespmem:$0x1E440] =	vst v63  }
0xd2: {  	_ =	swait.ge [sflag:s26], $0x1400  }
0xd3: {  	[sflag:s26] =	ssyncset.done $0x0  }
0xd4: {  	[sflag:s26] =	ssyncadd.s32 $0xFFFFEC00  }
0xd5: {  	[tilespmem:s24], [sflag:$0x1] =	stream.indirect.gather [spmem:s3], $0x40, s6, s23, $0xb8;
	[tilespmem:$0x1E440] =	vst v63  }
0xd6: {  	_ = 	snop  }
0xd7: {  	[tilespmem:s25], [sflag:$0x2] =	stream.indirect.gather [spmem:s3], $0x40, s23, s23, $0xb8;
	[tilespmem:$0x1E440] =	vst v63  }
0xd8: {  	s15 =	simm.s32 $0x80  }
0xd9: {  	[tilespmem:s28], [sflag:$0x3] =	stream.indirect.gather [spmem:s3], $0x40, s15, s23, $0xb8;
	[tilespmem:$0x1E440] =	vst v63  }
0xda: {  	s16 =	simm.s32 $0xC0  }
0xdb: {  	[tilespmem:s30], [sflag:$0x4] =	stream.indirect.gather [spmem:s3], $0x40, s16, s23, $0xb8;
	[tilespmem:$0x1E440] =	vst v63  }
.LBB2_5:
0xdc: {  	_ =	swait.ge [sflag:s31], $0x1000  }
0xdd: {  	s4 =	sshra.s32 s6, $0x2;
	[sflag:s31] =	ssyncset.done $0x0  }
0xde: {  	p0 =	seq.s32 s6, $0x0;
	s13 =	sadd.s32 $0x1400, s4;
	[sflag:s31] =	ssyncadd.s32 $0xFFFFF000  }
0xdf: {  	[spmem:s2] =	stream.indirect.scatter.add.f32 [tilespmem:s24], [sflag:$0x9], $0x40, s13, s23, $0xb8;
	[tilespmem:$0x1E440] =	vst v63  }
0xe0: {  	s13 =	simm.s32 @!p0 $0xD  }
0xe1: {  	_ =	swait.ge @!p0 [sflag:s13], $0x1000  }
0xe2: {  	[sflag:s13] =	ssyncset.done @!p0 $0x0  }
0xe3: {  	s14 =	sadd.s32 $0x100, s4;
	[sflag:s13] =	ssyncadd.s32 @!p0 $0xFFFFF000  }
0xe4: {  	[tilespmem:s1], [sflag:$0x5] =	stream.indirect.gather [spmem:s3], $0x40, s14, s23, $0xb8;
	[tilespmem:$0x1E440] =	vst v63  }
0xe5: {  	_ =	swait.ge [sflag:s0], $0x1000  }
0xe6: {  	[sflag:s0] =	ssyncset.done $0x0  }
0xe7: {  	s15 =	sadd.s32 $0x1440, s4;
	s13 =	simm.s32 @!p0 $0xE;
	[sflag:s0] =	ssyncadd.s32 $0xFFFFF000  }
0xe8: {  	[spmem:s2] =	stream.indirect.scatter.add.f32 [tilespmem:s25], [sflag:$0xA], $0x40, s15, s23, $0xb8;
	[tilespmem:$0x1E440] =	vst v63  }
0xe9: {  	_ =	swait.ge @!p0 [sflag:s13], $0x1000  }
0xea: {  	[sflag:s13] =	ssyncset.done @!p0 $0x0  }
0xeb: {  	s16 =	sadd.s32 $0x140, s4;
	[sflag:s13] =	ssyncadd.s32 @!p0 $0xFFFFF000  }
0xec: {  	[tilespmem:s5], [sflag:$0x6] =	stream.indirect.gather [spmem:s3], $0x40, s16, s23, $0xb8;
	[tilespmem:$0x1E440] =	vst v63  }
0xed: {  	_ =	swait.ge [sflag:s7], $0x1000  }
0xee: {  	[sflag:s7] =	ssyncset.done $0x0  }
0xef: {  	s14 =	sadd.s32 $0x1480, s4;
	s13 =	simm.s32 @!p0 $0xF;
	[sflag:s7] =	ssyncadd.s32 $0xFFFFF000  }
0xf0: {  	[spmem:s2] =	stream.indirect.scatter.add.f32 [tilespmem:s28], [sflag:$0xB], $0x40, s14, s23, $0xb8;
	[tilespmem:$0x1E440] =	vst v63  }
0xf1: {  	_ =	swait.ge @!p0 [sflag:s13], $0x1000  }
0xf2: {  	[sflag:s13] =	ssyncset.done @!p0 $0x0  }
0xf3: {  	s15 =	sadd.s32 $0x180, s4;
	[sflag:s13] =	ssyncadd.s32 @!p0 $0xFFFFF000  }
0xf4: {  	[tilespmem:s8], [sflag:$0x7] =	stream.indirect.gather [spmem:s3], $0x40, s15, s23, $0xb8;
	[tilespmem:$0x1E440] =	vst v63  }
0xf5: {  	_ =	swait.ge [sflag:s9], $0x1000  }
0xf6: {  	[sflag:s9] =	ssyncset.done $0x0  }
0xf7: {  	s16 =	sadd.s32 $0x14C0, s4;
	s13 =	simm.s32 @!p0 $0x10;
	[sflag:s9] =	ssyncadd.s32 $0xFFFFF000  }
0xf8: {  	[spmem:s2] =	stream.indirect.scatter.add.f32 [tilespmem:s30], [sflag:$0xC], $0x40, s16, s23, $0xb8;
	[tilespmem:$0x1E440] =	vst v63  }
0xf9: {  	_ =	swait.ge @!p0 [sflag:s13], $0x1000  }
0xfa: {  	[sflag:s13] =	ssyncset.done @!p0 $0x0  }
0xfb: {  	s14 =	sadd.s32 $0x1C0, s4;
	[sflag:s13] =	ssyncadd.s32 @!p0 $0xFFFFF000  }
0xfc: {  	[tilespmem:s10], [sflag:$0x8] =	stream.indirect.gather [spmem:s3], $0x40, s14, s23, $0xb8;
	[tilespmem:$0x1E440] =	vst v63  }
0xfd: {  	_ =	swait.ge [sflag:s11], $0x1000  }
0xfe: {  	p0 =	seq.s32 s6, $0x4800;
	[sflag:s11] =	ssyncset.done $0x0  }
0xff: {  	s15 =	sadd.s32 $0x1500, s4;
	s13 =	simm.s32 @p0 $0x6;
	[sflag:s11] =	ssyncadd.s32 $0xFFFFF000  }
0x100: {  	[spmem:s2] =	stream.indirect.scatter.add.f32 [tilespmem:s1], [sflag:$0xD], $0x40, s15, s23, $0xb8;
	[tilespmem:$0x1E440] =	vst v63  }
0x101: {  	_ =	swait.ge @p0 [sflag:s13], $0x1000  }
0x102: {  	[sflag:s13] =	ssyncset.done @p0 $0x0  }
0x103: {  	[sflag:s13] =	ssyncadd.s32 @p0 $0xFFFFF000;
	s13 =	sshra.s32 @p0 s6, $0x2  }
0x104: {  	s14 =	simm.s32 @p0 $0x40;
	s15 =	simm.s32 @p0 $0x7800;
	s13 =	sadd.s32 @p0 $0x1540, s13  }
0x105: {  	[spmem:s2] =	stream.indirect.scatter.add.f32 @p0 [tilespmem:s15], [sflag:$0xE], $0x40, s13, s14, $0xb8;
	[tilespmem:$0x1E440] =	vst v63  }
0x106: {  	s13 =	simm.s32 @!p0 $0x9  }
0x107: {  	_ =	swait.ge @!p0 [sflag:s13], $0x1000  }
0x108: {  	[sflag:s13] =	ssyncset.done @!p0 $0x0  }
0x109: {  	[sflag:s13] =	ssyncadd.s32 @!p0 $0xFFFFF000;
	s13 =	sshra.s32 @!p0 s6, $0x2  }
0x10a: {  	s16 =	simm.s32 @!p0 $0x2800;
	s15 =	simm.s32 @!p0 $0x40;
	s14 =	sadd.s32 @!p0 $0x200, s13  }
0x10b: {  	[tilespmem:s16], [sflag:$0x1] =	stream.indirect.gather @!p0 [spmem:s3], $0x40, s14, s15, $0xb8;
	[tilespmem:$0x1E440] =	vst v63  }
0x10c: {  	s14 =	simm.s32 @!p0 $0x6  }
0x10d: {  	_ =	swait.ge @!p0 [sflag:s14], $0x1000  }
0x10e: {  	[sflag:s14] =	ssyncset.done @!p0 $0x0  }
0x10f: {  	s16 =	simm.s32 @!p0 $0x7800;
	[sflag:s14] =	ssyncadd.s32 @!p0 $0xFFFFF000;
	s14 =	sadd.s32 @!p0 $0x1540, s13  }
0x110: {  	[spmem:s2] =	stream.indirect.scatter.add.f32 @!p0 [tilespmem:s16], [sflag:$0xE], $0x40, s14, s15, $0xb8;
	[tilespmem:$0x1E440] =	vst v63  }
0x111: {  	s14 =	simm.s32 @!p0 $0xA  }
0x112: {  	_ =	swait.ge @!p0 [sflag:s14], $0x1000  }
0x113: {  	[sflag:s14] =	ssyncset.done @!p0 $0x0  }
0x114: {  	s13 =	sadd.s32 @!p0 $0x240, s13;
	[sflag:s14] =	ssyncadd.s32 @!p0 $0xFFFFF000;
	s14 =	simm.s32 @!p0 $0x3800  }
0x115: {  	[tilespmem:s14], [sflag:$0x2] =	stream.indirect.gather @!p0 [spmem:s3], $0x40, s13, s15, $0xb8;
	[tilespmem:$0x1E440] =	vst v63  }
.Ltmp4:
0x116: {  	_ = 	snop;
	(pc) =	sbr.rel @p0 .LBB2_7-.Ltmp4, $4  }
0x117: {  	_ =	swait.ge [sflag:s12], $0x1000  }
0x118: {  	[sflag:s12] =	ssyncset.done $0x0  }
0x119: {  	s16 =	sadd.s32 $0x1580, s4;
	s15 =	sadd.s32 $0x15C0, s4;
	[sflag:s12] =	ssyncadd.s32 $0xFFFFF000  }
0x11a: {  	[spmem:s2] =	stream.indirect.scatter.add.f32 [tilespmem:s8], [sflag:$0xF], $0x40, s16, s23, $0xb8;
	[tilespmem:$0x1E440] =	vst v63  }
0x11b: {  	_ =	swait.ge [sflag:s21], $0x1000  }
0x11c: {  	[sflag:s21] =	ssyncset.done $0x0  }
0x11d: {  	s13 =	sadd.s32 $0x280, s4;
	[sflag:s21] =	ssyncadd.s32 $0xFFFFF000  }
0x11e: {  	[tilespmem:s28], [sflag:$0x3] =	stream.indirect.gather [spmem:s3], $0x40, s13, s23, $0xb8;
	[tilespmem:$0x1E440] =	vst v63  }
0x11f: {  	_ =	swait.ge [sflag:s18], $0x1000  }
0x120: {  	[sflag:s18] =	ssyncset.done $0x0  }
0x121: {  	[sflag:s18] =	ssyncadd.s32 $0xFFFFF000  }
0x122: {  	[spmem:s2] =	stream.indirect.scatter.add.f32 [tilespmem:s10], [sflag:$0x10], $0x40, s15, s23, $0xb8;
	[tilespmem:$0x1E440] =	vst v63  }
.Ltmp5:
0x123: {  	_ = 	snop;
	(pc) =	sbr.rel .LBB2_5-.Ltmp5, $4  }
0x124: {  	_ =	swait.ge [sflag:s22], $0x1000  }
0x125: {  	[sflag:s22] =	ssyncset.done $0x0  }
0x126: {  	s16 =	sadd.s32 $0x2C0, s4;
	s6 =	sadd.s32 $0x800, s6;
	[sflag:s22] =	ssyncadd.s32 $0xFFFFF000  }
0x127: {  	[tilespmem:s30], [sflag:$0x4] =	stream.indirect.gather [spmem:s3], $0x40, s16, s23, $0xb8;
	[tilespmem:$0x1E440] =	vst v63  }
.LBB2_8:
0x128: {  	_ =	sfence.sel $0x180000  }
0x129: {  	[bflag:$0x0] =	sbarrier.arrive $0xFFFF  }
0x12a: {  	_ =	strace $0x9000004A  }
0x12b: {  	s0 =	stileid.u32;
	[bflag:$0x2] =	sbarrier.arrive $0xFFFF  }
0x12c: {  	p0 =	sne.s32 s0, $0x0;
	s0 =	rddreg [dreg:$0x4]  }
0x12d: {  	s0 =	sadd.s32 @!p0 $0x100000, s0  }
0x12e: {  	[sflag:s0] =	ssyncadd.tile.s32 @!p0 $0x1;
	_ =	shalt  }
.Lfunc_end2:
_tile_overlayer_lowered:
.L_overlay_start_2:
0x12f: {  	(tag) =	ssettag $0x2  }
0x130: {  	s0 =	rddreg [dreg:$0x0];
	s2 =	stileid.u32  }
0x131: {  	s1 =	rddreg [dreg:$0x1];
	p0 =	sne.s32 s2, $0x0  }
0x132: {  	s3 =	rddreg [dreg:$0x2];
	[bflag:$0x3] =	sbarrier.arrive $0xFFFF;
	s2 =	simm.s32 @!p0 $0x1C11  }
0x133: {  	[timem:s3], [sflag:s2] =	dma.local @!p0 [hbm:s0], s1  }
0x134: {  	s0 =	simm.s32 @!p0 $0x11  }
0x135: {  	_ =	swait.ge @!p0 [sflag:s0], s1  }
0x136: {  	s1 =	ssub.s32 @!p0 $0x0, s1;
	[sflag:s0] =	ssyncset.done @!p0 $0x0  }
0x137: {  	[sflag:s0] =	ssyncadd.s32 @!p0 s1  }
0x138: {  	[bflag:$0x3] =	sbarrier.arrive $0xFFFF  }
0x139: {  	_ =	shalt  }

// kernel: kernel.7.cloned.1.call-start
scs
__scs_entry_jumppad:
0x0: {  	(pc) =	sbr.rel $0x88, $3  }
0x1: {  	(tag) =	ssettag $0x0;
	lr =	simm.s32 $0x1  }
0x2: {  	[smem:$0x3F9A] =	sst lr;
	_ =	strace $0xD0000000  }
0x3: {  	_ = 	snop  }
0x4: {  	_ = 	snop  }
0x5: {  	_ = 	snop  }
0x6: {  	_ = 	snop  }
0x7: {  	_ = 	snop  }
__scs_overlays_trampoline_lowered:
0x8: {  	[smem:$0x3FA9] =	sst s0  }
0x9: {  	[smem:$0x3FAA] =	sst s1  }
0xa: {  	[smem:$0x3FAB] =	sst s2  }
0xb: {  	[smem:$0x3FAC] =	sst s3  }
0xc: {  	[smem:$0x3FAD] =	sst s4  }
0xd: {  	[smem:$0x3FAE] =	sst s5  }
0xe: {  	[smem:$0x3FAF] =	sst s6  }
0xf: {  	[smem:$0x3FB0] =	sst s7  }
0x10: {  	[smem:$0x3FB1] =	sst s8  }
0x11: {  	[smem:$0x3FB2] =	sst s9;
	s0 =	simm.s32 @!p0 $0x0  }
0x12: {  	s1 =	sld [smem:$0x3F98];
	s0 =	simm.s32 @p0 $0x1  }
0x13: {  	[smem:$0x3FB3] =	sst s0;
	s0 =	simm.s32 @!p1 $0x0  }
0x14: {  	s2 =	sld [smem:$0x3F97];
	s0 =	simm.s32 @p1 $0x1  }
0x15: {  	[smem:$0x3FB4] =	sst s0;
	s0 =	simm.s32 @!p2 $0x0  }
0x16: {  	s3 =	sld [smem:$0x3FDB];
	s0 =	simm.s32 @p2 $0x1  }
0x17: {  	s4 =	simm.s32 $0x1BF5;
	[smem:$0x3FB6] =	sst s0  }
0x18: {  	s0 =	sld [smem:$0x3F99];
	_ =	swait.ge [sflag:s4], $0x0  }
0x19: {  	s7 =	sld [smem:$0x3F9A]  }
0x1a: {  	s8 =	sadd.s32 $0xFFFFE003, lr  }
0x1b: {  	s9 =	sadd.s32 $0xFFFFFEF7, lr;
	s5 =	simm.s32 $0xFFFFFFFF;
	p2 =	slt.u32 s8, $0xFFFFF086  }
0x1c: {  	p1 =	slt.u32 s9, $0xF7A;
	s5 =	simm.s32 @!p2 $0x0  }
0x1d: {  	s5 =	simm.s32 @p1 $0x1;
	p0 =	seq.s32 s7, s2  }
0x1e: {  	s7 =	smul.u32 @!p0 $0xF7A, s2;
	p2 =	seq.s32 @!p0 s5, $0x0  }
0x1f: {  	s9 =	smul.u32 $0xF7A, s1;
	s8 =	simm.s32 @!p0 $0x1BF5;
	p2 =	por !p2, p0  }
0x20: {  	[sflag:s8] =	ssyncset.s32 @!p0 $0xFFFFF086;
	s6 =	sadd.s32 @!p0 s3, s7;
	s7 =	simm.s32 @!p0 $0x108  }
0x21: {  	s3 =	sadd.s32 s3, s9;
	s6 =	sadd.s32 @!p0 $0x88, s6;
	s7 =	simm.s32 @p2 $0x1082  }
0x22: {  	[simem:s7], [sflag:s8] =	dma.local @!p0 [hbm:s6], $0xF7A  }
0x23: {  	s9 =	sor.u32 $0xD0000000, s2;
	s6 =	simm.s32 $0x108;
	_ =	swait.ge @!p0 [sflag:s8], $0x0  }
0x24: {  	s3 =	sadd.s32 $0x88, s3;
	s6 =	simm.s32 @!p1 $0x1082;
	[sflag:s4] =	ssyncset.s32 $0xFFFFF086  }
0x25: {  	[simem:s6], [sflag:s4] =	dma.local [hbm:s3], $0xF7A  }
0x26: {  	[smem:$0x3F9A] =	sst s1;
	(tag) =	ssettag s2;
	_ =	strace s9  }
0x27: {  	s1 =	sld [smem:$0x3FAA]  }
0x28: {  	s2 =	sld [smem:$0x3FAB]  }
0x29: {  	s4 =	sld [smem:$0x3FAD]  }
0x2a: {  	p0 =	seq.s32 s5, $0x0;
	s5 =	sld [smem:$0x3FAE]  }
0x2b: {  	s6 =	sld [smem:$0x3FAF]  }
0x2c: {  	s7 =	sld [smem:$0x3FB0]  }
0x2d: {  	s3 =	simm.s32 $0x108;
	s8 =	sld [smem:$0x3FB1]  }
0x2e: {  	s3 =	simm.s32 @!p0 $0x1082;
	s9 =	sld [smem:$0x3FB2]  }
0x2f: {  	lr =	sadd.s32 s0, s3;
	s0 =	sld [smem:$0x3FA9]  }
0x30: {  	s3 =	sld [smem:$0x3FAC]  }
0x31: {  	[smem:$0x3FB5] =	sst s10  }
0x32: {  	s10 =	sld [smem:$0x3FB3];
	_ =	sdelay $0x3  }
0x33: {  	p0 =	seq.s32 s10, $0x1;
	s10 =	sld [smem:$0x3FB5];
	_ =	sdelay $0x3  }
0x34: {  	[smem:$0x3FB5] =	sst s10  }
0x35: {  	s10 =	sld [smem:$0x3FB4];
	_ =	sdelay $0x3  }
0x36: {  	p1 =	seq.s32 s10, $0x1;
	s10 =	sld [smem:$0x3FB5];
	_ =	sdelay $0x3  }
0x37: {  	[smem:$0x3FB5] =	sst s10  }
0x38: {  	s10 =	sld [smem:$0x3FB6]  }
0x39: {  	_ = 	snop;
	(pc) =	sbr.ind lr, $3  }
0x3a: {  	_ = 	snop  }
0x3b: {  	_ = 	snop  }
0x3c: {  	p2 =	seq.s32 s10, $0x1;
	s10 =	sld [smem:$0x3FB5]  }
0x3d: {  	_ =	shalt  }
0x3e: {  	_ =	shalt  }
0x3f: {  	_ =	shalt  }
0x40: {  	_ =	shalt  }
0x41: {  	_ =	shalt  }
0x42: {  	_ =	shalt  }
0x43: {  	_ =	shalt  }
0x44: {  	_ =	shalt  }
0x45: {  	_ =	shalt  }
0x46: {  	_ =	shalt  }
0x47: {  	_ =	shalt  }
0x48: {  	_ =	shalt  }
0x49: {  	_ =	shalt  }
0x4a: {  	_ =	shalt  }
0x4b: {  	_ =	shalt  }
0x4c: {  	_ =	shalt  }
0x4d: {  	_ =	shalt  }
0x4e: {  	_ =	shalt  }
0x4f: {  	_ =	shalt  }
0x50: {  	_ =	shalt  }
0x51: {  	_ =	shalt  }
0x52: {  	_ =	shalt  }
0x53: {  	_ =	shalt  }
0x54: {  	_ =	shalt  }
0x55: {  	_ =	shalt  }
0x56: {  	_ =	shalt  }
0x57: {  	_ =	shalt  }
0x58: {  	_ =	shalt  }
0x59: {  	_ =	shalt  }
0x5a: {  	_ =	shalt  }
0x5b: {  	_ =	shalt  }
0x5c: {  	_ =	shalt  }
0x5d: {  	_ =	shalt  }
0x5e: {  	_ =	shalt  }
0x5f: {  	_ =	shalt  }
0x60: {  	_ =	shalt  }
0x61: {  	_ =	shalt  }
0x62: {  	_ =	shalt  }
0x63: {  	_ =	shalt  }
0x64: {  	_ =	shalt  }
0x65: {  	_ =	shalt  }
0x66: {  	_ =	shalt  }
0x67: {  	_ =	shalt  }
0x68: {  	_ =	shalt  }
0x69: {  	_ =	shalt  }
0x6a: {  	_ =	shalt  }
0x6b: {  	_ =	shalt  }
0x6c: {  	_ =	shalt  }
0x6d: {  	_ =	shalt  }
0x6e: {  	_ =	shalt  }
0x6f: {  	_ =	shalt  }
0x70: {  	_ =	shalt  }
0x71: {  	_ =	shalt  }
0x72: {  	_ =	shalt  }
0x73: {  	_ =	shalt  }
0x74: {  	_ =	shalt  }
0x75: {  	_ =	shalt  }
0x76: {  	_ =	shalt  }
0x77: {  	_ =	shalt  }
0x78: {  	_ =	shalt  }
0x79: {  	_ =	shalt  }
0x7a: {  	_ =	shalt  }
0x7b: {  	_ =	shalt  }
0x7c: {  	_ =	shalt  }
0x7d: {  	_ =	shalt  }
0x7e: {  	_ =	shalt  }
0x7f: {  	_ =	shalt  }
0x80: {  	_ =	shalt  }
0x81: {  	_ =	shalt  }
0x82: {  	_ =	shalt  }
0x83: {  	_ =	shalt  }
0x84: {  	_ =	shalt  }
0x85: {  	_ =	shalt  }
0x86: {  	_ =	shalt  }
0x87: {  	_ =	shalt  }
.Lfunc_end0:
.L_simem_size_0:
called_computation_lowered:
.L_overlay_start_0:
0x88: {  	s2 =	sld [smem:$0x3FD9]  }
0x89: {  	s3 =	sld [smem:$0x3FFE];
	_ =	sdelay $0x1  }
0x8a: {  	s1 =	srdreg.scid  }
0x8b: {  	s0 =	sand.u32 $0x1, s1  }
0x8c: {  	s17 =	sshll.u32 s0, $0xA;
	s2 =	sadd.s32 s3, s2  }
0x8d: {  	s2 =	sadd.s32 s2, s17  }
0x8e: {  	[smem:$0x3FC1] =	sst s2  }
0x8f: {  	_ = 	snop  }
0x90: {  	s2 =	sld [smem:$0x3FD0];
	(tm) =	ssettm $0x1  }
0x91: {  	s18 =	sld [smem:$0x3FFB];
	_ =	sdelay $0x3  }
0x92: {  	_ =	strace s18  }
0x93: {  	s3 =	sld [smem:$0x3FFC];
	_ =	sdelay $0x3  }
0x94: {  	_ =	strace s3  }
0x95: {  	s3 =	sld [smem:$0x3FFD];
	_ =	sdelay $0x3  }
0x96: {  	_ =	strace s3  }
0x97: {  	_ =	strace $0x8FFFFFFF  }
0x98: {  	s19 =	sld [smem:$0x3FDB];
	_ =	sdelay $0x1  }
0x99: {  	s4 =	simm.s32 $_scs_section_size  }
0x9a: {  	s5 =	simm.s32 $_size__tile_overlayer_lowered;
	s6 =	simm.s32 $_tile_overlayer_lowered  }
0x9b: {  	s22 =	simm.s32 $0x1BFF;
	s21 =	sshll.u32 s6, $0x1;
	s3 =	sadd.s32 s4, s19  }
0x9c: {  	s7 =	simm.s32 $0x0;
	s20 =	sshll.u32 s5, $0x1;
	s5 =	sadd.s32 s21, s3  }
0x9d: {  	[timem:s7], [sflag:s22] =	dma.local [hbm:s5], s20  }
0x9e: {  	_ =	swait.ge [sflag:s22], s20  }
0x9f: {  	s4 =	ssub.s32 $0x0, s20;
	[sflag:s22] =	ssyncset.done $0x0  }
0xa0: {  	[sflag:s22] =	ssyncadd.s32 s4;
	_ =	sdelay $0x1  }
0xa1: {  	s23 =	simm.s32 $0x1B8B  }
0xa2: {  	_ =	swait.ge [sflag:s23], $0x1  }
0xa3: {  	[sflag:s23] =	ssyncset.done $0x0  }
0xa4: {  	s25 =	simm.s32 $0x1B8E;
	s24 =	sld [smem:$0x3FFE];
	[sflag:s23] =	ssyncadd.s32 $0xFFFFFFFF  }
0xa5: {  	s26 =	simm.s32 $execute0_lowered;
	[smem:$0x3FD2] =	sst s25  }
0xa6: {  	s5 =	sshll.u32 s26, $0x1;
	_ =	strace $0x80000046;
	[dreg:$0x1] =	wrdreg $0xFFFFFFFF  }
0xa7: {  	s28 =	simm.s32 $_size_execute0_lowered;
	s3 =	sadd.s32 s3, s5;
	[dreg:$0x0] =	wrdreg $0x0  }
0xa8: {  	s5 =	sshll.u32 s28, $0x1;
	[dreg:$0x2] =	wrdreg s3  }
0xa9: {  	[dreg:$0x3] =	wrdreg s5  }
0xaa: {  	[dreg:$0x4] =	wrdreg $0xC0  }
0xab: {  	_ =	task [dreg:s7], $0x5FFFF  }
0xac: {  	[dreg:$0x1] =	wrdreg $0xFFFFFFFF  }
0xad: {  	[dreg:$0x0] =	wrdreg $0x60  }
0xae: {  	[dreg:$0x2] =	wrdreg s24  }
0xaf: {  	[dreg:$0x3] =	wrdreg s2  }
0xb0: {  	[dreg:$0x4] =	wrdreg $0x144400  }
0xb1: {  	[dreg:$0x5] =	wrdreg $0xA8000  }
0xb2: {  	[dreg:$0x6] =	wrdreg $0x9  }
0xb3: {  	_ =	task.clear_ibuf [dreg:s7], $0x7FFFF;
	_ =	strace $0x90000046  }
0xb4: {  	s29 =	simm.s32 $0x9;
	_ =	strace $0x80000048  }
0xb5: {  	_ =	swait.ge [sflag:s29], $0x1  }
0xb6: {  	[sflag:s29] =	ssyncadd.s32 $0xFFFFFFFF  }
0xb7: {  	_ =	strace $0x90000048  }
0xb8: {  	_ =	sfence  }
0xb9: {  	s30 =	sld [smem:$0x0];
	_ =	sdelay $0x2  }
0xba: {  	s31 =	sshll.u32 s1, $0xD;
	s1 =	sshrl.u32 s1, $0x2  }
0xbb: {  	s3 =	sand.u32 $0x4000, s31;
	s1 =	sadd.s32 s1, s30  }
0xbc: {  	s0 =	sor.u32 s3, s0;
	s1 =	sshll.u32 s1, $0x11  }
0xbd: {  	s0 =	sor.u32 s1, s0  }
0xbe: {  	s0 =	sadd.s32 $0x8F2B, s0  }
0xbf: {  	[sflag:s0] =	ssyncadd.remote.s32 $0x1  }
0xc0: {  	_ =	sfence.sel $0xFFFF  }
0xc1: {  	[dreg:$0x0] =	wrdreg $0xFFFFFFFF;
	(pc) =	sbr.abs _section_cstart, $3  }
0xc2: {  	[dreg:$0x1] =	wrdreg $0xFFFFFFFF  }
0xc3: {  	_ =	task.clear_ibuf [dreg:s7], $0x2FFFF;
	_ =	strace $0x9FFFFFFF  }
0xc4: {  	(tm) =	ssettm $0x7FFFFFFF  }
0xc5: {  	_ =	shalt  }
tec
execute0_lowered:
.L_overlay_start_1:
0x0: {  	(tag) =	ssettag $0x1  }
0x1: {  	s0 =	rddreg [dreg:$0x0]  }
0x2: {  	s1 =	rddreg [dreg:$0x1];
	s3 =	srdreg.scid  }
0x3: {  	s2 =	rddreg [dreg:$0x2];
	s10 =	stileid.u32  }
0x4: {  	s8 =	simm.s32 $0x0;
	s28 =	simm.s32 $0x4800;
	s6 =	smul.u32 $0x1388, s10  }
0x5: {  	s30 =	simm.s32 $0x5800;
	s31 =	simm.s32 $0x1;
	s7 =	smul.u32 $0x1400, s10  }
0x6: {  	s12 =	simm.s32 $0x7;
	s29 =	simm.s32 $0x0;
	s9 =	smul.u32 $0x28000, s10  }
0x7: {  	s4 =	sand.u32 $0x1, s3;
	s3 =	rddreg [dreg:$0x3];
	s20 =	smul.u32 $0x27100, s10  }
0x8: {  	[smem:$0x7FF] =	sst s8;
	s16 =	sadd.s32 $0x1C00, s0;
	s5 =	smul.u32 $0x13880, s4  }
0x9: {  	s17 =	sadd.s32 $0x32E00, s0;
	s15 =	smul.u32 $0x14000, s4;
	_ =	strace $0x80000047  }
0xa: {  	[dreg:$0x5] =	wrdreg s17;
	s18 =	ssub.s32 $0x2, s4;
	s4 =	sshll.u32 s4, $0x4  }
0xb: {  	s17 =	simm.s32 $0x10;
	s19 =	sshrl.u32 s18, $0x1;
	s4 =	sor.u32 s10, s4  }
0xc: {  	s9 =	sshrl.u32 s9, $0x2;
	s10 =	sshll.u32 s10, $0x6;
	s8 =	sshrl.u32 s20, $0x2  }
0xd: {  	s20 =	simm.s32 $0xA;
	s5 =	sadd.s32 s6, s5;
	s7 =	sadd.s32 s7, s15  }
0xe: {  	s4 =	smul.u32 $0x2800, s4;
	s9 =	sadd.s32 s9, s2;
	s11 =	sor.u32 $0x1C09, s10  }
0xf: {  	s8 =	sadd.s32 s8, s3;
	[dreg:$0x6] =	wrdreg s10;
	s25 =	sor.u32 $0x1C0A, s10  }
0x10: {  	s10 =	simm.s32 $0x9800;
	s5 =	sadd.s32 s5, s0;
	s0 =	sadd.s32 s7, s0  }
0x11: {  	s7 =	ssub.s32 s18, s19;
	[dreg:$0x7] =	wrdreg s11;
	s13 =	sshrl.u32 s9, $0x3  }
0x12: {  	[dreg:$0x10] =	wrdreg s25;
	s26 =	sshrl.u32 s8, $0x3;
	s19 =	simm.s32 $0x9  }
0x13: {  	s25 =	simm.s32 $0x3800;
	s8 =	simm.s32 $0x8800;
	s9 =	simm.s32 $0x4  }
0x14: {  	s11 =	simm.s32 $0x5;
	s18 =	simm.s32 $0x8;
	s5 =	sadd.s32 $0xBC00, s5  }
0x15: {  	s4 =	sshrl.u32 s4, $0x3;
	s0 =	sadd.s32 $0x34200, s0;
	[dreg:$0x11] =	wrdreg s26  }
0x16: {  	s24 =	smax.u32 s7, $0x1;
	s7 =	simm.s32 $0x3;
	[dreg:$0xf] =	wrdreg s13  }
0x17: {  	s26 =	simm.s32 $0x11;
	[dreg:$0x8] =	wrdreg s5;
	s21 =	sadd.s32 s1, s4  }
0x18: {  	s22 =	sadd.s32 s16, s4;
	s4 =	sadd.s32 $0x280, s4;
	[dreg:$0xd] =	wrdreg s0  }
.Ltmp0:
0x19: {  	[dreg:$0xe] =	wrdreg s24;
	s24 =	simm.s32 $0x2800;
	(pc) =	sbr.rel .LBB2_1-.Ltmp0, $4  }
0x1a: {  	s0 =	simm.s32 $0x2;
	s5 =	simm.s32 $0x7800;
	[dreg:$0x9] =	wrdreg s21  }
0x1b: {  	[dreg:$0xa] =	wrdreg s22;
	s1 =	sadd.s32 s1, s4;
	s23 =	sadd.s32 s16, s4  }
0x1c: {  	s21 =	simm.s32 $0xB;
	s22 =	simm.s32 $0xC;
	[dreg:$0xb] =	wrdreg s1  }
0x1d: {  	[dreg:$0xc] =	wrdreg s23;
	s23 =	simm.s32 $0x40;
	s1 =	simm.s32 $0x6800  }
.LBB2_7:
0x1e: {  	_ =	swait.ge [sflag:s18], $0x1000  }
0x1f: {  	[sflag:s18] =	ssyncset.done $0x0  }
0x20: {  	[sflag:s18] =	ssyncadd.s32 $0xFFFFF000  }
0x21: {  	[spmem:s2] =	stream.indirect.scatter.add.f32 [tilespmem:s10], [sflag:$0x10], $0x40, s15, s23, $0xb8;
	[tilespmem:$0x1E440] =	vst v63  }
0x22: {  	_ =	swait.ge [sflag:s19], $0x1000  }
0x23: {  	[sflag:s19] =	ssyncset.done $0x0  }
0x24: {  	[sflag:s19] =	ssyncadd.s32 $0xFFFFF000  }
0x25: {  	_ =	swait.ge [sflag:s20], $0x1000  }
0x26: {  	[sflag:s20] =	ssyncset.done $0x0  }
0x27: {  	[sflag:s20] =	ssyncadd.s32 $0xFFFFF000  }
0x28: {  	_ =	swait.ge [sflag:s21], $0x1000  }
0x29: {  	[sflag:s21] =	ssyncset.done $0x0  }
0x2a: {  	[sflag:s21] =	ssyncadd.s32 $0xFFFFF000  }
0x2b: {  	_ =	swait.ge [sflag:s22], $0x1000  }
0x2c: {  	[sflag:s22] =	ssyncset.done $0x0  }
0x2d: {  	s4 =	simm.s32 $0xD;
	[sflag:s22] =	ssyncadd.s32 $0xFFFFF000  }
0x2e: {  	_ =	swait.ge [sflag:s4], $0x1000  }
0x2f: {  	[sflag:s4] =	ssyncset.done $0x0  }
0x30: {  	s13 =	simm.s32 $0xE;
	[sflag:s4] =	ssyncadd.s32 $0xFFFFF000  }
0x31: {  	_ =	swait.ge [sflag:s13], $0x1000  }
0x32: {  	[sflag:s13] =	ssyncset.done $0x0  }
0x33: {  	s14 =	simm.s32 $0xF;
	[sflag:s13] =	ssyncadd.s32 $0xFFFFF000  }
0x34: {  	_ =	swait.ge [sflag:s14], $0x1000  }
0x35: {  	[sflag:s14] =	ssyncset.done $0x0  }
0x36: {  	[sflag:s14] =	ssyncadd.s32 $0xFFFFF000  }
0x37: {  	_ =	swait.ge [sflag:s17], $0x1000  }
0x38: {  	[sflag:s17] =	ssyncset.done $0x0  }
0x39: {  	[sflag:s17] =	ssyncadd.s32 $0xFFFFF000  }
0x3a: {  	[bflag:$0x0] =	sbarrier.arrive $0xFFFF  }
0x3b: {  	s15 =	rddreg [dreg:$0x6]  }
0x3c: {  	s6 =	rddreg [dreg:$0xd]  }
0x3d: {  	s13 =	rddreg [dreg:$0xf];
	s4 =	sor.u32 $0x1C11, s15  }
0x3e: {  	[hbm:s6], [sflag:s4] =	dma.local [spmem:s13], $0x1400  }
0x3f: {  	_ =	swait.ge [sflag:s26], $0x1400  }
0x40: {  	s29 =	sadd.s32 $0x1, s29;
	s16 =	rddreg [dreg:$0xe]  }
0x41: {  	p0 =	sne.s32 s29, s16  }
.Ltmp1:
0x42: {  	_ = 	snop;
	(pc) =	sbr.rel @!p0 .LBB2_8-.Ltmp1, $3  }
0x43: {  	_ =	sdelay $0x1  }
0x44: {  	[sflag:s26] =	ssyncset.done $0x0  }
0x45: {  	[sflag:s26] =	ssyncadd.s32 $0xFFFFEC00  }
.LBB2_1:
0x46: {  	s4 =	rddreg [dreg:$0x5]  }
0x47: {  	s6 =	rddreg [dreg:$0x7]  }
0x48: {  	[spmem:s13], [sflag:s6] =	dma.local [hbm:s4], $0x1400  }
0x49: {  	s4 =	rddreg [dreg:$0x8]  }
0x4a: {  	s6 =	rddreg [dreg:$0x10]  }
0x4b: {  	s13 =	rddreg [dreg:$0x11]  }
0x4c: {  	[spmem:s13], [sflag:s6] =	dma.local [hbm:s4], $0x1388  }
0x4d: {  	s16 =	simm.s32 $0x0;
	s6 =	rddreg [dreg:$0x9]  }
0x4e: {  	[tilespmem:s16], [sflag:$0xB] =	stream.linear.gather [hbm4b:s6+s16], $0x1400, $0x38;
	[tilespmem:$0x1E440] =	vst v63  }
0x4f: {  	s14 =	simm.s32 $0x1400;
	s13 =	rddreg [dreg:$0xa]  }
0x50: {  	[tilespmem:s14], [sflag:$0xC] =	stream.linear.gather [hbm4b:s13+s16], $0x1400, $0x38;
	[tilespmem:$0x1E440] =	vst v63  }
0x51: {  	_ =	swait.ge [sflag:s19], $0x1400  }
0x52: {  	[sflag:s19] =	ssyncset.done $0x0  }
0x53: {  	[sflag:s19] =	ssyncadd.s32 $0xFFFFEC00  }
0x54: {  	_ =	swait.ge [sflag:s20], $0x1388  }
0x55: {  	[sflag:s20] =	ssyncset.done $0x0  }
0x56: {  	[sflag:s20] =	ssyncadd.s32 $0xFFFFEC78  }
0x57: {  	_ =	swait.ge [sflag:s21], $0x1400  }
0x58: {  	[sflag:s21] =	ssyncset.done $0x0  }
0x59: {  	[sflag:s21] =	ssyncadd.s32 $0xFFFFEC00  }
0x5a: {  	_ =	swait.ge [sflag:s22], $0x1400  }
0x5b: {  	[sflag:s22] =	ssyncset.done $0x0  }
0x5c: {  	[sflag:s22] =	ssyncadd.s32 $0xFFFFEC00  }
0x5d: {  	[bflag:$0x0] =	sbarrier.arrive $0xFFFF  }
0x5e: {  	[tilespmem:s24], [sflag:$0x1] =	stream.indirect.gather [spmem:s3], $0x40, s16, s23, $0xb8;
	[tilespmem:$0x1E440] =	vst v63  }
0x5f: {  	_ = 	snop  }
0x60: {  	[tilespmem:s25], [sflag:$0x2] =	stream.indirect.gather [spmem:s3], $0x40, s23, s23, $0xb8;
	[tilespmem:$0x1E440] =	vst v63  }
0x61: {  	s15 =	simm.s32 $0x80  }
0x62: {  	[tilespmem:s28], [sflag:$0x3] =	stream.indirect.gather [spmem:s3], $0x40, s15, s23, $0xb8;
	[tilespmem:$0x1E440] =	vst v63  }
0x63: {  	s6 =	simm.s32 $0x0;
	s16 =	simm.s32 $0xC0  }
0x64: {  	[tilespmem:s30], [sflag:$0x4] =	stream.indirect.gather [spmem:s3], $0x40, s16, s23, $0xb8;
	[tilespmem:$0x1E440] =	vst v63  }
.LBB2_2:
0x65: {  	_ =	swait.ge [sflag:s31], $0x1000  }
0x66: {  	s4 =	sshra.s32 s6, $0x2;
	[sflag:s31] =	ssyncset.done $0x0  }
0x67: {  	p0 =	seq.s32 s6, $0x0;
	s15 =	sadd.s32 $0x1400, s4;
	[sflag:s31] =	ssyncadd.s32 $0xFFFFF000  }
0x68: {  	[spmem:s2] =	stream.indirect.scatter.add.f32 [tilespmem:s24], [sflag:$0x9], $0x40, s15, s23, $0xb8;
	[tilespmem:$0x1E440] =	vst v63  }
0x69: {  	s15 =	simm.s32 @!p0 $0xD  }
0x6a: {  	_ =	swait.ge @!p0 [sflag:s15], $0x1000  }
0x6b: {  	[sflag:s15] =	ssyncset.done @!p0 $0x0  }
0x6c: {  	s13 =	sadd.s32 $0x100, s4;
	[sflag:s15] =	ssyncadd.s32 @!p0 $0xFFFFF000  }
0x6d: {  	[tilespmem:s1], [sflag:$0x5] =	stream.indirect.gather [spmem:s3], $0x40, s13, s23, $0xb8;
	[tilespmem:$0x1E440] =	vst v63  }
0x6e: {  	_ =	swait.ge [sflag:s0], $0x1000  }
0x6f: {  	[sflag:s0] =	ssyncset.done $0x0  }
0x70: {  	s14 =	sadd.s32 $0x1440, s4;
	s15 =	simm.s32 @!p0 $0xE;
	[sflag:s0] =	ssyncadd.s32 $0xFFFFF000  }
0x71: {  	[spmem:s2] =	stream.indirect.scatter.add.f32 [tilespmem:s25], [sflag:$0xA], $0x40, s14, s23, $0xb8;
	[tilespmem:$0x1E440] =	vst v63  }
0x72: {  	_ =	swait.ge @!p0 [sflag:s15], $0x1000  }
0x73: {  	[sflag:s15] =	ssyncset.done @!p0 $0x0  }
0x74: {  	s16 =	sadd.s32 $0x140, s4;
	[sflag:s15] =	ssyncadd.s32 @!p0 $0xFFFFF000  }
0x75: {  	[tilespmem:s5], [sflag:$0x6] =	stream.indirect.gather [spmem:s3], $0x40, s16, s23, $0xb8;
	[tilespmem:$0x1E440] =	vst v63  }
0x76: {  	_ =	swait.ge [sflag:s7], $0x1000  }
0x77: {  	[sflag:s7] =	ssyncset.done $0x0  }
0x78: {  	s13 =	sadd.s32 $0x1480, s4;
	s15 =	simm.s32 @!p0 $0xF;
	[sflag:s7] =	ssyncadd.s32 $0xFFFFF000  }
0x79: {  	[spmem:s2] =	stream.indirect.scatter.add.f32 [tilespmem:s28], [sflag:$0xB], $0x40, s13, s23, $0xb8;
	[tilespmem:$0x1E440] =	vst v63  }
0x7a: {  	_ =	swait.ge @!p0 [sflag:s15], $0x1000  }
0x7b: {  	[sflag:s15] =	ssyncset.done @!p0 $0x0  }
0x7c: {  	s14 =	sadd.s32 $0x180, s4;
	[sflag:s15] =	ssyncadd.s32 @!p0 $0xFFFFF000  }
0x7d: {  	[tilespmem:s8], [sflag:$0x7] =	stream.indirect.gather [spmem:s3], $0x40, s14, s23, $0xb8;
	[tilespmem:$0x1E440] =	vst v63  }
0x7e: {  	_ =	swait.ge [sflag:s9], $0x1000  }
0x7f: {  	[sflag:s9] =	ssyncset.done $0x0  }
0x80: {  	s16 =	sadd.s32 $0x14C0, s4;
	s15 =	simm.s32 @!p0 $0x10;
	[sflag:s9] =	ssyncadd.s32 $0xFFFFF000  }
0x81: {  	[spmem:s2] =	stream.indirect.scatter.add.f32 [tilespmem:s30], [sflag:$0xC], $0x40, s16, s23, $0xb8;
	[tilespmem:$0x1E440] =	vst v63  }
0x82: {  	_ =	swait.ge @!p0 [sflag:s15], $0x1000  }
0x83: {  	[sflag:s15] =	ssyncset.done @!p0 $0x0  }
0x84: {  	s13 =	sadd.s32 $0x1C0, s4;
	[sflag:s15] =	ssyncadd.s32 @!p0 $0xFFFFF000  }
0x85: {  	[tilespmem:s10], [sflag:$0x8] =	stream.indirect.gather [spmem:s3], $0x40, s13, s23, $0xb8;
	[tilespmem:$0x1E440] =	vst v63  }
0x86: {  	_ =	swait.ge [sflag:s11], $0x1000  }
0x87: {  	p0 =	seq.s32 s6, $0x4800;
	[sflag:s11] =	ssyncset.done $0x0  }
0x88: {  	s14 =	sadd.s32 $0x1500, s4;
	s15 =	simm.s32 @p0 $0x6;
	[sflag:s11] =	ssyncadd.s32 $0xFFFFF000  }
0x89: {  	[spmem:s2] =	stream.indirect.scatter.add.f32 [tilespmem:s1], [sflag:$0xD], $0x40, s14, s23, $0xb8;
	[tilespmem:$0x1E440] =	vst v63  }
0x8a: {  	_ =	swait.ge @p0 [sflag:s15], $0x1000  }
0x8b: {  	[sflag:s15] =	ssyncset.done @p0 $0x0  }
0x8c: {  	[sflag:s15] =	ssyncadd.s32 @p0 $0xFFFFF000;
	s15 =	sshra.s32 @p0 s6, $0x2  }
0x8d: {  	s13 =	simm.s32 @p0 $0x40;
	s14 =	simm.s32 @p0 $0x7800;
	s15 =	sadd.s32 @p0 $0x1540, s15  }
0x8e: {  	[spmem:s2] =	stream.indirect.scatter.add.f32 @p0 [tilespmem:s14], [sflag:$0xE], $0x40, s15, s13, $0xb8;
	[tilespmem:$0x1E440] =	vst v63  }
0x8f: {  	s13 =	simm.s32 @!p0 $0x9  }
0x90: {  	_ =	swait.ge @!p0 [sflag:s13], $0x1000  }
0x91: {  	[sflag:s13] =	ssyncset.done @!p0 $0x0  }
0x92: {  	[sflag:s13] =	ssyncadd.s32 @!p0 $0xFFFFF000;
	s13 =	sshra.s32 @!p0 s6, $0x2  }
0x93: {  	s16 =	simm.s32 @!p0 $0x2800;
	s15 =	simm.s32 @!p0 $0x40;
	s14 =	sadd.s32 @!p0 $0x200, s13  }
0x94: {  	[tilespmem:s16], [sflag:$0x1] =	stream.indirect.gather @!p0 [spmem:s3], $0x40, s14, s15, $0xb8;
	[tilespmem:$0x1E440] =	vst v63  }
0x95: {  	s14 =	simm.s32 @!p0 $0x6  }
0x96: {  	_ =	swait.ge @!p0 [sflag:s14], $0x1000  }
0x97: {  	[sflag:s14] =	ssyncset.done @!p0 $0x0  }
0x98: {  	s16 =	simm.s32 @!p0 $0x7800;
	[sflag:s14] =	ssyncadd.s32 @!p0 $0xFFFFF000;
	s14 =	sadd.s32 @!p0 $0x1540, s13  }
0x99: {  	[spmem:s2] =	stream.indirect.scatter.add.f32 @!p0 [tilespmem:s16], [sflag:$0xE], $0x40, s14, s15, $0xb8;
	[tilespmem:$0x1E440] =	vst v63  }
0x9a: {  	s14 =	simm.s32 @!p0 $0xA  }
0x9b: {  	_ =	swait.ge @!p0 [sflag:s14], $0x1000  }
0x9c: {  	[sflag:s14] =	ssyncset.done @!p0 $0x0  }
0x9d: {  	s13 =	sadd.s32 @!p0 $0x240, s13;
	[sflag:s14] =	ssyncadd.s32 @!p0 $0xFFFFF000;
	s14 =	simm.s32 @!p0 $0x3800  }
0x9e: {  	[tilespmem:s14], [sflag:$0x2] =	stream.indirect.gather @!p0 [spmem:s3], $0x40, s13, s15, $0xb8;
	[tilespmem:$0x1E440] =	vst v63  }
.Ltmp2:
0x9f: {  	_ = 	snop;
	(pc) =	sbr.rel @p0 .LBB2_4-.Ltmp2, $4  }
0xa0: {  	_ =	swait.ge [sflag:s12], $0x1000  }
0xa1: {  	[sflag:s12] =	ssyncset.done $0x0  }
0xa2: {  	s16 =	sadd.s32 $0x1580, s4;
	s15 =	sadd.s32 $0x15C0, s4;
	[sflag:s12] =	ssyncadd.s32 $0xFFFFF000  }
0xa3: {  	[spmem:s2] =	stream.indirect.scatter.add.f32 [tilespmem:s8], [sflag:$0xF], $0x40, s16, s23, $0xb8;
	[tilespmem:$0x1E440] =	vst v63  }
0xa4: {  	_ =	swait.ge [sflag:s21], $0x1000  }
0xa5: {  	[sflag:s21] =	ssyncset.done $0x0  }
0xa6: {  	s13 =	sadd.s32 $0x280, s4;
	[sflag:s21] =	ssyncadd.s32 $0xFFFFF000  }
0xa7: {  	[tilespmem:s28], [sflag:$0x3] =	stream.indirect.gather [spmem:s3], $0x40, s13, s23, $0xb8;
	[tilespmem:$0x1E440] =	vst v63  }
0xa8: {  	_ =	swait.ge [sflag:s18], $0x1000  }
0xa9: {  	[sflag:s18] =	ssyncset.done $0x0  }
0xaa: {  	[sflag:s18] =	ssyncadd.s32 $0xFFFFF000  }
0xab: {  	[spmem:s2] =	stream.indirect.scatter.add.f32 [tilespmem:s10], [sflag:$0x10], $0x40, s15, s23, $0xb8;
	[tilespmem:$0x1E440] =	vst v63  }
.Ltmp3:
0xac: {  	_ = 	snop;
	(pc) =	sbr.rel .LBB2_2-.Ltmp3, $4  }
0xad: {  	_ =	swait.ge [sflag:s22], $0x1000  }
0xae: {  	[sflag:s22] =	ssyncset.done $0x0  }
0xaf: {  	s16 =	sadd.s32 $0x2C0, s4;
	s6 =	sadd.s32 $0x800, s6;
	[sflag:s22] =	ssyncadd.s32 $0xFFFFF000  }
0xb0: {  	[tilespmem:s30], [sflag:$0x4] =	stream.indirect.gather [spmem:s3], $0x40, s16, s23, $0xb8;
	[tilespmem:$0x1E440] =	vst v63  }
.LBB2_4:
0xb1: {  	_ =	swait.ge [sflag:s18], $0x1000  }
0xb2: {  	[sflag:s18] =	ssyncset.done $0x0  }
0xb3: {  	[sflag:s18] =	ssyncadd.s32 $0xFFFFF000  }
0xb4: {  	[spmem:s2] =	stream.indirect.scatter.add.f32 [tilespmem:s10], [sflag:$0x10], $0x40, s15, s23, $0xb8;
	[tilespmem:$0x1E440] =	vst v63  }
0xb5: {  	_ =	swait.ge [sflag:s19], $0x1000  }
0xb6: {  	[sflag:s19] =	ssyncset.done $0x0  }
0xb7: {  	[sflag:s19] =	ssyncadd.s32 $0xFFFFF000  }
0xb8: {  	_ =	swait.ge [sflag:s20], $0x1000  }
0xb9: {  	[sflag:s20] =	ssyncset.done $0x0  }
0xba: {  	[sflag:s20] =	ssyncadd.s32 $0xFFFFF000  }
0xbb: {  	_ =	swait.ge [sflag:s21], $0x1000  }
0xbc: {  	[sflag:s21] =	ssyncset.done $0x0  }
0xbd: {  	[sflag:s21] =	ssyncadd.s32 $0xFFFFF000  }
0xbe: {  	_ =	swait.ge [sflag:s22], $0x1000  }
0xbf: {  	[sflag:s22] =	ssyncset.done $0x0  }
0xc0: {  	s4 =	simm.s32 $0xD;
	[sflag:s22] =	ssyncadd.s32 $0xFFFFF000  }
0xc1: {  	_ =	swait.ge [sflag:s4], $0x1000  }
0xc2: {  	[sflag:s4] =	ssyncset.done $0x0  }
0xc3: {  	s16 =	simm.s32 $0xE;
	[sflag:s4] =	ssyncadd.s32 $0xFFFFF000  }
0xc4: {  	_ =	swait.ge [sflag:s16], $0x1000  }
0xc5: {  	[sflag:s16] =	ssyncset.done $0x0  }
0xc6: {  	s6 =	simm.s32 $0xF;
	[sflag:s16] =	ssyncadd.s32 $0xFFFFF000  }
0xc7: {  	_ =	swait.ge [sflag:s6], $0x1000  }
0xc8: {  	[sflag:s6] =	ssyncset.done $0x0  }
0xc9: {  	[sflag:s6] =	ssyncadd.s32 $0xFFFFF000  }
0xca: {  	_ =	swait.ge [sflag:s17], $0x1000  }
0xcb: {  	[sflag:s17] =	ssyncset.done $0x0  }
0xcc: {  	s6 =	simm.s32 $0x0;
	s13 =	rddreg [dreg:$0xb];
	[sflag:s17] =	ssyncadd.s32 $0xFFFFF000  }
0xcd: {  	[tilespmem:s6], [sflag:$0x11] =	stream.linear.gather [hbm4b:s13+s6], $0x1400, $0x38;
	[tilespmem:$0x1E440] =	vst v63  }
0xce: {  	_ =	swait.ge [sflag:s26], $0x1400  }
0xcf: {  	[sflag:s26] =	ssyncset.done $0x0  }
0xd0: {  	s13 =	simm.s32 $0x1400;
	s14 =	rddreg [dreg:$0xc];
	[sflag:s26] =	ssyncadd.s32 $0xFFFFEC00  }
0xd1: {  	[tilespmem:s13], [sflag:$0x11] =	stream.linear.gather [hbm4b:s14+s6], $0x1400, $0x38;
	[tilespmem:$0x1E440] =	vst v63  }
0xd2: {  	_ =	swait.ge [sflag:s26], $0x1400  }
0xd3: {  	[sflag:s26] =	ssyncset.done $0x0  }
0xd4: {  	[sflag:s26] =	ssyncadd.s32 $0xFFFFEC00  }
0xd5: {  	[tilespmem:s24], [sflag:$0x1] =	stream.indirect.gather [spmem:s3], $0x40, s6, s23, $0xb8;
	[tilespmem:$0x1E440] =	vst v63  }
0xd6: {  	_ = 	snop  }
0xd7: {  	[tilespmem:s25], [sflag:$0x2] =	stream.indirect.gather [spmem:s3], $0x40, s23, s23, $0xb8;
	[tilespmem:$0x1E440] =	vst v63  }
0xd8: {  	s15 =	simm.s32 $0x80  }
0xd9: {  	[tilespmem:s28], [sflag:$0x3] =	stream.indirect.gather [spmem:s3], $0x40, s15, s23, $0xb8;
	[tilespmem:$0x1E440] =	vst v63  }
0xda: {  	s16 =	simm.s32 $0xC0  }
0xdb: {  	[tilespmem:s30], [sflag:$0x4] =	stream.indirect.gather [spmem:s3], $0x40, s16, s23, $0xb8;
	[tilespmem:$0x1E440] =	vst v63  }
.LBB2_5:
0xdc: {  	_ =	swait.ge [sflag:s31], $0x1000  }
0xdd: {  	s4 =	sshra.s32 s6, $0x2;
	[sflag:s31] =	ssyncset.done $0x0  }
0xde: {  	p0 =	seq.s32 s6, $0x0;
	s13 =	sadd.s32 $0x1400, s4;
	[sflag:s31] =	ssyncadd.s32 $0xFFFFF000  }
0xdf: {  	[spmem:s2] =	stream.indirect.scatter.add.f32 [tilespmem:s24], [sflag:$0x9], $0x40, s13, s23, $0xb8;
	[tilespmem:$0x1E440] =	vst v63  }
0xe0: {  	s13 =	simm.s32 @!p0 $0xD  }
0xe1: {  	_ =	swait.ge @!p0 [sflag:s13], $0x1000  }
0xe2: {  	[sflag:s13] =	ssyncset.done @!p0 $0x0  }
0xe3: {  	s14 =	sadd.s32 $0x100, s4;
	[sflag:s13] =	ssyncadd.s32 @!p0 $0xFFFFF000  }
0xe4: {  	[tilespmem:s1], [sflag:$0x5] =	stream.indirect.gather [spmem:s3], $0x40, s14, s23, $0xb8;
	[tilespmem:$0x1E440] =	vst v63  }
0xe5: {  	_ =	swait.ge [sflag:s0], $0x1000  }
0xe6: {  	[sflag:s0] =	ssyncset.done $0x0  }
0xe7: {  	s15 =	sadd.s32 $0x1440, s4;
	s13 =	simm.s32 @!p0 $0xE;
	[sflag:s0] =	ssyncadd.s32 $0xFFFFF000  }
0xe8: {  	[spmem:s2] =	stream.indirect.scatter.add.f32 [tilespmem:s25], [sflag:$0xA], $0x40, s15, s23, $0xb8;
	[tilespmem:$0x1E440] =	vst v63  }
0xe9: {  	_ =	swait.ge @!p0 [sflag:s13], $0x1000  }
0xea: {  	[sflag:s13] =	ssyncset.done @!p0 $0x0  }
0xeb: {  	s16 =	sadd.s32 $0x140, s4;
	[sflag:s13] =	ssyncadd.s32 @!p0 $0xFFFFF000  }
0xec: {  	[tilespmem:s5], [sflag:$0x6] =	stream.indirect.gather [spmem:s3], $0x40, s16, s23, $0xb8;
	[tilespmem:$0x1E440] =	vst v63  }
0xed: {  	_ =	swait.ge [sflag:s7], $0x1000  }
0xee: {  	[sflag:s7] =	ssyncset.done $0x0  }
0xef: {  	s14 =	sadd.s32 $0x1480, s4;
	s13 =	simm.s32 @!p0 $0xF;
	[sflag:s7] =	ssyncadd.s32 $0xFFFFF000  }
0xf0: {  	[spmem:s2] =	stream.indirect.scatter.add.f32 [tilespmem:s28], [sflag:$0xB], $0x40, s14, s23, $0xb8;
	[tilespmem:$0x1E440] =	vst v63  }
0xf1: {  	_ =	swait.ge @!p0 [sflag:s13], $0x1000  }
0xf2: {  	[sflag:s13] =	ssyncset.done @!p0 $0x0  }
0xf3: {  	s15 =	sadd.s32 $0x180, s4;
	[sflag:s13] =	ssyncadd.s32 @!p0 $0xFFFFF000  }
0xf4: {  	[tilespmem:s8], [sflag:$0x7] =	stream.indirect.gather [spmem:s3], $0x40, s15, s23, $0xb8;
	[tilespmem:$0x1E440] =	vst v63  }
0xf5: {  	_ =	swait.ge [sflag:s9], $0x1000  }
0xf6: {  	[sflag:s9] =	ssyncset.done $0x0  }
0xf7: {  	s16 =	sadd.s32 $0x14C0, s4;
	s13 =	simm.s32 @!p0 $0x10;
	[sflag:s9] =	ssyncadd.s32 $0xFFFFF000  }
0xf8: {  	[spmem:s2] =	stream.indirect.scatter.add.f32 [tilespmem:s30], [sflag:$0xC], $0x40, s16, s23, $0xb8;
	[tilespmem:$0x1E440] =	vst v63  }
0xf9: {  	_ =	swait.ge @!p0 [sflag:s13], $0x1000  }
0xfa: {  	[sflag:s13] =	ssyncset.done @!p0 $0x0  }
0xfb: {  	s14 =	sadd.s32 $0x1C0, s4;
	[sflag:s13] =	ssyncadd.s32 @!p0 $0xFFFFF000  }
0xfc: {  	[tilespmem:s10], [sflag:$0x8] =	stream.indirect.gather [spmem:s3], $0x40, s14, s23, $0xb8;
	[tilespmem:$0x1E440] =	vst v63  }
0xfd: {  	_ =	swait.ge [sflag:s11], $0x1000  }
0xfe: {  	p0 =	seq.s32 s6, $0x4800;
	[sflag:s11] =	ssyncset.done $0x0  }
0xff: {  	s15 =	sadd.s32 $0x1500, s4;
	s13 =	simm.s32 @p0 $0x6;
	[sflag:s11] =	ssyncadd.s32 $0xFFFFF000  }
0x100: {  	[spmem:s2] =	stream.indirect.scatter.add.f32 [tilespmem:s1], [sflag:$0xD], $0x40, s15, s23, $0xb8;
	[tilespmem:$0x1E440] =	vst v63  }
0x101: {  	_ =	swait.ge @p0 [sflag:s13], $0x1000  }
0x102: {  	[sflag:s13] =	ssyncset.done @p0 $0x0  }
0x103: {  	[sflag:s13] =	ssyncadd.s32 @p0 $0xFFFFF000;
	s13 =	sshra.s32 @p0 s6, $0x2  }
0x104: {  	s14 =	simm.s32 @p0 $0x40;
	s15 =	simm.s32 @p0 $0x7800;
	s13 =	sadd.s32 @p0 $0x1540, s13  }
0x105: {  	[spmem:s2] =	stream.indirect.scatter.add.f32 @p0 [tilespmem:s15], [sflag:$0xE], $0x40, s13, s14, $0xb8;
	[tilespmem:$0x1E440] =	vst v63  }
0x106: {  	s13 =	simm.s32 @!p0 $0x9  }
0x107: {  	_ =	swait.ge @!p0 [sflag:s13], $0x1000  }
0x108: {  	[sflag:s13] =	ssyncset.done @!p0 $0x0  }
0x109: {  	[sflag:s13] =	ssyncadd.s32 @!p0 $0xFFFFF000;
	s13 =	sshra.s32 @!p0 s6, $0x2  }
0x10a: {  	s16 =	simm.s32 @!p0 $0x2800;
	s15 =	simm.s32 @!p0 $0x40;
	s14 =	sadd.s32 @!p0 $0x200, s13  }
0x10b: {  	[tilespmem:s16], [sflag:$0x1] =	stream.indirect.gather @!p0 [spmem:s3], $0x40, s14, s15, $0xb8;
	[tilespmem:$0x1E440] =	vst v63  }
0x10c: {  	s14 =	simm.s32 @!p0 $0x6  }
0x10d: {  	_ =	swait.ge @!p0 [sflag:s14], $0x1000  }
0x10e: {  	[sflag:s14] =	ssyncset.done @!p0 $0x0  }
0x10f: {  	s16 =	simm.s32 @!p0 $0x7800;
	[sflag:s14] =	ssyncadd.s32 @!p0 $0xFFFFF000;
	s14 =	sadd.s32 @!p0 $0x1540, s13  }
0x110: {  	[spmem:s2] =	stream.indirect.scatter.add.f32 @!p0 [tilespmem:s16], [sflag:$0xE], $0x40, s14, s15, $0xb8;
	[tilespmem:$0x1E440] =	vst v63  }
0x111: {  	s14 =	simm.s32 @!p0 $0xA  }
0x112: {  	_ =	swait.ge @!p0 [sflag:s14], $0x1000  }
0x113: {  	[sflag:s14] =	ssyncset.done @!p0 $0x0  }
0x114: {  	s13 =	sadd.s32 @!p0 $0x240, s13;
	[sflag:s14] =	ssyncadd.s32 @!p0 $0xFFFFF000;
	s14 =	simm.s32 @!p0 $0x3800  }
0x115: {  	[tilespmem:s14], [sflag:$0x2] =	stream.indirect.gather @!p0 [spmem:s3], $0x40, s13, s15, $0xb8;
	[tilespmem:$0x1E440] =	vst v63  }
.Ltmp4:
0x116: {  	_ = 	snop;
	(pc) =	sbr.rel @p0 .LBB2_7-.Ltmp4, $4  }
0x117: {  	_ =	swait.ge [sflag:s12], $0x1000  }
0x118: {  	[sflag:s12] =	ssyncset.done $0x0  }
0x119: {  	s16 =	sadd.s32 $0x1580, s4;
	s15 =	sadd.s32 $0x15C0, s4;
	[sflag:s12] =	ssyncadd.s32 $0xFFFFF000  }
0x11a: {  	[spmem:s2] =	stream.indirect.scatter.add.f32 [tilespmem:s8], [sflag:$0xF], $0x40, s16, s23, $0xb8;
	[tilespmem:$0x1E440] =	vst v63  }
0x11b: {  	_ =	swait.ge [sflag:s21], $0x1000  }
0x11c: {  	[sflag:s21] =	ssyncset.done $0x0  }
0x11d: {  	s13 =	sadd.s32 $0x280, s4;
	[sflag:s21] =	ssyncadd.s32 $0xFFFFF000  }
0x11e: {  	[tilespmem:s28], [sflag:$0x3] =	stream.indirect.gather [spmem:s3], $0x40, s13, s23, $0xb8;
	[tilespmem:$0x1E440] =	vst v63  }
0x11f: {  	_ =	swait.ge [sflag:s18], $0x1000  }
0x120: {  	[sflag:s18] =	ssyncset.done $0x0  }
0x121: {  	[sflag:s18] =	ssyncadd.s32 $0xFFFFF000  }
0x122: {  	[spmem:s2] =	stream.indirect.scatter.add.f32 [tilespmem:s10], [sflag:$0x10], $0x40, s15, s23, $0xb8;
	[tilespmem:$0x1E440] =	vst v63  }
.Ltmp5:
0x123: {  	_ = 	snop;
	(pc) =	sbr.rel .LBB2_5-.Ltmp5, $4  }
0x124: {  	_ =	swait.ge [sflag:s22], $0x1000  }
0x125: {  	[sflag:s22] =	ssyncset.done $0x0  }
0x126: {  	s16 =	sadd.s32 $0x2C0, s4;
	s6 =	sadd.s32 $0x800, s6;
	[sflag:s22] =	ssyncadd.s32 $0xFFFFF000  }
0x127: {  	[tilespmem:s30], [sflag:$0x4] =	stream.indirect.gather [spmem:s3], $0x40, s16, s23, $0xb8;
	[tilespmem:$0x1E440] =	vst v63  }
.LBB2_8:
0x128: {  	_ =	sfence.sel $0x180000  }
0x129: {  	[bflag:$0x0] =	sbarrier.arrive $0xFFFF  }
0x12a: {  	_ =	strace $0x90000047  }
0x12b: {  	s0 =	stileid.u32;
	[bflag:$0x2] =	sbarrier.arrive $0xFFFF  }
0x12c: {  	p0 =	sne.s32 s0, $0x0;
	s0 =	rddreg [dreg:$0x4]  }
0x12d: {  	s0 =	sadd.s32 @!p0 $0x100000, s0  }
0x12e: {  	[sflag:s0] =	ssyncadd.tile.s32 @!p0 $0x1;
	_ =	shalt  }
.Lfunc_end2:
_tile_overlayer_lowered:
.L_overlay_start_2:
0x12f: {  	(tag) =	ssettag $0x2  }
0x130: {  	s0 =	rddreg [dreg:$0x0];
	s2 =	stileid.u32  }
0x131: {  	s1 =	rddreg [dreg:$0x1];
	p0 =	sne.s32 s2, $0x0  }
0x132: {  	s3 =	rddreg [dreg:$0x2];
	[bflag:$0x3] =	sbarrier.arrive $0xFFFF;
	s2 =	simm.s32 @!p0 $0x1C11  }
0x133: {  	[timem:s3], [sflag:s2] =	dma.local @!p0 [hbm:s0], s1  }
0x134: {  	s0 =	simm.s32 @!p0 $0x11  }
0x135: {  	_ =	swait.ge @!p0 [sflag:s0], s1  }
0x136: {  	s1 =	ssub.s32 @!p0 $0x0, s1;
	[sflag:s0] =	ssyncset.done @!p0 $0x0  }
0x137: {  	[sflag:s0] =	ssyncadd.s32 @!p0 s1  }
0x138: {  	[bflag:$0x3] =	sbarrier.arrive $0xFFFF  }
0x139: {  	_ =	shalt  }

</sc_bundles>
